<compile_context>
chip_gen: v7x
topology: tpu7x:2x2x1
jax: 0.10.2.dev20260603
libtpu: 0.0.44.dev20260713+nightly
codegen_flags: <defaults>
</compile_context>

<pallas_src>
import functools

import jax
import jax.numpy as jnp
from jax import lax
from jax.experimental import pallas as pl
from jax.experimental.pallas import tpu as pltpu
from jax.experimental.pallas import tpu_sc as plsc

N_NODES = 10000
D = 128
R = 10240
E = 320000
EP = 327680
EROWS = EP // 128
NC, NS = 2, 16
NW = NC * NS
RPT = R // NS

IB = 16
CW = 64
IB2 = IB
CH0 = 156
CH1 = EROWS // NS - CH0


def _sc_agg_body(with_counts, x_hbm, src_hbm, dst_hbm, *refs):
    if with_counts:
        aggp_hbm, cntp_hbm = refs[0], refs[1]
        refs = refs[2:]
    else:
        aggp_hbm = refs[0]
        refs = refs[1:]
    src_i, dst_i, rows, ones_v, zcnt_v, agg_s, cnt_s, sem_i, sem_g, sem_s, sem_c = refs

    c = lax.axis_index("c")
    s = lax.axis_index("s")

    def _zrow(i, _):
        for j in range(8):
            rows[0, i, pl.ds(j * 16, 16)] = jnp.zeros((16,), jnp.float32)
        return 0
    lax.fori_loop(0, CW, _zrow, 0)

    def _zc(i, _):
        zcnt_v[pl.ds(i * 16, 16)] = jnp.zeros((16,), jnp.float32)
        return 0
    lax.fori_loop(0, RPT // 16, _zc, 0)
    for j in range(CW // 16):
        ones_v[pl.ds(j * 16, 16)] = jnp.ones((16,), jnp.float32)

    for q in range(RPT // CW):
        pltpu.sync_copy(rows.at[0], agg_s.at[pl.ds(s * RPT + q * CW, CW)])
    if with_counts:
        pltpu.sync_copy(zcnt_v, cnt_s.at[pl.ds(s * RPT, RPT)])
    plsc.subcore_barrier()

    row0 = 2 * jnp.where(c == 0, s * CH0, NS * CH0 + s * CH1)
    nch = 2 * jnp.where(c == 0, CH0, CH1)
    nib = (nch + IB2 - 1) // IB2

    @pl.when(nch > 0)
    def _():
        pltpu.sync_copy(src_hbm.at[pl.ds(row0, IB2)], src_i.at[0])
        pltpu.sync_copy(dst_hbm.at[pl.ds(row0, IB2)], dst_i.at[0])

    @pl.when(nib > 1)
    def _():
        pltpu.async_copy(src_hbm.at[pl.ds(row0 + IB2, IB2)], src_i.at[1], sem_i)
        pltpu.async_copy(dst_hbm.at[pl.ds(row0 + IB2, IB2)], dst_i.at[1], sem_i)

    @pl.when(nch > 0)
    def _():
        pltpu.async_copy(x_hbm.at[src_i.at[0, 0]], rows.at[0], sem_g)
        pltpu.async_copy(x_hbm.at[src_i.at[0, 1]], rows.at[1], sem_g)

    def _wait(dst_ref, sem):
        pltpu.make_async_copy(x_hbm.at[pl.ds(0, dst_ref.shape[0])], dst_ref,
                              sem).wait()

    def _step(i, _):
        p = i % 4
        b = i // IB2
        r = i % IB2

        @pl.when(i >= 2)
        def _():
            _wait(rows.at[(i + 2) % 4], sem_s)
            if with_counts:
                pltpu.make_async_copy(x_hbm.at[0, pl.ds(0, CW)], ones_v,
                                      sem_c).wait()

        @pl.when(jnp.logical_and(r == 0,
                                 jnp.logical_and(b >= 1, b < nib - 1)))
        def _():
            nb = b + 1
            pltpu.async_copy(src_hbm.at[pl.ds(row0 + nb * IB2, IB2)],
                             src_i.at[nb % 2], sem_i)
            pltpu.async_copy(dst_hbm.at[pl.ds(row0 + nb * IB2, IB2)],
                             dst_i.at[nb % 2], sem_i)

        @pl.when(jnp.logical_and(r == IB2 - 2, i < nch - 2))
        def _():
            pltpu.make_async_copy(src_hbm.at[pl.ds(0, IB2)], src_i.at[0],
                                  sem_i).wait()
            pltpu.make_async_copy(dst_hbm.at[pl.ds(0, IB2)], dst_i.at[0],
                                  sem_i).wait()

        @pl.when(i < nch - 2)
        def _():
            n = i + 2
            pltpu.async_copy(x_hbm.at[src_i.at[(n // IB2) % 2, n % IB2]],
                             rows.at[n % 4], sem_g)

        _wait(rows.at[p], sem_g)
        pltpu.async_copy(rows.at[p], agg_s.at[dst_i.at[b % 2, r]],
                         sem_s, add=True)
        if with_counts:
            pltpu.async_copy(ones_v, cnt_s.at[dst_i.at[b % 2, r]],
                             sem_c, add=True)
        return 0
    lax.fori_loop(0, nch, _step, 0)

    @pl.when(nch > 0)
    def _():
        _wait(rows.at[(nch - 2) % 4], sem_s)
        _wait(rows.at[(nch - 1) % 4], sem_s)
        if with_counts:
            pltpu.make_async_copy(x_hbm.at[0, pl.ds(0, CW)], ones_v,
                                  sem_c).wait()
            pltpu.make_async_copy(x_hbm.at[0, pl.ds(0, CW)], ones_v,
                                  sem_c).wait()
    plsc.subcore_barrier()

    for q in range(RPT // 128):
        off = s * RPT + q * 128
        pltpu.sync_copy(agg_s.at[pl.ds(off, 128)],
                        aggp_hbm.at[c, pl.ds(off, 128)])
    if with_counts:
        pltpu.sync_copy(cnt_s.at[pl.ds(s * RPT, RPT)],
                        cntp_hbm.at[c, pl.ds(s * RPT, RPT)])


@functools.lru_cache(maxsize=None)
def _make_sc_agg(with_counts):
    if with_counts:
        out_type = [jax.ShapeDtypeStruct((NC, R, D), jnp.float32),
                    jax.ShapeDtypeStruct((NC, R), jnp.float32)]
    else:
        out_type = jax.ShapeDtypeStruct((NC, R, D), jnp.float32)
    return pl.kernel(
        functools.partial(_sc_agg_body, with_counts),
        out_type=out_type,
        mesh=plsc.VectorSubcoreMesh(core_axis_name="c", subcore_axis_name="s",
                                    num_cores=NC, num_subcores=NS),
        scratch_types=[
            pltpu.VMEM((2, IB2, CW), jnp.int32),
            pltpu.VMEM((2, IB2, CW), jnp.int32),
            pltpu.VMEM((4, CW, D), jnp.float32),
            pltpu.VMEM((CW,), jnp.float32),
            pltpu.VMEM((RPT,), jnp.float32),
            pltpu.VMEM_SHARED((R, D), jnp.float32),
            pltpu.VMEM_SHARED((R,), jnp.float32),
            pltpu.SemaphoreType.DMA,
            pltpu.SemaphoreType.DMA,
            pltpu.SemaphoreType.DMA,
            pltpu.SemaphoreType.DMA,
        ],
    )


def _dense_body(aggp_ref, cnt_ref, x_ref, wl_ref, wr_ref, bl_ref, out_ref):
    agg = aggp_ref[0] + aggp_ref[1]
    cnt = cnt_ref[0] + cnt_ref[1]
    inv = 1.0 / jnp.maximum(cnt, 1.0)
    h = lax.dot_general(agg * inv[:, None], wl_ref[...],
                        (((1,), (1,)), ((), ())),
                        preferred_element_type=jnp.float32)
    h = h + lax.dot_general(x_ref[...], wr_ref[...],
                            (((1,), (1,)), ((), ())),
                            preferred_element_type=jnp.float32)
    out_ref[...] = jnp.maximum(h + bl_ref[...], 0.0)


def _dense_final_body(aggp_ref, cnt_ref, x_ref, wl_ref, wr_ref, bl_ref,
                      wlin_ref, blin_ref, out_ref):
    agg = aggp_ref[0] + aggp_ref[1]
    cnt = cnt_ref[0] + cnt_ref[1]
    inv = 1.0 / jnp.maximum(cnt, 1.0)
    h = lax.dot_general(agg * inv[:, None], wl_ref[...],
                        (((1,), (1,)), ((), ())),
                        preferred_element_type=jnp.float32)
    h = h + lax.dot_general(x_ref[...], wr_ref[...],
                            (((1,), (1,)), ((), ())),
                            preferred_element_type=jnp.float32)
    h = jnp.maximum(h + bl_ref[...], 0.0)
    out_ref[...] = lax.dot_general(h, wlin_ref[...],
                                   (((1,), (1,)), ((), ())),
                                   preferred_element_type=jnp.float32) + blin_ref[...]


_BR = 5120
_GRID = R // _BR

_aggp_spec = pl.BlockSpec((NC, _BR, D), lambda i: (0, i, 0))
_cnt_spec = pl.BlockSpec((NC, _BR), lambda i: (0, i))
_x_spec = pl.BlockSpec((_BR, D), lambda i: (i, 0))
_w_spec = pl.BlockSpec((D, D), lambda i: (0, 0))
_b_spec = pl.BlockSpec((1, D), lambda i: (0, 0))
_out_spec = pl.BlockSpec((_BR, D), lambda i: (i, 0))

_dense = pl.pallas_call(
    _dense_body,
    grid=(_GRID,),
    in_specs=[_aggp_spec, _cnt_spec, _x_spec, _w_spec, _w_spec, _b_spec],
    out_specs=_out_spec,
    out_shape=jax.ShapeDtypeStruct((R, D), jnp.float32),
)

_dense_final = pl.pallas_call(
    _dense_final_body,
    grid=(_GRID,),
    in_specs=[_aggp_spec, _cnt_spec, _x_spec, _w_spec, _w_spec, _b_spec,
              _w_spec, _b_spec],
    out_specs=_out_spec,
    out_shape=jax.ShapeDtypeStruct((R, D), jnp.float32),
)


def kernel(x, edge_index, Wl1, bl1, Wr1, Wl2, bl2, Wr2, Wlin, blin):
    src = edge_index[0].astype(jnp.int32)
    dst = edge_index[1].astype(jnp.int32)
    pad = EP + IB * 128 - E
    src_p = jnp.concatenate([src, jnp.zeros((pad,), jnp.int32)]).reshape(2 * (EROWS + IB), CW)
    dst_p = jnp.concatenate([dst, jnp.full((pad,), N_NODES, jnp.int32)]).reshape(2 * (EROWS + IB), CW)
    x_p = jnp.concatenate([x, jnp.zeros((R - N_NODES, D), jnp.float32)])

    bl1_2 = bl1.reshape(1, D)
    bl2_2 = bl2.reshape(1, D)
    blin_2 = blin.reshape(1, D)

    aggp1, cntp = _make_sc_agg(True)(x_p, src_p, dst_p)
    h1 = _dense(aggp1, cntp, x_p, Wl1, Wr1, bl1_2)
    aggp2 = _make_sc_agg(False)(h1, src_p, dst_p)
    out_p = _dense_final(aggp2, cntp, h1, Wl2, Wr2, bl2_2, Wlin, blin_2)
    return out_p[:N_NODES]

# --- scband reference (transcript-rebuilt; emitter-appended) ---
"""Pipeline reference for scband-vertex-gnnencoder-39702677684854 (READ-ONLY COPY).

The authoritative reference and input builder live on the scoring server;
editing this copy changes nothing except your own understanding.
"""

import jax, jax.numpy as jnp
import numpy as np

N_NODES = 10000
N_EDGES = 320000
D_FEAT = 128
HIDDEN = 128
OUT = 128


def setup_inputs(seed: int = 0) -> dict:
    key = jax.random.key(seed)
    ks = jax.random.split(key, 12)
    x = jax.random.normal(ks[0], (N_NODES, D_FEAT), dtype=jnp.float32)
    edge_index = jax.random.randint(ks[1], (2, N_EDGES), 0, N_NODES, dtype=jnp.int64)
    s1 = 1.0 / np.sqrt(D_FEAT)
    s2 = 1.0 / np.sqrt(HIDDEN)
    Wl1 = jax.random.normal(ks[2], (HIDDEN, D_FEAT), dtype=jnp.float32) * s1
    bl1 = jnp.zeros((HIDDEN,), dtype=jnp.float32)
    Wr1 = jax.random.normal(ks[3], (HIDDEN, D_FEAT), dtype=jnp.float32) * s1
    Wl2 = jax.random.normal(ks[4], (HIDDEN, HIDDEN), dtype=jnp.float32) * s2
    bl2 = jnp.zeros((HIDDEN,), dtype=jnp.float32)
    Wr2 = jax.random.normal(ks[5], (HIDDEN, HIDDEN), dtype=jnp.float32) * s2
    Wlin = jax.random.normal(ks[6], (OUT, HIDDEN), dtype=jnp.float32) * s2
    blin = jnp.zeros((OUT,), dtype=jnp.float32)
    return {"x": x, "edge_index": edge_index, "Wl1": Wl1, "bl1": bl1, "Wr1": Wr1,
            "Wl2": Wl2, "bl2": bl2, "Wr2": Wr2, "Wlin": Wlin, "blin": blin}


def _sage_conv(x, src, dst, Wl, bl, Wr, num_nodes):
    # PyG SAGEConv with mean aggregation: out = lin_l(mean_{j in N(i)} x_j) + lin_r(x_i)
    msgs = jnp.take(x, src, axis=0)                         # gather [E, d]
    agg = jax.ops.segment_sum(msgs, dst, num_segments=num_nodes)   # scatter-add
    cnt = jax.ops.segment_sum(jnp.ones((src.shape[0], 1), dtype=x.dtype), dst,
                              num_segments=num_nodes)
    agg = agg / jnp.maximum(cnt, 1.0)                       # mean aggregation
    return agg @ Wl.T + bl + x @ Wr.T


def reference(x, edge_index, Wl1, bl1, Wr1, Wl2, bl2, Wr2, Wlin, blin):
    src = edge_index[0]
    dst = edge_index[1]
    n = x.shape[0]
    h = jax.nn.relu(_sage_conv(x, src, dst, Wl1, bl1, Wr1, n))
    h = jax.nn.relu(_sage_conv(h, src, dst, Wl2, bl2, Wr2, n))
    return h @ Wlin.T + blin

if __name__ == "__main__":
    import jax
    _d = setup_inputs()
    print(jax.jit(kernel)(*tuple(_d.values())))

</pallas_src>

<mosaic_0001>
#map = affine_map<(d0, d1) -> (0, 0)>
#map1 = affine_map<(d0, d1) -> (0, 0, 0)>
module attributes {stable_mosaic.version = 14 : i64} {
  func.func @_sc_agg_body(%arg0: i32, %arg1: i32, %arg2: memref<10240x128xf32, #tpu.memory_space<hbm>>, %arg3: memref<5152x64xi32, #tpu.memory_space<hbm>>, %arg4: memref<5152x64xi32, #tpu.memory_space<hbm>>, %arg5: memref<2x10240x128xf32, #tpu.memory_space<hbm>>, %arg6: memref<2x10240xf32, #tpu.memory_space<hbm>>, %arg7: memref<2x16x64xi32, #tpu.memory_space<vmem>>, %arg8: memref<2x16x64xi32, #tpu.memory_space<vmem>>, %arg9: memref<4x64x128xf32, #tpu.memory_space<vmem>>, %arg10: memref<64xf32, #tpu.memory_space<vmem>>, %arg11: memref<640xf32, #tpu.memory_space<vmem>>, %arg12: memref<10240x128xf32, #tpu.memory_space<vmem_shared>>, %arg13: memref<10240xf32, #tpu.memory_space<vmem_shared>>, %arg14: memref<!tpu.dma_semaphore, #tpu.memory_space<semaphore_mem>>, %arg15: memref<!tpu.dma_semaphore, #tpu.memory_space<semaphore_mem>>, %arg16: memref<!tpu.dma_semaphore, #tpu.memory_space<semaphore_mem>>, %arg17: memref<!tpu.dma_semaphore, #tpu.memory_space<semaphore_mem>>) attributes {dimension_semantics = [#tpu.dimension_semantics<core_parallel>, #tpu.dimension_semantics<subcore_parallel>], iteration_bounds = array<i64: 2, 16>, scalar_prefetch = 0 : i64, scratch_operands = 11 : i64, tpu.core_type = #tpu.core_type<sc_vector_subcore>, window_params = [{transform_indices = #map}, {transform_indices = #map}, {transform_indices = #map}, {transform_indices = #map1}, {transform_indices = #map}]} {
    %scan3A = arith.constant 0 : i32
    %scan3A_0 = arith.constant 0 : i32
    %scan3A_1 = arith.constant 64 : i32
    %scan3A_2 = arith.addi %scan3A_0, %scan3A_1 : i32
    %scan3A_3 = arith.constant 1 : i32
    %scan3A_4 = scf.for %scan3A_174 = %scan3A_0 to %scan3A_2 step %scan3A_3 iter_args(%scan3A_175 = %scan3A) -> (i32)  : i32 {
      %broadcast_in_dim3A_176 = arith.constant 0.000000e+00 : f32
      %broadcast_in_dim3A_177 = vector.broadcast %broadcast_in_dim3A_176 : f32 to vector<16xf32>
      %swap3A_178 = arith.constant 0 : i32
      %swap3A_179 = arith.index_cast %swap3A_178 : i32 to index
      %swap3A_180 = arith.index_cast %scan3A_174 : i32 to index
      %swap3A_181 = arith.constant 0 : index
      %swap3A_182 = tpu.vector_load %arg9[%swap3A_179, %swap3A_180, %swap3A_181] {strides = array<i32>} : memref<4x64x128xf32, #tpu.memory_space<vmem>>, vector<1x1x16xf32>,
      %swap3A_183 = vector.shape_cast %swap3A_182 : vector<1x1x16xf32> to vector<16xf32>
      %swap3A_184 = vector.shape_cast %broadcast_in_dim3A_177 : vector<16xf32> to vector<1x1x16xf32>
      tpu.vector_store %arg9[%swap3A_179, %swap3A_180, %swap3A_181], %swap3A_184 {strides = array<i32>} : memref<4x64x128xf32, #tpu.memory_space<vmem>>, vector<1x1x16xf32>,
      %broadcast_in_dim3A_185 = arith.constant 0.000000e+00 : f32
      %broadcast_in_dim3A_186 = vector.broadcast %broadcast_in_dim3A_185 : f32 to vector<16xf32>
      %swap3A_187 = arith.constant 0 : i32
      %swap3A_188 = arith.index_cast %swap3A_187 : i32 to index
      %swap3A_189 = arith.index_cast %scan3A_174 : i32 to index
      %swap3A_190 = arith.constant 16 : index
      %swap3A_191 = tpu.vector_load %arg9[%swap3A_188, %swap3A_189, %swap3A_190] {strides = array<i32>} : memref<4x64x128xf32, #tpu.memory_space<vmem>>, vector<1x1x16xf32>,
      %swap3A_192 = vector.shape_cast %swap3A_191 : vector<1x1x16xf32> to vector<16xf32>
      %swap3A_193 = vector.shape_cast %broadcast_in_dim3A_186 : vector<16xf32> to vector<1x1x16xf32>
      tpu.vector_store %arg9[%swap3A_188, %swap3A_189, %swap3A_190], %swap3A_193 {strides = array<i32>} : memref<4x64x128xf32, #tpu.memory_space<vmem>>, vector<1x1x16xf32>,
      %broadcast_in_dim3A_194 = arith.constant 0.000000e+00 : f32
      %broadcast_in_dim3A_195 = vector.broadcast %broadcast_in_dim3A_194 : f32 to vector<16xf32>
      %swap3A_196 = arith.constant 0 : i32
      %swap3A_197 = arith.index_cast %swap3A_196 : i32 to index
      %swap3A_198 = arith.index_cast %scan3A_174 : i32 to index
      %swap3A_199 = arith.constant 32 : index
      %swap3A_200 = tpu.vector_load %arg9[%swap3A_197, %swap3A_198, %swap3A_199] {strides = array<i32>} : memref<4x64x128xf32, #tpu.memory_space<vmem>>, vector<1x1x16xf32>,
      %swap3A_201 = vector.shape_cast %swap3A_200 : vector<1x1x16xf32> to vector<16xf32>
      %swap3A_202 = vector.shape_cast %broadcast_in_dim3A_195 : vector<16xf32> to vector<1x1x16xf32>
      tpu.vector_store %arg9[%swap3A_197, %swap3A_198, %swap3A_199], %swap3A_202 {strides = array<i32>} : memref<4x64x128xf32, #tpu.memory_space<vmem>>, vector<1x1x16xf32>,
      %broadcast_in_dim3A_203 = arith.constant 0.000000e+00 : f32
      %broadcast_in_dim3A_204 = vector.broadcast %broadcast_in_dim3A_203 : f32 to vector<16xf32>
      %swap3A_205 = arith.constant 0 : i32
      %swap3A_206 = arith.index_cast %swap3A_205 : i32 to index
      %swap3A_207 = arith.index_cast %scan3A_174 : i32 to index
      %swap3A_208 = arith.constant 48 : index
      %swap3A_209 = tpu.vector_load %arg9[%swap3A_206, %swap3A_207, %swap3A_208] {strides = array<i32>} : memref<4x64x128xf32, #tpu.memory_space<vmem>>, vector<1x1x16xf32>,
      %swap3A_210 = vector.shape_cast %swap3A_209 : vector<1x1x16xf32> to vector<16xf32>
      %swap3A_211 = vector.shape_cast %broadcast_in_dim3A_204 : vector<16xf32> to vector<1x1x16xf32>
      tpu.vector_store %arg9[%swap3A_206, %swap3A_207, %swap3A_208], %swap3A_211 {strides = array<i32>} : memref<4x64x128xf32, #tpu.memory_space<vmem>>, vector<1x1x16xf32>,
      %broadcast_in_dim3A_212 = arith.constant 0.000000e+00 : f32
      %broadcast_in_dim3A_213 = vector.broadcast %broadcast_in_dim3A_212 : f32 to vector<16xf32>
      %swap3A_214 = arith.constant 0 : i32
      %swap3A_215 = arith.index_cast %swap3A_214 : i32 to index
      %swap3A_216 = arith.index_cast %scan3A_174 : i32 to index
      %swap3A_217 = arith.constant 64 : index
      %swap3A_218 = tpu.vector_load %arg9[%swap3A_215, %swap3A_216, %swap3A_217] {strides = array<i32>} : memref<4x64x128xf32, #tpu.memory_space<vmem>>, vector<1x1x16xf32>,
      %swap3A_219 = vector.shape_cast %swap3A_218 : vector<1x1x16xf32> to vector<16xf32>
      %swap3A_220 = vector.shape_cast %broadcast_in_dim3A_213 : vector<16xf32> to vector<1x1x16xf32>
      tpu.vector_store %arg9[%swap3A_215, %swap3A_216, %swap3A_217], %swap3A_220 {strides = array<i32>} : memref<4x64x128xf32, #tpu.memory_space<vmem>>, vector<1x1x16xf32>,
      %broadcast_in_dim3A_221 = arith.constant 0.000000e+00 : f32
      %broadcast_in_dim3A_222 = vector.broadcast %broadcast_in_dim3A_221 : f32 to vector<16xf32>
      %swap3A_223 = arith.constant 0 : i32
      %swap3A_224 = arith.index_cast %swap3A_223 : i32 to index
      %swap3A_225 = arith.index_cast %scan3A_174 : i32 to index
      %swap3A_226 = arith.constant 80 : index
      %swap3A_227 = tpu.vector_load %arg9[%swap3A_224, %swap3A_225, %swap3A_226] {strides = array<i32>} : memref<4x64x128xf32, #tpu.memory_space<vmem>>, vector<1x1x16xf32>,
      %swap3A_228 = vector.shape_cast %swap3A_227 : vector<1x1x16xf32> to vector<16xf32>
      %swap3A_229 = vector.shape_cast %broadcast_in_dim3A_222 : vector<16xf32> to vector<1x1x16xf32>
      tpu.vector_store %arg9[%swap3A_224, %swap3A_225, %swap3A_226], %swap3A_229 {strides = array<i32>} : memref<4x64x128xf32, #tpu.memory_space<vmem>>, vector<1x1x16xf32>,
      %broadcast_in_dim3A_230 = arith.constant 0.000000e+00 : f32
      %broadcast_in_dim3A_231 = vector.broadcast %broadcast_in_dim3A_230 : f32 to vector<16xf32>
      %swap3A_232 = arith.constant 0 : i32
      %swap3A_233 = arith.index_cast %swap3A_232 : i32 to index
      %swap3A_234 = arith.index_cast %scan3A_174 : i32 to index
      %swap3A_235 = arith.constant 96 : index
      %swap3A_236 = tpu.vector_load %arg9[%swap3A_233, %swap3A_234, %swap3A_235] {strides = array<i32>} : memref<4x64x128xf32, #tpu.memory_space<vmem>>, vector<1x1x16xf32>,
      %swap3A_237 = vector.shape_cast %swap3A_236 : vector<1x1x16xf32> to vector<16xf32>
      %swap3A_238 = vector.shape_cast %broadcast_in_dim3A_231 : vector<16xf32> to vector<1x1x16xf32>
      tpu.vector_store %arg9[%swap3A_233, %swap3A_234, %swap3A_235], %swap3A_238 {strides = array<i32>} : memref<4x64x128xf32, #tpu.memory_space<vmem>>, vector<1x1x16xf32>,
      %broadcast_in_dim3A_239 = arith.constant 0.000000e+00 : f32
      %broadcast_in_dim3A_240 = vector.broadcast %broadcast_in_dim3A_239 : f32 to vector<16xf32>
      %swap3A_241 = arith.constant 0 : i32
      %swap3A_242 = arith.index_cast %swap3A_241 : i32 to index
      %swap3A_243 = arith.index_cast %scan3A_174 : i32 to index
      %swap3A_244 = arith.constant 112 : index
      %swap3A_245 = tpu.vector_load %arg9[%swap3A_242, %swap3A_243, %swap3A_244] {strides = array<i32>} : memref<4x64x128xf32, #tpu.memory_space<vmem>>, vector<1x1x16xf32>,
      %swap3A_246 = vector.shape_cast %swap3A_245 : vector<1x1x16xf32> to vector<16xf32>
      %swap3A_247 = vector.shape_cast %broadcast_in_dim3A_240 : vector<16xf32> to vector<1x1x16xf32>
      tpu.vector_store %arg9[%swap3A_242, %swap3A_243, %swap3A_244], %swap3A_247 {strides = array<i32>} : memref<4x64x128xf32, #tpu.memory_space<vmem>>, vector<1x1x16xf32>,
      %scan3A_248 = arith.constant 0 : i32
      scf.yield %scan3A_248 : i32
    }
    %scan3A_5 = arith.constant 64 : i32
    %scan3A_6 = arith.constant 0 : i32
    %scan3A_7 = arith.constant 0 : i32
    %scan3A_8 = arith.constant 40 : i32
    %scan3A_9 = arith.addi %scan3A_7, %scan3A_8 : i32
    %scan3A_10 = arith.constant 1 : i32
    %scan3A_11 = scf.for %scan3A_174 = %scan3A_7 to %scan3A_9 step %scan3A_10 iter_args(%scan3A_175 = %scan3A_6) -> (i32)  : i32 {
      %broadcast_in_dim3A_176 = arith.constant 0.000000e+00 : f32
      %broadcast_in_dim3A_177 = vector.broadcast %broadcast_in_dim3A_176 : f32 to vector<16xf32>
      %mul3A_178 = arith.constant 16 : i32
      %mul3A_179 = arith.muli %scan3A_174, %mul3A_178 : i32
      %swap3A_180 = arith.index_cast %mul3A_179 : i32 to index
      %swap3A_181 = tpu.vector_load %arg11[%swap3A_180] {strides = array<i32>} : memref<640xf32, #tpu.memory_space<vmem>>, vector<16xf32>,
      %swap3A_182 = vector.shape_cast %swap3A_181 : vector<16xf32> to vector<16xf32>
      %swap3A_183 = vector.shape_cast %broadcast_in_dim3A_177 : vector<16xf32> to vector<16xf32>
      tpu.vector_store %arg11[%swap3A_180], %swap3A_183 {strides = array<i32>} : memref<640xf32, #tpu.memory_space<vmem>>, vector<16xf32>,
      %scan3A_184 = arith.constant 0 : i32
      scf.yield %scan3A_184 : i32
    }
    %scan3A_12 = arith.constant 40 : i32
    %broadcast_in_dim3A = arith.constant 1.000000e+00 : f32
    %broadcast_in_dim3A_13 = vector.broadcast %broadcast_in_dim3A : f32 to vector<16xf32>
    %swap3A = arith.constant 0 : index
    %swap3A_14 = tpu.vector_load %arg10[%swap3A] {strides = array<i32>} : memref<64xf32, #tpu.memory_space<vmem>>, vector<16xf32>,
    %swap3A_15 = vector.shape_cast %swap3A_14 : vector<16xf32> to vector<16xf32>
    %swap3A_16 = vector.shape_cast %broadcast_in_dim3A_13 : vector<16xf32> to vector<16xf32>
    tpu.vector_store %arg10[%swap3A], %swap3A_16 {strides = array<i32>} : memref<64xf32, #tpu.memory_space<vmem>>, vector<16xf32>,
    %broadcast_in_dim3A_17 = arith.constant 1.000000e+00 : f32
    %broadcast_in_dim3A_18 = vector.broadcast %broadcast_in_dim3A_17 : f32 to vector<16xf32>
    %swap3A_19 = arith.constant 16 : index
    %swap3A_20 = tpu.vector_load %arg10[%swap3A_19] {strides = array<i32>} : memref<64xf32, #tpu.memory_space<vmem>>, vector<16xf32>,
    %swap3A_21 = vector.shape_cast %swap3A_20 : vector<16xf32> to vector<16xf32>
    %swap3A_22 = vector.shape_cast %broadcast_in_dim3A_18 : vector<16xf32> to vector<16xf32>
    tpu.vector_store %arg10[%swap3A_19], %swap3A_22 {strides = array<i32>} : memref<64xf32, #tpu.memory_space<vmem>>, vector<16xf32>,
    %broadcast_in_dim3A_23 = arith.constant 1.000000e+00 : f32
    %broadcast_in_dim3A_24 = vector.broadcast %broadcast_in_dim3A_23 : f32 to vector<16xf32>
    %swap3A_25 = arith.constant 32 : index
    %swap3A_26 = tpu.vector_load %arg10[%swap3A_25] {strides = array<i32>} : memref<64xf32, #tpu.memory_space<vmem>>, vector<16xf32>,
    %swap3A_27 = vector.shape_cast %swap3A_26 : vector<16xf32> to vector<16xf32>
    %swap3A_28 = vector.shape_cast %broadcast_in_dim3A_24 : vector<16xf32> to vector<16xf32>
    tpu.vector_store %arg10[%swap3A_25], %swap3A_28 {strides = array<i32>} : memref<64xf32, #tpu.memory_space<vmem>>, vector<16xf32>,
    %broadcast_in_dim3A_29 = arith.constant 1.000000e+00 : f32
    %broadcast_in_dim3A_30 = vector.broadcast %broadcast_in_dim3A_29 : f32 to vector<16xf32>
    %swap3A_31 = arith.constant 48 : index
    %swap3A_32 = tpu.vector_load %arg10[%swap3A_31] {strides = array<i32>} : memref<64xf32, #tpu.memory_space<vmem>>, vector<16xf32>,
    %swap3A_33 = vector.shape_cast %swap3A_32 : vector<16xf32> to vector<16xf32>
    %swap3A_34 = vector.shape_cast %broadcast_in_dim3A_30 : vector<16xf32> to vector<16xf32>
    tpu.vector_store %arg10[%swap3A_31], %swap3A_34 {strides = array<i32>} : memref<64xf32, #tpu.memory_space<vmem>>, vector<16xf32>,
    %mul3A = arith.constant 640 : i32
    %mul3A_35 = arith.muli %arg1, %mul3A : i32
    %add3A = arith.constant 0 : i32
    %add3A_36 = arith.addi %mul3A_35, %add3A : i32
    %run_scoped3A = arith.constant 0 : i32
    "tpu.region"() ({
      %run_scoped3A_174 = tpu.sem_alloc : memref<!tpu.dma_semaphore, #tpu.memory_space<semaphore_mem>>
      %dma_start3A = arith.constant 0 : i32
      %dma_start3A_175 = arith.constant 0 : i32
      %dma_start3A_176 = tpu.memref_slice %arg9[%run_scoped3A, %dma_start3A, %dma_start3A_175] : memref<4x64x128xf32, #tpu.memory_space<vmem>> -> memref<1x64x128xf32, #tpu.memory_space<vmem>>
      %dma_start3A_177 = tpu.memref_squeeze %dma_start3A_176 : memref<1x64x128xf32, #tpu.memory_space<vmem>> -> memref<64x128xf32, #tpu.memory_space<vmem>>
      %dma_start3A_178 = arith.constant 0 : i32
      %dma_start3A_179 = tpu.memref_slice %arg12[%add3A_36, %dma_start3A_178] : memref<10240x128xf32, #tpu.memory_space<vmem_shared>> -> memref<64x128xf32, #tpu.memory_space<vmem_shared>>
      %dma_start3A_180 = arith.constant 0 : i32
      %dma_start3A_181 = tpu.memref_slice %arg12[%add3A_36, %dma_start3A_180] : memref<10240x128xf32, #tpu.memory_space<vmem_shared>> -> memref<64x128xf32, #tpu.memory_space<vmem_shared>>
      %dma_start3A_182 = arith.constant 0 : i32
      %dma_start3A_183 = arith.constant 0 : i32
      %dma_start3A_184 = tpu.memref_slice %arg9[%run_scoped3A, %dma_start3A_182, %dma_start3A_183] : memref<4x64x128xf32, #tpu.memory_space<vmem>> -> memref<1x64x128xf32, #tpu.memory_space<vmem>>
      %dma_start3A_185 = tpu.memref_squeeze %dma_start3A_184 : memref<1x64x128xf32, #tpu.memory_space<vmem>> -> memref<64x128xf32, #tpu.memory_space<vmem>>
      tpu.enqueue_dma source(%dma_start3A_185 : memref<64x128xf32, #tpu.memory_space<vmem>>) target(%dma_start3A_181 : memref<64x128xf32, #tpu.memory_space<vmem_shared>>) target_semaphore(%run_scoped3A_174 : memref<!tpu.dma_semaphore, #tpu.memory_space<semaphore_mem>>)
      %dma_wait3A = arith.constant 0 : i32
      %dma_wait3A_186 = arith.constant 0 : i32
      %dma_wait3A_187 = tpu.memref_slice %arg9[%run_scoped3A, %dma_wait3A, %dma_wait3A_186] : memref<4x64x128xf32, #tpu.memory_space<vmem>> -> memref<1x64x128xf32, #tpu.memory_space<vmem>>
      %dma_wait3A_188 = tpu.memref_squeeze %dma_wait3A_187 : memref<1x64x128xf32, #tpu.memory_space<vmem>> -> memref<64x128xf32, #tpu.memory_space<vmem>>
      %dma_wait3A_189 = arith.constant 0 : i32
      %dma_wait3A_190 = tpu.memref_slice %arg12[%add3A_36, %dma_wait3A_189] : memref<10240x128xf32, #tpu.memory_space<vmem_shared>> -> memref<64x128xf32, #tpu.memory_space<vmem_shared>>
      %dma_wait3A_191 = arith.constant 0 : i32
      %dma_wait3A_192 = tpu.memref_slice %arg12[%add3A_36, %dma_wait3A_191] : memref<10240x128xf32, #tpu.memory_space<vmem_shared>> -> memref<64x128xf32, #tpu.memory_space<vmem_shared>>
      %dma_wait3A_193 = arith.constant 0 : i32
      %dma_wait3A_194 = arith.constant 0 : i32
      %dma_wait3A_195 = tpu.memref_slice %arg9[%run_scoped3A, %dma_wait3A_193, %dma_wait3A_194] : memref<4x64x128xf32, #tpu.memory_space<vmem>> -> memref<1x64x128xf32, #tpu.memory_space<vmem>>
      %dma_wait3A_196 = tpu.memref_squeeze %dma_wait3A_195 : memref<1x64x128xf32, #tpu.memory_space<vmem>> -> memref<64x128xf32, #tpu.memory_space<vmem>>
      tpu.wait_dma2 semaphore(%run_scoped3A_174 : memref<!tpu.dma_semaphore, #tpu.memory_space<semaphore_mem>>) src(%dma_wait3A_196 : memref<64x128xf32, #tpu.memory_space<vmem>>) dst(%dma_wait3A_192 : memref<64x128xf32, #tpu.memory_space<vmem_shared>>)
      tpu.yield
    }) : () -> ()
    %mul3A_37 = arith.constant 640 : i32
    %mul3A_38 = arith.muli %arg1, %mul3A_37 : i32
    %add3A_39 = arith.constant 64 : i32
    %add3A_40 = arith.addi %mul3A_38, %add3A_39 : i32
    %run_scoped3A_41 = arith.constant 0 : i32
    "tpu.region"() ({
      %run_scoped3A_174 = tpu.sem_alloc : memref<!tpu.dma_semaphore, #tpu.memory_space<semaphore_mem>>
      %dma_start3A = arith.constant 0 : i32
      %dma_start3A_175 = arith.constant 0 : i32
      %dma_start3A_176 = tpu.memref_slice %arg9[%run_scoped3A_41, %dma_start3A, %dma_start3A_175] : memref<4x64x128xf32, #tpu.memory_space<vmem>> -> memref<1x64x128xf32, #tpu.memory_space<vmem>>
      %dma_start3A_177 = tpu.memref_squeeze %dma_start3A_176 : memref<1x64x128xf32, #tpu.memory_space<vmem>> -> memref<64x128xf32, #tpu.memory_space<vmem>>
      %dma_start3A_178 = arith.constant 0 : i32
      %dma_start3A_179 = tpu.memref_slice %arg12[%add3A_40, %dma_start3A_178] : memref<10240x128xf32, #tpu.memory_space<vmem_shared>> -> memref<64x128xf32, #tpu.memory_space<vmem_shared>>
      %dma_start3A_180 = arith.constant 0 : i32
      %dma_start3A_181 = tpu.memref_slice %arg12[%add3A_40, %dma_start3A_180] : memref<10240x128xf32, #tpu.memory_space<vmem_shared>> -> memref<64x128xf32, #tpu.memory_space<vmem_shared>>
      %dma_start3A_182 = arith.constant 0 : i32
      %dma_start3A_183 = arith.constant 0 : i32
      %dma_start3A_184 = tpu.memref_slice %arg9[%run_scoped3A_41, %dma_start3A_182, %dma_start3A_183] : memref<4x64x128xf32, #tpu.memory_space<vmem>> -> memref<1x64x128xf32, #tpu.memory_space<vmem>>
      %dma_start3A_185 = tpu.memref_squeeze %dma_start3A_184 : memref<1x64x128xf32, #tpu.memory_space<vmem>> -> memref<64x128xf32, #tpu.memory_space<vmem>>
      tpu.enqueue_dma source(%dma_start3A_185 : memref<64x128xf32, #tpu.memory_space<vmem>>) target(%dma_start3A_181 : memref<64x128xf32, #tpu.memory_space<vmem_shared>>) target_semaphore(%run_scoped3A_174 : memref<!tpu.dma_semaphore, #tpu.memory_space<semaphore_mem>>)
      %dma_wait3A = arith.constant 0 : i32
      %dma_wait3A_186 = arith.constant 0 : i32
      %dma_wait3A_187 = tpu.memref_slice %arg9[%run_scoped3A_41, %dma_wait3A, %dma_wait3A_186] : memref<4x64x128xf32, #tpu.memory_space<vmem>> -> memref<1x64x128xf32, #tpu.memory_space<vmem>>
      %dma_wait3A_188 = tpu.memref_squeeze %dma_wait3A_187 : memref<1x64x128xf32, #tpu.memory_space<vmem>> -> memref<64x128xf32, #tpu.memory_space<vmem>>
      %dma_wait3A_189 = arith.constant 0 : i32
      %dma_wait3A_190 = tpu.memref_slice %arg12[%add3A_40, %dma_wait3A_189] : memref<10240x128xf32, #tpu.memory_space<vmem_shared>> -> memref<64x128xf32, #tpu.memory_space<vmem_shared>>
      %dma_wait3A_191 = arith.constant 0 : i32
      %dma_wait3A_192 = tpu.memref_slice %arg12[%add3A_40, %dma_wait3A_191] : memref<10240x128xf32, #tpu.memory_space<vmem_shared>> -> memref<64x128xf32, #tpu.memory_space<vmem_shared>>
      %dma_wait3A_193 = arith.constant 0 : i32
      %dma_wait3A_194 = arith.constant 0 : i32
      %dma_wait3A_195 = tpu.memref_slice %arg9[%run_scoped3A_41, %dma_wait3A_193, %dma_wait3A_194] : memref<4x64x128xf32, #tpu.memory_space<vmem>> -> memref<1x64x128xf32, #tpu.memory_space<vmem>>
      %dma_wait3A_196 = tpu.memref_squeeze %dma_wait3A_195 : memref<1x64x128xf32, #tpu.memory_space<vmem>> -> memref<64x128xf32, #tpu.memory_space<vmem>>
      tpu.wait_dma2 semaphore(%run_scoped3A_174 : memref<!tpu.dma_semaphore, #tpu.memory_space<semaphore_mem>>) src(%dma_wait3A_196 : memref<64x128xf32, #tpu.memory_space<vmem>>) dst(%dma_wait3A_192 : memref<64x128xf32, #tpu.memory_space<vmem_shared>>)
      tpu.yield
    }) : () -> ()
    %mul3A_42 = arith.constant 640 : i32
    %mul3A_43 = arith.muli %arg1, %mul3A_42 : i32
    %add3A_44 = arith.constant 128 : i32
    %add3A_45 = arith.addi %mul3A_43, %add3A_44 : i32
    %run_scoped3A_46 = arith.constant 0 : i32
    "tpu.region"() ({
      %run_scoped3A_174 = tpu.sem_alloc : memref<!tpu.dma_semaphore, #tpu.memory_space<semaphore_mem>>
      %dma_start3A = arith.constant 0 : i32
      %dma_start3A_175 = arith.constant 0 : i32
      %dma_start3A_176 = tpu.memref_slice %arg9[%run_scoped3A_46, %dma_start3A, %dma_start3A_175] : memref<4x64x128xf32, #tpu.memory_space<vmem>> -> memref<1x64x128xf32, #tpu.memory_space<vmem>>
      %dma_start3A_177 = tpu.memref_squeeze %dma_start3A_176 : memref<1x64x128xf32, #tpu.memory_space<vmem>> -> memref<64x128xf32, #tpu.memory_space<vmem>>
      %dma_start3A_178 = arith.constant 0 : i32
      %dma_start3A_179 = tpu.memref_slice %arg12[%add3A_45, %dma_start3A_178] : memref<10240x128xf32, #tpu.memory_space<vmem_shared>> -> memref<64x128xf32, #tpu.memory_space<vmem_shared>>
      %dma_start3A_180 = arith.constant 0 : i32
      %dma_start3A_181 = tpu.memref_slice %arg12[%add3A_45, %dma_start3A_180] : memref<10240x128xf32, #tpu.memory_space<vmem_shared>> -> memref<64x128xf32, #tpu.memory_space<vmem_shared>>
      %dma_start3A_182 = arith.constant 0 : i32
      %dma_start3A_183 = arith.constant 0 : i32
      %dma_start3A_184 = tpu.memref_slice %arg9[%run_scoped3A_46, %dma_start3A_182, %dma_start3A_183] : memref<4x64x128xf32, #tpu.memory_space<vmem>> -> memref<1x64x128xf32, #tpu.memory_space<vmem>>
      %dma_start3A_185 = tpu.memref_squeeze %dma_start3A_184 : memref<1x64x128xf32, #tpu.memory_space<vmem>> -> memref<64x128xf32, #tpu.memory_space<vmem>>
      tpu.enqueue_dma source(%dma_start3A_185 : memref<64x128xf32, #tpu.memory_space<vmem>>) target(%dma_start3A_181 : memref<64x128xf32, #tpu.memory_space<vmem_shared>>) target_semaphore(%run_scoped3A_174 : memref<!tpu.dma_semaphore, #tpu.memory_space<semaphore_mem>>)
      %dma_wait3A = arith.constant 0 : i32
      %dma_wait3A_186 = arith.constant 0 : i32
      %dma_wait3A_187 = tpu.memref_slice %arg9[%run_scoped3A_46, %dma_wait3A, %dma_wait3A_186] : memref<4x64x128xf32, #tpu.memory_space<vmem>> -> memref<1x64x128xf32, #tpu.memory_space<vmem>>
      %dma_wait3A_188 = tpu.memref_squeeze %dma_wait3A_187 : memref<1x64x128xf32, #tpu.memory_space<vmem>> -> memref<64x128xf32, #tpu.memory_space<vmem>>
      %dma_wait3A_189 = arith.constant 0 : i32
      %dma_wait3A_190 = tpu.memref_slice %arg12[%add3A_45, %dma_wait3A_189] : memref<10240x128xf32, #tpu.memory_space<vmem_shared>> -> memref<64x128xf32, #tpu.memory_space<vmem_shared>>
      %dma_wait3A_191 = arith.constant 0 : i32
      %dma_wait3A_192 = tpu.memref_slice %arg12[%add3A_45, %dma_wait3A_191] : memref<10240x128xf32, #tpu.memory_space<vmem_shared>> -> memref<64x128xf32, #tpu.memory_space<vmem_shared>>
      %dma_wait3A_193 = arith.constant 0 : i32
      %dma_wait3A_194 = arith.constant 0 : i32
      %dma_wait3A_195 = tpu.memref_slice %arg9[%run_scoped3A_46, %dma_wait3A_193, %dma_wait3A_194] : memref<4x64x128xf32, #tpu.memory_space<vmem>> -> memref<1x64x128xf32, #tpu.memory_space<vmem>>
      %dma_wait3A_196 = tpu.memref_squeeze %dma_wait3A_195 : memref<1x64x128xf32, #tpu.memory_space<vmem>> -> memref<64x128xf32, #tpu.memory_space<vmem>>
      tpu.wait_dma2 semaphore(%run_scoped3A_174 : memref<!tpu.dma_semaphore, #tpu.memory_space<semaphore_mem>>) src(%dma_wait3A_196 : memref<64x128xf32, #tpu.memory_space<vmem>>) dst(%dma_wait3A_192 : memref<64x128xf32, #tpu.memory_space<vmem_shared>>)
      tpu.yield
    }) : () -> ()
    %mul3A_47 = arith.constant 640 : i32
    %mul3A_48 = arith.muli %arg1, %mul3A_47 : i32
    %add3A_49 = arith.constant 192 : i32
    %add3A_50 = arith.addi %mul3A_48, %add3A_49 : i32
    %run_scoped3A_51 = arith.constant 0 : i32
    "tpu.region"() ({
      %run_scoped3A_174 = tpu.sem_alloc : memref<!tpu.dma_semaphore, #tpu.memory_space<semaphore_mem>>
      %dma_start3A = arith.constant 0 : i32
      %dma_start3A_175 = arith.constant 0 : i32
      %dma_start3A_176 = tpu.memref_slice %arg9[%run_scoped3A_51, %dma_start3A, %dma_start3A_175] : memref<4x64x128xf32, #tpu.memory_space<vmem>> -> memref<1x64x128xf32, #tpu.memory_space<vmem>>
      %dma_start3A_177 = tpu.memref_squeeze %dma_start3A_176 : memref<1x64x128xf32, #tpu.memory_space<vmem>> -> memref<64x128xf32, #tpu.memory_space<vmem>>
      %dma_start3A_178 = arith.constant 0 : i32
      %dma_start3A_179 = tpu.memref_slice %arg12[%add3A_50, %dma_start3A_178] : memref<10240x128xf32, #tpu.memory_space<vmem_shared>> -> memref<64x128xf32, #tpu.memory_space<vmem_shared>>
      %dma_start3A_180 = arith.constant 0 : i32
      %dma_start3A_181 = tpu.memref_slice %arg12[%add3A_50, %dma_start3A_180] : memref<10240x128xf32, #tpu.memory_space<vmem_shared>> -> memref<64x128xf32, #tpu.memory_space<vmem_shared>>
      %dma_start3A_182 = arith.constant 0 : i32
      %dma_start3A_183 = arith.constant 0 : i32
      %dma_start3A_184 = tpu.memref_slice %arg9[%run_scoped3A_51, %dma_start3A_182, %dma_start3A_183] : memref<4x64x128xf32, #tpu.memory_space<vmem>> -> memref<1x64x128xf32, #tpu.memory_space<vmem>>
      %dma_start3A_185 = tpu.memref_squeeze %dma_start3A_184 : memref<1x64x128xf32, #tpu.memory_space<vmem>> -> memref<64x128xf32, #tpu.memory_space<vmem>>
      tpu.enqueue_dma source(%dma_start3A_185 : memref<64x128xf32, #tpu.memory_space<vmem>>) target(%dma_start3A_181 : memref<64x128xf32, #tpu.memory_space<vmem_shared>>) target_semaphore(%run_scoped3A_174 : memref<!tpu.dma_semaphore, #tpu.memory_space<semaphore_mem>>)
      %dma_wait3A = arith.constant 0 : i32
      %dma_wait3A_186 = arith.constant 0 : i32
      %dma_wait3A_187 = tpu.memref_slice %arg9[%run_scoped3A_51, %dma_wait3A, %dma_wait3A_186] : memref<4x64x128xf32, #tpu.memory_space<vmem>> -> memref<1x64x128xf32, #tpu.memory_space<vmem>>
      %dma_wait3A_188 = tpu.memref_squeeze %dma_wait3A_187 : memref<1x64x128xf32, #tpu.memory_space<vmem>> -> memref<64x128xf32, #tpu.memory_space<vmem>>
      %dma_wait3A_189 = arith.constant 0 : i32
      %dma_wait3A_190 = tpu.memref_slice %arg12[%add3A_50, %dma_wait3A_189] : memref<10240x128xf32, #tpu.memory_space<vmem_shared>> -> memref<64x128xf32, #tpu.memory_space<vmem_shared>>
      %dma_wait3A_191 = arith.constant 0 : i32
      %dma_wait3A_192 = tpu.memref_slice %arg12[%add3A_50, %dma_wait3A_191] : memref<10240x128xf32, #tpu.memory_space<vmem_shared>> -> memref<64x128xf32, #tpu.memory_space<vmem_shared>>
      %dma_wait3A_193 = arith.constant 0 : i32
      %dma_wait3A_194 = arith.constant 0 : i32
      %dma_wait3A_195 = tpu.memref_slice %arg9[%run_scoped3A_51, %dma_wait3A_193, %dma_wait3A_194] : memref<4x64x128xf32, #tpu.memory_space<vmem>> -> memref<1x64x128xf32, #tpu.memory_space<vmem>>
      %dma_wait3A_196 = tpu.memref_squeeze %dma_wait3A_195 : memref<1x64x128xf32, #tpu.memory_space<vmem>> -> memref<64x128xf32, #tpu.memory_space<vmem>>
      tpu.wait_dma2 semaphore(%run_scoped3A_174 : memref<!tpu.dma_semaphore, #tpu.memory_space<semaphore_mem>>) src(%dma_wait3A_196 : memref<64x128xf32, #tpu.memory_space<vmem>>) dst(%dma_wait3A_192 : memref<64x128xf32, #tpu.memory_space<vmem_shared>>)
      tpu.yield
    }) : () -> ()
    %mul3A_52 = arith.constant 640 : i32
    %mul3A_53 = arith.muli %arg1, %mul3A_52 : i32
    %add3A_54 = arith.constant 256 : i32
    %add3A_55 = arith.addi %mul3A_53, %add3A_54 : i32
    %run_scoped3A_56 = arith.constant 0 : i32
    "tpu.region"() ({
      %run_scoped3A_174 = tpu.sem_alloc : memref<!tpu.dma_semaphore, #tpu.memory_space<semaphore_mem>>
      %dma_start3A = arith.constant 0 : i32
      %dma_start3A_175 = arith.constant 0 : i32
      %dma_start3A_176 = tpu.memref_slice %arg9[%run_scoped3A_56, %dma_start3A, %dma_start3A_175] : memref<4x64x128xf32, #tpu.memory_space<vmem>> -> memref<1x64x128xf32, #tpu.memory_space<vmem>>
      %dma_start3A_177 = tpu.memref_squeeze %dma_start3A_176 : memref<1x64x128xf32, #tpu.memory_space<vmem>> -> memref<64x128xf32, #tpu.memory_space<vmem>>
      %dma_start3A_178 = arith.constant 0 : i32
      %dma_start3A_179 = tpu.memref_slice %arg12[%add3A_55, %dma_start3A_178] : memref<10240x128xf32, #tpu.memory_space<vmem_shared>> -> memref<64x128xf32, #tpu.memory_space<vmem_shared>>
      %dma_start3A_180 = arith.constant 0 : i32
      %dma_start3A_181 = tpu.memref_slice %arg12[%add3A_55, %dma_start3A_180] : memref<10240x128xf32, #tpu.memory_space<vmem_shared>> -> memref<64x128xf32, #tpu.memory_space<vmem_shared>>
      %dma_start3A_182 = arith.constant 0 : i32
      %dma_start3A_183 = arith.constant 0 : i32
      %dma_start3A_184 = tpu.memref_slice %arg9[%run_scoped3A_56, %dma_start3A_182, %dma_start3A_183] : memref<4x64x128xf32, #tpu.memory_space<vmem>> -> memref<1x64x128xf32, #tpu.memory_space<vmem>>
      %dma_start3A_185 = tpu.memref_squeeze %dma_start3A_184 : memref<1x64x128xf32, #tpu.memory_space<vmem>> -> memref<64x128xf32, #tpu.memory_space<vmem>>
      tpu.enqueue_dma source(%dma_start3A_185 : memref<64x128xf32, #tpu.memory_space<vmem>>) target(%dma_start3A_181 : memref<64x128xf32, #tpu.memory_space<vmem_shared>>) target_semaphore(%run_scoped3A_174 : memref<!tpu.dma_semaphore, #tpu.memory_space<semaphore_mem>>)
      %dma_wait3A = arith.constant 0 : i32
      %dma_wait3A_186 = arith.constant 0 : i32
      %dma_wait3A_187 = tpu.memref_slice %arg9[%run_scoped3A_56, %dma_wait3A, %dma_wait3A_186] : memref<4x64x128xf32, #tpu.memory_space<vmem>> -> memref<1x64x128xf32, #tpu.memory_space<vmem>>
      %dma_wait3A_188 = tpu.memref_squeeze %dma_wait3A_187 : memref<1x64x128xf32, #tpu.memory_space<vmem>> -> memref<64x128xf32, #tpu.memory_space<vmem>>
      %dma_wait3A_189 = arith.constant 0 : i32
      %dma_wait3A_190 = tpu.memref_slice %arg12[%add3A_55, %dma_wait3A_189] : memref<10240x128xf32, #tpu.memory_space<vmem_shared>> -> memref<64x128xf32, #tpu.memory_space<vmem_shared>>
      %dma_wait3A_191 = arith.constant 0 : i32
      %dma_wait3A_192 = tpu.memref_slice %arg12[%add3A_55, %dma_wait3A_191] : memref<10240x128xf32, #tpu.memory_space<vmem_shared>> -> memref<64x128xf32, #tpu.memory_space<vmem_shared>>
      %dma_wait3A_193 = arith.constant 0 : i32
      %dma_wait3A_194 = arith.constant 0 : i32
      %dma_wait3A_195 = tpu.memref_slice %arg9[%run_scoped3A_56, %dma_wait3A_193, %dma_wait3A_194] : memref<4x64x128xf32, #tpu.memory_space<vmem>> -> memref<1x64x128xf32, #tpu.memory_space<vmem>>
      %dma_wait3A_196 = tpu.memref_squeeze %dma_wait3A_195 : memref<1x64x128xf32, #tpu.memory_space<vmem>> -> memref<64x128xf32, #tpu.memory_space<vmem>>
      tpu.wait_dma2 semaphore(%run_scoped3A_174 : memref<!tpu.dma_semaphore, #tpu.memory_space<semaphore_mem>>) src(%dma_wait3A_196 : memref<64x128xf32, #tpu.memory_space<vmem>>) dst(%dma_wait3A_192 : memref<64x128xf32, #tpu.memory_space<vmem_shared>>)
      tpu.yield
    }) : () -> ()
    %mul3A_57 = arith.constant 640 : i32
    %mul3A_58 = arith.muli %arg1, %mul3A_57 : i32
    %add3A_59 = arith.constant 320 : i32
    %add3A_60 = arith.addi %mul3A_58, %add3A_59 : i32
    %run_scoped3A_61 = arith.constant 0 : i32
    "tpu.region"() ({
      %run_scoped3A_174 = tpu.sem_alloc : memref<!tpu.dma_semaphore, #tpu.memory_space<semaphore_mem>>
      %dma_start3A = arith.constant 0 : i32
      %dma_start3A_175 = arith.constant 0 : i32
      %dma_start3A_176 = tpu.memref_slice %arg9[%run_scoped3A_61, %dma_start3A, %dma_start3A_175] : memref<4x64x128xf32, #tpu.memory_space<vmem>> -> memref<1x64x128xf32, #tpu.memory_space<vmem>>
      %dma_start3A_177 = tpu.memref_squeeze %dma_start3A_176 : memref<1x64x128xf32, #tpu.memory_space<vmem>> -> memref<64x128xf32, #tpu.memory_space<vmem>>
      %dma_start3A_178 = arith.constant 0 : i32
      %dma_start3A_179 = tpu.memref_slice %arg12[%add3A_60, %dma_start3A_178] : memref<10240x128xf32, #tpu.memory_space<vmem_shared>> -> memref<64x128xf32, #tpu.memory_space<vmem_shared>>
      %dma_start3A_180 = arith.constant 0 : i32
      %dma_start3A_181 = tpu.memref_slice %arg12[%add3A_60, %dma_start3A_180] : memref<10240x128xf32, #tpu.memory_space<vmem_shared>> -> memref<64x128xf32, #tpu.memory_space<vmem_shared>>
      %dma_start3A_182 = arith.constant 0 : i32
      %dma_start3A_183 = arith.constant 0 : i32
      %dma_start3A_184 = tpu.memref_slice %arg9[%run_scoped3A_61, %dma_start3A_182, %dma_start3A_183] : memref<4x64x128xf32, #tpu.memory_space<vmem>> -> memref<1x64x128xf32, #tpu.memory_space<vmem>>
      %dma_start3A_185 = tpu.memref_squeeze %dma_start3A_184 : memref<1x64x128xf32, #tpu.memory_space<vmem>> -> memref<64x128xf32, #tpu.memory_space<vmem>>
      tpu.enqueue_dma source(%dma_start3A_185 : memref<64x128xf32, #tpu.memory_space<vmem>>) target(%dma_start3A_181 : memref<64x128xf32, #tpu.memory_space<vmem_shared>>) target_semaphore(%run_scoped3A_174 : memref<!tpu.dma_semaphore, #tpu.memory_space<semaphore_mem>>)
      %dma_wait3A = arith.constant 0 : i32
      %dma_wait3A_186 = arith.constant 0 : i32
      %dma_wait3A_187 = tpu.memref_slice %arg9[%run_scoped3A_61, %dma_wait3A, %dma_wait3A_186] : memref<4x64x128xf32, #tpu.memory_space<vmem>> -> memref<1x64x128xf32, #tpu.memory_space<vmem>>
      %dma_wait3A_188 = tpu.memref_squeeze %dma_wait3A_187 : memref<1x64x128xf32, #tpu.memory_space<vmem>> -> memref<64x128xf32, #tpu.memory_space<vmem>>
      %dma_wait3A_189 = arith.constant 0 : i32
      %dma_wait3A_190 = tpu.memref_slice %arg12[%add3A_60, %dma_wait3A_189] : memref<10240x128xf32, #tpu.memory_space<vmem_shared>> -> memref<64x128xf32, #tpu.memory_space<vmem_shared>>
      %dma_wait3A_191 = arith.constant 0 : i32
      %dma_wait3A_192 = tpu.memref_slice %arg12[%add3A_60, %dma_wait3A_191] : memref<10240x128xf32, #tpu.memory_space<vmem_shared>> -> memref<64x128xf32, #tpu.memory_space<vmem_shared>>
      %dma_wait3A_193 = arith.constant 0 : i32
      %dma_wait3A_194 = arith.constant 0 : i32
      %dma_wait3A_195 = tpu.memref_slice %arg9[%run_scoped3A_61, %dma_wait3A_193, %dma_wait3A_194] : memref<4x64x128xf32, #tpu.memory_space<vmem>> -> memref<1x64x128xf32, #tpu.memory_space<vmem>>
      %dma_wait3A_196 = tpu.memref_squeeze %dma_wait3A_195 : memref<1x64x128xf32, #tpu.memory_space<vmem>> -> memref<64x128xf32, #tpu.memory_space<vmem>>
      tpu.wait_dma2 semaphore(%run_scoped3A_174 : memref<!tpu.dma_semaphore, #tpu.memory_space<semaphore_mem>>) src(%dma_wait3A_196 : memref<64x128xf32, #tpu.memory_space<vmem>>) dst(%dma_wait3A_192 : memref<64x128xf32, #tpu.memory_space<vmem_shared>>)
      tpu.yield
    }) : () -> ()
    %mul3A_62 = arith.constant 640 : i32
    %mul3A_63 = arith.muli %arg1, %mul3A_62 : i32
    %add3A_64 = arith.constant 384 : i32
    %add3A_65 = arith.addi %mul3A_63, %add3A_64 : i32
    %run_scoped3A_66 = arith.constant 0 : i32
    "tpu.region"() ({
      %run_scoped3A_174 = tpu.sem_alloc : memref<!tpu.dma_semaphore, #tpu.memory_space<semaphore_mem>>
      %dma_start3A = arith.constant 0 : i32
      %dma_start3A_175 = arith.constant 0 : i32
      %dma_start3A_176 = tpu.memref_slice %arg9[%run_scoped3A_66, %dma_start3A, %dma_start3A_175] : memref<4x64x128xf32, #tpu.memory_space<vmem>> -> memref<1x64x128xf32, #tpu.memory_space<vmem>>
      %dma_start3A_177 = tpu.memref_squeeze %dma_start3A_176 : memref<1x64x128xf32, #tpu.memory_space<vmem>> -> memref<64x128xf32, #tpu.memory_space<vmem>>
      %dma_start3A_178 = arith.constant 0 : i32
      %dma_start3A_179 = tpu.memref_slice %arg12[%add3A_65, %dma_start3A_178] : memref<10240x128xf32, #tpu.memory_space<vmem_shared>> -> memref<64x128xf32, #tpu.memory_space<vmem_shared>>
      %dma_start3A_180 = arith.constant 0 : i32
      %dma_start3A_181 = tpu.memref_slice %arg12[%add3A_65, %dma_start3A_180] : memref<10240x128xf32, #tpu.memory_space<vmem_shared>> -> memref<64x128xf32, #tpu.memory_space<vmem_shared>>
      %dma_start3A_182 = arith.constant 0 : i32
      %dma_start3A_183 = arith.constant 0 : i32
      %dma_start3A_184 = tpu.memref_slice %arg9[%run_scoped3A_66, %dma_start3A_182, %dma_start3A_183] : memref<4x64x128xf32, #tpu.memory_space<vmem>> -> memref<1x64x128xf32, #tpu.memory_space<vmem>>
      %dma_start3A_185 = tpu.memref_squeeze %dma_start3A_184 : memref<1x64x128xf32, #tpu.memory_space<vmem>> -> memref<64x128xf32, #tpu.memory_space<vmem>>
      tpu.enqueue_dma source(%dma_start3A_185 : memref<64x128xf32, #tpu.memory_space<vmem>>) target(%dma_start3A_181 : memref<64x128xf32, #tpu.memory_space<vmem_shared>>) target_semaphore(%run_scoped3A_174 : memref<!tpu.dma_semaphore, #tpu.memory_space<semaphore_mem>>)
      %dma_wait3A = arith.constant 0 : i32
      %dma_wait3A_186 = arith.constant 0 : i32
      %dma_wait3A_187 = tpu.memref_slice %arg9[%run_scoped3A_66, %dma_wait3A, %dma_wait3A_186] : memref<4x64x128xf32, #tpu.memory_space<vmem>> -> memref<1x64x128xf32, #tpu.memory_space<vmem>>
      %dma_wait3A_188 = tpu.memref_squeeze %dma_wait3A_187 : memref<1x64x128xf32, #tpu.memory_space<vmem>> -> memref<64x128xf32, #tpu.memory_space<vmem>>
      %dma_wait3A_189 = arith.constant 0 : i32
      %dma_wait3A_190 = tpu.memref_slice %arg12[%add3A_65, %dma_wait3A_189] : memref<10240x128xf32, #tpu.memory_space<vmem_shared>> -> memref<64x128xf32, #tpu.memory_space<vmem_shared>>
      %dma_wait3A_191 = arith.constant 0 : i32
      %dma_wait3A_192 = tpu.memref_slice %arg12[%add3A_65, %dma_wait3A_191] : memref<10240x128xf32, #tpu.memory_space<vmem_shared>> -> memref<64x128xf32, #tpu.memory_space<vmem_shared>>
      %dma_wait3A_193 = arith.constant 0 : i32
      %dma_wait3A_194 = arith.constant 0 : i32
      %dma_wait3A_195 = tpu.memref_slice %arg9[%run_scoped3A_66, %dma_wait3A_193, %dma_wait3A_194] : memref<4x64x128xf32, #tpu.memory_space<vmem>> -> memref<1x64x128xf32, #tpu.memory_space<vmem>>
      %dma_wait3A_196 = tpu.memref_squeeze %dma_wait3A_195 : memref<1x64x128xf32, #tpu.memory_space<vmem>> -> memref<64x128xf32, #tpu.memory_space<vmem>>
      tpu.wait_dma2 semaphore(%run_scoped3A_174 : memref<!tpu.dma_semaphore, #tpu.memory_space<semaphore_mem>>) src(%dma_wait3A_196 : memref<64x128xf32, #tpu.memory_space<vmem>>) dst(%dma_wait3A_192 : memref<64x128xf32, #tpu.memory_space<vmem_shared>>)
      tpu.yield
    }) : () -> ()
    %mul3A_67 = arith.constant 640 : i32
    %mul3A_68 = arith.muli %arg1, %mul3A_67 : i32
    %add3A_69 = arith.constant 448 : i32
    %add3A_70 = arith.addi %mul3A_68, %add3A_69 : i32
    %run_scoped3A_71 = arith.constant 0 : i32
    "tpu.region"() ({
      %run_scoped3A_174 = tpu.sem_alloc : memref<!tpu.dma_semaphore, #tpu.memory_space<semaphore_mem>>
      %dma_start3A = arith.constant 0 : i32
      %dma_start3A_175 = arith.constant 0 : i32
      %dma_start3A_176 = tpu.memref_slice %arg9[%run_scoped3A_71, %dma_start3A, %dma_start3A_175] : memref<4x64x128xf32, #tpu.memory_space<vmem>> -> memref<1x64x128xf32, #tpu.memory_space<vmem>>
      %dma_start3A_177 = tpu.memref_squeeze %dma_start3A_176 : memref<1x64x128xf32, #tpu.memory_space<vmem>> -> memref<64x128xf32, #tpu.memory_space<vmem>>
      %dma_start3A_178 = arith.constant 0 : i32
      %dma_start3A_179 = tpu.memref_slice %arg12[%add3A_70, %dma_start3A_178] : memref<10240x128xf32, #tpu.memory_space<vmem_shared>> -> memref<64x128xf32, #tpu.memory_space<vmem_shared>>
      %dma_start3A_180 = arith.constant 0 : i32
      %dma_start3A_181 = tpu.memref_slice %arg12[%add3A_70, %dma_start3A_180] : memref<10240x128xf32, #tpu.memory_space<vmem_shared>> -> memref<64x128xf32, #tpu.memory_space<vmem_shared>>
      %dma_start3A_182 = arith.constant 0 : i32
      %dma_start3A_183 = arith.constant 0 : i32
      %dma_start3A_184 = tpu.memref_slice %arg9[%run_scoped3A_71, %dma_start3A_182, %dma_start3A_183] : memref<4x64x128xf32, #tpu.memory_space<vmem>> -> memref<1x64x128xf32, #tpu.memory_space<vmem>>
      %dma_start3A_185 = tpu.memref_squeeze %dma_start3A_184 : memref<1x64x128xf32, #tpu.memory_space<vmem>> -> memref<64x128xf32, #tpu.memory_space<vmem>>
      tpu.enqueue_dma source(%dma_start3A_185 : memref<64x128xf32, #tpu.memory_space<vmem>>) target(%dma_start3A_181 : memref<64x128xf32, #tpu.memory_space<vmem_shared>>) target_semaphore(%run_scoped3A_174 : memref<!tpu.dma_semaphore, #tpu.memory_space<semaphore_mem>>)
      %dma_wait3A = arith.constant 0 : i32
      %dma_wait3A_186 = arith.constant 0 : i32
      %dma_wait3A_187 = tpu.memref_slice %arg9[%run_scoped3A_71, %dma_wait3A, %dma_wait3A_186] : memref<4x64x128xf32, #tpu.memory_space<vmem>> -> memref<1x64x128xf32, #tpu.memory_space<vmem>>
      %dma_wait3A_188 = tpu.memref_squeeze %dma_wait3A_187 : memref<1x64x128xf32, #tpu.memory_space<vmem>> -> memref<64x128xf32, #tpu.memory_space<vmem>>
      %dma_wait3A_189 = arith.constant 0 : i32
      %dma_wait3A_190 = tpu.memref_slice %arg12[%add3A_70, %dma_wait3A_189] : memref<10240x128xf32, #tpu.memory_space<vmem_shared>> -> memref<64x128xf32, #tpu.memory_space<vmem_shared>>
      %dma_wait3A_191 = arith.constant 0 : i32
      %dma_wait3A_192 = tpu.memref_slice %arg12[%add3A_70, %dma_wait3A_191] : memref<10240x128xf32, #tpu.memory_space<vmem_shared>> -> memref<64x128xf32, #tpu.memory_space<vmem_shared>>
      %dma_wait3A_193 = arith.constant 0 : i32
      %dma_wait3A_194 = arith.constant 0 : i32
      %dma_wait3A_195 = tpu.memref_slice %arg9[%run_scoped3A_71, %dma_wait3A_193, %dma_wait3A_194] : memref<4x64x128xf32, #tpu.memory_space<vmem>> -> memref<1x64x128xf32, #tpu.memory_space<vmem>>
      %dma_wait3A_196 = tpu.memref_squeeze %dma_wait3A_195 : memref<1x64x128xf32, #tpu.memory_space<vmem>> -> memref<64x128xf32, #tpu.memory_space<vmem>>
      tpu.wait_dma2 semaphore(%run_scoped3A_174 : memref<!tpu.dma_semaphore, #tpu.memory_space<semaphore_mem>>) src(%dma_wait3A_196 : memref<64x128xf32, #tpu.memory_space<vmem>>) dst(%dma_wait3A_192 : memref<64x128xf32, #tpu.memory_space<vmem_shared>>)
      tpu.yield
    }) : () -> ()
    %mul3A_72 = arith.constant 640 : i32
    %mul3A_73 = arith.muli %arg1, %mul3A_72 : i32
    %add3A_74 = arith.constant 512 : i32
    %add3A_75 = arith.addi %mul3A_73, %add3A_74 : i32
    %run_scoped3A_76 = arith.constant 0 : i32
    "tpu.region"() ({
      %run_scoped3A_174 = tpu.sem_alloc : memref<!tpu.dma_semaphore, #tpu.memory_space<semaphore_mem>>
      %dma_start3A = arith.constant 0 : i32
      %dma_start3A_175 = arith.constant 0 : i32
      %dma_start3A_176 = tpu.memref_slice %arg9[%run_scoped3A_76, %dma_start3A, %dma_start3A_175] : memref<4x64x128xf32, #tpu.memory_space<vmem>> -> memref<1x64x128xf32, #tpu.memory_space<vmem>>
      %dma_start3A_177 = tpu.memref_squeeze %dma_start3A_176 : memref<1x64x128xf32, #tpu.memory_space<vmem>> -> memref<64x128xf32, #tpu.memory_space<vmem>>
      %dma_start3A_178 = arith.constant 0 : i32
      %dma_start3A_179 = tpu.memref_slice %arg12[%add3A_75, %dma_start3A_178] : memref<10240x128xf32, #tpu.memory_space<vmem_shared>> -> memref<64x128xf32, #tpu.memory_space<vmem_shared>>
      %dma_start3A_180 = arith.constant 0 : i32
      %dma_start3A_181 = tpu.memref_slice %arg12[%add3A_75, %dma_start3A_180] : memref<10240x128xf32, #tpu.memory_space<vmem_shared>> -> memref<64x128xf32, #tpu.memory_space<vmem_shared>>
      %dma_start3A_182 = arith.constant 0 : i32
      %dma_start3A_183 = arith.constant 0 : i32
      %dma_start3A_184 = tpu.memref_slice %arg9[%run_scoped3A_76, %dma_start3A_182, %dma_start3A_183] : memref<4x64x128xf32, #tpu.memory_space<vmem>> -> memref<1x64x128xf32, #tpu.memory_space<vmem>>
      %dma_start3A_185 = tpu.memref_squeeze %dma_start3A_184 : memref<1x64x128xf32, #tpu.memory_space<vmem>> -> memref<64x128xf32, #tpu.memory_space<vmem>>
      tpu.enqueue_dma source(%dma_start3A_185 : memref<64x128xf32, #tpu.memory_space<vmem>>) target(%dma_start3A_181 : memref<64x128xf32, #tpu.memory_space<vmem_shared>>) target_semaphore(%run_scoped3A_174 : memref<!tpu.dma_semaphore, #tpu.memory_space<semaphore_mem>>)
      %dma_wait3A = arith.constant 0 : i32
      %dma_wait3A_186 = arith.constant 0 : i32
      %dma_wait3A_187 = tpu.memref_slice %arg9[%run_scoped3A_76, %dma_wait3A, %dma_wait3A_186] : memref<4x64x128xf32, #tpu.memory_space<vmem>> -> memref<1x64x128xf32, #tpu.memory_space<vmem>>
      %dma_wait3A_188 = tpu.memref_squeeze %dma_wait3A_187 : memref<1x64x128xf32, #tpu.memory_space<vmem>> -> memref<64x128xf32, #tpu.memory_space<vmem>>
      %dma_wait3A_189 = arith.constant 0 : i32
      %dma_wait3A_190 = tpu.memref_slice %arg12[%add3A_75, %dma_wait3A_189] : memref<10240x128xf32, #tpu.memory_space<vmem_shared>> -> memref<64x128xf32, #tpu.memory_space<vmem_shared>>
      %dma_wait3A_191 = arith.constant 0 : i32
      %dma_wait3A_192 = tpu.memref_slice %arg12[%add3A_75, %dma_wait3A_191] : memref<10240x128xf32, #tpu.memory_space<vmem_shared>> -> memref<64x128xf32, #tpu.memory_space<vmem_shared>>
      %dma_wait3A_193 = arith.constant 0 : i32
      %dma_wait3A_194 = arith.constant 0 : i32
      %dma_wait3A_195 = tpu.memref_slice %arg9[%run_scoped3A_76, %dma_wait3A_193, %dma_wait3A_194] : memref<4x64x128xf32, #tpu.memory_space<vmem>> -> memref<1x64x128xf32, #tpu.memory_space<vmem>>
      %dma_wait3A_196 = tpu.memref_squeeze %dma_wait3A_195 : memref<1x64x128xf32, #tpu.memory_space<vmem>> -> memref<64x128xf32, #tpu.memory_space<vmem>>
      tpu.wait_dma2 semaphore(%run_scoped3A_174 : memref<!tpu.dma_semaphore, #tpu.memory_space<semaphore_mem>>) src(%dma_wait3A_196 : memref<64x128xf32, #tpu.memory_space<vmem>>) dst(%dma_wait3A_192 : memref<64x128xf32, #tpu.memory_space<vmem_shared>>)
      tpu.yield
    }) : () -> ()
    %mul3A_77 = arith.constant 640 : i32
    %mul3A_78 = arith.muli %arg1, %mul3A_77 : i32
    %add3A_79 = arith.constant 576 : i32
    %add3A_80 = arith.addi %mul3A_78, %add3A_79 : i32
    %run_scoped3A_81 = arith.constant 0 : i32
    "tpu.region"() ({
      %run_scoped3A_174 = tpu.sem_alloc : memref<!tpu.dma_semaphore, #tpu.memory_space<semaphore_mem>>
      %dma_start3A = arith.constant 0 : i32
      %dma_start3A_175 = arith.constant 0 : i32
      %dma_start3A_176 = tpu.memref_slice %arg9[%run_scoped3A_81, %dma_start3A, %dma_start3A_175] : memref<4x64x128xf32, #tpu.memory_space<vmem>> -> memref<1x64x128xf32, #tpu.memory_space<vmem>>
      %dma_start3A_177 = tpu.memref_squeeze %dma_start3A_176 : memref<1x64x128xf32, #tpu.memory_space<vmem>> -> memref<64x128xf32, #tpu.memory_space<vmem>>
      %dma_start3A_178 = arith.constant 0 : i32
      %dma_start3A_179 = tpu.memref_slice %arg12[%add3A_80, %dma_start3A_178] : memref<10240x128xf32, #tpu.memory_space<vmem_shared>> -> memref<64x128xf32, #tpu.memory_space<vmem_shared>>
      %dma_start3A_180 = arith.constant 0 : i32
      %dma_start3A_181 = tpu.memref_slice %arg12[%add3A_80, %dma_start3A_180] : memref<10240x128xf32, #tpu.memory_space<vmem_shared>> -> memref<64x128xf32, #tpu.memory_space<vmem_shared>>
      %dma_start3A_182 = arith.constant 0 : i32
      %dma_start3A_183 = arith.constant 0 : i32
      %dma_start3A_184 = tpu.memref_slice %arg9[%run_scoped3A_81, %dma_start3A_182, %dma_start3A_183] : memref<4x64x128xf32, #tpu.memory_space<vmem>> -> memref<1x64x128xf32, #tpu.memory_space<vmem>>
      %dma_start3A_185 = tpu.memref_squeeze %dma_start3A_184 : memref<1x64x128xf32, #tpu.memory_space<vmem>> -> memref<64x128xf32, #tpu.memory_space<vmem>>
      tpu.enqueue_dma source(%dma_start3A_185 : memref<64x128xf32, #tpu.memory_space<vmem>>) target(%dma_start3A_181 : memref<64x128xf32, #tpu.memory_space<vmem_shared>>) target_semaphore(%run_scoped3A_174 : memref<!tpu.dma_semaphore, #tpu.memory_space<semaphore_mem>>)
      %dma_wait3A = arith.constant 0 : i32
      %dma_wait3A_186 = arith.constant 0 : i32
      %dma_wait3A_187 = tpu.memref_slice %arg9[%run_scoped3A_81, %dma_wait3A, %dma_wait3A_186] : memref<4x64x128xf32, #tpu.memory_space<vmem>> -> memref<1x64x128xf32, #tpu.memory_space<vmem>>
      %dma_wait3A_188 = tpu.memref_squeeze %dma_wait3A_187 : memref<1x64x128xf32, #tpu.memory_space<vmem>> -> memref<64x128xf32, #tpu.memory_space<vmem>>
      %dma_wait3A_189 = arith.constant 0 : i32
      %dma_wait3A_190 = tpu.memref_slice %arg12[%add3A_80, %dma_wait3A_189] : memref<10240x128xf32, #tpu.memory_space<vmem_shared>> -> memref<64x128xf32, #tpu.memory_space<vmem_shared>>
      %dma_wait3A_191 = arith.constant 0 : i32
      %dma_wait3A_192 = tpu.memref_slice %arg12[%add3A_80, %dma_wait3A_191] : memref<10240x128xf32, #tpu.memory_space<vmem_shared>> -> memref<64x128xf32, #tpu.memory_space<vmem_shared>>
      %dma_wait3A_193 = arith.constant 0 : i32
      %dma_wait3A_194 = arith.constant 0 : i32
      %dma_wait3A_195 = tpu.memref_slice %arg9[%run_scoped3A_81, %dma_wait3A_193, %dma_wait3A_194] : memref<4x64x128xf32, #tpu.memory_space<vmem>> -> memref<1x64x128xf32, #tpu.memory_space<vmem>>
      %dma_wait3A_196 = tpu.memref_squeeze %dma_wait3A_195 : memref<1x64x128xf32, #tpu.memory_space<vmem>> -> memref<64x128xf32, #tpu.memory_space<vmem>>
      tpu.wait_dma2 semaphore(%run_scoped3A_174 : memref<!tpu.dma_semaphore, #tpu.memory_space<semaphore_mem>>) src(%dma_wait3A_196 : memref<64x128xf32, #tpu.memory_space<vmem>>) dst(%dma_wait3A_192 : memref<64x128xf32, #tpu.memory_space<vmem_shared>>)
      tpu.yield
    }) : () -> ()
    %mul3A_82 = arith.constant 640 : i32
    %mul3A_83 = arith.muli %arg1, %mul3A_82 : i32
    "tpu.region"() ({
      %run_scoped3A_174 = tpu.sem_alloc : memref<!tpu.dma_semaphore, #tpu.memory_space<semaphore_mem>>
      %dma_start3A = tpu.memref_slice %arg13[%mul3A_83] : memref<10240xf32, #tpu.memory_space<vmem_shared>> -> memref<640xf32, #tpu.memory_space<vmem_shared>>
      %dma_start3A_175 = tpu.memref_slice %arg13[%mul3A_83] : memref<10240xf32, #tpu.memory_space<vmem_shared>> -> memref<640xf32, #tpu.memory_space<vmem_shared>>
      tpu.enqueue_dma source(%arg11 : memref<640xf32, #tpu.memory_space<vmem>>) target(%dma_start3A_175 : memref<640xf32, #tpu.memory_space<vmem_shared>>) target_semaphore(%run_scoped3A_174 : memref<!tpu.dma_semaphore, #tpu.memory_space<semaphore_mem>>)
      %dma_wait3A = tpu.memref_slice %arg13[%mul3A_83] : memref<10240xf32, #tpu.memory_space<vmem_shared>> -> memref<640xf32, #tpu.memory_space<vmem_shared>>
      %dma_wait3A_176 = tpu.memref_slice %arg13[%mul3A_83] : memref<10240xf32, #tpu.memory_space<vmem_shared>> -> memref<640xf32, #tpu.memory_space<vmem_shared>>
      tpu.wait_dma2 semaphore(%run_scoped3A_174 : memref<!tpu.dma_semaphore, #tpu.memory_space<semaphore_mem>>) src(%arg11 : memref<640xf32, #tpu.memory_space<vmem>>) dst(%dma_wait3A_176 : memref<640xf32, #tpu.memory_space<vmem_shared>>)
      tpu.yield
    }) : () -> ()
    %barrier3A = arith.constant 0 : index
    tpu.barrier barrier_id(%barrier3A)
    %eq3A = arith.constant 0 : i32
    %eq3A_84 = arith.cmpi eq, %arg0, %eq3A : i32
    %mul3A_85 = arith.constant 156 : i32
    %mul3A_86 = arith.muli %arg1, %mul3A_85 : i32
    %mul3A_87 = arith.constant 4 : i32
    %mul3A_88 = arith.muli %arg1, %mul3A_87 : i32
    %add3A_89 = arith.constant 2496 : i32
    %add3A_90 = arith.addi %add3A_89, %mul3A_88 : i32
    %select_n3A = arith.select %eq3A_84, %mul3A_86, %add3A_90 : i32
    %mul3A_91 = arith.constant 2 : i32
    %mul3A_92 = arith.muli %mul3A_91, %select_n3A : i32
    %eq3A_93 = arith.constant 0 : i32
    %eq3A_94 = arith.cmpi eq, %arg0, %eq3A_93 : i32
    %jit3A = arith.constant 156 : i32
    %jit3A_95 = arith.constant 4 : i32
    %select_n3A_96 = arith.select %eq3A_94, %jit3A, %jit3A_95 : i32
    %mul3A_97 = arith.constant 2 : i32
    %mul3A_98 = arith.muli %mul3A_97, %select_n3A_96 : i32
    %add3A_99 = arith.constant 16 : i32
    %add3A_100 = arith.addi %mul3A_98, %add3A_99 : i32
    %sub3A = arith.constant 1 : i32
    %sub3A_101 = arith.subi %add3A_100, %sub3A : i32
    %jit3A_102 = arith.constant 16 : i32
    %div3A = arith.divsi %sub3A_101, %jit3A_102 : i32
    %sign3A = arith.constant 0 : i32
    %sign3A_103 = arith.cmpi sgt, %sub3A_101, %sign3A : i32
    %sign3A_104 = arith.extui %sign3A_103 : i1 to i32
    %sign3A_105 = arith.constant 0 : i32
    %sign3A_106 = arith.cmpi slt, %sub3A_101, %sign3A_105 : i32
    %sign3A_107 = arith.extui %sign3A_106 : i1 to i32
    %sign3A_108 = arith.subi %sign3A_104, %sign3A_107 : i32
    %sign3A_109 = arith.constant 0 : i32
    %sign3A_110 = arith.cmpi sgt, %jit3A_102, %sign3A_109 : i32
    %sign3A_111 = arith.extui %sign3A_110 : i1 to i32
    %sign3A_112 = arith.constant 0 : i32
    %sign3A_113 = arith.cmpi slt, %jit3A_102, %sign3A_112 : i32
    %sign3A_114 = arith.extui %sign3A_113 : i1 to i32
    %sign3A_115 = arith.subi %sign3A_111, %sign3A_114 : i32
    %ne3A = arith.cmpi ne, %sign3A_108, %sign3A_115 : i32
    %rem3A = arith.remsi %sub3A_101, %jit3A_102 : i32
    %ne3A_116 = arith.constant 0 : i32
    %ne3A_117 = arith.cmpi ne, %rem3A, %ne3A_116 : i32
    %and3A = arith.andi %ne3A, %ne3A_117 : i1
    %sub3A_118 = arith.constant 1 : i32
    %sub3A_119 = arith.subi %div3A, %sub3A_118 : i32
    %select_n3A_120 = arith.select %and3A, %sub3A_119, %div3A : i32
    %gt3A = arith.constant 0 : i32
    %gt3A_121 = arith.cmpi sgt, %mul3A_98, %gt3A : i32
    %convert_element_type3A = arith.extui %gt3A_121 : i1 to i32
    %cond3A = arith.constant 0 : i32
    %cond3A_122 = arith.cmpi ne, %convert_element_type3A, %cond3A : i32
    scf.if %cond3A_122 {
      %run_scoped3A_174 = arith.constant 0 : i32
      "tpu.region"() ({
        %run_scoped3A_176 = tpu.sem_alloc : memref<!tpu.dma_semaphore, #tpu.memory_space<semaphore_mem>>
        %dma_start3A = arith.constant 0 : i32
        %dma_start3A_177 = arith.constant 0 : i32
        %dma_start3A_178 = tpu.memref_slice %arg7[%run_scoped3A_174, %dma_start3A, %dma_start3A_177] : memref<2x16x64xi32, #tpu.memory_space<vmem>> -> memref<1x16x64xi32, #tpu.memory_space<vmem>>
        %dma_start3A_179 = tpu.memref_squeeze %dma_start3A_178 : memref<1x16x64xi32, #tpu.memory_space<vmem>> -> memref<16x64xi32, #tpu.memory_space<vmem>>
        %dma_start3A_180 = arith.constant 0 : i32
        %dma_start3A_181 = tpu.memref_slice %arg3[%mul3A_92, %dma_start3A_180] : memref<5152x64xi32, #tpu.memory_space<hbm>> -> memref<16x64xi32, #tpu.memory_space<hbm>>
        %dma_start3A_182 = arith.constant 0 : i32
        %dma_start3A_183 = arith.constant 0 : i32
        %dma_start3A_184 = tpu.memref_slice %arg7[%run_scoped3A_174, %dma_start3A_182, %dma_start3A_183] : memref<2x16x64xi32, #tpu.memory_space<vmem>> -> memref<1x16x64xi32, #tpu.memory_space<vmem>>
        %dma_start3A_185 = tpu.memref_squeeze %dma_start3A_184 : memref<1x16x64xi32, #tpu.memory_space<vmem>> -> memref<16x64xi32, #tpu.memory_space<vmem>>
        %dma_start3A_186 = arith.constant 0 : i32
        %dma_start3A_187 = tpu.memref_slice %arg3[%mul3A_92, %dma_start3A_186] : memref<5152x64xi32, #tpu.memory_space<hbm>> -> memref<16x64xi32, #tpu.memory_space<hbm>>
        tpu.enqueue_dma source(%dma_start3A_187 : memref<16x64xi32, #tpu.memory_space<hbm>>) target(%dma_start3A_185 : memref<16x64xi32, #tpu.memory_space<vmem>>) target_semaphore(%run_scoped3A_176 : memref<!tpu.dma_semaphore, #tpu.memory_space<semaphore_mem>>)
        %dma_wait3A = arith.constant 0 : i32
        %dma_wait3A_188 = arith.constant 0 : i32
        %dma_wait3A_189 = tpu.memref_slice %arg7[%run_scoped3A_174, %dma_wait3A, %dma_wait3A_188] : memref<2x16x64xi32, #tpu.memory_space<vmem>> -> memref<1x16x64xi32, #tpu.memory_space<vmem>>
        %dma_wait3A_190 = tpu.memref_squeeze %dma_wait3A_189 : memref<1x16x64xi32, #tpu.memory_space<vmem>> -> memref<16x64xi32, #tpu.memory_space<vmem>>
        %dma_wait3A_191 = arith.constant 0 : i32
        %dma_wait3A_192 = tpu.memref_slice %arg3[%mul3A_92, %dma_wait3A_191] : memref<5152x64xi32, #tpu.memory_space<hbm>> -> memref<16x64xi32, #tpu.memory_space<hbm>>
        %dma_wait3A_193 = arith.constant 0 : i32
        %dma_wait3A_194 = arith.constant 0 : i32
        %dma_wait3A_195 = tpu.memref_slice %arg7[%run_scoped3A_174, %dma_wait3A_193, %dma_wait3A_194] : memref<2x16x64xi32, #tpu.memory_space<vmem>> -> memref<1x16x64xi32, #tpu.memory_space<vmem>>
        %dma_wait3A_196 = tpu.memref_squeeze %dma_wait3A_195 : memref<1x16x64xi32, #tpu.memory_space<vmem>> -> memref<16x64xi32, #tpu.memory_space<vmem>>
        %dma_wait3A_197 = arith.constant 0 : i32
        %dma_wait3A_198 = tpu.memref_slice %arg3[%mul3A_92, %dma_wait3A_197] : memref<5152x64xi32, #tpu.memory_space<hbm>> -> memref<16x64xi32, #tpu.memory_space<hbm>>
        tpu.wait_dma2 semaphore(%run_scoped3A_176 : memref<!tpu.dma_semaphore, #tpu.memory_space<semaphore_mem>>) src(%dma_wait3A_198 : memref<16x64xi32, #tpu.memory_space<hbm>>) dst(%dma_wait3A_196 : memref<16x64xi32, #tpu.memory_space<vmem>>)
        tpu.yield
      }) : () -> ()
      %run_scoped3A_175 = arith.constant 0 : i32
      "tpu.region"() ({
        %run_scoped3A_176 = tpu.sem_alloc : memref<!tpu.dma_semaphore, #tpu.memory_space<semaphore_mem>>
        %dma_start3A = arith.constant 0 : i32
        %dma_start3A_177 = arith.constant 0 : i32
        %dma_start3A_178 = tpu.memref_slice %arg8[%run_scoped3A_175, %dma_start3A, %dma_start3A_177] : memref<2x16x64xi32, #tpu.memory_space<vmem>> -> memref<1x16x64xi32, #tpu.memory_space<vmem>>
        %dma_start3A_179 = tpu.memref_squeeze %dma_start3A_178 : memref<1x16x64xi32, #tpu.memory_space<vmem>> -> memref<16x64xi32, #tpu.memory_space<vmem>>
        %dma_start3A_180 = arith.constant 0 : i32
        %dma_start3A_181 = tpu.memref_slice %arg4[%mul3A_92, %dma_start3A_180] : memref<5152x64xi32, #tpu.memory_space<hbm>> -> memref<16x64xi32, #tpu.memory_space<hbm>>
        %dma_start3A_182 = arith.constant 0 : i32
        %dma_start3A_183 = arith.constant 0 : i32
        %dma_start3A_184 = tpu.memref_slice %arg8[%run_scoped3A_175, %dma_start3A_182, %dma_start3A_183] : memref<2x16x64xi32, #tpu.memory_space<vmem>> -> memref<1x16x64xi32, #tpu.memory_space<vmem>>
        %dma_start3A_185 = tpu.memref_squeeze %dma_start3A_184 : memref<1x16x64xi32, #tpu.memory_space<vmem>> -> memref<16x64xi32, #tpu.memory_space<vmem>>
        %dma_start3A_186 = arith.constant 0 : i32
        %dma_start3A_187 = tpu.memref_slice %arg4[%mul3A_92, %dma_start3A_186] : memref<5152x64xi32, #tpu.memory_space<hbm>> -> memref<16x64xi32, #tpu.memory_space<hbm>>
        tpu.enqueue_dma source(%dma_start3A_187 : memref<16x64xi32, #tpu.memory_space<hbm>>) target(%dma_start3A_185 : memref<16x64xi32, #tpu.memory_space<vmem>>) target_semaphore(%run_scoped3A_176 : memref<!tpu.dma_semaphore, #tpu.memory_space<semaphore_mem>>)
        %dma_wait3A = arith.constant 0 : i32
        %dma_wait3A_188 = arith.constant 0 : i32
        %dma_wait3A_189 = tpu.memref_slice %arg8[%run_scoped3A_175, %dma_wait3A, %dma_wait3A_188] : memref<2x16x64xi32, #tpu.memory_space<vmem>> -> memref<1x16x64xi32, #tpu.memory_space<vmem>>
        %dma_wait3A_190 = tpu.memref_squeeze %dma_wait3A_189 : memref<1x16x64xi32, #tpu.memory_space<vmem>> -> memref<16x64xi32, #tpu.memory_space<vmem>>
        %dma_wait3A_191 = arith.constant 0 : i32
        %dma_wait3A_192 = tpu.memref_slice %arg4[%mul3A_92, %dma_wait3A_191] : memref<5152x64xi32, #tpu.memory_space<hbm>> -> memref<16x64xi32, #tpu.memory_space<hbm>>
        %dma_wait3A_193 = arith.constant 0 : i32
        %dma_wait3A_194 = arith.constant 0 : i32
        %dma_wait3A_195 = tpu.memref_slice %arg8[%run_scoped3A_175, %dma_wait3A_193, %dma_wait3A_194] : memref<2x16x64xi32, #tpu.memory_space<vmem>> -> memref<1x16x64xi32, #tpu.memory_space<vmem>>
        %dma_wait3A_196 = tpu.memref_squeeze %dma_wait3A_195 : memref<1x16x64xi32, #tpu.memory_space<vmem>> -> memref<16x64xi32, #tpu.memory_space<vmem>>
        %dma_wait3A_197 = arith.constant 0 : i32
        %dma_wait3A_198 = tpu.memref_slice %arg4[%mul3A_92, %dma_wait3A_197] : memref<5152x64xi32, #tpu.memory_space<hbm>> -> memref<16x64xi32, #tpu.memory_space<hbm>>
        tpu.wait_dma2 semaphore(%run_scoped3A_176 : memref<!tpu.dma_semaphore, #tpu.memory_space<semaphore_mem>>) src(%dma_wait3A_198 : memref<16x64xi32, #tpu.memory_space<hbm>>) dst(%dma_wait3A_196 : memref<16x64xi32, #tpu.memory_space<vmem>>)
        tpu.yield
      }) : () -> ()
    } else {
    }
    %gt3A_123 = arith.constant 1 : i32
    %gt3A_124 = arith.cmpi sgt, %select_n3A_120, %gt3A_123 : i32
    %convert_element_type3A_125 = arith.extui %gt3A_124 : i1 to i32
    %cond3A_126 = arith.constant 0 : i32
    %cond3A_127 = arith.cmpi ne, %convert_element_type3A_125, %cond3A_126 : i32
    scf.if %cond3A_127 {
      %add3A_174 = arith.constant 16 : i32
      %add3A_175 = arith.addi %mul3A_92, %add3A_174 : i32
      %dma_start3A = arith.constant 1 : i32
      %dma_start3A_176 = arith.constant 0 : i32
      %dma_start3A_177 = arith.constant 0 : i32
      %dma_start3A_178 = tpu.memref_slice %arg7[%dma_start3A, %dma_start3A_176, %dma_start3A_177] : memref<2x16x64xi32, #tpu.memory_space<vmem>> -> memref<1x16x64xi32, #tpu.memory_space<vmem>>
      %dma_start3A_179 = tpu.memref_squeeze %dma_start3A_178 : memref<1x16x64xi32, #tpu.memory_space<vmem>> -> memref<16x64xi32, #tpu.memory_space<vmem>>
      %dma_start3A_180 = arith.constant 0 : i32
      %dma_start3A_181 = tpu.memref_slice %arg3[%add3A_175, %dma_start3A_180] : memref<5152x64xi32, #tpu.memory_space<hbm>> -> memref<16x64xi32, #tpu.memory_space<hbm>>
      %dma_start3A_182 = arith.constant 0 : i32
      %dma_start3A_183 = arith.constant 0 : i32
      %dma_start3A_184 = tpu.memref_slice %arg7[%dma_start3A, %dma_start3A_182, %dma_start3A_183] : memref<2x16x64xi32, #tpu.memory_space<vmem>> -> memref<1x16x64xi32, #tpu.memory_space<vmem>>
      %dma_start3A_185 = tpu.memref_squeeze %dma_start3A_184 : memref<1x16x64xi32, #tpu.memory_space<vmem>> -> memref<16x64xi32, #tpu.memory_space<vmem>>
      %dma_start3A_186 = arith.constant 0 : i32
      %dma_start3A_187 = tpu.memref_slice %arg3[%add3A_175, %dma_start3A_186] : memref<5152x64xi32, #tpu.memory_space<hbm>> -> memref<16x64xi32, #tpu.memory_space<hbm>>
      tpu.enqueue_dma source(%dma_start3A_187 : memref<16x64xi32, #tpu.memory_space<hbm>>) target(%dma_start3A_185 : memref<16x64xi32, #tpu.memory_space<vmem>>) target_semaphore(%arg14 : memref<!tpu.dma_semaphore, #tpu.memory_space<semaphore_mem>>)
      %add3A_188 = arith.constant 16 : i32
      %add3A_189 = arith.addi %mul3A_92, %add3A_188 : i32
      %dma_start3A_190 = arith.constant 1 : i32
      %dma_start3A_191 = arith.constant 0 : i32
      %dma_start3A_192 = arith.constant 0 : i32
      %dma_start3A_193 = tpu.memref_slice %arg8[%dma_start3A_190, %dma_start3A_191, %dma_start3A_192] : memref<2x16x64xi32, #tpu.memory_space<vmem>> -> memref<1x16x64xi32, #tpu.memory_space<vmem>>
      %dma_start3A_194 = tpu.memref_squeeze %dma_start3A_193 : memref<1x16x64xi32, #tpu.memory_space<vmem>> -> memref<16x64xi32, #tpu.memory_space<vmem>>
      %dma_start3A_195 = arith.constant 0 : i32
      %dma_start3A_196 = tpu.memref_slice %arg4[%add3A_189, %dma_start3A_195] : memref<5152x64xi32, #tpu.memory_space<hbm>> -> memref<16x64xi32, #tpu.memory_space<hbm>>
      %dma_start3A_197 = arith.constant 0 : i32
      %dma_start3A_198 = arith.constant 0 : i32
      %dma_start3A_199 = tpu.memref_slice %arg8[%dma_start3A_190, %dma_start3A_197, %dma_start3A_198] : memref<2x16x64xi32, #tpu.memory_space<vmem>> -> memref<1x16x64xi32, #tpu.memory_space<vmem>>
      %dma_start3A_200 = tpu.memref_squeeze %dma_start3A_199 : memref<1x16x64xi32, #tpu.memory_space<vmem>> -> memref<16x64xi32, #tpu.memory_space<vmem>>
      %dma_start3A_201 = arith.constant 0 : i32
      %dma_start3A_202 = tpu.memref_slice %arg4[%add3A_189, %dma_start3A_201] : memref<5152x64xi32, #tpu.memory_space<hbm>> -> memref<16x64xi32, #tpu.memory_space<hbm>>
      tpu.enqueue_dma source(%dma_start3A_202 : memref<16x64xi32, #tpu.memory_space<hbm>>) target(%dma_start3A_200 : memref<16x64xi32, #tpu.memory_space<vmem>>) target_semaphore(%arg14 : memref<!tpu.dma_semaphore, #tpu.memory_space<semaphore_mem>>)
    } else {
    }
    %gt3A_128 = arith.constant 0 : i32
    %gt3A_129 = arith.cmpi sgt, %mul3A_98, %gt3A_128 : i32
    %convert_element_type3A_130 = arith.extui %gt3A_129 : i1 to i32
    %cond3A_131 = arith.constant 0 : i32
    %cond3A_132 = arith.cmpi ne, %convert_element_type3A_130, %cond3A_131 : i32
    scf.if %cond3A_132 {
      %dma_start3A = arith.constant 0 : i32
      %dma_start3A_174 = arith.constant 0 : i32
      %dma_start3A_175 = arith.constant 0 : i32
      %dma_start3A_176 = arith.constant 0 : i32
      %dma_start3A_177 = arith.constant 0 : i32
      %dma_start3A_178 = tpu.memref_slice %arg9[%dma_start3A_175, %dma_start3A_176, %dma_start3A_177] : memref<4x64x128xf32, #tpu.memory_space<vmem>> -> memref<1x64x128xf32, #tpu.memory_space<vmem>>
      %dma_start3A_179 = tpu.memref_squeeze %dma_start3A_178 : memref<1x64x128xf32, #tpu.memory_space<vmem>> -> memref<64x128xf32, #tpu.memory_space<vmem>>
      %dma_start3A_180 = arith.constant 0 : i32
      %dma_start3A_181 = tpu.memref_slice %arg7[%dma_start3A, %dma_start3A_174, %dma_start3A_180] : memref<2x16x64xi32, #tpu.memory_space<vmem>> -> memref<1x1x64xi32, #tpu.memory_space<vmem>>
      %dma_start3A_182 = tpu.memref_squeeze %dma_start3A_181 : memref<1x1x64xi32, #tpu.memory_space<vmem>> -> memref<64xi32, #tpu.memory_space<vmem>>
      %dma_start3A_183 = arith.constant 0 : i32
      %dma_start3A_184 = arith.constant 0 : i32
      %dma_start3A_185 = tpu.memref_slice %arg2[%dma_start3A_183, %dma_start3A_184] : memref<10240x128xf32, #tpu.memory_space<hbm>> -> memref<10240x128xf32, #tpu.memory_space<hbm>>
      tpu.enqueue_indirect_dma source(%dma_start3A_185 : memref<10240x128xf32, #tpu.memory_space<hbm>>) target(%dma_start3A_179 : memref<64x128xf32, #tpu.memory_space<vmem>>) offsets(%dma_start3A_182 : memref<64xi32, #tpu.memory_space<vmem>>) semaphore(%arg15 : memref<!tpu.dma_semaphore, #tpu.memory_space<semaphore_mem>>)
      %dma_start3A_186 = arith.constant 0 : i32
      %dma_start3A_187 = arith.constant 1 : i32
      %dma_start3A_188 = arith.constant 1 : i32
      %dma_start3A_189 = arith.constant 0 : i32
      %dma_start3A_190 = arith.constant 0 : i32
      %dma_start3A_191 = tpu.memref_slice %arg9[%dma_start3A_188, %dma_start3A_189, %dma_start3A_190] : memref<4x64x128xf32, #tpu.memory_space<vmem>> -> memref<1x64x128xf32, #tpu.memory_space<vmem>>
      %dma_start3A_192 = tpu.memref_squeeze %dma_start3A_191 : memref<1x64x128xf32, #tpu.memory_space<vmem>> -> memref<64x128xf32, #tpu.memory_space<vmem>>
      %dma_start3A_193 = arith.constant 0 : i32
      %dma_start3A_194 = tpu.memref_slice %arg7[%dma_start3A_186, %dma_start3A_187, %dma_start3A_193] : memref<2x16x64xi32, #tpu.memory_space<vmem>> -> memref<1x1x64xi32, #tpu.memory_space<vmem>>
      %dma_start3A_195 = tpu.memref_squeeze %dma_start3A_194 : memref<1x1x64xi32, #tpu.memory_space<vmem>> -> memref<64xi32, #tpu.memory_space<vmem>>
      %dma_start3A_196 = arith.constant 0 : i32
      %dma_start3A_197 = arith.constant 0 : i32
      %dma_start3A_198 = tpu.memref_slice %arg2[%dma_start3A_196, %dma_start3A_197] : memref<10240x128xf32, #tpu.memory_space<hbm>> -> memref<10240x128xf32, #tpu.memory_space<hbm>>
      tpu.enqueue_indirect_dma source(%dma_start3A_198 : memref<10240x128xf32, #tpu.memory_space<hbm>>) target(%dma_start3A_192 : memref<64x128xf32, #tpu.memory_space<vmem>>) offsets(%dma_start3A_195 : memref<64xi32, #tpu.memory_space<vmem>>) semaphore(%arg15 : memref<!tpu.dma_semaphore, #tpu.memory_space<semaphore_mem>>)
    } else {
    }
    %while3A = arith.constant 0 : i32
    %while3A_133 = arith.constant 0 : i32
    %while3A_134 = arith.subi %mul3A_98, %while3A : i32
    %while3A_135 = arith.addi %while3A, %while3A_134 : i32
    %while3A_136 = arith.constant 1 : i32
    %while3A_137 = arith.divsi %while3A_134, %while3A_136 : i32
    %while3A_138 = arith.muli %while3A_137, %while3A_136 : i32
    %while3A_139 = arith.addi %while3A, %while3A_138 : i32
    %while3A_140 = arith.constant 1 : i32
    %while3A_141 = scf.for %while3A_174 = %while3A to %while3A_139 step %while3A_140 iter_args(%while3A_175 = %while3A_133) -> (i32)  : i32 {
      %jit3A_176 = arith.constant 4 : i32
      %eq3A_177 = arith.constant 0 : i32
      %eq3A_178 = arith.cmpi eq, %jit3A_176, %eq3A_177 : i32
      %jit3A_179 = arith.constant 1 : i32
      %select_n3A_180 = arith.select %eq3A_178, %jit3A_179, %jit3A_176 : i32
      %rem3A_181 = arith.remsi %while3A_174, %select_n3A_180 : i32
      %ne3A_182 = arith.constant 0 : i32
      %ne3A_183 = arith.cmpi ne, %rem3A_181, %ne3A_182 : i32
      %lt3A = arith.constant 0 : i32
      %lt3A_184 = arith.cmpi slt, %rem3A_181, %lt3A : i32
      %lt3A_185 = arith.constant 0 : i32
      %lt3A_186 = arith.cmpi slt, %select_n3A_180, %lt3A_185 : i32
      %ne3A_187 = arith.xori %lt3A_184, %lt3A_186 : i1
      %and3A_188 = arith.andi %ne3A_187, %ne3A_183 : i1
      %add3A_189 = arith.addi %rem3A_181, %select_n3A_180 : i32
      %select_n3A_190 = arith.select %and3A_188, %add3A_189, %rem3A_181 : i32
      %jit3A_191 = arith.constant 16 : i32
      %div3A_192 = arith.divsi %while3A_174, %jit3A_191 : i32
      %sign3A_193 = arith.constant 0 : i32
      %sign3A_194 = arith.cmpi sgt, %while3A_174, %sign3A_193 : i32
      %sign3A_195 = arith.extui %sign3A_194 : i1 to i32
      %sign3A_196 = arith.constant 0 : i32
      %sign3A_197 = arith.cmpi slt, %while3A_174, %sign3A_196 : i32
      %sign3A_198 = arith.extui %sign3A_197 : i1 to i32
      %sign3A_199 = arith.subi %sign3A_195, %sign3A_198 : i32
      %sign3A_200 = arith.constant 0 : i32
      %sign3A_201 = arith.cmpi sgt, %jit3A_191, %sign3A_200 : i32
      %sign3A_202 = arith.extui %sign3A_201 : i1 to i32
      %sign3A_203 = arith.constant 0 : i32
      %sign3A_204 = arith.cmpi slt, %jit3A_191, %sign3A_203 : i32
      %sign3A_205 = arith.extui %sign3A_204 : i1 to i32
      %sign3A_206 = arith.subi %sign3A_202, %sign3A_205 : i32
      %ne3A_207 = arith.cmpi ne, %sign3A_199, %sign3A_206 : i32
      %rem3A_208 = arith.remsi %while3A_174, %jit3A_191 : i32
      %ne3A_209 = arith.constant 0 : i32
      %ne3A_210 = arith.cmpi ne, %rem3A_208, %ne3A_209 : i32
      %and3A_211 = arith.andi %ne3A_207, %ne3A_210 : i1
      %sub3A_212 = arith.constant 1 : i32
      %sub3A_213 = arith.subi %div3A_192, %sub3A_212 : i32
      %select_n3A_214 = arith.select %and3A_211, %sub3A_213, %div3A_192 : i32
      %jit3A_215 = arith.constant 16 : i32
      %eq3A_216 = arith.constant 0 : i32
      %eq3A_217 = arith.cmpi eq, %jit3A_215, %eq3A_216 : i32
      %jit3A_218 = arith.constant 1 : i32
      %select_n3A_219 = arith.select %eq3A_217, %jit3A_218, %jit3A_215 : i32
      %rem3A_220 = arith.remsi %while3A_174, %select_n3A_219 : i32
      %ne3A_221 = arith.constant 0 : i32
      %ne3A_222 = arith.cmpi ne, %rem3A_220, %ne3A_221 : i32
      %lt3A_223 = arith.constant 0 : i32
      %lt3A_224 = arith.cmpi slt, %rem3A_220, %lt3A_223 : i32
      %lt3A_225 = arith.constant 0 : i32
      %lt3A_226 = arith.cmpi slt, %select_n3A_219, %lt3A_225 : i32
      %ne3A_227 = arith.xori %lt3A_224, %lt3A_226 : i1
      %and3A_228 = arith.andi %ne3A_227, %ne3A_222 : i1
      %add3A_229 = arith.addi %rem3A_220, %select_n3A_219 : i32
      %select_n3A_230 = arith.select %and3A_228, %add3A_229, %rem3A_220 : i32
      %ge3A = arith.constant 2 : i32
      %ge3A_231 = arith.cmpi sge, %while3A_174, %ge3A : i32
      %convert_element_type3A_232 = arith.extui %ge3A_231 : i1 to i32
      %cond3A_233 = arith.constant 0 : i32
      %cond3A_234 = arith.cmpi ne, %convert_element_type3A_232, %cond3A_233 : i32
      scf.if %cond3A_234 {
        %add3A_322 = arith.constant 2 : i32
        %add3A_323 = arith.addi %while3A_174, %add3A_322 : i32
        %jit3A_324 = arith.constant 4 : i32
        %eq3A_325 = arith.constant 0 : i32
        %eq3A_326 = arith.cmpi eq, %jit3A_324, %eq3A_325 : i32
        %jit3A_327 = arith.constant 1 : i32
        %select_n3A_328 = arith.select %eq3A_326, %jit3A_327, %jit3A_324 : i32
        %rem3A_329 = arith.remsi %add3A_323, %select_n3A_328 : i32
        %ne3A_330 = arith.constant 0 : i32
        %ne3A_331 = arith.cmpi ne, %rem3A_329, %ne3A_330 : i32
        %lt3A_332 = arith.constant 0 : i32
        %lt3A_333 = arith.cmpi slt, %rem3A_329, %lt3A_332 : i32
        %lt3A_334 = arith.constant 0 : i32
        %lt3A_335 = arith.cmpi slt, %select_n3A_328, %lt3A_334 : i32
        %ne3A_336 = arith.xori %lt3A_333, %lt3A_335 : i1
        %and3A_337 = arith.andi %ne3A_336, %ne3A_331 : i1
        %add3A_338 = arith.addi %rem3A_329, %select_n3A_328 : i32
        %select_n3A_339 = arith.select %and3A_337, %add3A_338, %rem3A_329 : i32
        %dma_wait3A_340 = arith.constant 0 : i32
        %dma_wait3A_341 = arith.constant 0 : i32
        %dma_wait3A_342 = tpu.memref_slice %arg9[%select_n3A_339, %dma_wait3A_340, %dma_wait3A_341] : memref<4x64x128xf32, #tpu.memory_space<vmem>> -> memref<1x64x128xf32, #tpu.memory_space<vmem>>
        %dma_wait3A_343 = tpu.memref_squeeze %dma_wait3A_342 : memref<1x64x128xf32, #tpu.memory_space<vmem>> -> memref<64x128xf32, #tpu.memory_space<vmem>>
        %dma_wait3A_344 = arith.constant 0 : i32
        %dma_wait3A_345 = arith.constant 0 : i32
        %dma_wait3A_346 = tpu.memref_slice %arg2[%dma_wait3A_344, %dma_wait3A_345] : memref<10240x128xf32, #tpu.memory_space<hbm>> -> memref<64x128xf32, #tpu.memory_space<hbm>>
        %dma_wait3A_347 = arith.constant 0 : i32
        %dma_wait3A_348 = arith.constant 0 : i32
        %dma_wait3A_349 = tpu.memref_slice %arg9[%select_n3A_339, %dma_wait3A_347, %dma_wait3A_348] : memref<4x64x128xf32, #tpu.memory_space<vmem>> -> memref<1x64x128xf32, #tpu.memory_space<vmem>>
        %dma_wait3A_350 = tpu.memref_squeeze %dma_wait3A_349 : memref<1x64x128xf32, #tpu.memory_space<vmem>> -> memref<64x128xf32, #tpu.memory_space<vmem>>
        %dma_wait3A_351 = arith.constant 0 : i32
        %dma_wait3A_352 = arith.constant 0 : i32
        %dma_wait3A_353 = tpu.memref_slice %arg2[%dma_wait3A_351, %dma_wait3A_352] : memref<10240x128xf32, #tpu.memory_space<hbm>> -> memref<64x128xf32, #tpu.memory_space<hbm>>
        tpu.wait_dma2 semaphore(%arg16 : memref<!tpu.dma_semaphore, #tpu.memory_space<semaphore_mem>>) src(%dma_wait3A_353 : memref<64x128xf32, #tpu.memory_space<hbm>>) dst(%dma_wait3A_350 : memref<64x128xf32, #tpu.memory_space<vmem>>)
        %dma_wait3A_354 = arith.constant 0 : i32
        %dma_wait3A_355 = arith.constant 0 : i32
        %dma_wait3A_356 = tpu.memref_slice %arg2[%dma_wait3A_354, %dma_wait3A_355] : memref<10240x128xf32, #tpu.memory_space<hbm>> -> memref<1x64xf32, #tpu.memory_space<hbm>>
        %dma_wait3A_357 = tpu.memref_squeeze %dma_wait3A_356 : memref<1x64xf32, #tpu.memory_space<hbm>> -> memref<64xf32, #tpu.memory_space<hbm>>
        %dma_wait3A_358 = arith.constant 0 : i32
        %dma_wait3A_359 = tpu.memref_slice %arg2[%dma_wait3A_354, %dma_wait3A_358] : memref<10240x128xf32, #tpu.memory_space<hbm>> -> memref<1x64xf32, #tpu.memory_space<hbm>>
        %dma_wait3A_360 = tpu.memref_squeeze %dma_wait3A_359 : memref<1x64xf32, #tpu.memory_space<hbm>> -> memref<64xf32, #tpu.memory_space<hbm>>
        tpu.wait_dma2 semaphore(%arg17 : memref<!tpu.dma_semaphore, #tpu.memory_space<semaphore_mem>>) src(%dma_wait3A_360 : memref<64xf32, #tpu.memory_space<hbm>>) dst(%arg10 : memref<64xf32, #tpu.memory_space<vmem>>)
      } else {
      }
      %eq3A_235 = arith.constant 0 : i32
      %eq3A_236 = arith.cmpi eq, %select_n3A_230, %eq3A_235 : i32
      %ge3A_237 = arith.constant 1 : i32
      %ge3A_238 = arith.cmpi sge, %select_n3A_214, %ge3A_237 : i32
      %sub3A_239 = arith.constant 1 : i32
      %sub3A_240 = arith.subi %select_n3A_120, %sub3A_239 : i32
      %lt3A_241 = arith.cmpi slt, %select_n3A_214, %sub3A_240 : i32
      %and3A_242 = arith.andi %ge3A_238, %lt3A_241 : i1
      %and3A_243 = arith.andi %eq3A_236, %and3A_242 : i1
      %convert_element_type3A_244 = arith.extui %and3A_243 : i1 to i32
      %cond3A_245 = arith.constant 0 : i32
      %cond3A_246 = arith.cmpi ne, %convert_element_type3A_244, %cond3A_245 : i32
      scf.if %cond3A_246 {
        %add3A_322 = arith.constant 1 : i32
        %add3A_323 = arith.addi %select_n3A_214, %add3A_322 : i32
        %mul3A_324 = arith.constant 16 : i32
        %mul3A_325 = arith.muli %add3A_323, %mul3A_324 : i32
        %add3A_326 = arith.addi %mul3A_92, %mul3A_325 : i32
        %jit3A_327 = arith.constant 2 : i32
        %eq3A_328 = arith.constant 0 : i32
        %eq3A_329 = arith.cmpi eq, %jit3A_327, %eq3A_328 : i32
        %jit3A_330 = arith.constant 1 : i32
        %select_n3A_331 = arith.select %eq3A_329, %jit3A_330, %jit3A_327 : i32
        %rem3A_332 = arith.remsi %add3A_323, %select_n3A_331 : i32
        %ne3A_333 = arith.constant 0 : i32
        %ne3A_334 = arith.cmpi ne, %rem3A_332, %ne3A_333 : i32
        %lt3A_335 = arith.constant 0 : i32
        %lt3A_336 = arith.cmpi slt, %rem3A_332, %lt3A_335 : i32
        %lt3A_337 = arith.constant 0 : i32
        %lt3A_338 = arith.cmpi slt, %select_n3A_331, %lt3A_337 : i32
        %ne3A_339 = arith.xori %lt3A_336, %lt3A_338 : i1
        %and3A_340 = arith.andi %ne3A_339, %ne3A_334 : i1
        %add3A_341 = arith.addi %rem3A_332, %select_n3A_331 : i32
        %select_n3A_342 = arith.select %and3A_340, %add3A_341, %rem3A_332 : i32
        %dma_start3A_343 = arith.constant 0 : i32
        %dma_start3A_344 = arith.constant 0 : i32
        %dma_start3A_345 = tpu.memref_slice %arg7[%select_n3A_342, %dma_start3A_343, %dma_start3A_344] : memref<2x16x64xi32, #tpu.memory_space<vmem>> -> memref<1x16x64xi32, #tpu.memory_space<vmem>>
        %dma_start3A_346 = tpu.memref_squeeze %dma_start3A_345 : memref<1x16x64xi32, #tpu.memory_space<vmem>> -> memref<16x64xi32, #tpu.memory_space<vmem>>
        %dma_start3A_347 = arith.constant 0 : i32
        %dma_start3A_348 = tpu.memref_slice %arg3[%add3A_326, %dma_start3A_347] : memref<5152x64xi32, #tpu.memory_space<hbm>> -> memref<16x64xi32, #tpu.memory_space<hbm>>
        %dma_start3A_349 = arith.constant 0 : i32
        %dma_start3A_350 = arith.constant 0 : i32
        %dma_start3A_351 = tpu.memref_slice %arg7[%select_n3A_342, %dma_start3A_349, %dma_start3A_350] : memref<2x16x64xi32, #tpu.memory_space<vmem>> -> memref<1x16x64xi32, #tpu.memory_space<vmem>>
        %dma_start3A_352 = tpu.memref_squeeze %dma_start3A_351 : memref<1x16x64xi32, #tpu.memory_space<vmem>> -> memref<16x64xi32, #tpu.memory_space<vmem>>
        %dma_start3A_353 = arith.constant 0 : i32
        %dma_start3A_354 = tpu.memref_slice %arg3[%add3A_326, %dma_start3A_353] : memref<5152x64xi32, #tpu.memory_space<hbm>> -> memref<16x64xi32, #tpu.memory_space<hbm>>
        tpu.enqueue_dma source(%dma_start3A_354 : memref<16x64xi32, #tpu.memory_space<hbm>>) target(%dma_start3A_352 : memref<16x64xi32, #tpu.memory_space<vmem>>) target_semaphore(%arg14 : memref<!tpu.dma_semaphore, #tpu.memory_space<semaphore_mem>>)
        %mul3A_355 = arith.constant 16 : i32
        %mul3A_356 = arith.muli %add3A_323, %mul3A_355 : i32
        %add3A_357 = arith.addi %mul3A_92, %mul3A_356 : i32
        %jit3A_358 = arith.constant 2 : i32
        %eq3A_359 = arith.constant 0 : i32
        %eq3A_360 = arith.cmpi eq, %jit3A_358, %eq3A_359 : i32
        %jit3A_361 = arith.constant 1 : i32
        %select_n3A_362 = arith.select %eq3A_360, %jit3A_361, %jit3A_358 : i32
        %rem3A_363 = arith.remsi %add3A_323, %select_n3A_362 : i32
        %ne3A_364 = arith.constant 0 : i32
        %ne3A_365 = arith.cmpi ne, %rem3A_363, %ne3A_364 : i32
        %lt3A_366 = arith.constant 0 : i32
        %lt3A_367 = arith.cmpi slt, %rem3A_363, %lt3A_366 : i32
        %lt3A_368 = arith.constant 0 : i32
        %lt3A_369 = arith.cmpi slt, %select_n3A_362, %lt3A_368 : i32
        %ne3A_370 = arith.xori %lt3A_367, %lt3A_369 : i1
        %and3A_371 = arith.andi %ne3A_370, %ne3A_365 : i1
        %add3A_372 = arith.addi %rem3A_363, %select_n3A_362 : i32
        %select_n3A_373 = arith.select %and3A_371, %add3A_372, %rem3A_363 : i32
        %dma_start3A_374 = arith.constant 0 : i32
        %dma_start3A_375 = arith.constant 0 : i32
        %dma_start3A_376 = tpu.memref_slice %arg8[%select_n3A_373, %dma_start3A_374, %dma_start3A_375] : memref<2x16x64xi32, #tpu.memory_space<vmem>> -> memref<1x16x64xi32, #tpu.memory_space<vmem>>
        %dma_start3A_377 = tpu.memref_squeeze %dma_start3A_376 : memref<1x16x64xi32, #tpu.memory_space<vmem>> -> memref<16x64xi32, #tpu.memory_space<vmem>>
        %dma_start3A_378 = arith.constant 0 : i32
        %dma_start3A_379 = tpu.memref_slice %arg4[%add3A_357, %dma_start3A_378] : memref<5152x64xi32, #tpu.memory_space<hbm>> -> memref<16x64xi32, #tpu.memory_space<hbm>>
        %dma_start3A_380 = arith.constant 0 : i32
        %dma_start3A_381 = arith.constant 0 : i32
        %dma_start3A_382 = tpu.memref_slice %arg8[%select_n3A_373, %dma_start3A_380, %dma_start3A_381] : memref<2x16x64xi32, #tpu.memory_space<vmem>> -> memref<1x16x64xi32, #tpu.memory_space<vmem>>
        %dma_start3A_383 = tpu.memref_squeeze %dma_start3A_382 : memref<1x16x64xi32, #tpu.memory_space<vmem>> -> memref<16x64xi32, #tpu.memory_space<vmem>>
        %dma_start3A_384 = arith.constant 0 : i32
        %dma_start3A_385 = tpu.memref_slice %arg4[%add3A_357, %dma_start3A_384] : memref<5152x64xi32, #tpu.memory_space<hbm>> -> memref<16x64xi32, #tpu.memory_space<hbm>>
        tpu.enqueue_dma source(%dma_start3A_385 : memref<16x64xi32, #tpu.memory_space<hbm>>) target(%dma_start3A_383 : memref<16x64xi32, #tpu.memory_space<vmem>>) target_semaphore(%arg14 : memref<!tpu.dma_semaphore, #tpu.memory_space<semaphore_mem>>)
      } else {
      }
      %eq3A_247 = arith.constant 14 : i32
      %eq3A_248 = arith.cmpi eq, %select_n3A_230, %eq3A_247 : i32
      %sub3A_249 = arith.constant 2 : i32
      %sub3A_250 = arith.subi %mul3A_98, %sub3A_249 : i32
      %lt3A_251 = arith.cmpi slt, %while3A_174, %sub3A_250 : i32
      %and3A_252 = arith.andi %eq3A_248, %lt3A_251 : i1
      %convert_element_type3A_253 = arith.extui %and3A_252 : i1 to i32
      %cond3A_254 = arith.constant 0 : i32
      %cond3A_255 = arith.cmpi ne, %convert_element_type3A_253, %cond3A_254 : i32
      scf.if %cond3A_255 {
        %dma_wait3A_322 = arith.constant 0 : i32
        %dma_wait3A_323 = arith.constant 0 : i32
        %dma_wait3A_324 = arith.constant 0 : i32
        %dma_wait3A_325 = tpu.memref_slice %arg7[%dma_wait3A_322, %dma_wait3A_323, %dma_wait3A_324] : memref<2x16x64xi32, #tpu.memory_space<vmem>> -> memref<1x16x64xi32, #tpu.memory_space<vmem>>
        %dma_wait3A_326 = tpu.memref_squeeze %dma_wait3A_325 : memref<1x16x64xi32, #tpu.memory_space<vmem>> -> memref<16x64xi32, #tpu.memory_space<vmem>>
        %dma_wait3A_327 = arith.constant 0 : i32
        %dma_wait3A_328 = arith.constant 0 : i32
        %dma_wait3A_329 = tpu.memref_slice %arg3[%dma_wait3A_327, %dma_wait3A_328] : memref<5152x64xi32, #tpu.memory_space<hbm>> -> memref<16x64xi32, #tpu.memory_space<hbm>>
        %dma_wait3A_330 = arith.constant 0 : i32
        %dma_wait3A_331 = arith.constant 0 : i32
        %dma_wait3A_332 = tpu.memref_slice %arg7[%dma_wait3A_322, %dma_wait3A_330, %dma_wait3A_331] : memref<2x16x64xi32, #tpu.memory_space<vmem>> -> memref<1x16x64xi32, #tpu.memory_space<vmem>>
        %dma_wait3A_333 = tpu.memref_squeeze %dma_wait3A_332 : memref<1x16x64xi32, #tpu.memory_space<vmem>> -> memref<16x64xi32, #tpu.memory_space<vmem>>
        %dma_wait3A_334 = arith.constant 0 : i32
        %dma_wait3A_335 = arith.constant 0 : i32
        %dma_wait3A_336 = tpu.memref_slice %arg3[%dma_wait3A_334, %dma_wait3A_335] : memref<5152x64xi32, #tpu.memory_space<hbm>> -> memref<16x64xi32, #tpu.memory_space<hbm>>
        tpu.wait_dma2 semaphore(%arg14 : memref<!tpu.dma_semaphore, #tpu.memory_space<semaphore_mem>>) src(%dma_wait3A_336 : memref<16x64xi32, #tpu.memory_space<hbm>>) dst(%dma_wait3A_333 : memref<16x64xi32, #tpu.memory_space<vmem>>)
        %dma_wait3A_337 = arith.constant 0 : i32
        %dma_wait3A_338 = arith.constant 0 : i32
        %dma_wait3A_339 = arith.constant 0 : i32
        %dma_wait3A_340 = tpu.memref_slice %arg8[%dma_wait3A_337, %dma_wait3A_338, %dma_wait3A_339] : memref<2x16x64xi32, #tpu.memory_space<vmem>> -> memref<1x16x64xi32, #tpu.memory_space<vmem>>
        %dma_wait3A_341 = tpu.memref_squeeze %dma_wait3A_340 : memref<1x16x64xi32, #tpu.memory_space<vmem>> -> memref<16x64xi32, #tpu.memory_space<vmem>>
        %dma_wait3A_342 = arith.constant 0 : i32
        %dma_wait3A_343 = arith.constant 0 : i32
        %dma_wait3A_344 = tpu.memref_slice %arg4[%dma_wait3A_342, %dma_wait3A_343] : memref<5152x64xi32, #tpu.memory_space<hbm>> -> memref<16x64xi32, #tpu.memory_space<hbm>>
        %dma_wait3A_345 = arith.constant 0 : i32
        %dma_wait3A_346 = arith.constant 0 : i32
        %dma_wait3A_347 = tpu.memref_slice %arg8[%dma_wait3A_337, %dma_wait3A_345, %dma_wait3A_346] : memref<2x16x64xi32, #tpu.memory_space<vmem>> -> memref<1x16x64xi32, #tpu.memory_space<vmem>>
        %dma_wait3A_348 = tpu.memref_squeeze %dma_wait3A_347 : memref<1x16x64xi32, #tpu.memory_space<vmem>> -> memref<16x64xi32, #tpu.memory_space<vmem>>
        %dma_wait3A_349 = arith.constant 0 : i32
        %dma_wait3A_350 = arith.constant 0 : i32
        %dma_wait3A_351 = tpu.memref_slice %arg4[%dma_wait3A_349, %dma_wait3A_350] : memref<5152x64xi32, #tpu.memory_space<hbm>> -> memref<16x64xi32, #tpu.memory_space<hbm>>
        tpu.wait_dma2 semaphore(%arg14 : memref<!tpu.dma_semaphore, #tpu.memory_space<semaphore_mem>>) src(%dma_wait3A_351 : memref<16x64xi32, #tpu.memory_space<hbm>>) dst(%dma_wait3A_348 : memref<16x64xi32, #tpu.memory_space<vmem>>)
      } else {
      }
      %sub3A_256 = arith.constant 2 : i32
      %sub3A_257 = arith.subi %mul3A_98, %sub3A_256 : i32
      %lt3A_258 = arith.cmpi slt, %while3A_174, %sub3A_257 : i32
      %convert_element_type3A_259 = arith.extui %lt3A_258 : i1 to i32
      %cond3A_260 = arith.constant 0 : i32
      %cond3A_261 = arith.cmpi ne, %convert_element_type3A_259, %cond3A_260 : i32
      scf.if %cond3A_261 {
        %add3A_322 = arith.constant 2 : i32
        %add3A_323 = arith.addi %while3A_174, %add3A_322 : i32
        %jit3A_324 = arith.constant 16 : i32
        %div3A_325 = arith.divsi %add3A_323, %jit3A_324 : i32
        %sign3A_326 = arith.constant 0 : i32
        %sign3A_327 = arith.cmpi sgt, %add3A_323, %sign3A_326 : i32
        %sign3A_328 = arith.extui %sign3A_327 : i1 to i32
        %sign3A_329 = arith.constant 0 : i32
        %sign3A_330 = arith.cmpi slt, %add3A_323, %sign3A_329 : i32
        %sign3A_331 = arith.extui %sign3A_330 : i1 to i32
        %sign3A_332 = arith.subi %sign3A_328, %sign3A_331 : i32
        %sign3A_333 = arith.constant 0 : i32
        %sign3A_334 = arith.cmpi sgt, %jit3A_324, %sign3A_333 : i32
        %sign3A_335 = arith.extui %sign3A_334 : i1 to i32
        %sign3A_336 = arith.constant 0 : i32
        %sign3A_337 = arith.cmpi slt, %jit3A_324, %sign3A_336 : i32
        %sign3A_338 = arith.extui %sign3A_337 : i1 to i32
        %sign3A_339 = arith.subi %sign3A_335, %sign3A_338 : i32
        %ne3A_340 = arith.cmpi ne, %sign3A_332, %sign3A_339 : i32
        %rem3A_341 = arith.remsi %add3A_323, %jit3A_324 : i32
        %ne3A_342 = arith.constant 0 : i32
        %ne3A_343 = arith.cmpi ne, %rem3A_341, %ne3A_342 : i32
        %and3A_344 = arith.andi %ne3A_340, %ne3A_343 : i1
        %sub3A_345 = arith.constant 1 : i32
        %sub3A_346 = arith.subi %div3A_325, %sub3A_345 : i32
        %select_n3A_347 = arith.select %and3A_344, %sub3A_346, %div3A_325 : i32
        %jit3A_348 = arith.constant 2 : i32
        %eq3A_349 = arith.constant 0 : i32
        %eq3A_350 = arith.cmpi eq, %jit3A_348, %eq3A_349 : i32
        %jit3A_351 = arith.constant 1 : i32
        %select_n3A_352 = arith.select %eq3A_350, %jit3A_351, %jit3A_348 : i32
        %rem3A_353 = arith.remsi %select_n3A_347, %select_n3A_352 : i32
        %ne3A_354 = arith.constant 0 : i32
        %ne3A_355 = arith.cmpi ne, %rem3A_353, %ne3A_354 : i32
        %lt3A_356 = arith.constant 0 : i32
        %lt3A_357 = arith.cmpi slt, %rem3A_353, %lt3A_356 : i32
        %lt3A_358 = arith.constant 0 : i32
        %lt3A_359 = arith.cmpi slt, %select_n3A_352, %lt3A_358 : i32
        %ne3A_360 = arith.xori %lt3A_357, %lt3A_359 : i1
        %and3A_361 = arith.andi %ne3A_360, %ne3A_355 : i1
        %add3A_362 = arith.addi %rem3A_353, %select_n3A_352 : i32
        %select_n3A_363 = arith.select %and3A_361, %add3A_362, %rem3A_353 : i32
        %jit3A_364 = arith.constant 16 : i32
        %eq3A_365 = arith.constant 0 : i32
        %eq3A_366 = arith.cmpi eq, %jit3A_364, %eq3A_365 : i32
        %jit3A_367 = arith.constant 1 : i32
        %select_n3A_368 = arith.select %eq3A_366, %jit3A_367, %jit3A_364 : i32
        %rem3A_369 = arith.remsi %add3A_323, %select_n3A_368 : i32
        %ne3A_370 = arith.constant 0 : i32
        %ne3A_371 = arith.cmpi ne, %rem3A_369, %ne3A_370 : i32
        %lt3A_372 = arith.constant 0 : i32
        %lt3A_373 = arith.cmpi slt, %rem3A_369, %lt3A_372 : i32
        %lt3A_374 = arith.constant 0 : i32
        %lt3A_375 = arith.cmpi slt, %select_n3A_368, %lt3A_374 : i32
        %ne3A_376 = arith.xori %lt3A_373, %lt3A_375 : i1
        %and3A_377 = arith.andi %ne3A_376, %ne3A_371 : i1
        %add3A_378 = arith.addi %rem3A_369, %select_n3A_368 : i32
        %select_n3A_379 = arith.select %and3A_377, %add3A_378, %rem3A_369 : i32
        %jit3A_380 = arith.constant 4 : i32
        %eq3A_381 = arith.constant 0 : i32
        %eq3A_382 = arith.cmpi eq, %jit3A_380, %eq3A_381 : i32
        %jit3A_383 = arith.constant 1 : i32
        %select_n3A_384 = arith.select %eq3A_382, %jit3A_383, %jit3A_380 : i32
        %rem3A_385 = arith.remsi %add3A_323, %select_n3A_384 : i32
        %ne3A_386 = arith.constant 0 : i32
        %ne3A_387 = arith.cmpi ne, %rem3A_385, %ne3A_386 : i32
        %lt3A_388 = arith.constant 0 : i32
        %lt3A_389 = arith.cmpi slt, %rem3A_385, %lt3A_388 : i32
        %lt3A_390 = arith.constant 0 : i32
        %lt3A_391 = arith.cmpi slt, %select_n3A_384, %lt3A_390 : i32
        %ne3A_392 = arith.xori %lt3A_389, %lt3A_391 : i1
        %and3A_393 = arith.andi %ne3A_392, %ne3A_387 : i1
        %add3A_394 = arith.addi %rem3A_385, %select_n3A_384 : i32
        %select_n3A_395 = arith.select %and3A_393, %add3A_394, %rem3A_385 : i32
        %dma_start3A_396 = arith.constant 0 : i32
        %dma_start3A_397 = arith.constant 0 : i32
        %dma_start3A_398 = tpu.memref_slice %arg9[%select_n3A_395, %dma_start3A_396, %dma_start3A_397] : memref<4x64x128xf32, #tpu.memory_space<vmem>> -> memref<1x64x128xf32, #tpu.memory_space<vmem>>
        %dma_start3A_399 = tpu.memref_squeeze %dma_start3A_398 : memref<1x64x128xf32, #tpu.memory_space<vmem>> -> memref<64x128xf32, #tpu.memory_space<vmem>>
        %dma_start3A_400 = arith.constant 0 : i32
        %dma_start3A_401 = tpu.memref_slice %arg7[%select_n3A_363, %select_n3A_379, %dma_start3A_400] : memref<2x16x64xi32, #tpu.memory_space<vmem>> -> memref<1x1x64xi32, #tpu.memory_space<vmem>>
        %dma_start3A_402 = tpu.memref_squeeze %dma_start3A_401 : memref<1x1x64xi32, #tpu.memory_space<vmem>> -> memref<64xi32, #tpu.memory_space<vmem>>
        %dma_start3A_403 = arith.constant 0 : i32
        %dma_start3A_404 = arith.constant 0 : i32
        %dma_start3A_405 = tpu.memref_slice %arg2[%dma_start3A_403, %dma_start3A_404] : memref<10240x128xf32, #tpu.memory_space<hbm>> -> memref<10240x128xf32, #tpu.memory_space<hbm>>
        tpu.enqueue_indirect_dma source(%dma_start3A_405 : memref<10240x128xf32, #tpu.memory_space<hbm>>) target(%dma_start3A_399 : memref<64x128xf32, #tpu.memory_space<vmem>>) offsets(%dma_start3A_402 : memref<64xi32, #tpu.memory_space<vmem>>) semaphore(%arg15 : memref<!tpu.dma_semaphore, #tpu.memory_space<semaphore_mem>>)
      } else {
      }
      %dma_wait3A = arith.constant 0 : i32
      %dma_wait3A_262 = arith.constant 0 : i32
      %dma_wait3A_263 = tpu.memref_slice %arg9[%select_n3A_190, %dma_wait3A, %dma_wait3A_262] : memref<4x64x128xf32, #tpu.memory_space<vmem>> -> memref<1x64x128xf32, #tpu.memory_space<vmem>>
      %dma_wait3A_264 = tpu.memref_squeeze %dma_wait3A_263 : memref<1x64x128xf32, #tpu.memory_space<vmem>> -> memref<64x128xf32, #tpu.memory_space<vmem>>
      %dma_wait3A_265 = arith.constant 0 : i32
      %dma_wait3A_266 = arith.constant 0 : i32
      %dma_wait3A_267 = tpu.memref_slice %arg2[%dma_wait3A_265, %dma_wait3A_266] : memref<10240x128xf32, #tpu.memory_space<hbm>> -> memref<64x128xf32, #tpu.memory_space<hbm>>
      %dma_wait3A_268 = arith.constant 0 : i32
      %dma_wait3A_269 = arith.constant 0 : i32
      %dma_wait3A_270 = tpu.memref_slice %arg9[%select_n3A_190, %dma_wait3A_268, %dma_wait3A_269] : memref<4x64x128xf32, #tpu.memory_space<vmem>> -> memref<1x64x128xf32, #tpu.memory_space<vmem>>
      %dma_wait3A_271 = tpu.memref_squeeze %dma_wait3A_270 : memref<1x64x128xf32, #tpu.memory_space<vmem>> -> memref<64x128xf32, #tpu.memory_space<vmem>>
      %dma_wait3A_272 = arith.constant 0 : i32
      %dma_wait3A_273 = arith.constant 0 : i32
      %dma_wait3A_274 = tpu.memref_slice %arg2[%dma_wait3A_272, %dma_wait3A_273] : memref<10240x128xf32, #tpu.memory_space<hbm>> -> memref<64x128xf32, #tpu.memory_space<hbm>>
      tpu.wait_dma2 semaphore(%arg15 : memref<!tpu.dma_semaphore, #tpu.memory_space<semaphore_mem>>) src(%dma_wait3A_274 : memref<64x128xf32, #tpu.memory_space<hbm>>) dst(%dma_wait3A_271 : memref<64x128xf32, #tpu.memory_space<vmem>>)
      %jit3A_275 = arith.constant 2 : i32
      %eq3A_276 = arith.constant 0 : i32
      %eq3A_277 = arith.cmpi eq, %jit3A_275, %eq3A_276 : i32
      %jit3A_278 = arith.constant 1 : i32
      %select_n3A_279 = arith.select %eq3A_277, %jit3A_278, %jit3A_275 : i32
      %rem3A_280 = arith.remsi %select_n3A_214, %select_n3A_279 : i32
      %ne3A_281 = arith.constant 0 : i32
      %ne3A_282 = arith.cmpi ne, %rem3A_280, %ne3A_281 : i32
      %lt3A_283 = arith.constant 0 : i32
      %lt3A_284 = arith.cmpi slt, %rem3A_280, %lt3A_283 : i32
      %lt3A_285 = arith.constant 0 : i32
      %lt3A_286 = arith.cmpi slt, %select_n3A_279, %lt3A_285 : i32
      %ne3A_287 = arith.xori %lt3A_284, %lt3A_286 : i1
      %and3A_288 = arith.andi %ne3A_287, %ne3A_282 : i1
      %add3A_289 = arith.addi %rem3A_280, %select_n3A_279 : i32
      %select_n3A_290 = arith.select %and3A_288, %add3A_289, %rem3A_280 : i32
      %dma_start3A = arith.constant 0 : i32
      %dma_start3A_291 = arith.constant 0 : i32
      %dma_start3A_292 = tpu.memref_slice %arg9[%select_n3A_190, %dma_start3A, %dma_start3A_291] : memref<4x64x128xf32, #tpu.memory_space<vmem>> -> memref<1x64x128xf32, #tpu.memory_space<vmem>>
      %dma_start3A_293 = tpu.memref_squeeze %dma_start3A_292 : memref<1x64x128xf32, #tpu.memory_space<vmem>> -> memref<64x128xf32, #tpu.memory_space<vmem>>
      %dma_start3A_294 = arith.constant 0 : i32
      %dma_start3A_295 = tpu.memref_slice %arg8[%select_n3A_290, %select_n3A_230, %dma_start3A_294] : memref<2x16x64xi32, #tpu.memory_space<vmem>> -> memref<1x1x64xi32, #tpu.memory_space<vmem>>
      %dma_start3A_296 = tpu.memref_squeeze %dma_start3A_295 : memref<1x1x64xi32, #tpu.memory_space<vmem>> -> memref<64xi32, #tpu.memory_space<vmem>>
      %dma_start3A_297 = arith.constant 0 : i32
      %dma_start3A_298 = arith.constant 0 : i32
      %dma_start3A_299 = tpu.memref_slice %arg12[%dma_start3A_297, %dma_start3A_298] : memref<10240x128xf32, #tpu.memory_space<vmem_shared>> -> memref<10240x128xf32, #tpu.memory_space<vmem_shared>>
      tpu.enqueue_indirect_dma source(%dma_start3A_293 : memref<64x128xf32, #tpu.memory_space<vmem>>) target(%dma_start3A_299 : memref<10240x128xf32, #tpu.memory_space<vmem_shared>>) offsets(%dma_start3A_296 : memref<64xi32, #tpu.memory_space<vmem>>) semaphore(%arg16 : memref<!tpu.dma_semaphore, #tpu.memory_space<semaphore_mem>>) {add = true}
      %jit3A_300 = arith.constant 2 : i32
      %eq3A_301 = arith.constant 0 : i32
      %eq3A_302 = arith.cmpi eq, %jit3A_300, %eq3A_301 : i32
      %jit3A_303 = arith.constant 1 : i32
      %select_n3A_304 = arith.select %eq3A_302, %jit3A_303, %jit3A_300 : i32
      %rem3A_305 = arith.remsi %select_n3A_214, %select_n3A_304 : i32
      %ne3A_306 = arith.constant 0 : i32
      %ne3A_307 = arith.cmpi ne, %rem3A_305, %ne3A_306 : i32
      %lt3A_308 = arith.constant 0 : i32
      %lt3A_309 = arith.cmpi slt, %rem3A_305, %lt3A_308 : i32
      %lt3A_310 = arith.constant 0 : i32
      %lt3A_311 = arith.cmpi slt, %select_n3A_304, %lt3A_310 : i32
      %ne3A_312 = arith.xori %lt3A_309, %lt3A_311 : i1
      %and3A_313 = arith.andi %ne3A_312, %ne3A_307 : i1
      %add3A_314 = arith.addi %rem3A_305, %select_n3A_304 : i32
      %select_n3A_315 = arith.select %and3A_313, %add3A_314, %rem3A_305 : i32
      %dma_start3A_316 = arith.constant 0 : i32
      %dma_start3A_317 = tpu.memref_slice %arg8[%select_n3A_315, %select_n3A_230, %dma_start3A_316] : memref<2x16x64xi32, #tpu.memory_space<vmem>> -> memref<1x1x64xi32, #tpu.memory_space<vmem>>
      %dma_start3A_318 = tpu.memref_squeeze %dma_start3A_317 : memref<1x1x64xi32, #tpu.memory_space<vmem>> -> memref<64xi32, #tpu.memory_space<vmem>>
      %dma_start3A_319 = arith.constant 0 : i32
      %dma_start3A_320 = tpu.memref_slice %arg13[%dma_start3A_319] : memref<10240xf32, #tpu.memory_space<vmem_shared>> -> memref<10240xf32, #tpu.memory_space<vmem_shared>>
      tpu.enqueue_indirect_dma source(%arg10 : memref<64xf32, #tpu.memory_space<vmem>>) target(%dma_start3A_320 : memref<10240xf32, #tpu.memory_space<vmem_shared>>) offsets(%dma_start3A_318 : memref<64xi32, #tpu.memory_space<vmem>>) semaphore(%arg17 : memref<!tpu.dma_semaphore, #tpu.memory_space<semaphore_mem>>) {add = true}
      %while3A_321 = arith.constant 0 : i32
      scf.yield %while3A_321 : i32
    }
    %while3A_142 = arith.constant 1 : i32
    %while3A_143 = scf.for %while3A_174 = %while3A_139 to %while3A_135 step %while3A_142 iter_args(%while3A_175 = %while3A_141) -> (i32)  : i32 {
      %jit3A_176 = arith.constant 4 : i32
      %eq3A_177 = arith.constant 0 : i32
      %eq3A_178 = arith.cmpi eq, %jit3A_176, %eq3A_177 : i32
      %jit3A_179 = arith.constant 1 : i32
      %select_n3A_180 = arith.select %eq3A_178, %jit3A_179, %jit3A_176 : i32
      %rem3A_181 = arith.remsi %while3A_174, %select_n3A_180 : i32
      %ne3A_182 = arith.constant 0 : i32
      %ne3A_183 = arith.cmpi ne, %rem3A_181, %ne3A_182 : i32
      %lt3A = arith.constant 0 : i32
      %lt3A_184 = arith.cmpi slt, %rem3A_181, %lt3A : i32
      %lt3A_185 = arith.constant 0 : i32
      %lt3A_186 = arith.cmpi slt, %select_n3A_180, %lt3A_185 : i32
      %ne3A_187 = arith.xori %lt3A_184, %lt3A_186 : i1
      %and3A_188 = arith.andi %ne3A_187, %ne3A_183 : i1
      %add3A_189 = arith.addi %rem3A_181, %select_n3A_180 : i32
      %select_n3A_190 = arith.select %and3A_188, %add3A_189, %rem3A_181 : i32
      %jit3A_191 = arith.constant 16 : i32
      %div3A_192 = arith.divsi %while3A_174, %jit3A_191 : i32
      %sign3A_193 = arith.constant 0 : i32
      %sign3A_194 = arith.cmpi sgt, %while3A_174, %sign3A_193 : i32
      %sign3A_195 = arith.extui %sign3A_194 : i1 to i32
      %sign3A_196 = arith.constant 0 : i32
      %sign3A_197 = arith.cmpi slt, %while3A_174, %sign3A_196 : i32
      %sign3A_198 = arith.extui %sign3A_197 : i1 to i32
      %sign3A_199 = arith.subi %sign3A_195, %sign3A_198 : i32
      %sign3A_200 = arith.constant 0 : i32
      %sign3A_201 = arith.cmpi sgt, %jit3A_191, %sign3A_200 : i32
      %sign3A_202 = arith.extui %sign3A_201 : i1 to i32
      %sign3A_203 = arith.constant 0 : i32
      %sign3A_204 = arith.cmpi slt, %jit3A_191, %sign3A_203 : i32
      %sign3A_205 = arith.extui %sign3A_204 : i1 to i32
      %sign3A_206 = arith.subi %sign3A_202, %sign3A_205 : i32
      %ne3A_207 = arith.cmpi ne, %sign3A_199, %sign3A_206 : i32
      %rem3A_208 = arith.remsi %while3A_174, %jit3A_191 : i32
      %ne3A_209 = arith.constant 0 : i32
      %ne3A_210 = arith.cmpi ne, %rem3A_208, %ne3A_209 : i32
      %and3A_211 = arith.andi %ne3A_207, %ne3A_210 : i1
      %sub3A_212 = arith.constant 1 : i32
      %sub3A_213 = arith.subi %div3A_192, %sub3A_212 : i32
      %select_n3A_214 = arith.select %and3A_211, %sub3A_213, %div3A_192 : i32
      %jit3A_215 = arith.constant 16 : i32
      %eq3A_216 = arith.constant 0 : i32
      %eq3A_217 = arith.cmpi eq, %jit3A_215, %eq3A_216 : i32
      %jit3A_218 = arith.constant 1 : i32
      %select_n3A_219 = arith.select %eq3A_217, %jit3A_218, %jit3A_215 : i32
      %rem3A_220 = arith.remsi %while3A_174, %select_n3A_219 : i32
      %ne3A_221 = arith.constant 0 : i32
      %ne3A_222 = arith.cmpi ne, %rem3A_220, %ne3A_221 : i32
      %lt3A_223 = arith.constant 0 : i32
      %lt3A_224 = arith.cmpi slt, %rem3A_220, %lt3A_223 : i32
      %lt3A_225 = arith.constant 0 : i32
      %lt3A_226 = arith.cmpi slt, %select_n3A_219, %lt3A_225 : i32
      %ne3A_227 = arith.xori %lt3A_224, %lt3A_226 : i1
      %and3A_228 = arith.andi %ne3A_227, %ne3A_222 : i1
      %add3A_229 = arith.addi %rem3A_220, %select_n3A_219 : i32
      %select_n3A_230 = arith.select %and3A_228, %add3A_229, %rem3A_220 : i32
      %ge3A = arith.constant 2 : i32
      %ge3A_231 = arith.cmpi sge, %while3A_174, %ge3A : i32
      %convert_element_type3A_232 = arith.extui %ge3A_231 : i1 to i32
      %cond3A_233 = arith.constant 0 : i32
      %cond3A_234 = arith.cmpi ne, %convert_element_type3A_232, %cond3A_233 : i32
      scf.if %cond3A_234 {
        %add3A_322 = arith.constant 2 : i32
        %add3A_323 = arith.addi %while3A_174, %add3A_322 : i32
        %jit3A_324 = arith.constant 4 : i32
        %eq3A_325 = arith.constant 0 : i32
        %eq3A_326 = arith.cmpi eq, %jit3A_324, %eq3A_325 : i32
        %jit3A_327 = arith.constant 1 : i32
        %select_n3A_328 = arith.select %eq3A_326, %jit3A_327, %jit3A_324 : i32
        %rem3A_329 = arith.remsi %add3A_323, %select_n3A_328 : i32
        %ne3A_330 = arith.constant 0 : i32
        %ne3A_331 = arith.cmpi ne, %rem3A_329, %ne3A_330 : i32
        %lt3A_332 = arith.constant 0 : i32
        %lt3A_333 = arith.cmpi slt, %rem3A_329, %lt3A_332 : i32
        %lt3A_334 = arith.constant 0 : i32
        %lt3A_335 = arith.cmpi slt, %select_n3A_328, %lt3A_334 : i32
        %ne3A_336 = arith.xori %lt3A_333, %lt3A_335 : i1
        %and3A_337 = arith.andi %ne3A_336, %ne3A_331 : i1
        %add3A_338 = arith.addi %rem3A_329, %select_n3A_328 : i32
        %select_n3A_339 = arith.select %and3A_337, %add3A_338, %rem3A_329 : i32
        %dma_wait3A_340 = arith.constant 0 : i32
        %dma_wait3A_341 = arith.constant 0 : i32
        %dma_wait3A_342 = tpu.memref_slice %arg9[%select_n3A_339, %dma_wait3A_340, %dma_wait3A_341] : memref<4x64x128xf32, #tpu.memory_space<vmem>> -> memref<1x64x128xf32, #tpu.memory_space<vmem>>
        %dma_wait3A_343 = tpu.memref_squeeze %dma_wait3A_342 : memref<1x64x128xf32, #tpu.memory_space<vmem>> -> memref<64x128xf32, #tpu.memory_space<vmem>>
        %dma_wait3A_344 = arith.constant 0 : i32
        %dma_wait3A_345 = arith.constant 0 : i32
        %dma_wait3A_346 = tpu.memref_slice %arg2[%dma_wait3A_344, %dma_wait3A_345] : memref<10240x128xf32, #tpu.memory_space<hbm>> -> memref<64x128xf32, #tpu.memory_space<hbm>>
        %dma_wait3A_347 = arith.constant 0 : i32
        %dma_wait3A_348 = arith.constant 0 : i32
        %dma_wait3A_349 = tpu.memref_slice %arg9[%select_n3A_339, %dma_wait3A_347, %dma_wait3A_348] : memref<4x64x128xf32, #tpu.memory_space<vmem>> -> memref<1x64x128xf32, #tpu.memory_space<vmem>>
        %dma_wait3A_350 = tpu.memref_squeeze %dma_wait3A_349 : memref<1x64x128xf32, #tpu.memory_space<vmem>> -> memref<64x128xf32, #tpu.memory_space<vmem>>
        %dma_wait3A_351 = arith.constant 0 : i32
        %dma_wait3A_352 = arith.constant 0 : i32
        %dma_wait3A_353 = tpu.memref_slice %arg2[%dma_wait3A_351, %dma_wait3A_352] : memref<10240x128xf32, #tpu.memory_space<hbm>> -> memref<64x128xf32, #tpu.memory_space<hbm>>
        tpu.wait_dma2 semaphore(%arg16 : memref<!tpu.dma_semaphore, #tpu.memory_space<semaphore_mem>>) src(%dma_wait3A_353 : memref<64x128xf32, #tpu.memory_space<hbm>>) dst(%dma_wait3A_350 : memref<64x128xf32, #tpu.memory_space<vmem>>)
        %dma_wait3A_354 = arith.constant 0 : i32
        %dma_wait3A_355 = arith.constant 0 : i32
        %dma_wait3A_356 = tpu.memref_slice %arg2[%dma_wait3A_354, %dma_wait3A_355] : memref<10240x128xf32, #tpu.memory_space<hbm>> -> memref<1x64xf32, #tpu.memory_space<hbm>>
        %dma_wait3A_357 = tpu.memref_squeeze %dma_wait3A_356 : memref<1x64xf32, #tpu.memory_space<hbm>> -> memref<64xf32, #tpu.memory_space<hbm>>
        %dma_wait3A_358 = arith.constant 0 : i32
        %dma_wait3A_359 = tpu.memref_slice %arg2[%dma_wait3A_354, %dma_wait3A_358] : memref<10240x128xf32, #tpu.memory_space<hbm>> -> memref<1x64xf32, #tpu.memory_space<hbm>>
        %dma_wait3A_360 = tpu.memref_squeeze %dma_wait3A_359 : memref<1x64xf32, #tpu.memory_space<hbm>> -> memref<64xf32, #tpu.memory_space<hbm>>
        tpu.wait_dma2 semaphore(%arg17 : memref<!tpu.dma_semaphore, #tpu.memory_space<semaphore_mem>>) src(%dma_wait3A_360 : memref<64xf32, #tpu.memory_space<hbm>>) dst(%arg10 : memref<64xf32, #tpu.memory_space<vmem>>)
      } else {
      }
      %eq3A_235 = arith.constant 0 : i32
      %eq3A_236 = arith.cmpi eq, %select_n3A_230, %eq3A_235 : i32
      %ge3A_237 = arith.constant 1 : i32
      %ge3A_238 = arith.cmpi sge, %select_n3A_214, %ge3A_237 : i32
      %sub3A_239 = arith.constant 1 : i32
      %sub3A_240 = arith.subi %select_n3A_120, %sub3A_239 : i32
      %lt3A_241 = arith.cmpi slt, %select_n3A_214, %sub3A_240 : i32
      %and3A_242 = arith.andi %ge3A_238, %lt3A_241 : i1
      %and3A_243 = arith.andi %eq3A_236, %and3A_242 : i1
      %convert_element_type3A_244 = arith.extui %and3A_243 : i1 to i32
      %cond3A_245 = arith.constant 0 : i32
      %cond3A_246 = arith.cmpi ne, %convert_element_type3A_244, %cond3A_245 : i32
      scf.if %cond3A_246 {
        %add3A_322 = arith.constant 1 : i32
        %add3A_323 = arith.addi %select_n3A_214, %add3A_322 : i32
        %mul3A_324 = arith.constant 16 : i32
        %mul3A_325 = arith.muli %add3A_323, %mul3A_324 : i32
        %add3A_326 = arith.addi %mul3A_92, %mul3A_325 : i32
        %jit3A_327 = arith.constant 2 : i32
        %eq3A_328 = arith.constant 0 : i32
        %eq3A_329 = arith.cmpi eq, %jit3A_327, %eq3A_328 : i32
        %jit3A_330 = arith.constant 1 : i32
        %select_n3A_331 = arith.select %eq3A_329, %jit3A_330, %jit3A_327 : i32
        %rem3A_332 = arith.remsi %add3A_323, %select_n3A_331 : i32
        %ne3A_333 = arith.constant 0 : i32
        %ne3A_334 = arith.cmpi ne, %rem3A_332, %ne3A_333 : i32
        %lt3A_335 = arith.constant 0 : i32
        %lt3A_336 = arith.cmpi slt, %rem3A_332, %lt3A_335 : i32
        %lt3A_337 = arith.constant 0 : i32
        %lt3A_338 = arith.cmpi slt, %select_n3A_331, %lt3A_337 : i32
        %ne3A_339 = arith.xori %lt3A_336, %lt3A_338 : i1
        %and3A_340 = arith.andi %ne3A_339, %ne3A_334 : i1
        %add3A_341 = arith.addi %rem3A_332, %select_n3A_331 : i32
        %select_n3A_342 = arith.select %and3A_340, %add3A_341, %rem3A_332 : i32
        %dma_start3A_343 = arith.constant 0 : i32
        %dma_start3A_344 = arith.constant 0 : i32
        %dma_start3A_345 = tpu.memref_slice %arg7[%select_n3A_342, %dma_start3A_343, %dma_start3A_344] : memref<2x16x64xi32, #tpu.memory_space<vmem>> -> memref<1x16x64xi32, #tpu.memory_space<vmem>>
        %dma_start3A_346 = tpu.memref_squeeze %dma_start3A_345 : memref<1x16x64xi32, #tpu.memory_space<vmem>> -> memref<16x64xi32, #tpu.memory_space<vmem>>
        %dma_start3A_347 = arith.constant 0 : i32
        %dma_start3A_348 = tpu.memref_slice %arg3[%add3A_326, %dma_start3A_347] : memref<5152x64xi32, #tpu.memory_space<hbm>> -> memref<16x64xi32, #tpu.memory_space<hbm>>
        %dma_start3A_349 = arith.constant 0 : i32
        %dma_start3A_350 = arith.constant 0 : i32
        %dma_start3A_351 = tpu.memref_slice %arg7[%select_n3A_342, %dma_start3A_349, %dma_start3A_350] : memref<2x16x64xi32, #tpu.memory_space<vmem>> -> memref<1x16x64xi32, #tpu.memory_space<vmem>>
        %dma_start3A_352 = tpu.memref_squeeze %dma_start3A_351 : memref<1x16x64xi32, #tpu.memory_space<vmem>> -> memref<16x64xi32, #tpu.memory_space<vmem>>
        %dma_start3A_353 = arith.constant 0 : i32
        %dma_start3A_354 = tpu.memref_slice %arg3[%add3A_326, %dma_start3A_353] : memref<5152x64xi32, #tpu.memory_space<hbm>> -> memref<16x64xi32, #tpu.memory_space<hbm>>
        tpu.enqueue_dma source(%dma_start3A_354 : memref<16x64xi32, #tpu.memory_space<hbm>>) target(%dma_start3A_352 : memref<16x64xi32, #tpu.memory_space<vmem>>) target_semaphore(%arg14 : memref<!tpu.dma_semaphore, #tpu.memory_space<semaphore_mem>>)
        %mul3A_355 = arith.constant 16 : i32
        %mul3A_356 = arith.muli %add3A_323, %mul3A_355 : i32
        %add3A_357 = arith.addi %mul3A_92, %mul3A_356 : i32
        %jit3A_358 = arith.constant 2 : i32
        %eq3A_359 = arith.constant 0 : i32
        %eq3A_360 = arith.cmpi eq, %jit3A_358, %eq3A_359 : i32
        %jit3A_361 = arith.constant 1 : i32
        %select_n3A_362 = arith.select %eq3A_360, %jit3A_361, %jit3A_358 : i32
        %rem3A_363 = arith.remsi %add3A_323, %select_n3A_362 : i32
        %ne3A_364 = arith.constant 0 : i32
        %ne3A_365 = arith.cmpi ne, %rem3A_363, %ne3A_364 : i32
        %lt3A_366 = arith.constant 0 : i32
        %lt3A_367 = arith.cmpi slt, %rem3A_363, %lt3A_366 : i32
        %lt3A_368 = arith.constant 0 : i32
        %lt3A_369 = arith.cmpi slt, %select_n3A_362, %lt3A_368 : i32
        %ne3A_370 = arith.xori %lt3A_367, %lt3A_369 : i1
        %and3A_371 = arith.andi %ne3A_370, %ne3A_365 : i1
        %add3A_372 = arith.addi %rem3A_363, %select_n3A_362 : i32
        %select_n3A_373 = arith.select %and3A_371, %add3A_372, %rem3A_363 : i32
        %dma_start3A_374 = arith.constant 0 : i32
        %dma_start3A_375 = arith.constant 0 : i32
        %dma_start3A_376 = tpu.memref_slice %arg8[%select_n3A_373, %dma_start3A_374, %dma_start3A_375] : memref<2x16x64xi32, #tpu.memory_space<vmem>> -> memref<1x16x64xi32, #tpu.memory_space<vmem>>
        %dma_start3A_377 = tpu.memref_squeeze %dma_start3A_376 : memref<1x16x64xi32, #tpu.memory_space<vmem>> -> memref<16x64xi32, #tpu.memory_space<vmem>>
        %dma_start3A_378 = arith.constant 0 : i32
        %dma_start3A_379 = tpu.memref_slice %arg4[%add3A_357, %dma_start3A_378] : memref<5152x64xi32, #tpu.memory_space<hbm>> -> memref<16x64xi32, #tpu.memory_space<hbm>>
        %dma_start3A_380 = arith.constant 0 : i32
        %dma_start3A_381 = arith.constant 0 : i32
        %dma_start3A_382 = tpu.memref_slice %arg8[%select_n3A_373, %dma_start3A_380, %dma_start3A_381] : memref<2x16x64xi32, #tpu.memory_space<vmem>> -> memref<1x16x64xi32, #tpu.memory_space<vmem>>
        %dma_start3A_383 = tpu.memref_squeeze %dma_start3A_382 : memref<1x16x64xi32, #tpu.memory_space<vmem>> -> memref<16x64xi32, #tpu.memory_space<vmem>>
        %dma_start3A_384 = arith.constant 0 : i32
        %dma_start3A_385 = tpu.memref_slice %arg4[%add3A_357, %dma_start3A_384] : memref<5152x64xi32, #tpu.memory_space<hbm>> -> memref<16x64xi32, #tpu.memory_space<hbm>>
        tpu.enqueue_dma source(%dma_start3A_385 : memref<16x64xi32, #tpu.memory_space<hbm>>) target(%dma_start3A_383 : memref<16x64xi32, #tpu.memory_space<vmem>>) target_semaphore(%arg14 : memref<!tpu.dma_semaphore, #tpu.memory_space<semaphore_mem>>)
      } else {
      }
      %eq3A_247 = arith.constant 14 : i32
      %eq3A_248 = arith.cmpi eq, %select_n3A_230, %eq3A_247 : i32
      %sub3A_249 = arith.constant 2 : i32
      %sub3A_250 = arith.subi %mul3A_98, %sub3A_249 : i32
      %lt3A_251 = arith.cmpi slt, %while3A_174, %sub3A_250 : i32
      %and3A_252 = arith.andi %eq3A_248, %lt3A_251 : i1
      %convert_element_type3A_253 = arith.extui %and3A_252 : i1 to i32
      %cond3A_254 = arith.constant 0 : i32
      %cond3A_255 = arith.cmpi ne, %convert_element_type3A_253, %cond3A_254 : i32
      scf.if %cond3A_255 {
        %dma_wait3A_322 = arith.constant 0 : i32
        %dma_wait3A_323 = arith.constant 0 : i32
        %dma_wait3A_324 = arith.constant 0 : i32
        %dma_wait3A_325 = tpu.memref_slice %arg7[%dma_wait3A_322, %dma_wait3A_323, %dma_wait3A_324] : memref<2x16x64xi32, #tpu.memory_space<vmem>> -> memref<1x16x64xi32, #tpu.memory_space<vmem>>
        %dma_wait3A_326 = tpu.memref_squeeze %dma_wait3A_325 : memref<1x16x64xi32, #tpu.memory_space<vmem>> -> memref<16x64xi32, #tpu.memory_space<vmem>>
        %dma_wait3A_327 = arith.constant 0 : i32
        %dma_wait3A_328 = arith.constant 0 : i32
        %dma_wait3A_329 = tpu.memref_slice %arg3[%dma_wait3A_327, %dma_wait3A_328] : memref<5152x64xi32, #tpu.memory_space<hbm>> -> memref<16x64xi32, #tpu.memory_space<hbm>>
        %dma_wait3A_330 = arith.constant 0 : i32
        %dma_wait3A_331 = arith.constant 0 : i32
        %dma_wait3A_332 = tpu.memref_slice %arg7[%dma_wait3A_322, %dma_wait3A_330, %dma_wait3A_331] : memref<2x16x64xi32, #tpu.memory_space<vmem>> -> memref<1x16x64xi32, #tpu.memory_space<vmem>>
        %dma_wait3A_333 = tpu.memref_squeeze %dma_wait3A_332 : memref<1x16x64xi32, #tpu.memory_space<vmem>> -> memref<16x64xi32, #tpu.memory_space<vmem>>
        %dma_wait3A_334 = arith.constant 0 : i32
        %dma_wait3A_335 = arith.constant 0 : i32
        %dma_wait3A_336 = tpu.memref_slice %arg3[%dma_wait3A_334, %dma_wait3A_335] : memref<5152x64xi32, #tpu.memory_space<hbm>> -> memref<16x64xi32, #tpu.memory_space<hbm>>
        tpu.wait_dma2 semaphore(%arg14 : memref<!tpu.dma_semaphore, #tpu.memory_space<semaphore_mem>>) src(%dma_wait3A_336 : memref<16x64xi32, #tpu.memory_space<hbm>>) dst(%dma_wait3A_333 : memref<16x64xi32, #tpu.memory_space<vmem>>)
        %dma_wait3A_337 = arith.constant 0 : i32
        %dma_wait3A_338 = arith.constant 0 : i32
        %dma_wait3A_339 = arith.constant 0 : i32
        %dma_wait3A_340 = tpu.memref_slice %arg8[%dma_wait3A_337, %dma_wait3A_338, %dma_wait3A_339] : memref<2x16x64xi32, #tpu.memory_space<vmem>> -> memref<1x16x64xi32, #tpu.memory_space<vmem>>
        %dma_wait3A_341 = tpu.memref_squeeze %dma_wait3A_340 : memref<1x16x64xi32, #tpu.memory_space<vmem>> -> memref<16x64xi32, #tpu.memory_space<vmem>>
        %dma_wait3A_342 = arith.constant 0 : i32
        %dma_wait3A_343 = arith.constant 0 : i32
        %dma_wait3A_344 = tpu.memref_slice %arg4[%dma_wait3A_342, %dma_wait3A_343] : memref<5152x64xi32, #tpu.memory_space<hbm>> -> memref<16x64xi32, #tpu.memory_space<hbm>>
        %dma_wait3A_345 = arith.constant 0 : i32
        %dma_wait3A_346 = arith.constant 0 : i32
        %dma_wait3A_347 = tpu.memref_slice %arg8[%dma_wait3A_337, %dma_wait3A_345, %dma_wait3A_346] : memref<2x16x64xi32, #tpu.memory_space<vmem>> -> memref<1x16x64xi32, #tpu.memory_space<vmem>>
        %dma_wait3A_348 = tpu.memref_squeeze %dma_wait3A_347 : memref<1x16x64xi32, #tpu.memory_space<vmem>> -> memref<16x64xi32, #tpu.memory_space<vmem>>
        %dma_wait3A_349 = arith.constant 0 : i32
        %dma_wait3A_350 = arith.constant 0 : i32
        %dma_wait3A_351 = tpu.memref_slice %arg4[%dma_wait3A_349, %dma_wait3A_350] : memref<5152x64xi32, #tpu.memory_space<hbm>> -> memref<16x64xi32, #tpu.memory_space<hbm>>
        tpu.wait_dma2 semaphore(%arg14 : memref<!tpu.dma_semaphore, #tpu.memory_space<semaphore_mem>>) src(%dma_wait3A_351 : memref<16x64xi32, #tpu.memory_space<hbm>>) dst(%dma_wait3A_348 : memref<16x64xi32, #tpu.memory_space<vmem>>)
      } else {
      }
      %sub3A_256 = arith.constant 2 : i32
      %sub3A_257 = arith.subi %mul3A_98, %sub3A_256 : i32
      %lt3A_258 = arith.cmpi slt, %while3A_174, %sub3A_257 : i32
      %convert_element_type3A_259 = arith.extui %lt3A_258 : i1 to i32
      %cond3A_260 = arith.constant 0 : i32
      %cond3A_261 = arith.cmpi ne, %convert_element_type3A_259, %cond3A_260 : i32
      scf.if %cond3A_261 {
        %add3A_322 = arith.constant 2 : i32
        %add3A_323 = arith.addi %while3A_174, %add3A_322 : i32
        %jit3A_324 = arith.constant 16 : i32
        %div3A_325 = arith.divsi %add3A_323, %jit3A_324 : i32
        %sign3A_326 = arith.constant 0 : i32
        %sign3A_327 = arith.cmpi sgt, %add3A_323, %sign3A_326 : i32
        %sign3A_328 = arith.extui %sign3A_327 : i1 to i32
        %sign3A_329 = arith.constant 0 : i32
        %sign3A_330 = arith.cmpi slt, %add3A_323, %sign3A_329 : i32
        %sign3A_331 = arith.extui %sign3A_330 : i1 to i32
        %sign3A_332 = arith.subi %sign3A_328, %sign3A_331 : i32
        %sign3A_333 = arith.constant 0 : i32
        %sign3A_334 = arith.cmpi sgt, %jit3A_324, %sign3A_333 : i32
        %sign3A_335 = arith.extui %sign3A_334 : i1 to i32
        %sign3A_336 = arith.constant 0 : i32
        %sign3A_337 = arith.cmpi slt, %jit3A_324, %sign3A_336 : i32
        %sign3A_338 = arith.extui %sign3A_337 : i1 to i32
        %sign3A_339 = arith.subi %sign3A_335, %sign3A_338 : i32
        %ne3A_340 = arith.cmpi ne, %sign3A_332, %sign3A_339 : i32
        %rem3A_341 = arith.remsi %add3A_323, %jit3A_324 : i32
        %ne3A_342 = arith.constant 0 : i32
        %ne3A_343 = arith.cmpi ne, %rem3A_341, %ne3A_342 : i32
        %and3A_344 = arith.andi %ne3A_340, %ne3A_343 : i1
        %sub3A_345 = arith.constant 1 : i32
        %sub3A_346 = arith.subi %div3A_325, %sub3A_345 : i32
        %select_n3A_347 = arith.select %and3A_344, %sub3A_346, %div3A_325 : i32
        %jit3A_348 = arith.constant 2 : i32
        %eq3A_349 = arith.constant 0 : i32
        %eq3A_350 = arith.cmpi eq, %jit3A_348, %eq3A_349 : i32
        %jit3A_351 = arith.constant 1 : i32
        %select_n3A_352 = arith.select %eq3A_350, %jit3A_351, %jit3A_348 : i32
        %rem3A_353 = arith.remsi %select_n3A_347, %select_n3A_352 : i32
        %ne3A_354 = arith.constant 0 : i32
        %ne3A_355 = arith.cmpi ne, %rem3A_353, %ne3A_354 : i32
        %lt3A_356 = arith.constant 0 : i32
        %lt3A_357 = arith.cmpi slt, %rem3A_353, %lt3A_356 : i32
        %lt3A_358 = arith.constant 0 : i32
        %lt3A_359 = arith.cmpi slt, %select_n3A_352, %lt3A_358 : i32
        %ne3A_360 = arith.xori %lt3A_357, %lt3A_359 : i1
        %and3A_361 = arith.andi %ne3A_360, %ne3A_355 : i1
        %add3A_362 = arith.addi %rem3A_353, %select_n3A_352 : i32
        %select_n3A_363 = arith.select %and3A_361, %add3A_362, %rem3A_353 : i32
        %jit3A_364 = arith.constant 16 : i32
        %eq3A_365 = arith.constant 0 : i32
        %eq3A_366 = arith.cmpi eq, %jit3A_364, %eq3A_365 : i32
        %jit3A_367 = arith.constant 1 : i32
        %select_n3A_368 = arith.select %eq3A_366, %jit3A_367, %jit3A_364 : i32
        %rem3A_369 = arith.remsi %add3A_323, %select_n3A_368 : i32
        %ne3A_370 = arith.constant 0 : i32
        %ne3A_371 = arith.cmpi ne, %rem3A_369, %ne3A_370 : i32
        %lt3A_372 = arith.constant 0 : i32
        %lt3A_373 = arith.cmpi slt, %rem3A_369, %lt3A_372 : i32
        %lt3A_374 = arith.constant 0 : i32
        %lt3A_375 = arith.cmpi slt, %select_n3A_368, %lt3A_374 : i32
        %ne3A_376 = arith.xori %lt3A_373, %lt3A_375 : i1
        %and3A_377 = arith.andi %ne3A_376, %ne3A_371 : i1
        %add3A_378 = arith.addi %rem3A_369, %select_n3A_368 : i32
        %select_n3A_379 = arith.select %and3A_377, %add3A_378, %rem3A_369 : i32
        %jit3A_380 = arith.constant 4 : i32
        %eq3A_381 = arith.constant 0 : i32
        %eq3A_382 = arith.cmpi eq, %jit3A_380, %eq3A_381 : i32
        %jit3A_383 = arith.constant 1 : i32
        %select_n3A_384 = arith.select %eq3A_382, %jit3A_383, %jit3A_380 : i32
        %rem3A_385 = arith.remsi %add3A_323, %select_n3A_384 : i32
        %ne3A_386 = arith.constant 0 : i32
        %ne3A_387 = arith.cmpi ne, %rem3A_385, %ne3A_386 : i32
        %lt3A_388 = arith.constant 0 : i32
        %lt3A_389 = arith.cmpi slt, %rem3A_385, %lt3A_388 : i32
        %lt3A_390 = arith.constant 0 : i32
        %lt3A_391 = arith.cmpi slt, %select_n3A_384, %lt3A_390 : i32
        %ne3A_392 = arith.xori %lt3A_389, %lt3A_391 : i1
        %and3A_393 = arith.andi %ne3A_392, %ne3A_387 : i1
        %add3A_394 = arith.addi %rem3A_385, %select_n3A_384 : i32
        %select_n3A_395 = arith.select %and3A_393, %add3A_394, %rem3A_385 : i32
        %dma_start3A_396 = arith.constant 0 : i32
        %dma_start3A_397 = arith.constant 0 : i32
        %dma_start3A_398 = tpu.memref_slice %arg9[%select_n3A_395, %dma_start3A_396, %dma_start3A_397] : memref<4x64x128xf32, #tpu.memory_space<vmem>> -> memref<1x64x128xf32, #tpu.memory_space<vmem>>
        %dma_start3A_399 = tpu.memref_squeeze %dma_start3A_398 : memref<1x64x128xf32, #tpu.memory_space<vmem>> -> memref<64x128xf32, #tpu.memory_space<vmem>>
        %dma_start3A_400 = arith.constant 0 : i32
        %dma_start3A_401 = tpu.memref_slice %arg7[%select_n3A_363, %select_n3A_379, %dma_start3A_400] : memref<2x16x64xi32, #tpu.memory_space<vmem>> -> memref<1x1x64xi32, #tpu.memory_space<vmem>>
        %dma_start3A_402 = tpu.memref_squeeze %dma_start3A_401 : memref<1x1x64xi32, #tpu.memory_space<vmem>> -> memref<64xi32, #tpu.memory_space<vmem>>
        %dma_start3A_403 = arith.constant 0 : i32
        %dma_start3A_404 = arith.constant 0 : i32
        %dma_start3A_405 = tpu.memref_slice %arg2[%dma_start3A_403, %dma_start3A_404] : memref<10240x128xf32, #tpu.memory_space<hbm>> -> memref<10240x128xf32, #tpu.memory_space<hbm>>
        tpu.enqueue_indirect_dma source(%dma_start3A_405 : memref<10240x128xf32, #tpu.memory_space<hbm>>) target(%dma_start3A_399 : memref<64x128xf32, #tpu.memory_space<vmem>>) offsets(%dma_start3A_402 : memref<64xi32, #tpu.memory_space<vmem>>) semaphore(%arg15 : memref<!tpu.dma_semaphore, #tpu.memory_space<semaphore_mem>>)
      } else {
      }
      %dma_wait3A = arith.constant 0 : i32
      %dma_wait3A_262 = arith.constant 0 : i32
      %dma_wait3A_263 = tpu.memref_slice %arg9[%select_n3A_190, %dma_wait3A, %dma_wait3A_262] : memref<4x64x128xf32, #tpu.memory_space<vmem>> -> memref<1x64x128xf32, #tpu.memory_space<vmem>>
      %dma_wait3A_264 = tpu.memref_squeeze %dma_wait3A_263 : memref<1x64x128xf32, #tpu.memory_space<vmem>> -> memref<64x128xf32, #tpu.memory_space<vmem>>
      %dma_wait3A_265 = arith.constant 0 : i32
      %dma_wait3A_266 = arith.constant 0 : i32
      %dma_wait3A_267 = tpu.memref_slice %arg2[%dma_wait3A_265, %dma_wait3A_266] : memref<10240x128xf32, #tpu.memory_space<hbm>> -> memref<64x128xf32, #tpu.memory_space<hbm>>
      %dma_wait3A_268 = arith.constant 0 : i32
      %dma_wait3A_269 = arith.constant 0 : i32
      %dma_wait3A_270 = tpu.memref_slice %arg9[%select_n3A_190, %dma_wait3A_268, %dma_wait3A_269] : memref<4x64x128xf32, #tpu.memory_space<vmem>> -> memref<1x64x128xf32, #tpu.memory_space<vmem>>
      %dma_wait3A_271 = tpu.memref_squeeze %dma_wait3A_270 : memref<1x64x128xf32, #tpu.memory_space<vmem>> -> memref<64x128xf32, #tpu.memory_space<vmem>>
      %dma_wait3A_272 = arith.constant 0 : i32
      %dma_wait3A_273 = arith.constant 0 : i32
      %dma_wait3A_274 = tpu.memref_slice %arg2[%dma_wait3A_272, %dma_wait3A_273] : memref<10240x128xf32, #tpu.memory_space<hbm>> -> memref<64x128xf32, #tpu.memory_space<hbm>>
      tpu.wait_dma2 semaphore(%arg15 : memref<!tpu.dma_semaphore, #tpu.memory_space<semaphore_mem>>) src(%dma_wait3A_274 : memref<64x128xf32, #tpu.memory_space<hbm>>) dst(%dma_wait3A_271 : memref<64x128xf32, #tpu.memory_space<vmem>>)
      %jit3A_275 = arith.constant 2 : i32
      %eq3A_276 = arith.constant 0 : i32
      %eq3A_277 = arith.cmpi eq, %jit3A_275, %eq3A_276 : i32
      %jit3A_278 = arith.constant 1 : i32
      %select_n3A_279 = arith.select %eq3A_277, %jit3A_278, %jit3A_275 : i32
      %rem3A_280 = arith.remsi %select_n3A_214, %select_n3A_279 : i32
      %ne3A_281 = arith.constant 0 : i32
      %ne3A_282 = arith.cmpi ne, %rem3A_280, %ne3A_281 : i32
      %lt3A_283 = arith.constant 0 : i32
      %lt3A_284 = arith.cmpi slt, %rem3A_280, %lt3A_283 : i32
      %lt3A_285 = arith.constant 0 : i32
      %lt3A_286 = arith.cmpi slt, %select_n3A_279, %lt3A_285 : i32
      %ne3A_287 = arith.xori %lt3A_284, %lt3A_286 : i1
      %and3A_288 = arith.andi %ne3A_287, %ne3A_282 : i1
      %add3A_289 = arith.addi %rem3A_280, %select_n3A_279 : i32
      %select_n3A_290 = arith.select %and3A_288, %add3A_289, %rem3A_280 : i32
      %dma_start3A = arith.constant 0 : i32
      %dma_start3A_291 = arith.constant 0 : i32
      %dma_start3A_292 = tpu.memref_slice %arg9[%select_n3A_190, %dma_start3A, %dma_start3A_291] : memref<4x64x128xf32, #tpu.memory_space<vmem>> -> memref<1x64x128xf32, #tpu.memory_space<vmem>>
      %dma_start3A_293 = tpu.memref_squeeze %dma_start3A_292 : memref<1x64x128xf32, #tpu.memory_space<vmem>> -> memref<64x128xf32, #tpu.memory_space<vmem>>
      %dma_start3A_294 = arith.constant 0 : i32
      %dma_start3A_295 = tpu.memref_slice %arg8[%select_n3A_290, %select_n3A_230, %dma_start3A_294] : memref<2x16x64xi32, #tpu.memory_space<vmem>> -> memref<1x1x64xi32, #tpu.memory_space<vmem>>
      %dma_start3A_296 = tpu.memref_squeeze %dma_start3A_295 : memref<1x1x64xi32, #tpu.memory_space<vmem>> -> memref<64xi32, #tpu.memory_space<vmem>>
      %dma_start3A_297 = arith.constant 0 : i32
      %dma_start3A_298 = arith.constant 0 : i32
      %dma_start3A_299 = tpu.memref_slice %arg12[%dma_start3A_297, %dma_start3A_298] : memref<10240x128xf32, #tpu.memory_space<vmem_shared>> -> memref<10240x128xf32, #tpu.memory_space<vmem_shared>>
      tpu.enqueue_indirect_dma source(%dma_start3A_293 : memref<64x128xf32, #tpu.memory_space<vmem>>) target(%dma_start3A_299 : memref<10240x128xf32, #tpu.memory_space<vmem_shared>>) offsets(%dma_start3A_296 : memref<64xi32, #tpu.memory_space<vmem>>) semaphore(%arg16 : memref<!tpu.dma_semaphore, #tpu.memory_space<semaphore_mem>>) {add = true}
      %jit3A_300 = arith.constant 2 : i32
      %eq3A_301 = arith.constant 0 : i32
      %eq3A_302 = arith.cmpi eq, %jit3A_300, %eq3A_301 : i32
      %jit3A_303 = arith.constant 1 : i32
      %select_n3A_304 = arith.select %eq3A_302, %jit3A_303, %jit3A_300 : i32
      %rem3A_305 = arith.remsi %select_n3A_214, %select_n3A_304 : i32
      %ne3A_306 = arith.constant 0 : i32
      %ne3A_307 = arith.cmpi ne, %rem3A_305, %ne3A_306 : i32
      %lt3A_308 = arith.constant 0 : i32
      %lt3A_309 = arith.cmpi slt, %rem3A_305, %lt3A_308 : i32
      %lt3A_310 = arith.constant 0 : i32
      %lt3A_311 = arith.cmpi slt, %select_n3A_304, %lt3A_310 : i32
      %ne3A_312 = arith.xori %lt3A_309, %lt3A_311 : i1
      %and3A_313 = arith.andi %ne3A_312, %ne3A_307 : i1
      %add3A_314 = arith.addi %rem3A_305, %select_n3A_304 : i32
      %select_n3A_315 = arith.select %and3A_313, %add3A_314, %rem3A_305 : i32
      %dma_start3A_316 = arith.constant 0 : i32
      %dma_start3A_317 = tpu.memref_slice %arg8[%select_n3A_315, %select_n3A_230, %dma_start3A_316] : memref<2x16x64xi32, #tpu.memory_space<vmem>> -> memref<1x1x64xi32, #tpu.memory_space<vmem>>
      %dma_start3A_318 = tpu.memref_squeeze %dma_start3A_317 : memref<1x1x64xi32, #tpu.memory_space<vmem>> -> memref<64xi32, #tpu.memory_space<vmem>>
      %dma_start3A_319 = arith.constant 0 : i32
      %dma_start3A_320 = tpu.memref_slice %arg13[%dma_start3A_319] : memref<10240xf32, #tpu.memory_space<vmem_shared>> -> memref<10240xf32, #tpu.memory_space<vmem_shared>>
      tpu.enqueue_indirect_dma source(%arg10 : memref<64xf32, #tpu.memory_space<vmem>>) target(%dma_start3A_320 : memref<10240xf32, #tpu.memory_space<vmem_shared>>) offsets(%dma_start3A_318 : memref<64xi32, #tpu.memory_space<vmem>>) semaphore(%arg17 : memref<!tpu.dma_semaphore, #tpu.memory_space<semaphore_mem>>) {add = true}
      %while3A_321 = arith.constant 0 : i32
      scf.yield %while3A_321 : i32
    }
    %gt3A_144 = arith.constant 0 : i32
    %gt3A_145 = arith.cmpi sgt, %mul3A_98, %gt3A_144 : i32
    %convert_element_type3A_146 = arith.extui %gt3A_145 : i1 to i32
    %cond3A_147 = arith.constant 0 : i32
    %cond3A_148 = arith.cmpi ne, %convert_element_type3A_146, %cond3A_147 : i32
    scf.if %cond3A_148 {
      %sub3A_174 = arith.constant 2 : i32
      %sub3A_175 = arith.subi %mul3A_98, %sub3A_174 : i32
      %jit3A_176 = arith.constant 4 : i32
      %eq3A_177 = arith.constant 0 : i32
      %eq3A_178 = arith.cmpi eq, %jit3A_176, %eq3A_177 : i32
      %jit3A_179 = arith.constant 1 : i32
      %select_n3A_180 = arith.select %eq3A_178, %jit3A_179, %jit3A_176 : i32
      %rem3A_181 = arith.remsi %sub3A_175, %select_n3A_180 : i32
      %ne3A_182 = arith.constant 0 : i32
      %ne3A_183 = arith.cmpi ne, %rem3A_181, %ne3A_182 : i32
      %lt3A = arith.constant 0 : i32
      %lt3A_184 = arith.cmpi slt, %rem3A_181, %lt3A : i32
      %lt3A_185 = arith.constant 0 : i32
      %lt3A_186 = arith.cmpi slt, %select_n3A_180, %lt3A_185 : i32
      %ne3A_187 = arith.xori %lt3A_184, %lt3A_186 : i1
      %and3A_188 = arith.andi %ne3A_187, %ne3A_183 : i1
      %add3A_189 = arith.addi %rem3A_181, %select_n3A_180 : i32
      %select_n3A_190 = arith.select %and3A_188, %add3A_189, %rem3A_181 : i32
      %dma_wait3A = arith.constant 0 : i32
      %dma_wait3A_191 = arith.constant 0 : i32
      %dma_wait3A_192 = tpu.memref_slice %arg9[%select_n3A_190, %dma_wait3A, %dma_wait3A_191] : memref<4x64x128xf32, #tpu.memory_space<vmem>> -> memref<1x64x128xf32, #tpu.memory_space<vmem>>
      %dma_wait3A_193 = tpu.memref_squeeze %dma_wait3A_192 : memref<1x64x128xf32, #tpu.memory_space<vmem>> -> memref<64x128xf32, #tpu.memory_space<vmem>>
      %dma_wait3A_194 = arith.constant 0 : i32
      %dma_wait3A_195 = arith.constant 0 : i32
      %dma_wait3A_196 = tpu.memref_slice %arg2[%dma_wait3A_194, %dma_wait3A_195] : memref<10240x128xf32, #tpu.memory_space<hbm>> -> memref<64x128xf32, #tpu.memory_space<hbm>>
      %dma_wait3A_197 = arith.constant 0 : i32
      %dma_wait3A_198 = arith.constant 0 : i32
      %dma_wait3A_199 = tpu.memref_slice %arg9[%select_n3A_190, %dma_wait3A_197, %dma_wait3A_198] : memref<4x64x128xf32, #tpu.memory_space<vmem>> -> memref<1x64x128xf32, #tpu.memory_space<vmem>>
      %dma_wait3A_200 = tpu.memref_squeeze %dma_wait3A_199 : memref<1x64x128xf32, #tpu.memory_space<vmem>> -> memref<64x128xf32, #tpu.memory_space<vmem>>
      %dma_wait3A_201 = arith.constant 0 : i32
      %dma_wait3A_202 = arith.constant 0 : i32
      %dma_wait3A_203 = tpu.memref_slice %arg2[%dma_wait3A_201, %dma_wait3A_202] : memref<10240x128xf32, #tpu.memory_space<hbm>> -> memref<64x128xf32, #tpu.memory_space<hbm>>
      tpu.wait_dma2 semaphore(%arg16 : memref<!tpu.dma_semaphore, #tpu.memory_space<semaphore_mem>>) src(%dma_wait3A_203 : memref<64x128xf32, #tpu.memory_space<hbm>>) dst(%dma_wait3A_200 : memref<64x128xf32, #tpu.memory_space<vmem>>)
      %sub3A_204 = arith.constant 1 : i32
      %sub3A_205 = arith.subi %mul3A_98, %sub3A_204 : i32
      %jit3A_206 = arith.constant 4 : i32
      %eq3A_207 = arith.constant 0 : i32
      %eq3A_208 = arith.cmpi eq, %jit3A_206, %eq3A_207 : i32
      %jit3A_209 = arith.constant 1 : i32
      %select_n3A_210 = arith.select %eq3A_208, %jit3A_209, %jit3A_206 : i32
      %rem3A_211 = arith.remsi %sub3A_205, %select_n3A_210 : i32
      %ne3A_212 = arith.constant 0 : i32
      %ne3A_213 = arith.cmpi ne, %rem3A_211, %ne3A_212 : i32
      %lt3A_214 = arith.constant 0 : i32
      %lt3A_215 = arith.cmpi slt, %rem3A_211, %lt3A_214 : i32
      %lt3A_216 = arith.constant 0 : i32
      %lt3A_217 = arith.cmpi slt, %select_n3A_210, %lt3A_216 : i32
      %ne3A_218 = arith.xori %lt3A_215, %lt3A_217 : i1
      %and3A_219 = arith.andi %ne3A_218, %ne3A_213 : i1
      %add3A_220 = arith.addi %rem3A_211, %select_n3A_210 : i32
      %select_n3A_221 = arith.select %and3A_219, %add3A_220, %rem3A_211 : i32
      %dma_wait3A_222 = arith.constant 0 : i32
      %dma_wait3A_223 = arith.constant 0 : i32
      %dma_wait3A_224 = tpu.memref_slice %arg9[%select_n3A_221, %dma_wait3A_222, %dma_wait3A_223] : memref<4x64x128xf32, #tpu.memory_space<vmem>> -> memref<1x64x128xf32, #tpu.memory_space<vmem>>
      %dma_wait3A_225 = tpu.memref_squeeze %dma_wait3A_224 : memref<1x64x128xf32, #tpu.memory_space<vmem>> -> memref<64x128xf32, #tpu.memory_space<vmem>>
      %dma_wait3A_226 = arith.constant 0 : i32
      %dma_wait3A_227 = arith.constant 0 : i32
      %dma_wait3A_228 = tpu.memref_slice %arg2[%dma_wait3A_226, %dma_wait3A_227] : memref<10240x128xf32, #tpu.memory_space<hbm>> -> memref<64x128xf32, #tpu.memory_space<hbm>>
      %dma_wait3A_229 = arith.constant 0 : i32
      %dma_wait3A_230 = arith.constant 0 : i32
      %dma_wait3A_231 = tpu.memref_slice %arg9[%select_n3A_221, %dma_wait3A_229, %dma_wait3A_230] : memref<4x64x128xf32, #tpu.memory_space<vmem>> -> memref<1x64x128xf32, #tpu.memory_space<vmem>>
      %dma_wait3A_232 = tpu.memref_squeeze %dma_wait3A_231 : memref<1x64x128xf32, #tpu.memory_space<vmem>> -> memref<64x128xf32, #tpu.memory_space<vmem>>
      %dma_wait3A_233 = arith.constant 0 : i32
      %dma_wait3A_234 = arith.constant 0 : i32
      %dma_wait3A_235 = tpu.memref_slice %arg2[%dma_wait3A_233, %dma_wait3A_234] : memref<10240x128xf32, #tpu.memory_space<hbm>> -> memref<64x128xf32, #tpu.memory_space<hbm>>
      tpu.wait_dma2 semaphore(%arg16 : memref<!tpu.dma_semaphore, #tpu.memory_space<semaphore_mem>>) src(%dma_wait3A_235 : memref<64x128xf32, #tpu.memory_space<hbm>>) dst(%dma_wait3A_232 : memref<64x128xf32, #tpu.memory_space<vmem>>)
      %dma_wait3A_236 = arith.constant 0 : i32
      %dma_wait3A_237 = arith.constant 0 : i32
      %dma_wait3A_238 = tpu.memref_slice %arg2[%dma_wait3A_236, %dma_wait3A_237] : memref<10240x128xf32, #tpu.memory_space<hbm>> -> memref<1x64xf32, #tpu.memory_space<hbm>>
      %dma_wait3A_239 = tpu.memref_squeeze %dma_wait3A_238 : memref<1x64xf32, #tpu.memory_space<hbm>> -> memref<64xf32, #tpu.memory_space<hbm>>
      %dma_wait3A_240 = arith.constant 0 : i32
      %dma_wait3A_241 = tpu.memref_slice %arg2[%dma_wait3A_236, %dma_wait3A_240] : memref<10240x128xf32, #tpu.memory_space<hbm>> -> memref<1x64xf32, #tpu.memory_space<hbm>>
      %dma_wait3A_242 = tpu.memref_squeeze %dma_wait3A_241 : memref<1x64xf32, #tpu.memory_space<hbm>> -> memref<64xf32, #tpu.memory_space<hbm>>
      tpu.wait_dma2 semaphore(%arg17 : memref<!tpu.dma_semaphore, #tpu.memory_space<semaphore_mem>>) src(%dma_wait3A_242 : memref<64xf32, #tpu.memory_space<hbm>>) dst(%arg10 : memref<64xf32, #tpu.memory_space<vmem>>)
      %dma_wait3A_243 = arith.constant 0 : i32
      %dma_wait3A_244 = arith.constant 0 : i32
      %dma_wait3A_245 = tpu.memref_slice %arg2[%dma_wait3A_243, %dma_wait3A_244] : memref<10240x128xf32, #tpu.memory_space<hbm>> -> memref<1x64xf32, #tpu.memory_space<hbm>>
      %dma_wait3A_246 = tpu.memref_squeeze %dma_wait3A_245 : memref<1x64xf32, #tpu.memory_space<hbm>> -> memref<64xf32, #tpu.memory_space<hbm>>
      %dma_wait3A_247 = arith.constant 0 : i32
      %dma_wait3A_248 = tpu.memref_slice %arg2[%dma_wait3A_243, %dma_wait3A_247] : memref<10240x128xf32, #tpu.memory_space<hbm>> -> memref<1x64xf32, #tpu.memory_space<hbm>>
      %dma_wait3A_249 = tpu.memref_squeeze %dma_wait3A_248 : memref<1x64xf32, #tpu.memory_space<hbm>> -> memref<64xf32, #tpu.memory_space<hbm>>
      tpu.wait_dma2 semaphore(%arg17 : memref<!tpu.dma_semaphore, #tpu.memory_space<semaphore_mem>>) src(%dma_wait3A_249 : memref<64xf32, #tpu.memory_space<hbm>>) dst(%arg10 : memref<64xf32, #tpu.memory_space<vmem>>)
    } else {
    }
    %barrier3A_149 = arith.constant 0 : index
    tpu.barrier barrier_id(%barrier3A_149)
    %mul3A_150 = arith.constant 640 : i32
    %mul3A_151 = arith.muli %arg1, %mul3A_150 : i32
    %add3A_152 = arith.constant 0 : i32
    %add3A_153 = arith.addi %mul3A_151, %add3A_152 : i32
    "tpu.region"() ({
      %run_scoped3A_174 = tpu.sem_alloc : memref<!tpu.dma_semaphore, #tpu.memory_space<semaphore_mem>>
      %dma_start3A = arith.constant 0 : i32
      %dma_start3A_175 = tpu.memref_slice %arg5[%arg0, %add3A_153, %dma_start3A] : memref<2x10240x128xf32, #tpu.memory_space<hbm>> -> memref<1x128x128xf32, #tpu.memory_space<hbm>>
      %dma_start3A_176 = tpu.memref_squeeze %dma_start3A_175 : memref<1x128x128xf32, #tpu.memory_space<hbm>> -> memref<128x128xf32, #tpu.memory_space<hbm>>
      %dma_start3A_177 = arith.constant 0 : i32
      %dma_start3A_178 = tpu.memref_slice %arg12[%add3A_153, %dma_start3A_177] : memref<10240x128xf32, #tpu.memory_space<vmem_shared>> -> memref<128x128xf32, #tpu.memory_space<vmem_shared>>
      tpu.enqueue_dma source(%dma_start3A_178 : memref<128x128xf32, #tpu.memory_space<vmem_shared>>) target(%dma_start3A_176 : memref<128x128xf32, #tpu.memory_space<hbm>>) target_semaphore(%run_scoped3A_174 : memref<!tpu.dma_semaphore, #tpu.memory_space<semaphore_mem>>)
      %dma_wait3A = arith.constant 0 : i32
      %dma_wait3A_179 = tpu.memref_slice %arg5[%arg0, %add3A_153, %dma_wait3A] : memref<2x10240x128xf32, #tpu.memory_space<hbm>> -> memref<1x128x128xf32, #tpu.memory_space<hbm>>
      %dma_wait3A_180 = tpu.memref_squeeze %dma_wait3A_179 : memref<1x128x128xf32, #tpu.memory_space<hbm>> -> memref<128x128xf32, #tpu.memory_space<hbm>>
      %dma_wait3A_181 = arith.constant 0 : i32
      %dma_wait3A_182 = tpu.memref_slice %arg12[%add3A_153, %dma_wait3A_181] : memref<10240x128xf32, #tpu.memory_space<vmem_shared>> -> memref<128x128xf32, #tpu.memory_space<vmem_shared>>
      tpu.wait_dma2 semaphore(%run_scoped3A_174 : memref<!tpu.dma_semaphore, #tpu.memory_space<semaphore_mem>>) src(%dma_wait3A_182 : memref<128x128xf32, #tpu.memory_space<vmem_shared>>) dst(%dma_wait3A_180 : memref<128x128xf32, #tpu.memory_space<hbm>>)
      tpu.yield
    }) : () -> ()
    %mul3A_154 = arith.constant 640 : i32
    %mul3A_155 = arith.muli %arg1, %mul3A_154 : i32
    %add3A_156 = arith.constant 128 : i32
    %add3A_157 = arith.addi %mul3A_155, %add3A_156 : i32
    "tpu.region"() ({
      %run_scoped3A_174 = tpu.sem_alloc : memref<!tpu.dma_semaphore, #tpu.memory_space<semaphore_mem>>
      %dma_start3A = arith.constant 0 : i32
      %dma_start3A_175 = tpu.memref_slice %arg5[%arg0, %add3A_157, %dma_start3A] : memref<2x10240x128xf32, #tpu.memory_space<hbm>> -> memref<1x128x128xf32, #tpu.memory_space<hbm>>
      %dma_start3A_176 = tpu.memref_squeeze %dma_start3A_175 : memref<1x128x128xf32, #tpu.memory_space<hbm>> -> memref<128x128xf32, #tpu.memory_space<hbm>>
      %dma_start3A_177 = arith.constant 0 : i32
      %dma_start3A_178 = tpu.memref_slice %arg12[%add3A_157, %dma_start3A_177] : memref<10240x128xf32, #tpu.memory_space<vmem_shared>> -> memref<128x128xf32, #tpu.memory_space<vmem_shared>>
      tpu.enqueue_dma source(%dma_start3A_178 : memref<128x128xf32, #tpu.memory_space<vmem_shared>>) target(%dma_start3A_176 : memref<128x128xf32, #tpu.memory_space<hbm>>) target_semaphore(%run_scoped3A_174 : memref<!tpu.dma_semaphore, #tpu.memory_space<semaphore_mem>>)
      %dma_wait3A = arith.constant 0 : i32
      %dma_wait3A_179 = tpu.memref_slice %arg5[%arg0, %add3A_157, %dma_wait3A] : memref<2x10240x128xf32, #tpu.memory_space<hbm>> -> memref<1x128x128xf32, #tpu.memory_space<hbm>>
      %dma_wait3A_180 = tpu.memref_squeeze %dma_wait3A_179 : memref<1x128x128xf32, #tpu.memory_space<hbm>> -> memref<128x128xf32, #tpu.memory_space<hbm>>
      %dma_wait3A_181 = arith.constant 0 : i32
      %dma_wait3A_182 = tpu.memref_slice %arg12[%add3A_157, %dma_wait3A_181] : memref<10240x128xf32, #tpu.memory_space<vmem_shared>> -> memref<128x128xf32, #tpu.memory_space<vmem_shared>>
      tpu.wait_dma2 semaphore(%run_scoped3A_174 : memref<!tpu.dma_semaphore, #tpu.memory_space<semaphore_mem>>) src(%dma_wait3A_182 : memref<128x128xf32, #tpu.memory_space<vmem_shared>>) dst(%dma_wait3A_180 : memref<128x128xf32, #tpu.memory_space<hbm>>)
      tpu.yield
    }) : () -> ()
    %mul3A_158 = arith.constant 640 : i32
    %mul3A_159 = arith.muli %arg1, %mul3A_158 : i32
    %add3A_160 = arith.constant 256 : i32
    %add3A_161 = arith.addi %mul3A_159, %add3A_160 : i32
    "tpu.region"() ({
      %run_scoped3A_174 = tpu.sem_alloc : memref<!tpu.dma_semaphore, #tpu.memory_space<semaphore_mem>>
      %dma_start3A = arith.constant 0 : i32
      %dma_start3A_175 = tpu.memref_slice %arg5[%arg0, %add3A_161, %dma_start3A] : memref<2x10240x128xf32, #tpu.memory_space<hbm>> -> memref<1x128x128xf32, #tpu.memory_space<hbm>>
      %dma_start3A_176 = tpu.memref_squeeze %dma_start3A_175 : memref<1x128x128xf32, #tpu.memory_space<hbm>> -> memref<128x128xf32, #tpu.memory_space<hbm>>
      %dma_start3A_177 = arith.constant 0 : i32
      %dma_start3A_178 = tpu.memref_slice %arg12[%add3A_161, %dma_start3A_177] : memref<10240x128xf32, #tpu.memory_space<vmem_shared>> -> memref<128x128xf32, #tpu.memory_space<vmem_shared>>
      tpu.enqueue_dma source(%dma_start3A_178 : memref<128x128xf32, #tpu.memory_space<vmem_shared>>) target(%dma_start3A_176 : memref<128x128xf32, #tpu.memory_space<hbm>>) target_semaphore(%run_scoped3A_174 : memref<!tpu.dma_semaphore, #tpu.memory_space<semaphore_mem>>)
      %dma_wait3A = arith.constant 0 : i32
      %dma_wait3A_179 = tpu.memref_slice %arg5[%arg0, %add3A_161, %dma_wait3A] : memref<2x10240x128xf32, #tpu.memory_space<hbm>> -> memref<1x128x128xf32, #tpu.memory_space<hbm>>
      %dma_wait3A_180 = tpu.memref_squeeze %dma_wait3A_179 : memref<1x128x128xf32, #tpu.memory_space<hbm>> -> memref<128x128xf32, #tpu.memory_space<hbm>>
      %dma_wait3A_181 = arith.constant 0 : i32
      %dma_wait3A_182 = tpu.memref_slice %arg12[%add3A_161, %dma_wait3A_181] : memref<10240x128xf32, #tpu.memory_space<vmem_shared>> -> memref<128x128xf32, #tpu.memory_space<vmem_shared>>
      tpu.wait_dma2 semaphore(%run_scoped3A_174 : memref<!tpu.dma_semaphore, #tpu.memory_space<semaphore_mem>>) src(%dma_wait3A_182 : memref<128x128xf32, #tpu.memory_space<vmem_shared>>) dst(%dma_wait3A_180 : memref<128x128xf32, #tpu.memory_space<hbm>>)
      tpu.yield
    }) : () -> ()
    %mul3A_162 = arith.constant 640 : i32
    %mul3A_163 = arith.muli %arg1, %mul3A_162 : i32
    %add3A_164 = arith.constant 384 : i32
    %add3A_165 = arith.addi %mul3A_163, %add3A_164 : i32
    "tpu.region"() ({
      %run_scoped3A_174 = tpu.sem_alloc : memref<!tpu.dma_semaphore, #tpu.memory_space<semaphore_mem>>
      %dma_start3A = arith.constant 0 : i32
      %dma_start3A_175 = tpu.memref_slice %arg5[%arg0, %add3A_165, %dma_start3A] : memref<2x10240x128xf32, #tpu.memory_space<hbm>> -> memref<1x128x128xf32, #tpu.memory_space<hbm>>
      %dma_start3A_176 = tpu.memref_squeeze %dma_start3A_175 : memref<1x128x128xf32, #tpu.memory_space<hbm>> -> memref<128x128xf32, #tpu.memory_space<hbm>>
      %dma_start3A_177 = arith.constant 0 : i32
      %dma_start3A_178 = tpu.memref_slice %arg12[%add3A_165, %dma_start3A_177] : memref<10240x128xf32, #tpu.memory_space<vmem_shared>> -> memref<128x128xf32, #tpu.memory_space<vmem_shared>>
      tpu.enqueue_dma source(%dma_start3A_178 : memref<128x128xf32, #tpu.memory_space<vmem_shared>>) target(%dma_start3A_176 : memref<128x128xf32, #tpu.memory_space<hbm>>) target_semaphore(%run_scoped3A_174 : memref<!tpu.dma_semaphore, #tpu.memory_space<semaphore_mem>>)
      %dma_wait3A = arith.constant 0 : i32
      %dma_wait3A_179 = tpu.memref_slice %arg5[%arg0, %add3A_165, %dma_wait3A] : memref<2x10240x128xf32, #tpu.memory_space<hbm>> -> memref<1x128x128xf32, #tpu.memory_space<hbm>>
      %dma_wait3A_180 = tpu.memref_squeeze %dma_wait3A_179 : memref<1x128x128xf32, #tpu.memory_space<hbm>> -> memref<128x128xf32, #tpu.memory_space<hbm>>
      %dma_wait3A_181 = arith.constant 0 : i32
      %dma_wait3A_182 = tpu.memref_slice %arg12[%add3A_165, %dma_wait3A_181] : memref<10240x128xf32, #tpu.memory_space<vmem_shared>> -> memref<128x128xf32, #tpu.memory_space<vmem_shared>>
      tpu.wait_dma2 semaphore(%run_scoped3A_174 : memref<!tpu.dma_semaphore, #tpu.memory_space<semaphore_mem>>) src(%dma_wait3A_182 : memref<128x128xf32, #tpu.memory_space<vmem_shared>>) dst(%dma_wait3A_180 : memref<128x128xf32, #tpu.memory_space<hbm>>)
      tpu.yield
    }) : () -> ()
    %mul3A_166 = arith.constant 640 : i32
    %mul3A_167 = arith.muli %arg1, %mul3A_166 : i32
    %add3A_168 = arith.constant 512 : i32
    %add3A_169 = arith.addi %mul3A_167, %add3A_168 : i32
    "tpu.region"() ({
      %run_scoped3A_174 = tpu.sem_alloc : memref<!tpu.dma_semaphore, #tpu.memory_space<semaphore_mem>>
      %dma_start3A = arith.constant 0 : i32
      %dma_start3A_175 = tpu.memref_slice %arg5[%arg0, %add3A_169, %dma_start3A] : memref<2x10240x128xf32, #tpu.memory_space<hbm>> -> memref<1x128x128xf32, #tpu.memory_space<hbm>>
      %dma_start3A_176 = tpu.memref_squeeze %dma_start3A_175 : memref<1x128x128xf32, #tpu.memory_space<hbm>> -> memref<128x128xf32, #tpu.memory_space<hbm>>
      %dma_start3A_177 = arith.constant 0 : i32
      %dma_start3A_178 = tpu.memref_slice %arg12[%add3A_169, %dma_start3A_177] : memref<10240x128xf32, #tpu.memory_space<vmem_shared>> -> memref<128x128xf32, #tpu.memory_space<vmem_shared>>
      tpu.enqueue_dma source(%dma_start3A_178 : memref<128x128xf32, #tpu.memory_space<vmem_shared>>) target(%dma_start3A_176 : memref<128x128xf32, #tpu.memory_space<hbm>>) target_semaphore(%run_scoped3A_174 : memref<!tpu.dma_semaphore, #tpu.memory_space<semaphore_mem>>)
      %dma_wait3A = arith.constant 0 : i32
      %dma_wait3A_179 = tpu.memref_slice %arg5[%arg0, %add3A_169, %dma_wait3A] : memref<2x10240x128xf32, #tpu.memory_space<hbm>> -> memref<1x128x128xf32, #tpu.memory_space<hbm>>
      %dma_wait3A_180 = tpu.memref_squeeze %dma_wait3A_179 : memref<1x128x128xf32, #tpu.memory_space<hbm>> -> memref<128x128xf32, #tpu.memory_space<hbm>>
      %dma_wait3A_181 = arith.constant 0 : i32
      %dma_wait3A_182 = tpu.memref_slice %arg12[%add3A_169, %dma_wait3A_181] : memref<10240x128xf32, #tpu.memory_space<vmem_shared>> -> memref<128x128xf32, #tpu.memory_space<vmem_shared>>
      tpu.wait_dma2 semaphore(%run_scoped3A_174 : memref<!tpu.dma_semaphore, #tpu.memory_space<semaphore_mem>>) src(%dma_wait3A_182 : memref<128x128xf32, #tpu.memory_space<vmem_shared>>) dst(%dma_wait3A_180 : memref<128x128xf32, #tpu.memory_space<hbm>>)
      tpu.yield
    }) : () -> ()
    %mul3A_170 = arith.constant 640 : i32
    %mul3A_171 = arith.muli %arg1, %mul3A_170 : i32
    %mul3A_172 = arith.constant 640 : i32
    %mul3A_173 = arith.muli %arg1, %mul3A_172 : i32
    "tpu.region"() ({
      %run_scoped3A_174 = tpu.sem_alloc : memref<!tpu.dma_semaphore, #tpu.memory_space<semaphore_mem>>
      %dma_start3A = tpu.memref_slice %arg6[%arg0, %mul3A_173] : memref<2x10240xf32, #tpu.memory_space<hbm>> -> memref<1x640xf32, #tpu.memory_space<hbm>>
      %dma_start3A_175 = tpu.memref_squeeze %dma_start3A : memref<1x640xf32, #tpu.memory_space<hbm>> -> memref<640xf32, #tpu.memory_space<hbm>>
      %dma_start3A_176 = tpu.memref_slice %arg13[%mul3A_171] : memref<10240xf32, #tpu.memory_space<vmem_shared>> -> memref<640xf32, #tpu.memory_space<vmem_shared>>
      tpu.enqueue_dma source(%dma_start3A_176 : memref<640xf32, #tpu.memory_space<vmem_shared>>) target(%dma_start3A_175 : memref<640xf32, #tpu.memory_space<hbm>>) target_semaphore(%run_scoped3A_174 : memref<!tpu.dma_semaphore, #tpu.memory_space<semaphore_mem>>)
      %dma_wait3A = tpu.memref_slice %arg6[%arg0, %mul3A_173] : memref<2x10240xf32, #tpu.memory_space<hbm>> -> memref<1x640xf32, #tpu.memory_space<hbm>>
      %dma_wait3A_177 = tpu.memref_squeeze %dma_wait3A : memref<1x640xf32, #tpu.memory_space<hbm>> -> memref<640xf32, #tpu.memory_space<hbm>>
      %dma_wait3A_178 = tpu.memref_slice %arg13[%mul3A_171] : memref<10240xf32, #tpu.memory_space<vmem_shared>> -> memref<640xf32, #tpu.memory_space<vmem_shared>>
      tpu.wait_dma2 semaphore(%run_scoped3A_174 : memref<!tpu.dma_semaphore, #tpu.memory_space<semaphore_mem>>) src(%dma_wait3A_178 : memref<640xf32, #tpu.memory_space<vmem_shared>>) dst(%dma_wait3A_177 : memref<640xf32, #tpu.memory_space<hbm>>)
      tpu.yield
    }) : () -> ()
    return
  }
}

#map = affine_map<(d0, d1) -> (0, 0)>
#map1 = affine_map<(d0, d1) -> (0, 0, 0)>
module attributes {stable_mosaic.version = 14 : i64} {
  func.func @_sc_agg_body(%arg0: i32, %arg1: i32, %arg2: memref<10240x128xf32, #tpu.memory_space<hbm>>, %arg3: memref<5152x64xi32, #tpu.memory_space<hbm>>, %arg4: memref<5152x64xi32, #tpu.memory_space<hbm>>, %arg5: memref<2x10240x128xf32, #tpu.memory_space<hbm>>, %arg6: memref<2x16x64xi32, #tpu.memory_space<vmem>>, %arg7: memref<2x16x64xi32, #tpu.memory_space<vmem>>, %arg8: memref<4x64x128xf32, #tpu.memory_space<vmem>>, %arg9: memref<64xf32, #tpu.memory_space<vmem>>, %arg10: memref<640xf32, #tpu.memory_space<vmem>>, %arg11: memref<10240x128xf32, #tpu.memory_space<vmem_shared>>, %arg12: memref<10240xf32, #tpu.memory_space<vmem_shared>>, %arg13: memref<!tpu.dma_semaphore, #tpu.memory_space<semaphore_mem>>, %arg14: memref<!tpu.dma_semaphore, #tpu.memory_space<semaphore_mem>>, %arg15: memref<!tpu.dma_semaphore, #tpu.memory_space<semaphore_mem>>, %arg16: memref<!tpu.dma_semaphore, #tpu.memory_space<semaphore_mem>>) attributes {dimension_semantics = [#tpu.dimension_semantics<core_parallel>, #tpu.dimension_semantics<subcore_parallel>], iteration_bounds = array<i64: 2, 16>, scalar_prefetch = 0 : i64, scratch_operands = 11 : i64, tpu.core_type = #tpu.core_type<sc_vector_subcore>, window_params = [{transform_indices = #map}, {transform_indices = #map}, {transform_indices = #map}, {transform_indices = #map1}]} {
    %scan3A = arith.constant 0 : i32
    %scan3A_0 = arith.constant 0 : i32
    %scan3A_1 = arith.constant 64 : i32
    %scan3A_2 = arith.addi %scan3A_0, %scan3A_1 : i32
    %scan3A_3 = arith.constant 1 : i32
    %scan3A_4 = scf.for %scan3A_168 = %scan3A_0 to %scan3A_2 step %scan3A_3 iter_args(%scan3A_169 = %scan3A) -> (i32)  : i32 {
      %broadcast_in_dim3A_170 = arith.constant 0.000000e+00 : f32
      %broadcast_in_dim3A_171 = vector.broadcast %broadcast_in_dim3A_170 : f32 to vector<16xf32>
      %swap3A_172 = arith.constant 0 : i32
      %swap3A_173 = arith.index_cast %swap3A_172 : i32 to index
      %swap3A_174 = arith.index_cast %scan3A_168 : i32 to index
      %swap3A_175 = arith.constant 0 : index
      %swap3A_176 = tpu.vector_load %arg8[%swap3A_173, %swap3A_174, %swap3A_175] {strides = array<i32>} : memref<4x64x128xf32, #tpu.memory_space<vmem>>, vector<1x1x16xf32>,
      %swap3A_177 = vector.shape_cast %swap3A_176 : vector<1x1x16xf32> to vector<16xf32>
      %swap3A_178 = vector.shape_cast %broadcast_in_dim3A_171 : vector<16xf32> to vector<1x1x16xf32>
      tpu.vector_store %arg8[%swap3A_173, %swap3A_174, %swap3A_175], %swap3A_178 {strides = array<i32>} : memref<4x64x128xf32, #tpu.memory_space<vmem>>, vector<1x1x16xf32>,
      %broadcast_in_dim3A_179 = arith.constant 0.000000e+00 : f32
      %broadcast_in_dim3A_180 = vector.broadcast %broadcast_in_dim3A_179 : f32 to vector<16xf32>
      %swap3A_181 = arith.constant 0 : i32
      %swap3A_182 = arith.index_cast %swap3A_181 : i32 to index
      %swap3A_183 = arith.index_cast %scan3A_168 : i32 to index
      %swap3A_184 = arith.constant 16 : index
      %swap3A_185 = tpu.vector_load %arg8[%swap3A_182, %swap3A_183, %swap3A_184] {strides = array<i32>} : memref<4x64x128xf32, #tpu.memory_space<vmem>>, vector<1x1x16xf32>,
      %swap3A_186 = vector.shape_cast %swap3A_185 : vector<1x1x16xf32> to vector<16xf32>
      %swap3A_187 = vector.shape_cast %broadcast_in_dim3A_180 : vector<16xf32> to vector<1x1x16xf32>
      tpu.vector_store %arg8[%swap3A_182, %swap3A_183, %swap3A_184], %swap3A_187 {strides = array<i32>} : memref<4x64x128xf32, #tpu.memory_space<vmem>>, vector<1x1x16xf32>,
      %broadcast_in_dim3A_188 = arith.constant 0.000000e+00 : f32
      %broadcast_in_dim3A_189 = vector.broadcast %broadcast_in_dim3A_188 : f32 to vector<16xf32>
      %swap3A_190 = arith.constant 0 : i32
      %swap3A_191 = arith.index_cast %swap3A_190 : i32 to index
      %swap3A_192 = arith.index_cast %scan3A_168 : i32 to index
      %swap3A_193 = arith.constant 32 : index
      %swap3A_194 = tpu.vector_load %arg8[%swap3A_191, %swap3A_192, %swap3A_193] {strides = array<i32>} : memref<4x64x128xf32, #tpu.memory_space<vmem>>, vector<1x1x16xf32>,
      %swap3A_195 = vector.shape_cast %swap3A_194 : vector<1x1x16xf32> to vector<16xf32>
      %swap3A_196 = vector.shape_cast %broadcast_in_dim3A_189 : vector<16xf32> to vector<1x1x16xf32>
      tpu.vector_store %arg8[%swap3A_191, %swap3A_192, %swap3A_193], %swap3A_196 {strides = array<i32>} : memref<4x64x128xf32, #tpu.memory_space<vmem>>, vector<1x1x16xf32>,
      %broadcast_in_dim3A_197 = arith.constant 0.000000e+00 : f32
      %broadcast_in_dim3A_198 = vector.broadcast %broadcast_in_dim3A_197 : f32 to vector<16xf32>
      %swap3A_199 = arith.constant 0 : i32
      %swap3A_200 = arith.index_cast %swap3A_199 : i32 to index
      %swap3A_201 = arith.index_cast %scan3A_168 : i32 to index
      %swap3A_202 = arith.constant 48 : index
      %swap3A_203 = tpu.vector_load %arg8[%swap3A_200, %swap3A_201, %swap3A_202] {strides = array<i32>} : memref<4x64x128xf32, #tpu.memory_space<vmem>>, vector<1x1x16xf32>,
      %swap3A_204 = vector.shape_cast %swap3A_203 : vector<1x1x16xf32> to vector<16xf32>
      %swap3A_205 = vector.shape_cast %broadcast_in_dim3A_198 : vector<16xf32> to vector<1x1x16xf32>
      tpu.vector_store %arg8[%swap3A_200, %swap3A_201, %swap3A_202], %swap3A_205 {strides = array<i32>} : memref<4x64x128xf32, #tpu.memory_space<vmem>>, vector<1x1x16xf32>,
      %broadcast_in_dim3A_206 = arith.constant 0.000000e+00 : f32
      %broadcast_in_dim3A_207 = vector.broadcast %broadcast_in_dim3A_206 : f32 to vector<16xf32>
      %swap3A_208 = arith.constant 0 : i32
      %swap3A_209 = arith.index_cast %swap3A_208 : i32 to index
      %swap3A_210 = arith.index_cast %scan3A_168 : i32 to index
      %swap3A_211 = arith.constant 64 : index
      %swap3A_212 = tpu.vector_load %arg8[%swap3A_209, %swap3A_210, %swap3A_211] {strides = array<i32>} : memref<4x64x128xf32, #tpu.memory_space<vmem>>, vector<1x1x16xf32>,
      %swap3A_213 = vector.shape_cast %swap3A_212 : vector<1x1x16xf32> to vector<16xf32>
      %swap3A_214 = vector.shape_cast %broadcast_in_dim3A_207 : vector<16xf32> to vector<1x1x16xf32>
      tpu.vector_store %arg8[%swap3A_209, %swap3A_210, %swap3A_211], %swap3A_214 {strides = array<i32>} : memref<4x64x128xf32, #tpu.memory_space<vmem>>, vector<1x1x16xf32>,
      %broadcast_in_dim3A_215 = arith.constant 0.000000e+00 : f32
      %broadcast_in_dim3A_216 = vector.broadcast %broadcast_in_dim3A_215 : f32 to vector<16xf32>
      %swap3A_217 = arith.constant 0 : i32
      %swap3A_218 = arith.index_cast %swap3A_217 : i32 to index
      %swap3A_219 = arith.index_cast %scan3A_168 : i32 to index
      %swap3A_220 = arith.constant 80 : index
      %swap3A_221 = tpu.vector_load %arg8[%swap3A_218, %swap3A_219, %swap3A_220] {strides = array<i32>} : memref<4x64x128xf32, #tpu.memory_space<vmem>>, vector<1x1x16xf32>,
      %swap3A_222 = vector.shape_cast %swap3A_221 : vector<1x1x16xf32> to vector<16xf32>
      %swap3A_223 = vector.shape_cast %broadcast_in_dim3A_216 : vector<16xf32> to vector<1x1x16xf32>
      tpu.vector_store %arg8[%swap3A_218, %swap3A_219, %swap3A_220], %swap3A_223 {strides = array<i32>} : memref<4x64x128xf32, #tpu.memory_space<vmem>>, vector<1x1x16xf32>,
      %broadcast_in_dim3A_224 = arith.constant 0.000000e+00 : f32
      %broadcast_in_dim3A_225 = vector.broadcast %broadcast_in_dim3A_224 : f32 to vector<16xf32>
      %swap3A_226 = arith.constant 0 : i32
      %swap3A_227 = arith.index_cast %swap3A_226 : i32 to index
      %swap3A_228 = arith.index_cast %scan3A_168 : i32 to index
      %swap3A_229 = arith.constant 96 : index
      %swap3A_230 = tpu.vector_load %arg8[%swap3A_227, %swap3A_228, %swap3A_229] {strides = array<i32>} : memref<4x64x128xf32, #tpu.memory_space<vmem>>, vector<1x1x16xf32>,
      %swap3A_231 = vector.shape_cast %swap3A_230 : vector<1x1x16xf32> to vector<16xf32>
      %swap3A_232 = vector.shape_cast %broadcast_in_dim3A_225 : vector<16xf32> to vector<1x1x16xf32>
      tpu.vector_store %arg8[%swap3A_227, %swap3A_228, %swap3A_229], %swap3A_232 {strides = array<i32>} : memref<4x64x128xf32, #tpu.memory_space<vmem>>, vector<1x1x16xf32>,
      %broadcast_in_dim3A_233 = arith.constant 0.000000e+00 : f32
      %broadcast_in_dim3A_234 = vector.broadcast %broadcast_in_dim3A_233 : f32 to vector<16xf32>
      %swap3A_235 = arith.constant 0 : i32
      %swap3A_236 = arith.index_cast %swap3A_235 : i32 to index
      %swap3A_237 = arith.index_cast %scan3A_168 : i32 to index
      %swap3A_238 = arith.constant 112 : index
      %swap3A_239 = tpu.vector_load %arg8[%swap3A_236, %swap3A_237, %swap3A_238] {strides = array<i32>} : memref<4x64x128xf32, #tpu.memory_space<vmem>>, vector<1x1x16xf32>,
      %swap3A_240 = vector.shape_cast %swap3A_239 : vector<1x1x16xf32> to vector<16xf32>
      %swap3A_241 = vector.shape_cast %broadcast_in_dim3A_234 : vector<16xf32> to vector<1x1x16xf32>
      tpu.vector_store %arg8[%swap3A_236, %swap3A_237, %swap3A_238], %swap3A_241 {strides = array<i32>} : memref<4x64x128xf32, #tpu.memory_space<vmem>>, vector<1x1x16xf32>,
      %scan3A_242 = arith.constant 0 : i32
      scf.yield %scan3A_242 : i32
    }
    %scan3A_5 = arith.constant 64 : i32
    %scan3A_6 = arith.constant 0 : i32
    %scan3A_7 = arith.constant 0 : i32
    %scan3A_8 = arith.constant 40 : i32
    %scan3A_9 = arith.addi %scan3A_7, %scan3A_8 : i32
    %scan3A_10 = arith.constant 1 : i32
    %scan3A_11 = scf.for %scan3A_168 = %scan3A_7 to %scan3A_9 step %scan3A_10 iter_args(%scan3A_169 = %scan3A_6) -> (i32)  : i32 {
      %broadcast_in_dim3A_170 = arith.constant 0.000000e+00 : f32
      %broadcast_in_dim3A_171 = vector.broadcast %broadcast_in_dim3A_170 : f32 to vector<16xf32>
      %mul3A_172 = arith.constant 16 : i32
      %mul3A_173 = arith.muli %scan3A_168, %mul3A_172 : i32
      %swap3A_174 = arith.index_cast %mul3A_173 : i32 to index
      %swap3A_175 = tpu.vector_load %arg10[%swap3A_174] {strides = array<i32>} : memref<640xf32, #tpu.memory_space<vmem>>, vector<16xf32>,
      %swap3A_176 = vector.shape_cast %swap3A_175 : vector<16xf32> to vector<16xf32>
      %swap3A_177 = vector.shape_cast %broadcast_in_dim3A_171 : vector<16xf32> to vector<16xf32>
      tpu.vector_store %arg10[%swap3A_174], %swap3A_177 {strides = array<i32>} : memref<640xf32, #tpu.memory_space<vmem>>, vector<16xf32>,
      %scan3A_178 = arith.constant 0 : i32
      scf.yield %scan3A_178 : i32
    }
    %scan3A_12 = arith.constant 40 : i32
    %broadcast_in_dim3A = arith.constant 1.000000e+00 : f32
    %broadcast_in_dim3A_13 = vector.broadcast %broadcast_in_dim3A : f32 to vector<16xf32>
    %swap3A = arith.constant 0 : index
    %swap3A_14 = tpu.vector_load %arg9[%swap3A] {strides = array<i32>} : memref<64xf32, #tpu.memory_space<vmem>>, vector<16xf32>,
    %swap3A_15 = vector.shape_cast %swap3A_14 : vector<16xf32> to vector<16xf32>
    %swap3A_16 = vector.shape_cast %broadcast_in_dim3A_13 : vector<16xf32> to vector<16xf32>
    tpu.vector_store %arg9[%swap3A], %swap3A_16 {strides = array<i32>} : memref<64xf32, #tpu.memory_space<vmem>>, vector<16xf32>,
    %broadcast_in_dim3A_17 = arith.constant 1.000000e+00 : f32
    %broadcast_in_dim3A_18 = vector.broadcast %broadcast_in_dim3A_17 : f32 to vector<16xf32>
    %swap3A_19 = arith.constant 16 : index
    %swap3A_20 = tpu.vector_load %arg9[%swap3A_19] {strides = array<i32>} : memref<64xf32, #tpu.memory_space<vmem>>, vector<16xf32>,
    %swap3A_21 = vector.shape_cast %swap3A_20 : vector<16xf32> to vector<16xf32>
    %swap3A_22 = vector.shape_cast %broadcast_in_dim3A_18 : vector<16xf32> to vector<16xf32>
    tpu.vector_store %arg9[%swap3A_19], %swap3A_22 {strides = array<i32>} : memref<64xf32, #tpu.memory_space<vmem>>, vector<16xf32>,
    %broadcast_in_dim3A_23 = arith.constant 1.000000e+00 : f32
    %broadcast_in_dim3A_24 = vector.broadcast %broadcast_in_dim3A_23 : f32 to vector<16xf32>
    %swap3A_25 = arith.constant 32 : index
    %swap3A_26 = tpu.vector_load %arg9[%swap3A_25] {strides = array<i32>} : memref<64xf32, #tpu.memory_space<vmem>>, vector<16xf32>,
    %swap3A_27 = vector.shape_cast %swap3A_26 : vector<16xf32> to vector<16xf32>
    %swap3A_28 = vector.shape_cast %broadcast_in_dim3A_24 : vector<16xf32> to vector<16xf32>
    tpu.vector_store %arg9[%swap3A_25], %swap3A_28 {strides = array<i32>} : memref<64xf32, #tpu.memory_space<vmem>>, vector<16xf32>,
    %broadcast_in_dim3A_29 = arith.constant 1.000000e+00 : f32
    %broadcast_in_dim3A_30 = vector.broadcast %broadcast_in_dim3A_29 : f32 to vector<16xf32>
    %swap3A_31 = arith.constant 48 : index
    %swap3A_32 = tpu.vector_load %arg9[%swap3A_31] {strides = array<i32>} : memref<64xf32, #tpu.memory_space<vmem>>, vector<16xf32>,
    %swap3A_33 = vector.shape_cast %swap3A_32 : vector<16xf32> to vector<16xf32>
    %swap3A_34 = vector.shape_cast %broadcast_in_dim3A_30 : vector<16xf32> to vector<16xf32>
    tpu.vector_store %arg9[%swap3A_31], %swap3A_34 {strides = array<i32>} : memref<64xf32, #tpu.memory_space<vmem>>, vector<16xf32>,
    %mul3A = arith.constant 640 : i32
    %mul3A_35 = arith.muli %arg1, %mul3A : i32
    %add3A = arith.constant 0 : i32
    %add3A_36 = arith.addi %mul3A_35, %add3A : i32
    %run_scoped3A = arith.constant 0 : i32
    "tpu.region"() ({
      %run_scoped3A_168 = tpu.sem_alloc : memref<!tpu.dma_semaphore, #tpu.memory_space<semaphore_mem>>
      %dma_start3A = arith.constant 0 : i32
      %dma_start3A_169 = arith.constant 0 : i32
      %dma_start3A_170 = tpu.memref_slice %arg8[%run_scoped3A, %dma_start3A, %dma_start3A_169] : memref<4x64x128xf32, #tpu.memory_space<vmem>> -> memref<1x64x128xf32, #tpu.memory_space<vmem>>
      %dma_start3A_171 = tpu.memref_squeeze %dma_start3A_170 : memref<1x64x128xf32, #tpu.memory_space<vmem>> -> memref<64x128xf32, #tpu.memory_space<vmem>>
      %dma_start3A_172 = arith.constant 0 : i32
      %dma_start3A_173 = tpu.memref_slice %arg11[%add3A_36, %dma_start3A_172] : memref<10240x128xf32, #tpu.memory_space<vmem_shared>> -> memref<64x128xf32, #tpu.memory_space<vmem_shared>>
      %dma_start3A_174 = arith.constant 0 : i32
      %dma_start3A_175 = tpu.memref_slice %arg11[%add3A_36, %dma_start3A_174] : memref<10240x128xf32, #tpu.memory_space<vmem_shared>> -> memref<64x128xf32, #tpu.memory_space<vmem_shared>>
      %dma_start3A_176 = arith.constant 0 : i32
      %dma_start3A_177 = arith.constant 0 : i32
      %dma_start3A_178 = tpu.memref_slice %arg8[%run_scoped3A, %dma_start3A_176, %dma_start3A_177] : memref<4x64x128xf32, #tpu.memory_space<vmem>> -> memref<1x64x128xf32, #tpu.memory_space<vmem>>
      %dma_start3A_179 = tpu.memref_squeeze %dma_start3A_178 : memref<1x64x128xf32, #tpu.memory_space<vmem>> -> memref<64x128xf32, #tpu.memory_space<vmem>>
      tpu.enqueue_dma source(%dma_start3A_179 : memref<64x128xf32, #tpu.memory_space<vmem>>) target(%dma_start3A_175 : memref<64x128xf32, #tpu.memory_space<vmem_shared>>) target_semaphore(%run_scoped3A_168 : memref<!tpu.dma_semaphore, #tpu.memory_space<semaphore_mem>>)
      %dma_wait3A = arith.constant 0 : i32
      %dma_wait3A_180 = arith.constant 0 : i32
      %dma_wait3A_181 = tpu.memref_slice %arg8[%run_scoped3A, %dma_wait3A, %dma_wait3A_180] : memref<4x64x128xf32, #tpu.memory_space<vmem>> -> memref<1x64x128xf32, #tpu.memory_space<vmem>>
      %dma_wait3A_182 = tpu.memref_squeeze %dma_wait3A_181 : memref<1x64x128xf32, #tpu.memory_space<vmem>> -> memref<64x128xf32, #tpu.memory_space<vmem>>
      %dma_wait3A_183 = arith.constant 0 : i32
      %dma_wait3A_184 = tpu.memref_slice %arg11[%add3A_36, %dma_wait3A_183] : memref<10240x128xf32, #tpu.memory_space<vmem_shared>> -> memref<64x128xf32, #tpu.memory_space<vmem_shared>>
      %dma_wait3A_185 = arith.constant 0 : i32
      %dma_wait3A_186 = tpu.memref_slice %arg11[%add3A_36, %dma_wait3A_185] : memref<10240x128xf32, #tpu.memory_space<vmem_shared>> -> memref<64x128xf32, #tpu.memory_space<vmem_shared>>
      %dma_wait3A_187 = arith.constant 0 : i32
      %dma_wait3A_188 = arith.constant 0 : i32
      %dma_wait3A_189 = tpu.memref_slice %arg8[%run_scoped3A, %dma_wait3A_187, %dma_wait3A_188] : memref<4x64x128xf32, #tpu.memory_space<vmem>> -> memref<1x64x128xf32, #tpu.memory_space<vmem>>
      %dma_wait3A_190 = tpu.memref_squeeze %dma_wait3A_189 : memref<1x64x128xf32, #tpu.memory_space<vmem>> -> memref<64x128xf32, #tpu.memory_space<vmem>>
      tpu.wait_dma2 semaphore(%run_scoped3A_168 : memref<!tpu.dma_semaphore, #tpu.memory_space<semaphore_mem>>) src(%dma_wait3A_190 : memref<64x128xf32, #tpu.memory_space<vmem>>) dst(%dma_wait3A_186 : memref<64x128xf32, #tpu.memory_space<vmem_shared>>)
      tpu.yield
    }) : () -> ()
    %mul3A_37 = arith.constant 640 : i32
    %mul3A_38 = arith.muli %arg1, %mul3A_37 : i32
    %add3A_39 = arith.constant 64 : i32
    %add3A_40 = arith.addi %mul3A_38, %add3A_39 : i32
    %run_scoped3A_41 = arith.constant 0 : i32
    "tpu.region"() ({
      %run_scoped3A_168 = tpu.sem_alloc : memref<!tpu.dma_semaphore, #tpu.memory_space<semaphore_mem>>
      %dma_start3A = arith.constant 0 : i32
      %dma_start3A_169 = arith.constant 0 : i32
      %dma_start3A_170 = tpu.memref_slice %arg8[%run_scoped3A_41, %dma_start3A, %dma_start3A_169] : memref<4x64x128xf32, #tpu.memory_space<vmem>> -> memref<1x64x128xf32, #tpu.memory_space<vmem>>
      %dma_start3A_171 = tpu.memref_squeeze %dma_start3A_170 : memref<1x64x128xf32, #tpu.memory_space<vmem>> -> memref<64x128xf32, #tpu.memory_space<vmem>>
      %dma_start3A_172 = arith.constant 0 : i32
      %dma_start3A_173 = tpu.memref_slice %arg11[%add3A_40, %dma_start3A_172] : memref<10240x128xf32, #tpu.memory_space<vmem_shared>> -> memref<64x128xf32, #tpu.memory_space<vmem_shared>>
      %dma_start3A_174 = arith.constant 0 : i32
      %dma_start3A_175 = tpu.memref_slice %arg11[%add3A_40, %dma_start3A_174] : memref<10240x128xf32, #tpu.memory_space<vmem_shared>> -> memref<64x128xf32, #tpu.memory_space<vmem_shared>>
      %dma_start3A_176 = arith.constant 0 : i32
      %dma_start3A_177 = arith.constant 0 : i32
      %dma_start3A_178 = tpu.memref_slice %arg8[%run_scoped3A_41, %dma_start3A_176, %dma_start3A_177] : memref<4x64x128xf32, #tpu.memory_space<vmem>> -> memref<1x64x128xf32, #tpu.memory_space<vmem>>
      %dma_start3A_179 = tpu.memref_squeeze %dma_start3A_178 : memref<1x64x128xf32, #tpu.memory_space<vmem>> -> memref<64x128xf32, #tpu.memory_space<vmem>>
      tpu.enqueue_dma source(%dma_start3A_179 : memref<64x128xf32, #tpu.memory_space<vmem>>) target(%dma_start3A_175 : memref<64x128xf32, #tpu.memory_space<vmem_shared>>) target_semaphore(%run_scoped3A_168 : memref<!tpu.dma_semaphore, #tpu.memory_space<semaphore_mem>>)
      %dma_wait3A = arith.constant 0 : i32
      %dma_wait3A_180 = arith.constant 0 : i32
      %dma_wait3A_181 = tpu.memref_slice %arg8[%run_scoped3A_41, %dma_wait3A, %dma_wait3A_180] : memref<4x64x128xf32, #tpu.memory_space<vmem>> -> memref<1x64x128xf32, #tpu.memory_space<vmem>>
      %dma_wait3A_182 = tpu.memref_squeeze %dma_wait3A_181 : memref<1x64x128xf32, #tpu.memory_space<vmem>> -> memref<64x128xf32, #tpu.memory_space<vmem>>
      %dma_wait3A_183 = arith.constant 0 : i32
      %dma_wait3A_184 = tpu.memref_slice %arg11[%add3A_40, %dma_wait3A_183] : memref<10240x128xf32, #tpu.memory_space<vmem_shared>> -> memref<64x128xf32, #tpu.memory_space<vmem_shared>>
      %dma_wait3A_185 = arith.constant 0 : i32
      %dma_wait3A_186 = tpu.memref_slice %arg11[%add3A_40, %dma_wait3A_185] : memref<10240x128xf32, #tpu.memory_space<vmem_shared>> -> memref<64x128xf32, #tpu.memory_space<vmem_shared>>
      %dma_wait3A_187 = arith.constant 0 : i32
      %dma_wait3A_188 = arith.constant 0 : i32
      %dma_wait3A_189 = tpu.memref_slice %arg8[%run_scoped3A_41, %dma_wait3A_187, %dma_wait3A_188] : memref<4x64x128xf32, #tpu.memory_space<vmem>> -> memref<1x64x128xf32, #tpu.memory_space<vmem>>
      %dma_wait3A_190 = tpu.memref_squeeze %dma_wait3A_189 : memref<1x64x128xf32, #tpu.memory_space<vmem>> -> memref<64x128xf32, #tpu.memory_space<vmem>>
      tpu.wait_dma2 semaphore(%run_scoped3A_168 : memref<!tpu.dma_semaphore, #tpu.memory_space<semaphore_mem>>) src(%dma_wait3A_190 : memref<64x128xf32, #tpu.memory_space<vmem>>) dst(%dma_wait3A_186 : memref<64x128xf32, #tpu.memory_space<vmem_shared>>)
      tpu.yield
    }) : () -> ()
    %mul3A_42 = arith.constant 640 : i32
    %mul3A_43 = arith.muli %arg1, %mul3A_42 : i32
    %add3A_44 = arith.constant 128 : i32
    %add3A_45 = arith.addi %mul3A_43, %add3A_44 : i32
    %run_scoped3A_46 = arith.constant 0 : i32
    "tpu.region"() ({
      %run_scoped3A_168 = tpu.sem_alloc : memref<!tpu.dma_semaphore, #tpu.memory_space<semaphore_mem>>
      %dma_start3A = arith.constant 0 : i32
      %dma_start3A_169 = arith.constant 0 : i32
      %dma_start3A_170 = tpu.memref_slice %arg8[%run_scoped3A_46, %dma_start3A, %dma_start3A_169] : memref<4x64x128xf32, #tpu.memory_space<vmem>> -> memref<1x64x128xf32, #tpu.memory_space<vmem>>
      %dma_start3A_171 = tpu.memref_squeeze %dma_start3A_170 : memref<1x64x128xf32, #tpu.memory_space<vmem>> -> memref<64x128xf32, #tpu.memory_space<vmem>>
      %dma_start3A_172 = arith.constant 0 : i32
      %dma_start3A_173 = tpu.memref_slice %arg11[%add3A_45, %dma_start3A_172] : memref<10240x128xf32, #tpu.memory_space<vmem_shared>> -> memref<64x128xf32, #tpu.memory_space<vmem_shared>>
      %dma_start3A_174 = arith.constant 0 : i32
      %dma_start3A_175 = tpu.memref_slice %arg11[%add3A_45, %dma_start3A_174] : memref<10240x128xf32, #tpu.memory_space<vmem_shared>> -> memref<64x128xf32, #tpu.memory_space<vmem_shared>>
      %dma_start3A_176 = arith.constant 0 : i32
      %dma_start3A_177 = arith.constant 0 : i32
      %dma_start3A_178 = tpu.memref_slice %arg8[%run_scoped3A_46, %dma_start3A_176, %dma_start3A_177] : memref<4x64x128xf32, #tpu.memory_space<vmem>> -> memref<1x64x128xf32, #tpu.memory_space<vmem>>
      %dma_start3A_179 = tpu.memref_squeeze %dma_start3A_178 : memref<1x64x128xf32, #tpu.memory_space<vmem>> -> memref<64x128xf32, #tpu.memory_space<vmem>>
      tpu.enqueue_dma source(%dma_start3A_179 : memref<64x128xf32, #tpu.memory_space<vmem>>) target(%dma_start3A_175 : memref<64x128xf32, #tpu.memory_space<vmem_shared>>) target_semaphore(%run_scoped3A_168 : memref<!tpu.dma_semaphore, #tpu.memory_space<semaphore_mem>>)
      %dma_wait3A = arith.constant 0 : i32
      %dma_wait3A_180 = arith.constant 0 : i32
      %dma_wait3A_181 = tpu.memref_slice %arg8[%run_scoped3A_46, %dma_wait3A, %dma_wait3A_180] : memref<4x64x128xf32, #tpu.memory_space<vmem>> -> memref<1x64x128xf32, #tpu.memory_space<vmem>>
      %dma_wait3A_182 = tpu.memref_squeeze %dma_wait3A_181 : memref<1x64x128xf32, #tpu.memory_space<vmem>> -> memref<64x128xf32, #tpu.memory_space<vmem>>
      %dma_wait3A_183 = arith.constant 0 : i32
      %dma_wait3A_184 = tpu.memref_slice %arg11[%add3A_45, %dma_wait3A_183] : memref<10240x128xf32, #tpu.memory_space<vmem_shared>> -> memref<64x128xf32, #tpu.memory_space<vmem_shared>>
      %dma_wait3A_185 = arith.constant 0 : i32
      %dma_wait3A_186 = tpu.memref_slice %arg11[%add3A_45, %dma_wait3A_185] : memref<10240x128xf32, #tpu.memory_space<vmem_shared>> -> memref<64x128xf32, #tpu.memory_space<vmem_shared>>
      %dma_wait3A_187 = arith.constant 0 : i32
      %dma_wait3A_188 = arith.constant 0 : i32
      %dma_wait3A_189 = tpu.memref_slice %arg8[%run_scoped3A_46, %dma_wait3A_187, %dma_wait3A_188] : memref<4x64x128xf32, #tpu.memory_space<vmem>> -> memref<1x64x128xf32, #tpu.memory_space<vmem>>
      %dma_wait3A_190 = tpu.memref_squeeze %dma_wait3A_189 : memref<1x64x128xf32, #tpu.memory_space<vmem>> -> memref<64x128xf32, #tpu.memory_space<vmem>>
      tpu.wait_dma2 semaphore(%run_scoped3A_168 : memref<!tpu.dma_semaphore, #tpu.memory_space<semaphore_mem>>) src(%dma_wait3A_190 : memref<64x128xf32, #tpu.memory_space<vmem>>) dst(%dma_wait3A_186 : memref<64x128xf32, #tpu.memory_space<vmem_shared>>)
      tpu.yield
    }) : () -> ()
    %mul3A_47 = arith.constant 640 : i32
    %mul3A_48 = arith.muli %arg1, %mul3A_47 : i32
    %add3A_49 = arith.constant 192 : i32
    %add3A_50 = arith.addi %mul3A_48, %add3A_49 : i32
    %run_scoped3A_51 = arith.constant 0 : i32
    "tpu.region"() ({
      %run_scoped3A_168 = tpu.sem_alloc : memref<!tpu.dma_semaphore, #tpu.memory_space<semaphore_mem>>
      %dma_start3A = arith.constant 0 : i32
      %dma_start3A_169 = arith.constant 0 : i32
      %dma_start3A_170 = tpu.memref_slice %arg8[%run_scoped3A_51, %dma_start3A, %dma_start3A_169] : memref<4x64x128xf32, #tpu.memory_space<vmem>> -> memref<1x64x128xf32, #tpu.memory_space<vmem>>
      %dma_start3A_171 = tpu.memref_squeeze %dma_start3A_170 : memref<1x64x128xf32, #tpu.memory_space<vmem>> -> memref<64x128xf32, #tpu.memory_space<vmem>>
      %dma_start3A_172 = arith.constant 0 : i32
      %dma_start3A_173 = tpu.memref_slice %arg11[%add3A_50, %dma_start3A_172] : memref<10240x128xf32, #tpu.memory_space<vmem_shared>> -> memref<64x128xf32, #tpu.memory_space<vmem_shared>>
      %dma_start3A_174 = arith.constant 0 : i32
      %dma_start3A_175 = tpu.memref_slice %arg11[%add3A_50, %dma_start3A_174] : memref<10240x128xf32, #tpu.memory_space<vmem_shared>> -> memref<64x128xf32, #tpu.memory_space<vmem_shared>>
      %dma_start3A_176 = arith.constant 0 : i32
      %dma_start3A_177 = arith.constant 0 : i32
      %dma_start3A_178 = tpu.memref_slice %arg8[%run_scoped3A_51, %dma_start3A_176, %dma_start3A_177] : memref<4x64x128xf32, #tpu.memory_space<vmem>> -> memref<1x64x128xf32, #tpu.memory_space<vmem>>
      %dma_start3A_179 = tpu.memref_squeeze %dma_start3A_178 : memref<1x64x128xf32, #tpu.memory_space<vmem>> -> memref<64x128xf32, #tpu.memory_space<vmem>>
      tpu.enqueue_dma source(%dma_start3A_179 : memref<64x128xf32, #tpu.memory_space<vmem>>) target(%dma_start3A_175 : memref<64x128xf32, #tpu.memory_space<vmem_shared>>) target_semaphore(%run_scoped3A_168 : memref<!tpu.dma_semaphore, #tpu.memory_space<semaphore_mem>>)
      %dma_wait3A = arith.constant 0 : i32
      %dma_wait3A_180 = arith.constant 0 : i32
      %dma_wait3A_181 = tpu.memref_slice %arg8[%run_scoped3A_51, %dma_wait3A, %dma_wait3A_180] : memref<4x64x128xf32, #tpu.memory_space<vmem>> -> memref<1x64x128xf32, #tpu.memory_space<vmem>>
      %dma_wait3A_182 = tpu.memref_squeeze %dma_wait3A_181 : memref<1x64x128xf32, #tpu.memory_space<vmem>> -> memref<64x128xf32, #tpu.memory_space<vmem>>
      %dma_wait3A_183 = arith.constant 0 : i32
      %dma_wait3A_184 = tpu.memref_slice %arg11[%add3A_50, %dma_wait3A_183] : memref<10240x128xf32, #tpu.memory_space<vmem_shared>> -> memref<64x128xf32, #tpu.memory_space<vmem_shared>>
      %dma_wait3A_185 = arith.constant 0 : i32
      %dma_wait3A_186 = tpu.memref_slice %arg11[%add3A_50, %dma_wait3A_185] : memref<10240x128xf32, #tpu.memory_space<vmem_shared>> -> memref<64x128xf32, #tpu.memory_space<vmem_shared>>
      %dma_wait3A_187 = arith.constant 0 : i32
      %dma_wait3A_188 = arith.constant 0 : i32
      %dma_wait3A_189 = tpu.memref_slice %arg8[%run_scoped3A_51, %dma_wait3A_187, %dma_wait3A_188] : memref<4x64x128xf32, #tpu.memory_space<vmem>> -> memref<1x64x128xf32, #tpu.memory_space<vmem>>
      %dma_wait3A_190 = tpu.memref_squeeze %dma_wait3A_189 : memref<1x64x128xf32, #tpu.memory_space<vmem>> -> memref<64x128xf32, #tpu.memory_space<vmem>>
      tpu.wait_dma2 semaphore(%run_scoped3A_168 : memref<!tpu.dma_semaphore, #tpu.memory_space<semaphore_mem>>) src(%dma_wait3A_190 : memref<64x128xf32, #tpu.memory_space<vmem>>) dst(%dma_wait3A_186 : memref<64x128xf32, #tpu.memory_space<vmem_shared>>)
      tpu.yield
    }) : () -> ()
    %mul3A_52 = arith.constant 640 : i32
    %mul3A_53 = arith.muli %arg1, %mul3A_52 : i32
    %add3A_54 = arith.constant 256 : i32
    %add3A_55 = arith.addi %mul3A_53, %add3A_54 : i32
    %run_scoped3A_56 = arith.constant 0 : i32
    "tpu.region"() ({
      %run_scoped3A_168 = tpu.sem_alloc : memref<!tpu.dma_semaphore, #tpu.memory_space<semaphore_mem>>
      %dma_start3A = arith.constant 0 : i32
      %dma_start3A_169 = arith.constant 0 : i32
      %dma_start3A_170 = tpu.memref_slice %arg8[%run_scoped3A_56, %dma_start3A, %dma_start3A_169] : memref<4x64x128xf32, #tpu.memory_space<vmem>> -> memref<1x64x128xf32, #tpu.memory_space<vmem>>
      %dma_start3A_171 = tpu.memref_squeeze %dma_start3A_170 : memref<1x64x128xf32, #tpu.memory_space<vmem>> -> memref<64x128xf32, #tpu.memory_space<vmem>>
      %dma_start3A_172 = arith.constant 0 : i32
      %dma_start3A_173 = tpu.memref_slice %arg11[%add3A_55, %dma_start3A_172] : memref<10240x128xf32, #tpu.memory_space<vmem_shared>> -> memref<64x128xf32, #tpu.memory_space<vmem_shared>>
      %dma_start3A_174 = arith.constant 0 : i32
      %dma_start3A_175 = tpu.memref_slice %arg11[%add3A_55, %dma_start3A_174] : memref<10240x128xf32, #tpu.memory_space<vmem_shared>> -> memref<64x128xf32, #tpu.memory_space<vmem_shared>>
      %dma_start3A_176 = arith.constant 0 : i32
      %dma_start3A_177 = arith.constant 0 : i32
      %dma_start3A_178 = tpu.memref_slice %arg8[%run_scoped3A_56, %dma_start3A_176, %dma_start3A_177] : memref<4x64x128xf32, #tpu.memory_space<vmem>> -> memref<1x64x128xf32, #tpu.memory_space<vmem>>
      %dma_start3A_179 = tpu.memref_squeeze %dma_start3A_178 : memref<1x64x128xf32, #tpu.memory_space<vmem>> -> memref<64x128xf32, #tpu.memory_space<vmem>>
      tpu.enqueue_dma source(%dma_start3A_179 : memref<64x128xf32, #tpu.memory_space<vmem>>) target(%dma_start3A_175 : memref<64x128xf32, #tpu.memory_space<vmem_shared>>) target_semaphore(%run_scoped3A_168 : memref<!tpu.dma_semaphore, #tpu.memory_space<semaphore_mem>>)
      %dma_wait3A = arith.constant 0 : i32
      %dma_wait3A_180 = arith.constant 0 : i32
      %dma_wait3A_181 = tpu.memref_slice %arg8[%run_scoped3A_56, %dma_wait3A, %dma_wait3A_180] : memref<4x64x128xf32, #tpu.memory_space<vmem>> -> memref<1x64x128xf32, #tpu.memory_space<vmem>>
      %dma_wait3A_182 = tpu.memref_squeeze %dma_wait3A_181 : memref<1x64x128xf32, #tpu.memory_space<vmem>> -> memref<64x128xf32, #tpu.memory_space<vmem>>
      %dma_wait3A_183 = arith.constant 0 : i32
      %dma_wait3A_184 = tpu.memref_slice %arg11[%add3A_55, %dma_wait3A_183] : memref<10240x128xf32, #tpu.memory_space<vmem_shared>> -> memref<64x128xf32, #tpu.memory_space<vmem_shared>>
      %dma_wait3A_185 = arith.constant 0 : i32
      %dma_wait3A_186 = tpu.memref_slice %arg11[%add3A_55, %dma_wait3A_185] : memref<10240x128xf32, #tpu.memory_space<vmem_shared>> -> memref<64x128xf32, #tpu.memory_space<vmem_shared>>
      %dma_wait3A_187 = arith.constant 0 : i32
      %dma_wait3A_188 = arith.constant 0 : i32
      %dma_wait3A_189 = tpu.memref_slice %arg8[%run_scoped3A_56, %dma_wait3A_187, %dma_wait3A_188] : memref<4x64x128xf32, #tpu.memory_space<vmem>> -> memref<1x64x128xf32, #tpu.memory_space<vmem>>
      %dma_wait3A_190 = tpu.memref_squeeze %dma_wait3A_189 : memref<1x64x128xf32, #tpu.memory_space<vmem>> -> memref<64x128xf32, #tpu.memory_space<vmem>>
      tpu.wait_dma2 semaphore(%run_scoped3A_168 : memref<!tpu.dma_semaphore, #tpu.memory_space<semaphore_mem>>) src(%dma_wait3A_190 : memref<64x128xf32, #tpu.memory_space<vmem>>) dst(%dma_wait3A_186 : memref<64x128xf32, #tpu.memory_space<vmem_shared>>)
      tpu.yield
    }) : () -> ()
    %mul3A_57 = arith.constant 640 : i32
    %mul3A_58 = arith.muli %arg1, %mul3A_57 : i32
    %add3A_59 = arith.constant 320 : i32
    %add3A_60 = arith.addi %mul3A_58, %add3A_59 : i32
    %run_scoped3A_61 = arith.constant 0 : i32
    "tpu.region"() ({
      %run_scoped3A_168 = tpu.sem_alloc : memref<!tpu.dma_semaphore, #tpu.memory_space<semaphore_mem>>
      %dma_start3A = arith.constant 0 : i32
      %dma_start3A_169 = arith.constant 0 : i32
      %dma_start3A_170 = tpu.memref_slice %arg8[%run_scoped3A_61, %dma_start3A, %dma_start3A_169] : memref<4x64x128xf32, #tpu.memory_space<vmem>> -> memref<1x64x128xf32, #tpu.memory_space<vmem>>
      %dma_start3A_171 = tpu.memref_squeeze %dma_start3A_170 : memref<1x64x128xf32, #tpu.memory_space<vmem>> -> memref<64x128xf32, #tpu.memory_space<vmem>>
      %dma_start3A_172 = arith.constant 0 : i32
      %dma_start3A_173 = tpu.memref_slice %arg11[%add3A_60, %dma_start3A_172] : memref<10240x128xf32, #tpu.memory_space<vmem_shared>> -> memref<64x128xf32, #tpu.memory_space<vmem_shared>>
      %dma_start3A_174 = arith.constant 0 : i32
      %dma_start3A_175 = tpu.memref_slice %arg11[%add3A_60, %dma_start3A_174] : memref<10240x128xf32, #tpu.memory_space<vmem_shared>> -> memref<64x128xf32, #tpu.memory_space<vmem_shared>>
      %dma_start3A_176 = arith.constant 0 : i32
      %dma_start3A_177 = arith.constant 0 : i32
      %dma_start3A_178 = tpu.memref_slice %arg8[%run_scoped3A_61, %dma_start3A_176, %dma_start3A_177] : memref<4x64x128xf32, #tpu.memory_space<vmem>> -> memref<1x64x128xf32, #tpu.memory_space<vmem>>
      %dma_start3A_179 = tpu.memref_squeeze %dma_start3A_178 : memref<1x64x128xf32, #tpu.memory_space<vmem>> -> memref<64x128xf32, #tpu.memory_space<vmem>>
      tpu.enqueue_dma source(%dma_start3A_179 : memref<64x128xf32, #tpu.memory_space<vmem>>) target(%dma_start3A_175 : memref<64x128xf32, #tpu.memory_space<vmem_shared>>) target_semaphore(%run_scoped3A_168 : memref<!tpu.dma_semaphore, #tpu.memory_space<semaphore_mem>>)
      %dma_wait3A = arith.constant 0 : i32
      %dma_wait3A_180 = arith.constant 0 : i32
      %dma_wait3A_181 = tpu.memref_slice %arg8[%run_scoped3A_61, %dma_wait3A, %dma_wait3A_180] : memref<4x64x128xf32, #tpu.memory_space<vmem>> -> memref<1x64x128xf32, #tpu.memory_space<vmem>>
      %dma_wait3A_182 = tpu.memref_squeeze %dma_wait3A_181 : memref<1x64x128xf32, #tpu.memory_space<vmem>> -> memref<64x128xf32, #tpu.memory_space<vmem>>
      %dma_wait3A_183 = arith.constant 0 : i32
      %dma_wait3A_184 = tpu.memref_slice %arg11[%add3A_60, %dma_wait3A_183] : memref<10240x128xf32, #tpu.memory_space<vmem_shared>> -> memref<64x128xf32, #tpu.memory_space<vmem_shared>>
      %dma_wait3A_185 = arith.constant 0 : i32
      %dma_wait3A_186 = tpu.memref_slice %arg11[%add3A_60, %dma_wait3A_185] : memref<10240x128xf32, #tpu.memory_space<vmem_shared>> -> memref<64x128xf32, #tpu.memory_space<vmem_shared>>
      %dma_wait3A_187 = arith.constant 0 : i32
      %dma_wait3A_188 = arith.constant 0 : i32
      %dma_wait3A_189 = tpu.memref_slice %arg8[%run_scoped3A_61, %dma_wait3A_187, %dma_wait3A_188] : memref<4x64x128xf32, #tpu.memory_space<vmem>> -> memref<1x64x128xf32, #tpu.memory_space<vmem>>
      %dma_wait3A_190 = tpu.memref_squeeze %dma_wait3A_189 : memref<1x64x128xf32, #tpu.memory_space<vmem>> -> memref<64x128xf32, #tpu.memory_space<vmem>>
      tpu.wait_dma2 semaphore(%run_scoped3A_168 : memref<!tpu.dma_semaphore, #tpu.memory_space<semaphore_mem>>) src(%dma_wait3A_190 : memref<64x128xf32, #tpu.memory_space<vmem>>) dst(%dma_wait3A_186 : memref<64x128xf32, #tpu.memory_space<vmem_shared>>)
      tpu.yield
    }) : () -> ()
    %mul3A_62 = arith.constant 640 : i32
    %mul3A_63 = arith.muli %arg1, %mul3A_62 : i32
    %add3A_64 = arith.constant 384 : i32
    %add3A_65 = arith.addi %mul3A_63, %add3A_64 : i32
    %run_scoped3A_66 = arith.constant 0 : i32
    "tpu.region"() ({
      %run_scoped3A_168 = tpu.sem_alloc : memref<!tpu.dma_semaphore, #tpu.memory_space<semaphore_mem>>
      %dma_start3A = arith.constant 0 : i32
      %dma_start3A_169 = arith.constant 0 : i32
      %dma_start3A_170 = tpu.memref_slice %arg8[%run_scoped3A_66, %dma_start3A, %dma_start3A_169] : memref<4x64x128xf32, #tpu.memory_space<vmem>> -> memref<1x64x128xf32, #tpu.memory_space<vmem>>
      %dma_start3A_171 = tpu.memref_squeeze %dma_start3A_170 : memref<1x64x128xf32, #tpu.memory_space<vmem>> -> memref<64x128xf32, #tpu.memory_space<vmem>>
      %dma_start3A_172 = arith.constant 0 : i32
      %dma_start3A_173 = tpu.memref_slice %arg11[%add3A_65, %dma_start3A_172] : memref<10240x128xf32, #tpu.memory_space<vmem_shared>> -> memref<64x128xf32, #tpu.memory_space<vmem_shared>>
      %dma_start3A_174 = arith.constant 0 : i32
      %dma_start3A_175 = tpu.memref_slice %arg11[%add3A_65, %dma_start3A_174] : memref<10240x128xf32, #tpu.memory_space<vmem_shared>> -> memref<64x128xf32, #tpu.memory_space<vmem_shared>>
      %dma_start3A_176 = arith.constant 0 : i32
      %dma_start3A_177 = arith.constant 0 : i32
      %dma_start3A_178 = tpu.memref_slice %arg8[%run_scoped3A_66, %dma_start3A_176, %dma_start3A_177] : memref<4x64x128xf32, #tpu.memory_space<vmem>> -> memref<1x64x128xf32, #tpu.memory_space<vmem>>
      %dma_start3A_179 = tpu.memref_squeeze %dma_start3A_178 : memref<1x64x128xf32, #tpu.memory_space<vmem>> -> memref<64x128xf32, #tpu.memory_space<vmem>>
      tpu.enqueue_dma source(%dma_start3A_179 : memref<64x128xf32, #tpu.memory_space<vmem>>) target(%dma_start3A_175 : memref<64x128xf32, #tpu.memory_space<vmem_shared>>) target_semaphore(%run_scoped3A_168 : memref<!tpu.dma_semaphore, #tpu.memory_space<semaphore_mem>>)
      %dma_wait3A = arith.constant 0 : i32
      %dma_wait3A_180 = arith.constant 0 : i32
      %dma_wait3A_181 = tpu.memref_slice %arg8[%run_scoped3A_66, %dma_wait3A, %dma_wait3A_180] : memref<4x64x128xf32, #tpu.memory_space<vmem>> -> memref<1x64x128xf32, #tpu.memory_space<vmem>>
      %dma_wait3A_182 = tpu.memref_squeeze %dma_wait3A_181 : memref<1x64x128xf32, #tpu.memory_space<vmem>> -> memref<64x128xf32, #tpu.memory_space<vmem>>
      %dma_wait3A_183 = arith.constant 0 : i32
      %dma_wait3A_184 = tpu.memref_slice %arg11[%add3A_65, %dma_wait3A_183] : memref<10240x128xf32, #tpu.memory_space<vmem_shared>> -> memref<64x128xf32, #tpu.memory_space<vmem_shared>>
      %dma_wait3A_185 = arith.constant 0 : i32
      %dma_wait3A_186 = tpu.memref_slice %arg11[%add3A_65, %dma_wait3A_185] : memref<10240x128xf32, #tpu.memory_space<vmem_shared>> -> memref<64x128xf32, #tpu.memory_space<vmem_shared>>
      %dma_wait3A_187 = arith.constant 0 : i32
      %dma_wait3A_188 = arith.constant 0 : i32
      %dma_wait3A_189 = tpu.memref_slice %arg8[%run_scoped3A_66, %dma_wait3A_187, %dma_wait3A_188] : memref<4x64x128xf32, #tpu.memory_space<vmem>> -> memref<1x64x128xf32, #tpu.memory_space<vmem>>
      %dma_wait3A_190 = tpu.memref_squeeze %dma_wait3A_189 : memref<1x64x128xf32, #tpu.memory_space<vmem>> -> memref<64x128xf32, #tpu.memory_space<vmem>>
      tpu.wait_dma2 semaphore(%run_scoped3A_168 : memref<!tpu.dma_semaphore, #tpu.memory_space<semaphore_mem>>) src(%dma_wait3A_190 : memref<64x128xf32, #tpu.memory_space<vmem>>) dst(%dma_wait3A_186 : memref<64x128xf32, #tpu.memory_space<vmem_shared>>)
      tpu.yield
    }) : () -> ()
    %mul3A_67 = arith.constant 640 : i32
    %mul3A_68 = arith.muli %arg1, %mul3A_67 : i32
    %add3A_69 = arith.constant 448 : i32
    %add3A_70 = arith.addi %mul3A_68, %add3A_69 : i32
    %run_scoped3A_71 = arith.constant 0 : i32
    "tpu.region"() ({
      %run_scoped3A_168 = tpu.sem_alloc : memref<!tpu.dma_semaphore, #tpu.memory_space<semaphore_mem>>
      %dma_start3A = arith.constant 0 : i32
      %dma_start3A_169 = arith.constant 0 : i32
      %dma_start3A_170 = tpu.memref_slice %arg8[%run_scoped3A_71, %dma_start3A, %dma_start3A_169] : memref<4x64x128xf32, #tpu.memory_space<vmem>> -> memref<1x64x128xf32, #tpu.memory_space<vmem>>
      %dma_start3A_171 = tpu.memref_squeeze %dma_start3A_170 : memref<1x64x128xf32, #tpu.memory_space<vmem>> -> memref<64x128xf32, #tpu.memory_space<vmem>>
      %dma_start3A_172 = arith.constant 0 : i32
      %dma_start3A_173 = tpu.memref_slice %arg11[%add3A_70, %dma_start3A_172] : memref<10240x128xf32, #tpu.memory_space<vmem_shared>> -> memref<64x128xf32, #tpu.memory_space<vmem_shared>>
      %dma_start3A_174 = arith.constant 0 : i32
      %dma_start3A_175 = tpu.memref_slice %arg11[%add3A_70, %dma_start3A_174] : memref<10240x128xf32, #tpu.memory_space<vmem_shared>> -> memref<64x128xf32, #tpu.memory_space<vmem_shared>>
      %dma_start3A_176 = arith.constant 0 : i32
      %dma_start3A_177 = arith.constant 0 : i32
      %dma_start3A_178 = tpu.memref_slice %arg8[%run_scoped3A_71, %dma_start3A_176, %dma_start3A_177] : memref<4x64x128xf32, #tpu.memory_space<vmem>> -> memref<1x64x128xf32, #tpu.memory_space<vmem>>
      %dma_start3A_179 = tpu.memref_squeeze %dma_start3A_178 : memref<1x64x128xf32, #tpu.memory_space<vmem>> -> memref<64x128xf32, #tpu.memory_space<vmem>>
      tpu.enqueue_dma source(%dma_start3A_179 : memref<64x128xf32, #tpu.memory_space<vmem>>) target(%dma_start3A_175 : memref<64x128xf32, #tpu.memory_space<vmem_shared>>) target_semaphore(%run_scoped3A_168 : memref<!tpu.dma_semaphore, #tpu.memory_space<semaphore_mem>>)
      %dma_wait3A = arith.constant 0 : i32
      %dma_wait3A_180 = arith.constant 0 : i32
      %dma_wait3A_181 = tpu.memref_slice %arg8[%run_scoped3A_71, %dma_wait3A, %dma_wait3A_180] : memref<4x64x128xf32, #tpu.memory_space<vmem>> -> memref<1x64x128xf32, #tpu.memory_space<vmem>>
      %dma_wait3A_182 = tpu.memref_squeeze %dma_wait3A_181 : memref<1x64x128xf32, #tpu.memory_space<vmem>> -> memref<64x128xf32, #tpu.memory_space<vmem>>
      %dma_wait3A_183 = arith.constant 0 : i32
      %dma_wait3A_184 = tpu.memref_slice %arg11[%add3A_70, %dma_wait3A_183] : memref<10240x128xf32, #tpu.memory_space<vmem_shared>> -> memref<64x128xf32, #tpu.memory_space<vmem_shared>>
      %dma_wait3A_185 = arith.constant 0 : i32
      %dma_wait3A_186 = tpu.memref_slice %arg11[%add3A_70, %dma_wait3A_185] : memref<10240x128xf32, #tpu.memory_space<vmem_shared>> -> memref<64x128xf32, #tpu.memory_space<vmem_shared>>
      %dma_wait3A_187 = arith.constant 0 : i32
      %dma_wait3A_188 = arith.constant 0 : i32
      %dma_wait3A_189 = tpu.memref_slice %arg8[%run_scoped3A_71, %dma_wait3A_187, %dma_wait3A_188] : memref<4x64x128xf32, #tpu.memory_space<vmem>> -> memref<1x64x128xf32, #tpu.memory_space<vmem>>
      %dma_wait3A_190 = tpu.memref_squeeze %dma_wait3A_189 : memref<1x64x128xf32, #tpu.memory_space<vmem>> -> memref<64x128xf32, #tpu.memory_space<vmem>>
      tpu.wait_dma2 semaphore(%run_scoped3A_168 : memref<!tpu.dma_semaphore, #tpu.memory_space<semaphore_mem>>) src(%dma_wait3A_190 : memref<64x128xf32, #tpu.memory_space<vmem>>) dst(%dma_wait3A_186 : memref<64x128xf32, #tpu.memory_space<vmem_shared>>)
      tpu.yield
    }) : () -> ()
    %mul3A_72 = arith.constant 640 : i32
    %mul3A_73 = arith.muli %arg1, %mul3A_72 : i32
    %add3A_74 = arith.constant 512 : i32
    %add3A_75 = arith.addi %mul3A_73, %add3A_74 : i32
    %run_scoped3A_76 = arith.constant 0 : i32
    "tpu.region"() ({
      %run_scoped3A_168 = tpu.sem_alloc : memref<!tpu.dma_semaphore, #tpu.memory_space<semaphore_mem>>
      %dma_start3A = arith.constant 0 : i32
      %dma_start3A_169 = arith.constant 0 : i32
      %dma_start3A_170 = tpu.memref_slice %arg8[%run_scoped3A_76, %dma_start3A, %dma_start3A_169] : memref<4x64x128xf32, #tpu.memory_space<vmem>> -> memref<1x64x128xf32, #tpu.memory_space<vmem>>
      %dma_start3A_171 = tpu.memref_squeeze %dma_start3A_170 : memref<1x64x128xf32, #tpu.memory_space<vmem>> -> memref<64x128xf32, #tpu.memory_space<vmem>>
      %dma_start3A_172 = arith.constant 0 : i32
      %dma_start3A_173 = tpu.memref_slice %arg11[%add3A_75, %dma_start3A_172] : memref<10240x128xf32, #tpu.memory_space<vmem_shared>> -> memref<64x128xf32, #tpu.memory_space<vmem_shared>>
      %dma_start3A_174 = arith.constant 0 : i32
      %dma_start3A_175 = tpu.memref_slice %arg11[%add3A_75, %dma_start3A_174] : memref<10240x128xf32, #tpu.memory_space<vmem_shared>> -> memref<64x128xf32, #tpu.memory_space<vmem_shared>>
      %dma_start3A_176 = arith.constant 0 : i32
      %dma_start3A_177 = arith.constant 0 : i32
      %dma_start3A_178 = tpu.memref_slice %arg8[%run_scoped3A_76, %dma_start3A_176, %dma_start3A_177] : memref<4x64x128xf32, #tpu.memory_space<vmem>> -> memref<1x64x128xf32, #tpu.memory_space<vmem>>
      %dma_start3A_179 = tpu.memref_squeeze %dma_start3A_178 : memref<1x64x128xf32, #tpu.memory_space<vmem>> -> memref<64x128xf32, #tpu.memory_space<vmem>>
      tpu.enqueue_dma source(%dma_start3A_179 : memref<64x128xf32, #tpu.memory_space<vmem>>) target(%dma_start3A_175 : memref<64x128xf32, #tpu.memory_space<vmem_shared>>) target_semaphore(%run_scoped3A_168 : memref<!tpu.dma_semaphore, #tpu.memory_space<semaphore_mem>>)
      %dma_wait3A = arith.constant 0 : i32
      %dma_wait3A_180 = arith.constant 0 : i32
      %dma_wait3A_181 = tpu.memref_slice %arg8[%run_scoped3A_76, %dma_wait3A, %dma_wait3A_180] : memref<4x64x128xf32, #tpu.memory_space<vmem>> -> memref<1x64x128xf32, #tpu.memory_space<vmem>>
      %dma_wait3A_182 = tpu.memref_squeeze %dma_wait3A_181 : memref<1x64x128xf32, #tpu.memory_space<vmem>> -> memref<64x128xf32, #tpu.memory_space<vmem>>
      %dma_wait3A_183 = arith.constant 0 : i32
      %dma_wait3A_184 = tpu.memref_slice %arg11[%add3A_75, %dma_wait3A_183] : memref<10240x128xf32, #tpu.memory_space<vmem_shared>> -> memref<64x128xf32, #tpu.memory_space<vmem_shared>>
      %dma_wait3A_185 = arith.constant 0 : i32
      %dma_wait3A_186 = tpu.memref_slice %arg11[%add3A_75, %dma_wait3A_185] : memref<10240x128xf32, #tpu.memory_space<vmem_shared>> -> memref<64x128xf32, #tpu.memory_space<vmem_shared>>
      %dma_wait3A_187 = arith.constant 0 : i32
      %dma_wait3A_188 = arith.constant 0 : i32
      %dma_wait3A_189 = tpu.memref_slice %arg8[%run_scoped3A_76, %dma_wait3A_187, %dma_wait3A_188] : memref<4x64x128xf32, #tpu.memory_space<vmem>> -> memref<1x64x128xf32, #tpu.memory_space<vmem>>
      %dma_wait3A_190 = tpu.memref_squeeze %dma_wait3A_189 : memref<1x64x128xf32, #tpu.memory_space<vmem>> -> memref<64x128xf32, #tpu.memory_space<vmem>>
      tpu.wait_dma2 semaphore(%run_scoped3A_168 : memref<!tpu.dma_semaphore, #tpu.memory_space<semaphore_mem>>) src(%dma_wait3A_190 : memref<64x128xf32, #tpu.memory_space<vmem>>) dst(%dma_wait3A_186 : memref<64x128xf32, #tpu.memory_space<vmem_shared>>)
      tpu.yield
    }) : () -> ()
    %mul3A_77 = arith.constant 640 : i32
    %mul3A_78 = arith.muli %arg1, %mul3A_77 : i32
    %add3A_79 = arith.constant 576 : i32
    %add3A_80 = arith.addi %mul3A_78, %add3A_79 : i32
    %run_scoped3A_81 = arith.constant 0 : i32
    "tpu.region"() ({
      %run_scoped3A_168 = tpu.sem_alloc : memref<!tpu.dma_semaphore, #tpu.memory_space<semaphore_mem>>
      %dma_start3A = arith.constant 0 : i32
      %dma_start3A_169 = arith.constant 0 : i32
      %dma_start3A_170 = tpu.memref_slice %arg8[%run_scoped3A_81, %dma_start3A, %dma_start3A_169] : memref<4x64x128xf32, #tpu.memory_space<vmem>> -> memref<1x64x128xf32, #tpu.memory_space<vmem>>
      %dma_start3A_171 = tpu.memref_squeeze %dma_start3A_170 : memref<1x64x128xf32, #tpu.memory_space<vmem>> -> memref<64x128xf32, #tpu.memory_space<vmem>>
      %dma_start3A_172 = arith.constant 0 : i32
      %dma_start3A_173 = tpu.memref_slice %arg11[%add3A_80, %dma_start3A_172] : memref<10240x128xf32, #tpu.memory_space<vmem_shared>> -> memref<64x128xf32, #tpu.memory_space<vmem_shared>>
      %dma_start3A_174 = arith.constant 0 : i32
      %dma_start3A_175 = tpu.memref_slice %arg11[%add3A_80, %dma_start3A_174] : memref<10240x128xf32, #tpu.memory_space<vmem_shared>> -> memref<64x128xf32, #tpu.memory_space<vmem_shared>>
      %dma_start3A_176 = arith.constant 0 : i32
      %dma_start3A_177 = arith.constant 0 : i32
      %dma_start3A_178 = tpu.memref_slice %arg8[%run_scoped3A_81, %dma_start3A_176, %dma_start3A_177] : memref<4x64x128xf32, #tpu.memory_space<vmem>> -> memref<1x64x128xf32, #tpu.memory_space<vmem>>
      %dma_start3A_179 = tpu.memref_squeeze %dma_start3A_178 : memref<1x64x128xf32, #tpu.memory_space<vmem>> -> memref<64x128xf32, #tpu.memory_space<vmem>>
      tpu.enqueue_dma source(%dma_start3A_179 : memref<64x128xf32, #tpu.memory_space<vmem>>) target(%dma_start3A_175 : memref<64x128xf32, #tpu.memory_space<vmem_shared>>) target_semaphore(%run_scoped3A_168 : memref<!tpu.dma_semaphore, #tpu.memory_space<semaphore_mem>>)
      %dma_wait3A = arith.constant 0 : i32
      %dma_wait3A_180 = arith.constant 0 : i32
      %dma_wait3A_181 = tpu.memref_slice %arg8[%run_scoped3A_81, %dma_wait3A, %dma_wait3A_180] : memref<4x64x128xf32, #tpu.memory_space<vmem>> -> memref<1x64x128xf32, #tpu.memory_space<vmem>>
      %dma_wait3A_182 = tpu.memref_squeeze %dma_wait3A_181 : memref<1x64x128xf32, #tpu.memory_space<vmem>> -> memref<64x128xf32, #tpu.memory_space<vmem>>
      %dma_wait3A_183 = arith.constant 0 : i32
      %dma_wait3A_184 = tpu.memref_slice %arg11[%add3A_80, %dma_wait3A_183] : memref<10240x128xf32, #tpu.memory_space<vmem_shared>> -> memref<64x128xf32, #tpu.memory_space<vmem_shared>>
      %dma_wait3A_185 = arith.constant 0 : i32
      %dma_wait3A_186 = tpu.memref_slice %arg11[%add3A_80, %dma_wait3A_185] : memref<10240x128xf32, #tpu.memory_space<vmem_shared>> -> memref<64x128xf32, #tpu.memory_space<vmem_shared>>
      %dma_wait3A_187 = arith.constant 0 : i32
      %dma_wait3A_188 = arith.constant 0 : i32
      %dma_wait3A_189 = tpu.memref_slice %arg8[%run_scoped3A_81, %dma_wait3A_187, %dma_wait3A_188] : memref<4x64x128xf32, #tpu.memory_space<vmem>> -> memref<1x64x128xf32, #tpu.memory_space<vmem>>
      %dma_wait3A_190 = tpu.memref_squeeze %dma_wait3A_189 : memref<1x64x128xf32, #tpu.memory_space<vmem>> -> memref<64x128xf32, #tpu.memory_space<vmem>>
      tpu.wait_dma2 semaphore(%run_scoped3A_168 : memref<!tpu.dma_semaphore, #tpu.memory_space<semaphore_mem>>) src(%dma_wait3A_190 : memref<64x128xf32, #tpu.memory_space<vmem>>) dst(%dma_wait3A_186 : memref<64x128xf32, #tpu.memory_space<vmem_shared>>)
      tpu.yield
    }) : () -> ()
    %barrier3A = arith.constant 0 : index
    tpu.barrier barrier_id(%barrier3A)
    %eq3A = arith.constant 0 : i32
    %eq3A_82 = arith.cmpi eq, %arg0, %eq3A : i32
    %mul3A_83 = arith.constant 156 : i32
    %mul3A_84 = arith.muli %arg1, %mul3A_83 : i32
    %mul3A_85 = arith.constant 4 : i32
    %mul3A_86 = arith.muli %arg1, %mul3A_85 : i32
    %add3A_87 = arith.constant 2496 : i32
    %add3A_88 = arith.addi %add3A_87, %mul3A_86 : i32
    %select_n3A = arith.select %eq3A_82, %mul3A_84, %add3A_88 : i32
    %mul3A_89 = arith.constant 2 : i32
    %mul3A_90 = arith.muli %mul3A_89, %select_n3A : i32
    %eq3A_91 = arith.constant 0 : i32
    %eq3A_92 = arith.cmpi eq, %arg0, %eq3A_91 : i32
    %jit3A = arith.constant 156 : i32
    %jit3A_93 = arith.constant 4 : i32
    %select_n3A_94 = arith.select %eq3A_92, %jit3A, %jit3A_93 : i32
    %mul3A_95 = arith.constant 2 : i32
    %mul3A_96 = arith.muli %mul3A_95, %select_n3A_94 : i32
    %add3A_97 = arith.constant 16 : i32
    %add3A_98 = arith.addi %mul3A_96, %add3A_97 : i32
    %sub3A = arith.constant 1 : i32
    %sub3A_99 = arith.subi %add3A_98, %sub3A : i32
    %jit3A_100 = arith.constant 16 : i32
    %div3A = arith.divsi %sub3A_99, %jit3A_100 : i32
    %sign3A = arith.constant 0 : i32
    %sign3A_101 = arith.cmpi sgt, %sub3A_99, %sign3A : i32
    %sign3A_102 = arith.extui %sign3A_101 : i1 to i32
    %sign3A_103 = arith.constant 0 : i32
    %sign3A_104 = arith.cmpi slt, %sub3A_99, %sign3A_103 : i32
    %sign3A_105 = arith.extui %sign3A_104 : i1 to i32
    %sign3A_106 = arith.subi %sign3A_102, %sign3A_105 : i32
    %sign3A_107 = arith.constant 0 : i32
    %sign3A_108 = arith.cmpi sgt, %jit3A_100, %sign3A_107 : i32
    %sign3A_109 = arith.extui %sign3A_108 : i1 to i32
    %sign3A_110 = arith.constant 0 : i32
    %sign3A_111 = arith.cmpi slt, %jit3A_100, %sign3A_110 : i32
    %sign3A_112 = arith.extui %sign3A_111 : i1 to i32
    %sign3A_113 = arith.subi %sign3A_109, %sign3A_112 : i32
    %ne3A = arith.cmpi ne, %sign3A_106, %sign3A_113 : i32
    %rem3A = arith.remsi %sub3A_99, %jit3A_100 : i32
    %ne3A_114 = arith.constant 0 : i32
    %ne3A_115 = arith.cmpi ne, %rem3A, %ne3A_114 : i32
    %and3A = arith.andi %ne3A, %ne3A_115 : i1
    %sub3A_116 = arith.constant 1 : i32
    %sub3A_117 = arith.subi %div3A, %sub3A_116 : i32
    %select_n3A_118 = arith.select %and3A, %sub3A_117, %div3A : i32
    %gt3A = arith.constant 0 : i32
    %gt3A_119 = arith.cmpi sgt, %mul3A_96, %gt3A : i32
    %convert_element_type3A = arith.extui %gt3A_119 : i1 to i32
    %cond3A = arith.constant 0 : i32
    %cond3A_120 = arith.cmpi ne, %convert_element_type3A, %cond3A : i32
    scf.if %cond3A_120 {
      %run_scoped3A_168 = arith.constant 0 : i32
      "tpu.region"() ({
        %run_scoped3A_170 = tpu.sem_alloc : memref<!tpu.dma_semaphore, #tpu.memory_space<semaphore_mem>>
        %dma_start3A = arith.constant 0 : i32
        %dma_start3A_171 = arith.constant 0 : i32
        %dma_start3A_172 = tpu.memref_slice %arg6[%run_scoped3A_168, %dma_start3A, %dma_start3A_171] : memref<2x16x64xi32, #tpu.memory_space<vmem>> -> memref<1x16x64xi32, #tpu.memory_space<vmem>>
        %dma_start3A_173 = tpu.memref_squeeze %dma_start3A_172 : memref<1x16x64xi32, #tpu.memory_space<vmem>> -> memref<16x64xi32, #tpu.memory_space<vmem>>
        %dma_start3A_174 = arith.constant 0 : i32
        %dma_start3A_175 = tpu.memref_slice %arg3[%mul3A_90, %dma_start3A_174] : memref<5152x64xi32, #tpu.memory_space<hbm>> -> memref<16x64xi32, #tpu.memory_space<hbm>>
        %dma_start3A_176 = arith.constant 0 : i32
        %dma_start3A_177 = arith.constant 0 : i32
        %dma_start3A_178 = tpu.memref_slice %arg6[%run_scoped3A_168, %dma_start3A_176, %dma_start3A_177] : memref<2x16x64xi32, #tpu.memory_space<vmem>> -> memref<1x16x64xi32, #tpu.memory_space<vmem>>
        %dma_start3A_179 = tpu.memref_squeeze %dma_start3A_178 : memref<1x16x64xi32, #tpu.memory_space<vmem>> -> memref<16x64xi32, #tpu.memory_space<vmem>>
        %dma_start3A_180 = arith.constant 0 : i32
        %dma_start3A_181 = tpu.memref_slice %arg3[%mul3A_90, %dma_start3A_180] : memref<5152x64xi32, #tpu.memory_space<hbm>> -> memref<16x64xi32, #tpu.memory_space<hbm>>
        tpu.enqueue_dma source(%dma_start3A_181 : memref<16x64xi32, #tpu.memory_space<hbm>>) target(%dma_start3A_179 : memref<16x64xi32, #tpu.memory_space<vmem>>) target_semaphore(%run_scoped3A_170 : memref<!tpu.dma_semaphore, #tpu.memory_space<semaphore_mem>>)
        %dma_wait3A = arith.constant 0 : i32
        %dma_wait3A_182 = arith.constant 0 : i32
        %dma_wait3A_183 = tpu.memref_slice %arg6[%run_scoped3A_168, %dma_wait3A, %dma_wait3A_182] : memref<2x16x64xi32, #tpu.memory_space<vmem>> -> memref<1x16x64xi32, #tpu.memory_space<vmem>>
        %dma_wait3A_184 = tpu.memref_squeeze %dma_wait3A_183 : memref<1x16x64xi32, #tpu.memory_space<vmem>> -> memref<16x64xi32, #tpu.memory_space<vmem>>
        %dma_wait3A_185 = arith.constant 0 : i32
        %dma_wait3A_186 = tpu.memref_slice %arg3[%mul3A_90, %dma_wait3A_185] : memref<5152x64xi32, #tpu.memory_space<hbm>> -> memref<16x64xi32, #tpu.memory_space<hbm>>
        %dma_wait3A_187 = arith.constant 0 : i32
        %dma_wait3A_188 = arith.constant 0 : i32
        %dma_wait3A_189 = tpu.memref_slice %arg6[%run_scoped3A_168, %dma_wait3A_187, %dma_wait3A_188] : memref<2x16x64xi32, #tpu.memory_space<vmem>> -> memref<1x16x64xi32, #tpu.memory_space<vmem>>
        %dma_wait3A_190 = tpu.memref_squeeze %dma_wait3A_189 : memref<1x16x64xi32, #tpu.memory_space<vmem>> -> memref<16x64xi32, #tpu.memory_space<vmem>>
        %dma_wait3A_191 = arith.constant 0 : i32
        %dma_wait3A_192 = tpu.memref_slice %arg3[%mul3A_90, %dma_wait3A_191] : memref<5152x64xi32, #tpu.memory_space<hbm>> -> memref<16x64xi32, #tpu.memory_space<hbm>>
        tpu.wait_dma2 semaphore(%run_scoped3A_170 : memref<!tpu.dma_semaphore, #tpu.memory_space<semaphore_mem>>) src(%dma_wait3A_192 : memref<16x64xi32, #tpu.memory_space<hbm>>) dst(%dma_wait3A_190 : memref<16x64xi32, #tpu.memory_space<vmem>>)
        tpu.yield
      }) : () -> ()
      %run_scoped3A_169 = arith.constant 0 : i32
      "tpu.region"() ({
        %run_scoped3A_170 = tpu.sem_alloc : memref<!tpu.dma_semaphore, #tpu.memory_space<semaphore_mem>>
        %dma_start3A = arith.constant 0 : i32
        %dma_start3A_171 = arith.constant 0 : i32
        %dma_start3A_172 = tpu.memref_slice %arg7[%run_scoped3A_169, %dma_start3A, %dma_start3A_171] : memref<2x16x64xi32, #tpu.memory_space<vmem>> -> memref<1x16x64xi32, #tpu.memory_space<vmem>>
        %dma_start3A_173 = tpu.memref_squeeze %dma_start3A_172 : memref<1x16x64xi32, #tpu.memory_space<vmem>> -> memref<16x64xi32, #tpu.memory_space<vmem>>
        %dma_start3A_174 = arith.constant 0 : i32
        %dma_start3A_175 = tpu.memref_slice %arg4[%mul3A_90, %dma_start3A_174] : memref<5152x64xi32, #tpu.memory_space<hbm>> -> memref<16x64xi32, #tpu.memory_space<hbm>>
        %dma_start3A_176 = arith.constant 0 : i32
        %dma_start3A_177 = arith.constant 0 : i32
        %dma_start3A_178 = tpu.memref_slice %arg7[%run_scoped3A_169, %dma_start3A_176, %dma_start3A_177] : memref<2x16x64xi32, #tpu.memory_space<vmem>> -> memref<1x16x64xi32, #tpu.memory_space<vmem>>
        %dma_start3A_179 = tpu.memref_squeeze %dma_start3A_178 : memref<1x16x64xi32, #tpu.memory_space<vmem>> -> memref<16x64xi32, #tpu.memory_space<vmem>>
        %dma_start3A_180 = arith.constant 0 : i32
        %dma_start3A_181 = tpu.memref_slice %arg4[%mul3A_90, %dma_start3A_180] : memref<5152x64xi32, #tpu.memory_space<hbm>> -> memref<16x64xi32, #tpu.memory_space<hbm>>
        tpu.enqueue_dma source(%dma_start3A_181 : memref<16x64xi32, #tpu.memory_space<hbm>>) target(%dma_start3A_179 : memref<16x64xi32, #tpu.memory_space<vmem>>) target_semaphore(%run_scoped3A_170 : memref<!tpu.dma_semaphore, #tpu.memory_space<semaphore_mem>>)
        %dma_wait3A = arith.constant 0 : i32
        %dma_wait3A_182 = arith.constant 0 : i32
        %dma_wait3A_183 = tpu.memref_slice %arg7[%run_scoped3A_169, %dma_wait3A, %dma_wait3A_182] : memref<2x16x64xi32, #tpu.memory_space<vmem>> -> memref<1x16x64xi32, #tpu.memory_space<vmem>>
        %dma_wait3A_184 = tpu.memref_squeeze %dma_wait3A_183 : memref<1x16x64xi32, #tpu.memory_space<vmem>> -> memref<16x64xi32, #tpu.memory_space<vmem>>
        %dma_wait3A_185 = arith.constant 0 : i32
        %dma_wait3A_186 = tpu.memref_slice %arg4[%mul3A_90, %dma_wait3A_185] : memref<5152x64xi32, #tpu.memory_space<hbm>> -> memref<16x64xi32, #tpu.memory_space<hbm>>
        %dma_wait3A_187 = arith.constant 0 : i32
        %dma_wait3A_188 = arith.constant 0 : i32
        %dma_wait3A_189 = tpu.memref_slice %arg7[%run_scoped3A_169, %dma_wait3A_187, %dma_wait3A_188] : memref<2x16x64xi32, #tpu.memory_space<vmem>> -> memref<1x16x64xi32, #tpu.memory_space<vmem>>
        %dma_wait3A_190 = tpu.memref_squeeze %dma_wait3A_189 : memref<1x16x64xi32, #tpu.memory_space<vmem>> -> memref<16x64xi32, #tpu.memory_space<vmem>>
        %dma_wait3A_191 = arith.constant 0 : i32
        %dma_wait3A_192 = tpu.memref_slice %arg4[%mul3A_90, %dma_wait3A_191] : memref<5152x64xi32, #tpu.memory_space<hbm>> -> memref<16x64xi32, #tpu.memory_space<hbm>>
        tpu.wait_dma2 semaphore(%run_scoped3A_170 : memref<!tpu.dma_semaphore, #tpu.memory_space<semaphore_mem>>) src(%dma_wait3A_192 : memref<16x64xi32, #tpu.memory_space<hbm>>) dst(%dma_wait3A_190 : memref<16x64xi32, #tpu.memory_space<vmem>>)
        tpu.yield
      }) : () -> ()
    } else {
    }
    %gt3A_121 = arith.constant 1 : i32
    %gt3A_122 = arith.cmpi sgt, %select_n3A_118, %gt3A_121 : i32
    %convert_element_type3A_123 = arith.extui %gt3A_122 : i1 to i32
    %cond3A_124 = arith.constant 0 : i32
    %cond3A_125 = arith.cmpi ne, %convert_element_type3A_123, %cond3A_124 : i32
    scf.if %cond3A_125 {
      %add3A_168 = arith.constant 16 : i32
      %add3A_169 = arith.addi %mul3A_90, %add3A_168 : i32
      %dma_start3A = arith.constant 1 : i32
      %dma_start3A_170 = arith.constant 0 : i32
      %dma_start3A_171 = arith.constant 0 : i32
      %dma_start3A_172 = tpu.memref_slice %arg6[%dma_start3A, %dma_start3A_170, %dma_start3A_171] : memref<2x16x64xi32, #tpu.memory_space<vmem>> -> memref<1x16x64xi32, #tpu.memory_space<vmem>>
      %dma_start3A_173 = tpu.memref_squeeze %dma_start3A_172 : memref<1x16x64xi32, #tpu.memory_space<vmem>> -> memref<16x64xi32, #tpu.memory_space<vmem>>
      %dma_start3A_174 = arith.constant 0 : i32
      %dma_start3A_175 = tpu.memref_slice %arg3[%add3A_169, %dma_start3A_174] : memref<5152x64xi32, #tpu.memory_space<hbm>> -> memref<16x64xi32, #tpu.memory_space<hbm>>
      %dma_start3A_176 = arith.constant 0 : i32
      %dma_start3A_177 = arith.constant 0 : i32
      %dma_start3A_178 = tpu.memref_slice %arg6[%dma_start3A, %dma_start3A_176, %dma_start3A_177] : memref<2x16x64xi32, #tpu.memory_space<vmem>> -> memref<1x16x64xi32, #tpu.memory_space<vmem>>
      %dma_start3A_179 = tpu.memref_squeeze %dma_start3A_178 : memref<1x16x64xi32, #tpu.memory_space<vmem>> -> memref<16x64xi32, #tpu.memory_space<vmem>>
      %dma_start3A_180 = arith.constant 0 : i32
      %dma_start3A_181 = tpu.memref_slice %arg3[%add3A_169, %dma_start3A_180] : memref<5152x64xi32, #tpu.memory_space<hbm>> -> memref<16x64xi32, #tpu.memory_space<hbm>>
      tpu.enqueue_dma source(%dma_start3A_181 : memref<16x64xi32, #tpu.memory_space<hbm>>) target(%dma_start3A_179 : memref<16x64xi32, #tpu.memory_space<vmem>>) target_semaphore(%arg13 : memref<!tpu.dma_semaphore, #tpu.memory_space<semaphore_mem>>)
      %add3A_182 = arith.constant 16 : i32
      %add3A_183 = arith.addi %mul3A_90, %add3A_182 : i32
      %dma_start3A_184 = arith.constant 1 : i32
      %dma_start3A_185 = arith.constant 0 : i32
      %dma_start3A_186 = arith.constant 0 : i32
      %dma_start3A_187 = tpu.memref_slice %arg7[%dma_start3A_184, %dma_start3A_185, %dma_start3A_186] : memref<2x16x64xi32, #tpu.memory_space<vmem>> -> memref<1x16x64xi32, #tpu.memory_space<vmem>>
      %dma_start3A_188 = tpu.memref_squeeze %dma_start3A_187 : memref<1x16x64xi32, #tpu.memory_space<vmem>> -> memref<16x64xi32, #tpu.memory_space<vmem>>
      %dma_start3A_189 = arith.constant 0 : i32
      %dma_start3A_190 = tpu.memref_slice %arg4[%add3A_183, %dma_start3A_189] : memref<5152x64xi32, #tpu.memory_space<hbm>> -> memref<16x64xi32, #tpu.memory_space<hbm>>
      %dma_start3A_191 = arith.constant 0 : i32
      %dma_start3A_192 = arith.constant 0 : i32
      %dma_start3A_193 = tpu.memref_slice %arg7[%dma_start3A_184, %dma_start3A_191, %dma_start3A_192] : memref<2x16x64xi32, #tpu.memory_space<vmem>> -> memref<1x16x64xi32, #tpu.memory_space<vmem>>
      %dma_start3A_194 = tpu.memref_squeeze %dma_start3A_193 : memref<1x16x64xi32, #tpu.memory_space<vmem>> -> memref<16x64xi32, #tpu.memory_space<vmem>>
      %dma_start3A_195 = arith.constant 0 : i32
      %dma_start3A_196 = tpu.memref_slice %arg4[%add3A_183, %dma_start3A_195] : memref<5152x64xi32, #tpu.memory_space<hbm>> -> memref<16x64xi32, #tpu.memory_space<hbm>>
      tpu.enqueue_dma source(%dma_start3A_196 : memref<16x64xi32, #tpu.memory_space<hbm>>) target(%dma_start3A_194 : memref<16x64xi32, #tpu.memory_space<vmem>>) target_semaphore(%arg13 : memref<!tpu.dma_semaphore, #tpu.memory_space<semaphore_mem>>)
    } else {
    }
    %gt3A_126 = arith.constant 0 : i32
    %gt3A_127 = arith.cmpi sgt, %mul3A_96, %gt3A_126 : i32
    %convert_element_type3A_128 = arith.extui %gt3A_127 : i1 to i32
    %cond3A_129 = arith.constant 0 : i32
    %cond3A_130 = arith.cmpi ne, %convert_element_type3A_128, %cond3A_129 : i32
    scf.if %cond3A_130 {
      %dma_start3A = arith.constant 0 : i32
      %dma_start3A_168 = arith.constant 0 : i32
      %dma_start3A_169 = arith.constant 0 : i32
      %dma_start3A_170 = arith.constant 0 : i32
      %dma_start3A_171 = arith.constant 0 : i32
      %dma_start3A_172 = tpu.memref_slice %arg8[%dma_start3A_169, %dma_start3A_170, %dma_start3A_171] : memref<4x64x128xf32, #tpu.memory_space<vmem>> -> memref<1x64x128xf32, #tpu.memory_space<vmem>>
      %dma_start3A_173 = tpu.memref_squeeze %dma_start3A_172 : memref<1x64x128xf32, #tpu.memory_space<vmem>> -> memref<64x128xf32, #tpu.memory_space<vmem>>
      %dma_start3A_174 = arith.constant 0 : i32
      %dma_start3A_175 = tpu.memref_slice %arg6[%dma_start3A, %dma_start3A_168, %dma_start3A_174] : memref<2x16x64xi32, #tpu.memory_space<vmem>> -> memref<1x1x64xi32, #tpu.memory_space<vmem>>
      %dma_start3A_176 = tpu.memref_squeeze %dma_start3A_175 : memref<1x1x64xi32, #tpu.memory_space<vmem>> -> memref<64xi32, #tpu.memory_space<vmem>>
      %dma_start3A_177 = arith.constant 0 : i32
      %dma_start3A_178 = arith.constant 0 : i32
      %dma_start3A_179 = tpu.memref_slice %arg2[%dma_start3A_177, %dma_start3A_178] : memref<10240x128xf32, #tpu.memory_space<hbm>> -> memref<10240x128xf32, #tpu.memory_space<hbm>>
      tpu.enqueue_indirect_dma source(%dma_start3A_179 : memref<10240x128xf32, #tpu.memory_space<hbm>>) target(%dma_start3A_173 : memref<64x128xf32, #tpu.memory_space<vmem>>) offsets(%dma_start3A_176 : memref<64xi32, #tpu.memory_space<vmem>>) semaphore(%arg14 : memref<!tpu.dma_semaphore, #tpu.memory_space<semaphore_mem>>)
      %dma_start3A_180 = arith.constant 0 : i32
      %dma_start3A_181 = arith.constant 1 : i32
      %dma_start3A_182 = arith.constant 1 : i32
      %dma_start3A_183 = arith.constant 0 : i32
      %dma_start3A_184 = arith.constant 0 : i32
      %dma_start3A_185 = tpu.memref_slice %arg8[%dma_start3A_182, %dma_start3A_183, %dma_start3A_184] : memref<4x64x128xf32, #tpu.memory_space<vmem>> -> memref<1x64x128xf32, #tpu.memory_space<vmem>>
      %dma_start3A_186 = tpu.memref_squeeze %dma_start3A_185 : memref<1x64x128xf32, #tpu.memory_space<vmem>> -> memref<64x128xf32, #tpu.memory_space<vmem>>
      %dma_start3A_187 = arith.constant 0 : i32
      %dma_start3A_188 = tpu.memref_slice %arg6[%dma_start3A_180, %dma_start3A_181, %dma_start3A_187] : memref<2x16x64xi32, #tpu.memory_space<vmem>> -> memref<1x1x64xi32, #tpu.memory_space<vmem>>
      %dma_start3A_189 = tpu.memref_squeeze %dma_start3A_188 : memref<1x1x64xi32, #tpu.memory_space<vmem>> -> memref<64xi32, #tpu.memory_space<vmem>>
      %dma_start3A_190 = arith.constant 0 : i32
      %dma_start3A_191 = arith.constant 0 : i32
      %dma_start3A_192 = tpu.memref_slice %arg2[%dma_start3A_190, %dma_start3A_191] : memref<10240x128xf32, #tpu.memory_space<hbm>> -> memref<10240x128xf32, #tpu.memory_space<hbm>>
      tpu.enqueue_indirect_dma source(%dma_start3A_192 : memref<10240x128xf32, #tpu.memory_space<hbm>>) target(%dma_start3A_186 : memref<64x128xf32, #tpu.memory_space<vmem>>) offsets(%dma_start3A_189 : memref<64xi32, #tpu.memory_space<vmem>>) semaphore(%arg14 : memref<!tpu.dma_semaphore, #tpu.memory_space<semaphore_mem>>)
    } else {
    }
    %while3A = arith.constant 0 : i32
    %while3A_131 = arith.constant 0 : i32
    %while3A_132 = arith.subi %mul3A_96, %while3A : i32
    %while3A_133 = arith.addi %while3A, %while3A_132 : i32
    %while3A_134 = arith.constant 1 : i32
    %while3A_135 = arith.divsi %while3A_132, %while3A_134 : i32
    %while3A_136 = arith.muli %while3A_135, %while3A_134 : i32
    %while3A_137 = arith.addi %while3A, %while3A_136 : i32
    %while3A_138 = arith.constant 1 : i32
    %while3A_139 = scf.for %while3A_168 = %while3A to %while3A_137 step %while3A_138 iter_args(%while3A_169 = %while3A_131) -> (i32)  : i32 {
      %jit3A_170 = arith.constant 4 : i32
      %eq3A_171 = arith.constant 0 : i32
      %eq3A_172 = arith.cmpi eq, %jit3A_170, %eq3A_171 : i32
      %jit3A_173 = arith.constant 1 : i32
      %select_n3A_174 = arith.select %eq3A_172, %jit3A_173, %jit3A_170 : i32
      %rem3A_175 = arith.remsi %while3A_168, %select_n3A_174 : i32
      %ne3A_176 = arith.constant 0 : i32
      %ne3A_177 = arith.cmpi ne, %rem3A_175, %ne3A_176 : i32
      %lt3A = arith.constant 0 : i32
      %lt3A_178 = arith.cmpi slt, %rem3A_175, %lt3A : i32
      %lt3A_179 = arith.constant 0 : i32
      %lt3A_180 = arith.cmpi slt, %select_n3A_174, %lt3A_179 : i32
      %ne3A_181 = arith.xori %lt3A_178, %lt3A_180 : i1
      %and3A_182 = arith.andi %ne3A_181, %ne3A_177 : i1
      %add3A_183 = arith.addi %rem3A_175, %select_n3A_174 : i32
      %select_n3A_184 = arith.select %and3A_182, %add3A_183, %rem3A_175 : i32
      %jit3A_185 = arith.constant 16 : i32
      %div3A_186 = arith.divsi %while3A_168, %jit3A_185 : i32
      %sign3A_187 = arith.constant 0 : i32
      %sign3A_188 = arith.cmpi sgt, %while3A_168, %sign3A_187 : i32
      %sign3A_189 = arith.extui %sign3A_188 : i1 to i32
      %sign3A_190 = arith.constant 0 : i32
      %sign3A_191 = arith.cmpi slt, %while3A_168, %sign3A_190 : i32
      %sign3A_192 = arith.extui %sign3A_191 : i1 to i32
      %sign3A_193 = arith.subi %sign3A_189, %sign3A_192 : i32
      %sign3A_194 = arith.constant 0 : i32
      %sign3A_195 = arith.cmpi sgt, %jit3A_185, %sign3A_194 : i32
      %sign3A_196 = arith.extui %sign3A_195 : i1 to i32
      %sign3A_197 = arith.constant 0 : i32
      %sign3A_198 = arith.cmpi slt, %jit3A_185, %sign3A_197 : i32
      %sign3A_199 = arith.extui %sign3A_198 : i1 to i32
      %sign3A_200 = arith.subi %sign3A_196, %sign3A_199 : i32
      %ne3A_201 = arith.cmpi ne, %sign3A_193, %sign3A_200 : i32
      %rem3A_202 = arith.remsi %while3A_168, %jit3A_185 : i32
      %ne3A_203 = arith.constant 0 : i32
      %ne3A_204 = arith.cmpi ne, %rem3A_202, %ne3A_203 : i32
      %and3A_205 = arith.andi %ne3A_201, %ne3A_204 : i1
      %sub3A_206 = arith.constant 1 : i32
      %sub3A_207 = arith.subi %div3A_186, %sub3A_206 : i32
      %select_n3A_208 = arith.select %and3A_205, %sub3A_207, %div3A_186 : i32
      %jit3A_209 = arith.constant 16 : i32
      %eq3A_210 = arith.constant 0 : i32
      %eq3A_211 = arith.cmpi eq, %jit3A_209, %eq3A_210 : i32
      %jit3A_212 = arith.constant 1 : i32
      %select_n3A_213 = arith.select %eq3A_211, %jit3A_212, %jit3A_209 : i32
      %rem3A_214 = arith.remsi %while3A_168, %select_n3A_213 : i32
      %ne3A_215 = arith.constant 0 : i32
      %ne3A_216 = arith.cmpi ne, %rem3A_214, %ne3A_215 : i32
      %lt3A_217 = arith.constant 0 : i32
      %lt3A_218 = arith.cmpi slt, %rem3A_214, %lt3A_217 : i32
      %lt3A_219 = arith.constant 0 : i32
      %lt3A_220 = arith.cmpi slt, %select_n3A_213, %lt3A_219 : i32
      %ne3A_221 = arith.xori %lt3A_218, %lt3A_220 : i1
      %and3A_222 = arith.andi %ne3A_221, %ne3A_216 : i1
      %add3A_223 = arith.addi %rem3A_214, %select_n3A_213 : i32
      %select_n3A_224 = arith.select %and3A_222, %add3A_223, %rem3A_214 : i32
      %ge3A = arith.constant 2 : i32
      %ge3A_225 = arith.cmpi sge, %while3A_168, %ge3A : i32
      %convert_element_type3A_226 = arith.extui %ge3A_225 : i1 to i32
      %cond3A_227 = arith.constant 0 : i32
      %cond3A_228 = arith.cmpi ne, %convert_element_type3A_226, %cond3A_227 : i32
      scf.if %cond3A_228 {
        %add3A_295 = arith.constant 2 : i32
        %add3A_296 = arith.addi %while3A_168, %add3A_295 : i32
        %jit3A_297 = arith.constant 4 : i32
        %eq3A_298 = arith.constant 0 : i32
        %eq3A_299 = arith.cmpi eq, %jit3A_297, %eq3A_298 : i32
        %jit3A_300 = arith.constant 1 : i32
        %select_n3A_301 = arith.select %eq3A_299, %jit3A_300, %jit3A_297 : i32
        %rem3A_302 = arith.remsi %add3A_296, %select_n3A_301 : i32
        %ne3A_303 = arith.constant 0 : i32
        %ne3A_304 = arith.cmpi ne, %rem3A_302, %ne3A_303 : i32
        %lt3A_305 = arith.constant 0 : i32
        %lt3A_306 = arith.cmpi slt, %rem3A_302, %lt3A_305 : i32
        %lt3A_307 = arith.constant 0 : i32
        %lt3A_308 = arith.cmpi slt, %select_n3A_301, %lt3A_307 : i32
        %ne3A_309 = arith.xori %lt3A_306, %lt3A_308 : i1
        %and3A_310 = arith.andi %ne3A_309, %ne3A_304 : i1
        %add3A_311 = arith.addi %rem3A_302, %select_n3A_301 : i32
        %select_n3A_312 = arith.select %and3A_310, %add3A_311, %rem3A_302 : i32
        %dma_wait3A_313 = arith.constant 0 : i32
        %dma_wait3A_314 = arith.constant 0 : i32
        %dma_wait3A_315 = tpu.memref_slice %arg8[%select_n3A_312, %dma_wait3A_313, %dma_wait3A_314] : memref<4x64x128xf32, #tpu.memory_space<vmem>> -> memref<1x64x128xf32, #tpu.memory_space<vmem>>
        %dma_wait3A_316 = tpu.memref_squeeze %dma_wait3A_315 : memref<1x64x128xf32, #tpu.memory_space<vmem>> -> memref<64x128xf32, #tpu.memory_space<vmem>>
        %dma_wait3A_317 = arith.constant 0 : i32
        %dma_wait3A_318 = arith.constant 0 : i32
        %dma_wait3A_319 = tpu.memref_slice %arg2[%dma_wait3A_317, %dma_wait3A_318] : memref<10240x128xf32, #tpu.memory_space<hbm>> -> memref<64x128xf32, #tpu.memory_space<hbm>>
        %dma_wait3A_320 = arith.constant 0 : i32
        %dma_wait3A_321 = arith.constant 0 : i32
        %dma_wait3A_322 = tpu.memref_slice %arg8[%select_n3A_312, %dma_wait3A_320, %dma_wait3A_321] : memref<4x64x128xf32, #tpu.memory_space<vmem>> -> memref<1x64x128xf32, #tpu.memory_space<vmem>>
        %dma_wait3A_323 = tpu.memref_squeeze %dma_wait3A_322 : memref<1x64x128xf32, #tpu.memory_space<vmem>> -> memref<64x128xf32, #tpu.memory_space<vmem>>
        %dma_wait3A_324 = arith.constant 0 : i32
        %dma_wait3A_325 = arith.constant 0 : i32
        %dma_wait3A_326 = tpu.memref_slice %arg2[%dma_wait3A_324, %dma_wait3A_325] : memref<10240x128xf32, #tpu.memory_space<hbm>> -> memref<64x128xf32, #tpu.memory_space<hbm>>
        tpu.wait_dma2 semaphore(%arg15 : memref<!tpu.dma_semaphore, #tpu.memory_space<semaphore_mem>>) src(%dma_wait3A_326 : memref<64x128xf32, #tpu.memory_space<hbm>>) dst(%dma_wait3A_323 : memref<64x128xf32, #tpu.memory_space<vmem>>)
      } else {
      }
      %eq3A_229 = arith.constant 0 : i32
      %eq3A_230 = arith.cmpi eq, %select_n3A_224, %eq3A_229 : i32
      %ge3A_231 = arith.constant 1 : i32
      %ge3A_232 = arith.cmpi sge, %select_n3A_208, %ge3A_231 : i32
      %sub3A_233 = arith.constant 1 : i32
      %sub3A_234 = arith.subi %select_n3A_118, %sub3A_233 : i32
      %lt3A_235 = arith.cmpi slt, %select_n3A_208, %sub3A_234 : i32
      %and3A_236 = arith.andi %ge3A_232, %lt3A_235 : i1
      %and3A_237 = arith.andi %eq3A_230, %and3A_236 : i1
      %convert_element_type3A_238 = arith.extui %and3A_237 : i1 to i32
      %cond3A_239 = arith.constant 0 : i32
      %cond3A_240 = arith.cmpi ne, %convert_element_type3A_238, %cond3A_239 : i32
      scf.if %cond3A_240 {
        %add3A_295 = arith.constant 1 : i32
        %add3A_296 = arith.addi %select_n3A_208, %add3A_295 : i32
        %mul3A_297 = arith.constant 16 : i32
        %mul3A_298 = arith.muli %add3A_296, %mul3A_297 : i32
        %add3A_299 = arith.addi %mul3A_90, %mul3A_298 : i32
        %jit3A_300 = arith.constant 2 : i32
        %eq3A_301 = arith.constant 0 : i32
        %eq3A_302 = arith.cmpi eq, %jit3A_300, %eq3A_301 : i32
        %jit3A_303 = arith.constant 1 : i32
        %select_n3A_304 = arith.select %eq3A_302, %jit3A_303, %jit3A_300 : i32
        %rem3A_305 = arith.remsi %add3A_296, %select_n3A_304 : i32
        %ne3A_306 = arith.constant 0 : i32
        %ne3A_307 = arith.cmpi ne, %rem3A_305, %ne3A_306 : i32
        %lt3A_308 = arith.constant 0 : i32
        %lt3A_309 = arith.cmpi slt, %rem3A_305, %lt3A_308 : i32
        %lt3A_310 = arith.constant 0 : i32
        %lt3A_311 = arith.cmpi slt, %select_n3A_304, %lt3A_310 : i32
        %ne3A_312 = arith.xori %lt3A_309, %lt3A_311 : i1
        %and3A_313 = arith.andi %ne3A_312, %ne3A_307 : i1
        %add3A_314 = arith.addi %rem3A_305, %select_n3A_304 : i32
        %select_n3A_315 = arith.select %and3A_313, %add3A_314, %rem3A_305 : i32
        %dma_start3A_316 = arith.constant 0 : i32
        %dma_start3A_317 = arith.constant 0 : i32
        %dma_start3A_318 = tpu.memref_slice %arg6[%select_n3A_315, %dma_start3A_316, %dma_start3A_317] : memref<2x16x64xi32, #tpu.memory_space<vmem>> -> memref<1x16x64xi32, #tpu.memory_space<vmem>>
        %dma_start3A_319 = tpu.memref_squeeze %dma_start3A_318 : memref<1x16x64xi32, #tpu.memory_space<vmem>> -> memref<16x64xi32, #tpu.memory_space<vmem>>
        %dma_start3A_320 = arith.constant 0 : i32
        %dma_start3A_321 = tpu.memref_slice %arg3[%add3A_299, %dma_start3A_320] : memref<5152x64xi32, #tpu.memory_space<hbm>> -> memref<16x64xi32, #tpu.memory_space<hbm>>
        %dma_start3A_322 = arith.constant 0 : i32
        %dma_start3A_323 = arith.constant 0 : i32
        %dma_start3A_324 = tpu.memref_slice %arg6[%select_n3A_315, %dma_start3A_322, %dma_start3A_323] : memref<2x16x64xi32, #tpu.memory_space<vmem>> -> memref<1x16x64xi32, #tpu.memory_space<vmem>>
        %dma_start3A_325 = tpu.memref_squeeze %dma_start3A_324 : memref<1x16x64xi32, #tpu.memory_space<vmem>> -> memref<16x64xi32, #tpu.memory_space<vmem>>
        %dma_start3A_326 = arith.constant 0 : i32
        %dma_start3A_327 = tpu.memref_slice %arg3[%add3A_299, %dma_start3A_326] : memref<5152x64xi32, #tpu.memory_space<hbm>> -> memref<16x64xi32, #tpu.memory_space<hbm>>
        tpu.enqueue_dma source(%dma_start3A_327 : memref<16x64xi32, #tpu.memory_space<hbm>>) target(%dma_start3A_325 : memref<16x64xi32, #tpu.memory_space<vmem>>) target_semaphore(%arg13 : memref<!tpu.dma_semaphore, #tpu.memory_space<semaphore_mem>>)
        %mul3A_328 = arith.constant 16 : i32
        %mul3A_329 = arith.muli %add3A_296, %mul3A_328 : i32
        %add3A_330 = arith.addi %mul3A_90, %mul3A_329 : i32
        %jit3A_331 = arith.constant 2 : i32
        %eq3A_332 = arith.constant 0 : i32
        %eq3A_333 = arith.cmpi eq, %jit3A_331, %eq3A_332 : i32
        %jit3A_334 = arith.constant 1 : i32
        %select_n3A_335 = arith.select %eq3A_333, %jit3A_334, %jit3A_331 : i32
        %rem3A_336 = arith.remsi %add3A_296, %select_n3A_335 : i32
        %ne3A_337 = arith.constant 0 : i32
        %ne3A_338 = arith.cmpi ne, %rem3A_336, %ne3A_337 : i32
        %lt3A_339 = arith.constant 0 : i32
        %lt3A_340 = arith.cmpi slt, %rem3A_336, %lt3A_339 : i32
        %lt3A_341 = arith.constant 0 : i32
        %lt3A_342 = arith.cmpi slt, %select_n3A_335, %lt3A_341 : i32
        %ne3A_343 = arith.xori %lt3A_340, %lt3A_342 : i1
        %and3A_344 = arith.andi %ne3A_343, %ne3A_338 : i1
        %add3A_345 = arith.addi %rem3A_336, %select_n3A_335 : i32
        %select_n3A_346 = arith.select %and3A_344, %add3A_345, %rem3A_336 : i32
        %dma_start3A_347 = arith.constant 0 : i32
        %dma_start3A_348 = arith.constant 0 : i32
        %dma_start3A_349 = tpu.memref_slice %arg7[%select_n3A_346, %dma_start3A_347, %dma_start3A_348] : memref<2x16x64xi32, #tpu.memory_space<vmem>> -> memref<1x16x64xi32, #tpu.memory_space<vmem>>
        %dma_start3A_350 = tpu.memref_squeeze %dma_start3A_349 : memref<1x16x64xi32, #tpu.memory_space<vmem>> -> memref<16x64xi32, #tpu.memory_space<vmem>>
        %dma_start3A_351 = arith.constant 0 : i32
        %dma_start3A_352 = tpu.memref_slice %arg4[%add3A_330, %dma_start3A_351] : memref<5152x64xi32, #tpu.memory_space<hbm>> -> memref<16x64xi32, #tpu.memory_space<hbm>>
        %dma_start3A_353 = arith.constant 0 : i32
        %dma_start3A_354 = arith.constant 0 : i32
        %dma_start3A_355 = tpu.memref_slice %arg7[%select_n3A_346, %dma_start3A_353, %dma_start3A_354] : memref<2x16x64xi32, #tpu.memory_space<vmem>> -> memref<1x16x64xi32, #tpu.memory_space<vmem>>
        %dma_start3A_356 = tpu.memref_squeeze %dma_start3A_355 : memref<1x16x64xi32, #tpu.memory_space<vmem>> -> memref<16x64xi32, #tpu.memory_space<vmem>>
        %dma_start3A_357 = arith.constant 0 : i32
        %dma_start3A_358 = tpu.memref_slice %arg4[%add3A_330, %dma_start3A_357] : memref<5152x64xi32, #tpu.memory_space<hbm>> -> memref<16x64xi32, #tpu.memory_space<hbm>>
        tpu.enqueue_dma source(%dma_start3A_358 : memref<16x64xi32, #tpu.memory_space<hbm>>) target(%dma_start3A_356 : memref<16x64xi32, #tpu.memory_space<vmem>>) target_semaphore(%arg13 : memref<!tpu.dma_semaphore, #tpu.memory_space<semaphore_mem>>)
      } else {
      }
      %eq3A_241 = arith.constant 14 : i32
      %eq3A_242 = arith.cmpi eq, %select_n3A_224, %eq3A_241 : i32
      %sub3A_243 = arith.constant 2 : i32
      %sub3A_244 = arith.subi %mul3A_96, %sub3A_243 : i32
      %lt3A_245 = arith.cmpi slt, %while3A_168, %sub3A_244 : i32
      %and3A_246 = arith.andi %eq3A_242, %lt3A_245 : i1
      %convert_element_type3A_247 = arith.extui %and3A_246 : i1 to i32
      %cond3A_248 = arith.constant 0 : i32
      %cond3A_249 = arith.cmpi ne, %convert_element_type3A_247, %cond3A_248 : i32
      scf.if %cond3A_249 {
        %dma_wait3A_295 = arith.constant 0 : i32
        %dma_wait3A_296 = arith.constant 0 : i32
        %dma_wait3A_297 = arith.constant 0 : i32
        %dma_wait3A_298 = tpu.memref_slice %arg6[%dma_wait3A_295, %dma_wait3A_296, %dma_wait3A_297] : memref<2x16x64xi32, #tpu.memory_space<vmem>> -> memref<1x16x64xi32, #tpu.memory_space<vmem>>
        %dma_wait3A_299 = tpu.memref_squeeze %dma_wait3A_298 : memref<1x16x64xi32, #tpu.memory_space<vmem>> -> memref<16x64xi32, #tpu.memory_space<vmem>>
        %dma_wait3A_300 = arith.constant 0 : i32
        %dma_wait3A_301 = arith.constant 0 : i32
        %dma_wait3A_302 = tpu.memref_slice %arg3[%dma_wait3A_300, %dma_wait3A_301] : memref<5152x64xi32, #tpu.memory_space<hbm>> -> memref<16x64xi32, #tpu.memory_space<hbm>>
        %dma_wait3A_303 = arith.constant 0 : i32
        %dma_wait3A_304 = arith.constant 0 : i32
        %dma_wait3A_305 = tpu.memref_slice %arg6[%dma_wait3A_295, %dma_wait3A_303, %dma_wait3A_304] : memref<2x16x64xi32, #tpu.memory_space<vmem>> -> memref<1x16x64xi32, #tpu.memory_space<vmem>>
        %dma_wait3A_306 = tpu.memref_squeeze %dma_wait3A_305 : memref<1x16x64xi32, #tpu.memory_space<vmem>> -> memref<16x64xi32, #tpu.memory_space<vmem>>
        %dma_wait3A_307 = arith.constant 0 : i32
        %dma_wait3A_308 = arith.constant 0 : i32
        %dma_wait3A_309 = tpu.memref_slice %arg3[%dma_wait3A_307, %dma_wait3A_308] : memref<5152x64xi32, #tpu.memory_space<hbm>> -> memref<16x64xi32, #tpu.memory_space<hbm>>
        tpu.wait_dma2 semaphore(%arg13 : memref<!tpu.dma_semaphore, #tpu.memory_space<semaphore_mem>>) src(%dma_wait3A_309 : memref<16x64xi32, #tpu.memory_space<hbm>>) dst(%dma_wait3A_306 : memref<16x64xi32, #tpu.memory_space<vmem>>)
        %dma_wait3A_310 = arith.constant 0 : i32
        %dma_wait3A_311 = arith.constant 0 : i32
        %dma_wait3A_312 = arith.constant 0 : i32
        %dma_wait3A_313 = tpu.memref_slice %arg7[%dma_wait3A_310, %dma_wait3A_311, %dma_wait3A_312] : memref<2x16x64xi32, #tpu.memory_space<vmem>> -> memref<1x16x64xi32, #tpu.memory_space<vmem>>
        %dma_wait3A_314 = tpu.memref_squeeze %dma_wait3A_313 : memref<1x16x64xi32, #tpu.memory_space<vmem>> -> memref<16x64xi32, #tpu.memory_space<vmem>>
        %dma_wait3A_315 = arith.constant 0 : i32
        %dma_wait3A_316 = arith.constant 0 : i32
        %dma_wait3A_317 = tpu.memref_slice %arg4[%dma_wait3A_315, %dma_wait3A_316] : memref<5152x64xi32, #tpu.memory_space<hbm>> -> memref<16x64xi32, #tpu.memory_space<hbm>>
        %dma_wait3A_318 = arith.constant 0 : i32
        %dma_wait3A_319 = arith.constant 0 : i32
        %dma_wait3A_320 = tpu.memref_slice %arg7[%dma_wait3A_310, %dma_wait3A_318, %dma_wait3A_319] : memref<2x16x64xi32, #tpu.memory_space<vmem>> -> memref<1x16x64xi32, #tpu.memory_space<vmem>>
        %dma_wait3A_321 = tpu.memref_squeeze %dma_wait3A_320 : memref<1x16x64xi32, #tpu.memory_space<vmem>> -> memref<16x64xi32, #tpu.memory_space<vmem>>
        %dma_wait3A_322 = arith.constant 0 : i32
        %dma_wait3A_323 = arith.constant 0 : i32
        %dma_wait3A_324 = tpu.memref_slice %arg4[%dma_wait3A_322, %dma_wait3A_323] : memref<5152x64xi32, #tpu.memory_space<hbm>> -> memref<16x64xi32, #tpu.memory_space<hbm>>
        tpu.wait_dma2 semaphore(%arg13 : memref<!tpu.dma_semaphore, #tpu.memory_space<semaphore_mem>>) src(%dma_wait3A_324 : memref<16x64xi32, #tpu.memory_space<hbm>>) dst(%dma_wait3A_321 : memref<16x64xi32, #tpu.memory_space<vmem>>)
      } else {
      }
      %sub3A_250 = arith.constant 2 : i32
      %sub3A_251 = arith.subi %mul3A_96, %sub3A_250 : i32
      %lt3A_252 = arith.cmpi slt, %while3A_168, %sub3A_251 : i32
      %convert_element_type3A_253 = arith.extui %lt3A_252 : i1 to i32
      %cond3A_254 = arith.constant 0 : i32
      %cond3A_255 = arith.cmpi ne, %convert_element_type3A_253, %cond3A_254 : i32
      scf.if %cond3A_255 {
        %add3A_295 = arith.constant 2 : i32
        %add3A_296 = arith.addi %while3A_168, %add3A_295 : i32
        %jit3A_297 = arith.constant 16 : i32
        %div3A_298 = arith.divsi %add3A_296, %jit3A_297 : i32
        %sign3A_299 = arith.constant 0 : i32
        %sign3A_300 = arith.cmpi sgt, %add3A_296, %sign3A_299 : i32
        %sign3A_301 = arith.extui %sign3A_300 : i1 to i32
        %sign3A_302 = arith.constant 0 : i32
        %sign3A_303 = arith.cmpi slt, %add3A_296, %sign3A_302 : i32
        %sign3A_304 = arith.extui %sign3A_303 : i1 to i32
        %sign3A_305 = arith.subi %sign3A_301, %sign3A_304 : i32
        %sign3A_306 = arith.constant 0 : i32
        %sign3A_307 = arith.cmpi sgt, %jit3A_297, %sign3A_306 : i32
        %sign3A_308 = arith.extui %sign3A_307 : i1 to i32
        %sign3A_309 = arith.constant 0 : i32
        %sign3A_310 = arith.cmpi slt, %jit3A_297, %sign3A_309 : i32
        %sign3A_311 = arith.extui %sign3A_310 : i1 to i32
        %sign3A_312 = arith.subi %sign3A_308, %sign3A_311 : i32
        %ne3A_313 = arith.cmpi ne, %sign3A_305, %sign3A_312 : i32
        %rem3A_314 = arith.remsi %add3A_296, %jit3A_297 : i32
        %ne3A_315 = arith.constant 0 : i32
        %ne3A_316 = arith.cmpi ne, %rem3A_314, %ne3A_315 : i32
        %and3A_317 = arith.andi %ne3A_313, %ne3A_316 : i1
        %sub3A_318 = arith.constant 1 : i32
        %sub3A_319 = arith.subi %div3A_298, %sub3A_318 : i32
        %select_n3A_320 = arith.select %and3A_317, %sub3A_319, %div3A_298 : i32
        %jit3A_321 = arith.constant 2 : i32
        %eq3A_322 = arith.constant 0 : i32
        %eq3A_323 = arith.cmpi eq, %jit3A_321, %eq3A_322 : i32
        %jit3A_324 = arith.constant 1 : i32
        %select_n3A_325 = arith.select %eq3A_323, %jit3A_324, %jit3A_321 : i32
        %rem3A_326 = arith.remsi %select_n3A_320, %select_n3A_325 : i32
        %ne3A_327 = arith.constant 0 : i32
        %ne3A_328 = arith.cmpi ne, %rem3A_326, %ne3A_327 : i32
        %lt3A_329 = arith.constant 0 : i32
        %lt3A_330 = arith.cmpi slt, %rem3A_326, %lt3A_329 : i32
        %lt3A_331 = arith.constant 0 : i32
        %lt3A_332 = arith.cmpi slt, %select_n3A_325, %lt3A_331 : i32
        %ne3A_333 = arith.xori %lt3A_330, %lt3A_332 : i1
        %and3A_334 = arith.andi %ne3A_333, %ne3A_328 : i1
        %add3A_335 = arith.addi %rem3A_326, %select_n3A_325 : i32
        %select_n3A_336 = arith.select %and3A_334, %add3A_335, %rem3A_326 : i32
        %jit3A_337 = arith.constant 16 : i32
        %eq3A_338 = arith.constant 0 : i32
        %eq3A_339 = arith.cmpi eq, %jit3A_337, %eq3A_338 : i32
        %jit3A_340 = arith.constant 1 : i32
        %select_n3A_341 = arith.select %eq3A_339, %jit3A_340, %jit3A_337 : i32
        %rem3A_342 = arith.remsi %add3A_296, %select_n3A_341 : i32
        %ne3A_343 = arith.constant 0 : i32
        %ne3A_344 = arith.cmpi ne, %rem3A_342, %ne3A_343 : i32
        %lt3A_345 = arith.constant 0 : i32
        %lt3A_346 = arith.cmpi slt, %rem3A_342, %lt3A_345 : i32
        %lt3A_347 = arith.constant 0 : i32
        %lt3A_348 = arith.cmpi slt, %select_n3A_341, %lt3A_347 : i32
        %ne3A_349 = arith.xori %lt3A_346, %lt3A_348 : i1
        %and3A_350 = arith.andi %ne3A_349, %ne3A_344 : i1
        %add3A_351 = arith.addi %rem3A_342, %select_n3A_341 : i32
        %select_n3A_352 = arith.select %and3A_350, %add3A_351, %rem3A_342 : i32
        %jit3A_353 = arith.constant 4 : i32
        %eq3A_354 = arith.constant 0 : i32
        %eq3A_355 = arith.cmpi eq, %jit3A_353, %eq3A_354 : i32
        %jit3A_356 = arith.constant 1 : i32
        %select_n3A_357 = arith.select %eq3A_355, %jit3A_356, %jit3A_353 : i32
        %rem3A_358 = arith.remsi %add3A_296, %select_n3A_357 : i32
        %ne3A_359 = arith.constant 0 : i32
        %ne3A_360 = arith.cmpi ne, %rem3A_358, %ne3A_359 : i32
        %lt3A_361 = arith.constant 0 : i32
        %lt3A_362 = arith.cmpi slt, %rem3A_358, %lt3A_361 : i32
        %lt3A_363 = arith.constant 0 : i32
        %lt3A_364 = arith.cmpi slt, %select_n3A_357, %lt3A_363 : i32
        %ne3A_365 = arith.xori %lt3A_362, %lt3A_364 : i1
        %and3A_366 = arith.andi %ne3A_365, %ne3A_360 : i1
        %add3A_367 = arith.addi %rem3A_358, %select_n3A_357 : i32
        %select_n3A_368 = arith.select %and3A_366, %add3A_367, %rem3A_358 : i32
        %dma_start3A_369 = arith.constant 0 : i32
        %dma_start3A_370 = arith.constant 0 : i32
        %dma_start3A_371 = tpu.memref_slice %arg8[%select_n3A_368, %dma_start3A_369, %dma_start3A_370] : memref<4x64x128xf32, #tpu.memory_space<vmem>> -> memref<1x64x128xf32, #tpu.memory_space<vmem>>
        %dma_start3A_372 = tpu.memref_squeeze %dma_start3A_371 : memref<1x64x128xf32, #tpu.memory_space<vmem>> -> memref<64x128xf32, #tpu.memory_space<vmem>>
        %dma_start3A_373 = arith.constant 0 : i32
        %dma_start3A_374 = tpu.memref_slice %arg6[%select_n3A_336, %select_n3A_352, %dma_start3A_373] : memref<2x16x64xi32, #tpu.memory_space<vmem>> -> memref<1x1x64xi32, #tpu.memory_space<vmem>>
        %dma_start3A_375 = tpu.memref_squeeze %dma_start3A_374 : memref<1x1x64xi32, #tpu.memory_space<vmem>> -> memref<64xi32, #tpu.memory_space<vmem>>
        %dma_start3A_376 = arith.constant 0 : i32
        %dma_start3A_377 = arith.constant 0 : i32
        %dma_start3A_378 = tpu.memref_slice %arg2[%dma_start3A_376, %dma_start3A_377] : memref<10240x128xf32, #tpu.memory_space<hbm>> -> memref<10240x128xf32, #tpu.memory_space<hbm>>
        tpu.enqueue_indirect_dma source(%dma_start3A_378 : memref<10240x128xf32, #tpu.memory_space<hbm>>) target(%dma_start3A_372 : memref<64x128xf32, #tpu.memory_space<vmem>>) offsets(%dma_start3A_375 : memref<64xi32, #tpu.memory_space<vmem>>) semaphore(%arg14 : memref<!tpu.dma_semaphore, #tpu.memory_space<semaphore_mem>>)
      } else {
      }
      %dma_wait3A = arith.constant 0 : i32
      %dma_wait3A_256 = arith.constant 0 : i32
      %dma_wait3A_257 = tpu.memref_slice %arg8[%select_n3A_184, %dma_wait3A, %dma_wait3A_256] : memref<4x64x128xf32, #tpu.memory_space<vmem>> -> memref<1x64x128xf32, #tpu.memory_space<vmem>>
      %dma_wait3A_258 = tpu.memref_squeeze %dma_wait3A_257 : memref<1x64x128xf32, #tpu.memory_space<vmem>> -> memref<64x128xf32, #tpu.memory_space<vmem>>
      %dma_wait3A_259 = arith.constant 0 : i32
      %dma_wait3A_260 = arith.constant 0 : i32
      %dma_wait3A_261 = tpu.memref_slice %arg2[%dma_wait3A_259, %dma_wait3A_260] : memref<10240x128xf32, #tpu.memory_space<hbm>> -> memref<64x128xf32, #tpu.memory_space<hbm>>
      %dma_wait3A_262 = arith.constant 0 : i32
      %dma_wait3A_263 = arith.constant 0 : i32
      %dma_wait3A_264 = tpu.memref_slice %arg8[%select_n3A_184, %dma_wait3A_262, %dma_wait3A_263] : memref<4x64x128xf32, #tpu.memory_space<vmem>> -> memref<1x64x128xf32, #tpu.memory_space<vmem>>
      %dma_wait3A_265 = tpu.memref_squeeze %dma_wait3A_264 : memref<1x64x128xf32, #tpu.memory_space<vmem>> -> memref<64x128xf32, #tpu.memory_space<vmem>>
      %dma_wait3A_266 = arith.constant 0 : i32
      %dma_wait3A_267 = arith.constant 0 : i32
      %dma_wait3A_268 = tpu.memref_slice %arg2[%dma_wait3A_266, %dma_wait3A_267] : memref<10240x128xf32, #tpu.memory_space<hbm>> -> memref<64x128xf32, #tpu.memory_space<hbm>>
      tpu.wait_dma2 semaphore(%arg14 : memref<!tpu.dma_semaphore, #tpu.memory_space<semaphore_mem>>) src(%dma_wait3A_268 : memref<64x128xf32, #tpu.memory_space<hbm>>) dst(%dma_wait3A_265 : memref<64x128xf32, #tpu.memory_space<vmem>>)
      %jit3A_269 = arith.constant 2 : i32
      %eq3A_270 = arith.constant 0 : i32
      %eq3A_271 = arith.cmpi eq, %jit3A_269, %eq3A_270 : i32
      %jit3A_272 = arith.constant 1 : i32
      %select_n3A_273 = arith.select %eq3A_271, %jit3A_272, %jit3A_269 : i32
      %rem3A_274 = arith.remsi %select_n3A_208, %select_n3A_273 : i32
      %ne3A_275 = arith.constant 0 : i32
      %ne3A_276 = arith.cmpi ne, %rem3A_274, %ne3A_275 : i32
      %lt3A_277 = arith.constant 0 : i32
      %lt3A_278 = arith.cmpi slt, %rem3A_274, %lt3A_277 : i32
      %lt3A_279 = arith.constant 0 : i32
      %lt3A_280 = arith.cmpi slt, %select_n3A_273, %lt3A_279 : i32
      %ne3A_281 = arith.xori %lt3A_278, %lt3A_280 : i1
      %and3A_282 = arith.andi %ne3A_281, %ne3A_276 : i1
      %add3A_283 = arith.addi %rem3A_274, %select_n3A_273 : i32
      %select_n3A_284 = arith.select %and3A_282, %add3A_283, %rem3A_274 : i32
      %dma_start3A = arith.constant 0 : i32
      %dma_start3A_285 = arith.constant 0 : i32
      %dma_start3A_286 = tpu.memref_slice %arg8[%select_n3A_184, %dma_start3A, %dma_start3A_285] : memref<4x64x128xf32, #tpu.memory_space<vmem>> -> memref<1x64x128xf32, #tpu.memory_space<vmem>>
      %dma_start3A_287 = tpu.memref_squeeze %dma_start3A_286 : memref<1x64x128xf32, #tpu.memory_space<vmem>> -> memref<64x128xf32, #tpu.memory_space<vmem>>
      %dma_start3A_288 = arith.constant 0 : i32
      %dma_start3A_289 = tpu.memref_slice %arg7[%select_n3A_284, %select_n3A_224, %dma_start3A_288] : memref<2x16x64xi32, #tpu.memory_space<vmem>> -> memref<1x1x64xi32, #tpu.memory_space<vmem>>
      %dma_start3A_290 = tpu.memref_squeeze %dma_start3A_289 : memref<1x1x64xi32, #tpu.memory_space<vmem>> -> memref<64xi32, #tpu.memory_space<vmem>>
      %dma_start3A_291 = arith.constant 0 : i32
      %dma_start3A_292 = arith.constant 0 : i32
      %dma_start3A_293 = tpu.memref_slice %arg11[%dma_start3A_291, %dma_start3A_292] : memref<10240x128xf32, #tpu.memory_space<vmem_shared>> -> memref<10240x128xf32, #tpu.memory_space<vmem_shared>>
      tpu.enqueue_indirect_dma source(%dma_start3A_287 : memref<64x128xf32, #tpu.memory_space<vmem>>) target(%dma_start3A_293 : memref<10240x128xf32, #tpu.memory_space<vmem_shared>>) offsets(%dma_start3A_290 : memref<64xi32, #tpu.memory_space<vmem>>) semaphore(%arg15 : memref<!tpu.dma_semaphore, #tpu.memory_space<semaphore_mem>>) {add = true}
      %while3A_294 = arith.constant 0 : i32
      scf.yield %while3A_294 : i32
    }
    %while3A_140 = arith.constant 1 : i32
    %while3A_141 = scf.for %while3A_168 = %while3A_137 to %while3A_133 step %while3A_140 iter_args(%while3A_169 = %while3A_139) -> (i32)  : i32 {
      %jit3A_170 = arith.constant 4 : i32
      %eq3A_171 = arith.constant 0 : i32
      %eq3A_172 = arith.cmpi eq, %jit3A_170, %eq3A_171 : i32
      %jit3A_173 = arith.constant 1 : i32
      %select_n3A_174 = arith.select %eq3A_172, %jit3A_173, %jit3A_170 : i32
      %rem3A_175 = arith.remsi %while3A_168, %select_n3A_174 : i32
      %ne3A_176 = arith.constant 0 : i32
      %ne3A_177 = arith.cmpi ne, %rem3A_175, %ne3A_176 : i32
      %lt3A = arith.constant 0 : i32
      %lt3A_178 = arith.cmpi slt, %rem3A_175, %lt3A : i32
      %lt3A_179 = arith.constant 0 : i32
      %lt3A_180 = arith.cmpi slt, %select_n3A_174, %lt3A_179 : i32
      %ne3A_181 = arith.xori %lt3A_178, %lt3A_180 : i1
      %and3A_182 = arith.andi %ne3A_181, %ne3A_177 : i1
      %add3A_183 = arith.addi %rem3A_175, %select_n3A_174 : i32
      %select_n3A_184 = arith.select %and3A_182, %add3A_183, %rem3A_175 : i32
      %jit3A_185 = arith.constant 16 : i32
      %div3A_186 = arith.divsi %while3A_168, %jit3A_185 : i32
      %sign3A_187 = arith.constant 0 : i32
      %sign3A_188 = arith.cmpi sgt, %while3A_168, %sign3A_187 : i32
      %sign3A_189 = arith.extui %sign3A_188 : i1 to i32
      %sign3A_190 = arith.constant 0 : i32
      %sign3A_191 = arith.cmpi slt, %while3A_168, %sign3A_190 : i32
      %sign3A_192 = arith.extui %sign3A_191 : i1 to i32
      %sign3A_193 = arith.subi %sign3A_189, %sign3A_192 : i32
      %sign3A_194 = arith.constant 0 : i32
      %sign3A_195 = arith.cmpi sgt, %jit3A_185, %sign3A_194 : i32
      %sign3A_196 = arith.extui %sign3A_195 : i1 to i32
      %sign3A_197 = arith.constant 0 : i32
      %sign3A_198 = arith.cmpi slt, %jit3A_185, %sign3A_197 : i32
      %sign3A_199 = arith.extui %sign3A_198 : i1 to i32
      %sign3A_200 = arith.subi %sign3A_196, %sign3A_199 : i32
      %ne3A_201 = arith.cmpi ne, %sign3A_193, %sign3A_200 : i32
      %rem3A_202 = arith.remsi %while3A_168, %jit3A_185 : i32
      %ne3A_203 = arith.constant 0 : i32
      %ne3A_204 = arith.cmpi ne, %rem3A_202, %ne3A_203 : i32
      %and3A_205 = arith.andi %ne3A_201, %ne3A_204 : i1
      %sub3A_206 = arith.constant 1 : i32
      %sub3A_207 = arith.subi %div3A_186, %sub3A_206 : i32
      %select_n3A_208 = arith.select %and3A_205, %sub3A_207, %div3A_186 : i32
      %jit3A_209 = arith.constant 16 : i32
      %eq3A_210 = arith.constant 0 : i32
      %eq3A_211 = arith.cmpi eq, %jit3A_209, %eq3A_210 : i32
      %jit3A_212 = arith.constant 1 : i32
      %select_n3A_213 = arith.select %eq3A_211, %jit3A_212, %jit3A_209 : i32
      %rem3A_214 = arith.remsi %while3A_168, %select_n3A_213 : i32
      %ne3A_215 = arith.constant 0 : i32
      %ne3A_216 = arith.cmpi ne, %rem3A_214, %ne3A_215 : i32
      %lt3A_217 = arith.constant 0 : i32
      %lt3A_218 = arith.cmpi slt, %rem3A_214, %lt3A_217 : i32
      %lt3A_219 = arith.constant 0 : i32
      %lt3A_220 = arith.cmpi slt, %select_n3A_213, %lt3A_219 : i32
      %ne3A_221 = arith.xori %lt3A_218, %lt3A_220 : i1
      %and3A_222 = arith.andi %ne3A_221, %ne3A_216 : i1
      %add3A_223 = arith.addi %rem3A_214, %select_n3A_213 : i32
      %select_n3A_224 = arith.select %and3A_222, %add3A_223, %rem3A_214 : i32
      %ge3A = arith.constant 2 : i32
      %ge3A_225 = arith.cmpi sge, %while3A_168, %ge3A : i32
      %convert_element_type3A_226 = arith.extui %ge3A_225 : i1 to i32
      %cond3A_227 = arith.constant 0 : i32
      %cond3A_228 = arith.cmpi ne, %convert_element_type3A_226, %cond3A_227 : i32
      scf.if %cond3A_228 {
        %add3A_295 = arith.constant 2 : i32
        %add3A_296 = arith.addi %while3A_168, %add3A_295 : i32
        %jit3A_297 = arith.constant 4 : i32
        %eq3A_298 = arith.constant 0 : i32
        %eq3A_299 = arith.cmpi eq, %jit3A_297, %eq3A_298 : i32
        %jit3A_300 = arith.constant 1 : i32
        %select_n3A_301 = arith.select %eq3A_299, %jit3A_300, %jit3A_297 : i32
        %rem3A_302 = arith.remsi %add3A_296, %select_n3A_301 : i32
        %ne3A_303 = arith.constant 0 : i32
        %ne3A_304 = arith.cmpi ne, %rem3A_302, %ne3A_303 : i32
        %lt3A_305 = arith.constant 0 : i32
        %lt3A_306 = arith.cmpi slt, %rem3A_302, %lt3A_305 : i32
        %lt3A_307 = arith.constant 0 : i32
        %lt3A_308 = arith.cmpi slt, %select_n3A_301, %lt3A_307 : i32
        %ne3A_309 = arith.xori %lt3A_306, %lt3A_308 : i1
        %and3A_310 = arith.andi %ne3A_309, %ne3A_304 : i1
        %add3A_311 = arith.addi %rem3A_302, %select_n3A_301 : i32
        %select_n3A_312 = arith.select %and3A_310, %add3A_311, %rem3A_302 : i32
        %dma_wait3A_313 = arith.constant 0 : i32
        %dma_wait3A_314 = arith.constant 0 : i32
        %dma_wait3A_315 = tpu.memref_slice %arg8[%select_n3A_312, %dma_wait3A_313, %dma_wait3A_314] : memref<4x64x128xf32, #tpu.memory_space<vmem>> -> memref<1x64x128xf32, #tpu.memory_space<vmem>>
        %dma_wait3A_316 = tpu.memref_squeeze %dma_wait3A_315 : memref<1x64x128xf32, #tpu.memory_space<vmem>> -> memref<64x128xf32, #tpu.memory_space<vmem>>
        %dma_wait3A_317 = arith.constant 0 : i32
        %dma_wait3A_318 = arith.constant 0 : i32
        %dma_wait3A_319 = tpu.memref_slice %arg2[%dma_wait3A_317, %dma_wait3A_318] : memref<10240x128xf32, #tpu.memory_space<hbm>> -> memref<64x128xf32, #tpu.memory_space<hbm>>
        %dma_wait3A_320 = arith.constant 0 : i32
        %dma_wait3A_321 = arith.constant 0 : i32
        %dma_wait3A_322 = tpu.memref_slice %arg8[%select_n3A_312, %dma_wait3A_320, %dma_wait3A_321] : memref<4x64x128xf32, #tpu.memory_space<vmem>> -> memref<1x64x128xf32, #tpu.memory_space<vmem>>
        %dma_wait3A_323 = tpu.memref_squeeze %dma_wait3A_322 : memref<1x64x128xf32, #tpu.memory_space<vmem>> -> memref<64x128xf32, #tpu.memory_space<vmem>>
        %dma_wait3A_324 = arith.constant 0 : i32
        %dma_wait3A_325 = arith.constant 0 : i32
        %dma_wait3A_326 = tpu.memref_slice %arg2[%dma_wait3A_324, %dma_wait3A_325] : memref<10240x128xf32, #tpu.memory_space<hbm>> -> memref<64x128xf32, #tpu.memory_space<hbm>>
        tpu.wait_dma2 semaphore(%arg15 : memref<!tpu.dma_semaphore, #tpu.memory_space<semaphore_mem>>) src(%dma_wait3A_326 : memref<64x128xf32, #tpu.memory_space<hbm>>) dst(%dma_wait3A_323 : memref<64x128xf32, #tpu.memory_space<vmem>>)
      } else {
      }
      %eq3A_229 = arith.constant 0 : i32
      %eq3A_230 = arith.cmpi eq, %select_n3A_224, %eq3A_229 : i32
      %ge3A_231 = arith.constant 1 : i32
      %ge3A_232 = arith.cmpi sge, %select_n3A_208, %ge3A_231 : i32
      %sub3A_233 = arith.constant 1 : i32
      %sub3A_234 = arith.subi %select_n3A_118, %sub3A_233 : i32
      %lt3A_235 = arith.cmpi slt, %select_n3A_208, %sub3A_234 : i32
      %and3A_236 = arith.andi %ge3A_232, %lt3A_235 : i1
      %and3A_237 = arith.andi %eq3A_230, %and3A_236 : i1
      %convert_element_type3A_238 = arith.extui %and3A_237 : i1 to i32
      %cond3A_239 = arith.constant 0 : i32
      %cond3A_240 = arith.cmpi ne, %convert_element_type3A_238, %cond3A_239 : i32
      scf.if %cond3A_240 {
        %add3A_295 = arith.constant 1 : i32
        %add3A_296 = arith.addi %select_n3A_208, %add3A_295 : i32
        %mul3A_297 = arith.constant 16 : i32
        %mul3A_298 = arith.muli %add3A_296, %mul3A_297 : i32
        %add3A_299 = arith.addi %mul3A_90, %mul3A_298 : i32
        %jit3A_300 = arith.constant 2 : i32
        %eq3A_301 = arith.constant 0 : i32
        %eq3A_302 = arith.cmpi eq, %jit3A_300, %eq3A_301 : i32
        %jit3A_303 = arith.constant 1 : i32
        %select_n3A_304 = arith.select %eq3A_302, %jit3A_303, %jit3A_300 : i32
        %rem3A_305 = arith.remsi %add3A_296, %select_n3A_304 : i32
        %ne3A_306 = arith.constant 0 : i32
        %ne3A_307 = arith.cmpi ne, %rem3A_305, %ne3A_306 : i32
        %lt3A_308 = arith.constant 0 : i32
        %lt3A_309 = arith.cmpi slt, %rem3A_305, %lt3A_308 : i32
        %lt3A_310 = arith.constant 0 : i32
        %lt3A_311 = arith.cmpi slt, %select_n3A_304, %lt3A_310 : i32
        %ne3A_312 = arith.xori %lt3A_309, %lt3A_311 : i1
        %and3A_313 = arith.andi %ne3A_312, %ne3A_307 : i1
        %add3A_314 = arith.addi %rem3A_305, %select_n3A_304 : i32
        %select_n3A_315 = arith.select %and3A_313, %add3A_314, %rem3A_305 : i32
        %dma_start3A_316 = arith.constant 0 : i32
        %dma_start3A_317 = arith.constant 0 : i32
        %dma_start3A_318 = tpu.memref_slice %arg6[%select_n3A_315, %dma_start3A_316, %dma_start3A_317] : memref<2x16x64xi32, #tpu.memory_space<vmem>> -> memref<1x16x64xi32, #tpu.memory_space<vmem>>
        %dma_start3A_319 = tpu.memref_squeeze %dma_start3A_318 : memref<1x16x64xi32, #tpu.memory_space<vmem>> -> memref<16x64xi32, #tpu.memory_space<vmem>>
        %dma_start3A_320 = arith.constant 0 : i32
        %dma_start3A_321 = tpu.memref_slice %arg3[%add3A_299, %dma_start3A_320] : memref<5152x64xi32, #tpu.memory_space<hbm>> -> memref<16x64xi32, #tpu.memory_space<hbm>>
        %dma_start3A_322 = arith.constant 0 : i32
        %dma_start3A_323 = arith.constant 0 : i32
        %dma_start3A_324 = tpu.memref_slice %arg6[%select_n3A_315, %dma_start3A_322, %dma_start3A_323] : memref<2x16x64xi32, #tpu.memory_space<vmem>> -> memref<1x16x64xi32, #tpu.memory_space<vmem>>
        %dma_start3A_325 = tpu.memref_squeeze %dma_start3A_324 : memref<1x16x64xi32, #tpu.memory_space<vmem>> -> memref<16x64xi32, #tpu.memory_space<vmem>>
        %dma_start3A_326 = arith.constant 0 : i32
        %dma_start3A_327 = tpu.memref_slice %arg3[%add3A_299, %dma_start3A_326] : memref<5152x64xi32, #tpu.memory_space<hbm>> -> memref<16x64xi32, #tpu.memory_space<hbm>>
        tpu.enqueue_dma source(%dma_start3A_327 : memref<16x64xi32, #tpu.memory_space<hbm>>) target(%dma_start3A_325 : memref<16x64xi32, #tpu.memory_space<vmem>>) target_semaphore(%arg13 : memref<!tpu.dma_semaphore, #tpu.memory_space<semaphore_mem>>)
        %mul3A_328 = arith.constant 16 : i32
        %mul3A_329 = arith.muli %add3A_296, %mul3A_328 : i32
        %add3A_330 = arith.addi %mul3A_90, %mul3A_329 : i32
        %jit3A_331 = arith.constant 2 : i32
        %eq3A_332 = arith.constant 0 : i32
        %eq3A_333 = arith.cmpi eq, %jit3A_331, %eq3A_332 : i32
        %jit3A_334 = arith.constant 1 : i32
        %select_n3A_335 = arith.select %eq3A_333, %jit3A_334, %jit3A_331 : i32
        %rem3A_336 = arith.remsi %add3A_296, %select_n3A_335 : i32
        %ne3A_337 = arith.constant 0 : i32
        %ne3A_338 = arith.cmpi ne, %rem3A_336, %ne3A_337 : i32
        %lt3A_339 = arith.constant 0 : i32
        %lt3A_340 = arith.cmpi slt, %rem3A_336, %lt3A_339 : i32
        %lt3A_341 = arith.constant 0 : i32
        %lt3A_342 = arith.cmpi slt, %select_n3A_335, %lt3A_341 : i32
        %ne3A_343 = arith.xori %lt3A_340, %lt3A_342 : i1
        %and3A_344 = arith.andi %ne3A_343, %ne3A_338 : i1
        %add3A_345 = arith.addi %rem3A_336, %select_n3A_335 : i32
        %select_n3A_346 = arith.select %and3A_344, %add3A_345, %rem3A_336 : i32
        %dma_start3A_347 = arith.constant 0 : i32
        %dma_start3A_348 = arith.constant 0 : i32
        %dma_start3A_349 = tpu.memref_slice %arg7[%select_n3A_346, %dma_start3A_347, %dma_start3A_348] : memref<2x16x64xi32, #tpu.memory_space<vmem>> -> memref<1x16x64xi32, #tpu.memory_space<vmem>>
        %dma_start3A_350 = tpu.memref_squeeze %dma_start3A_349 : memref<1x16x64xi32, #tpu.memory_space<vmem>> -> memref<16x64xi32, #tpu.memory_space<vmem>>
        %dma_start3A_351 = arith.constant 0 : i32
        %dma_start3A_352 = tpu.memref_slice %arg4[%add3A_330, %dma_start3A_351] : memref<5152x64xi32, #tpu.memory_space<hbm>> -> memref<16x64xi32, #tpu.memory_space<hbm>>
        %dma_start3A_353 = arith.constant 0 : i32
        %dma_start3A_354 = arith.constant 0 : i32
        %dma_start3A_355 = tpu.memref_slice %arg7[%select_n3A_346, %dma_start3A_353, %dma_start3A_354] : memref<2x16x64xi32, #tpu.memory_space<vmem>> -> memref<1x16x64xi32, #tpu.memory_space<vmem>>
        %dma_start3A_356 = tpu.memref_squeeze %dma_start3A_355 : memref<1x16x64xi32, #tpu.memory_space<vmem>> -> memref<16x64xi32, #tpu.memory_space<vmem>>
        %dma_start3A_357 = arith.constant 0 : i32
        %dma_start3A_358 = tpu.memref_slice %arg4[%add3A_330, %dma_start3A_357] : memref<5152x64xi32, #tpu.memory_space<hbm>> -> memref<16x64xi32, #tpu.memory_space<hbm>>
        tpu.enqueue_dma source(%dma_start3A_358 : memref<16x64xi32, #tpu.memory_space<hbm>>) target(%dma_start3A_356 : memref<16x64xi32, #tpu.memory_space<vmem>>) target_semaphore(%arg13 : memref<!tpu.dma_semaphore, #tpu.memory_space<semaphore_mem>>)
      } else {
      }
      %eq3A_241 = arith.constant 14 : i32
      %eq3A_242 = arith.cmpi eq, %select_n3A_224, %eq3A_241 : i32
      %sub3A_243 = arith.constant 2 : i32
      %sub3A_244 = arith.subi %mul3A_96, %sub3A_243 : i32
      %lt3A_245 = arith.cmpi slt, %while3A_168, %sub3A_244 : i32
      %and3A_246 = arith.andi %eq3A_242, %lt3A_245 : i1
      %convert_element_type3A_247 = arith.extui %and3A_246 : i1 to i32
      %cond3A_248 = arith.constant 0 : i32
      %cond3A_249 = arith.cmpi ne, %convert_element_type3A_247, %cond3A_248 : i32
      scf.if %cond3A_249 {
        %dma_wait3A_295 = arith.constant 0 : i32
        %dma_wait3A_296 = arith.constant 0 : i32
        %dma_wait3A_297 = arith.constant 0 : i32
        %dma_wait3A_298 = tpu.memref_slice %arg6[%dma_wait3A_295, %dma_wait3A_296, %dma_wait3A_297] : memref<2x16x64xi32, #tpu.memory_space<vmem>> -> memref<1x16x64xi32, #tpu.memory_space<vmem>>
        %dma_wait3A_299 = tpu.memref_squeeze %dma_wait3A_298 : memref<1x16x64xi32, #tpu.memory_space<vmem>> -> memref<16x64xi32, #tpu.memory_space<vmem>>
        %dma_wait3A_300 = arith.constant 0 : i32
        %dma_wait3A_301 = arith.constant 0 : i32
        %dma_wait3A_302 = tpu.memref_slice %arg3[%dma_wait3A_300, %dma_wait3A_301] : memref<5152x64xi32, #tpu.memory_space<hbm>> -> memref<16x64xi32, #tpu.memory_space<hbm>>
        %dma_wait3A_303 = arith.constant 0 : i32
        %dma_wait3A_304 = arith.constant 0 : i32
        %dma_wait3A_305 = tpu.memref_slice %arg6[%dma_wait3A_295, %dma_wait3A_303, %dma_wait3A_304] : memref<2x16x64xi32, #tpu.memory_space<vmem>> -> memref<1x16x64xi32, #tpu.memory_space<vmem>>
        %dma_wait3A_306 = tpu.memref_squeeze %dma_wait3A_305 : memref<1x16x64xi32, #tpu.memory_space<vmem>> -> memref<16x64xi32, #tpu.memory_space<vmem>>
        %dma_wait3A_307 = arith.constant 0 : i32
        %dma_wait3A_308 = arith.constant 0 : i32
        %dma_wait3A_309 = tpu.memref_slice %arg3[%dma_wait3A_307, %dma_wait3A_308] : memref<5152x64xi32, #tpu.memory_space<hbm>> -> memref<16x64xi32, #tpu.memory_space<hbm>>
        tpu.wait_dma2 semaphore(%arg13 : memref<!tpu.dma_semaphore, #tpu.memory_space<semaphore_mem>>) src(%dma_wait3A_309 : memref<16x64xi32, #tpu.memory_space<hbm>>) dst(%dma_wait3A_306 : memref<16x64xi32, #tpu.memory_space<vmem>>)
        %dma_wait3A_310 = arith.constant 0 : i32
        %dma_wait3A_311 = arith.constant 0 : i32
        %dma_wait3A_312 = arith.constant 0 : i32
        %dma_wait3A_313 = tpu.memref_slice %arg7[%dma_wait3A_310, %dma_wait3A_311, %dma_wait3A_312] : memref<2x16x64xi32, #tpu.memory_space<vmem>> -> memref<1x16x64xi32, #tpu.memory_space<vmem>>
        %dma_wait3A_314 = tpu.memref_squeeze %dma_wait3A_313 : memref<1x16x64xi32, #tpu.memory_space<vmem>> -> memref<16x64xi32, #tpu.memory_space<vmem>>
        %dma_wait3A_315 = arith.constant 0 : i32
        %dma_wait3A_316 = arith.constant 0 : i32
        %dma_wait3A_317 = tpu.memref_slice %arg4[%dma_wait3A_315, %dma_wait3A_316] : memref<5152x64xi32, #tpu.memory_space<hbm>> -> memref<16x64xi32, #tpu.memory_space<hbm>>
        %dma_wait3A_318 = arith.constant 0 : i32
        %dma_wait3A_319 = arith.constant 0 : i32
        %dma_wait3A_320 = tpu.memref_slice %arg7[%dma_wait3A_310, %dma_wait3A_318, %dma_wait3A_319] : memref<2x16x64xi32, #tpu.memory_space<vmem>> -> memref<1x16x64xi32, #tpu.memory_space<vmem>>
        %dma_wait3A_321 = tpu.memref_squeeze %dma_wait3A_320 : memref<1x16x64xi32, #tpu.memory_space<vmem>> -> memref<16x64xi32, #tpu.memory_space<vmem>>
        %dma_wait3A_322 = arith.constant 0 : i32
        %dma_wait3A_323 = arith.constant 0 : i32
        %dma_wait3A_324 = tpu.memref_slice %arg4[%dma_wait3A_322, %dma_wait3A_323] : memref<5152x64xi32, #tpu.memory_space<hbm>> -> memref<16x64xi32, #tpu.memory_space<hbm>>
        tpu.wait_dma2 semaphore(%arg13 : memref<!tpu.dma_semaphore, #tpu.memory_space<semaphore_mem>>) src(%dma_wait3A_324 : memref<16x64xi32, #tpu.memory_space<hbm>>) dst(%dma_wait3A_321 : memref<16x64xi32, #tpu.memory_space<vmem>>)
      } else {
      }
      %sub3A_250 = arith.constant 2 : i32
      %sub3A_251 = arith.subi %mul3A_96, %sub3A_250 : i32
      %lt3A_252 = arith.cmpi slt, %while3A_168, %sub3A_251 : i32
      %convert_element_type3A_253 = arith.extui %lt3A_252 : i1 to i32
      %cond3A_254 = arith.constant 0 : i32
      %cond3A_255 = arith.cmpi ne, %convert_element_type3A_253, %cond3A_254 : i32
      scf.if %cond3A_255 {
        %add3A_295 = arith.constant 2 : i32
        %add3A_296 = arith.addi %while3A_168, %add3A_295 : i32
        %jit3A_297 = arith.constant 16 : i32
        %div3A_298 = arith.divsi %add3A_296, %jit3A_297 : i32
        %sign3A_299 = arith.constant 0 : i32
        %sign3A_300 = arith.cmpi sgt, %add3A_296, %sign3A_299 : i32
        %sign3A_301 = arith.extui %sign3A_300 : i1 to i32
        %sign3A_302 = arith.constant 0 : i32
        %sign3A_303 = arith.cmpi slt, %add3A_296, %sign3A_302 : i32
        %sign3A_304 = arith.extui %sign3A_303 : i1 to i32
        %sign3A_305 = arith.subi %sign3A_301, %sign3A_304 : i32
        %sign3A_306 = arith.constant 0 : i32
        %sign3A_307 = arith.cmpi sgt, %jit3A_297, %sign3A_306 : i32
        %sign3A_308 = arith.extui %sign3A_307 : i1 to i32
        %sign3A_309 = arith.constant 0 : i32
        %sign3A_310 = arith.cmpi slt, %jit3A_297, %sign3A_309 : i32
        %sign3A_311 = arith.extui %sign3A_310 : i1 to i32
        %sign3A_312 = arith.subi %sign3A_308, %sign3A_311 : i32
        %ne3A_313 = arith.cmpi ne, %sign3A_305, %sign3A_312 : i32
        %rem3A_314 = arith.remsi %add3A_296, %jit3A_297 : i32
        %ne3A_315 = arith.constant 0 : i32
        %ne3A_316 = arith.cmpi ne, %rem3A_314, %ne3A_315 : i32
        %and3A_317 = arith.andi %ne3A_313, %ne3A_316 : i1
        %sub3A_318 = arith.constant 1 : i32
        %sub3A_319 = arith.subi %div3A_298, %sub3A_318 : i32
        %select_n3A_320 = arith.select %and3A_317, %sub3A_319, %div3A_298 : i32
        %jit3A_321 = arith.constant 2 : i32
        %eq3A_322 = arith.constant 0 : i32
        %eq3A_323 = arith.cmpi eq, %jit3A_321, %eq3A_322 : i32
        %jit3A_324 = arith.constant 1 : i32
        %select_n3A_325 = arith.select %eq3A_323, %jit3A_324, %jit3A_321 : i32
        %rem3A_326 = arith.remsi %select_n3A_320, %select_n3A_325 : i32
        %ne3A_327 = arith.constant 0 : i32
        %ne3A_328 = arith.cmpi ne, %rem3A_326, %ne3A_327 : i32
        %lt3A_329 = arith.constant 0 : i32
        %lt3A_330 = arith.cmpi slt, %rem3A_326, %lt3A_329 : i32
        %lt3A_331 = arith.constant 0 : i32
        %lt3A_332 = arith.cmpi slt, %select_n3A_325, %lt3A_331 : i32
        %ne3A_333 = arith.xori %lt3A_330, %lt3A_332 : i1
        %and3A_334 = arith.andi %ne3A_333, %ne3A_328 : i1
        %add3A_335 = arith.addi %rem3A_326, %select_n3A_325 : i32
        %select_n3A_336 = arith.select %and3A_334, %add3A_335, %rem3A_326 : i32
        %jit3A_337 = arith.constant 16 : i32
        %eq3A_338 = arith.constant 0 : i32
        %eq3A_339 = arith.cmpi eq, %jit3A_337, %eq3A_338 : i32
        %jit3A_340 = arith.constant 1 : i32
        %select_n3A_341 = arith.select %eq3A_339, %jit3A_340, %jit3A_337 : i32
        %rem3A_342 = arith.remsi %add3A_296, %select_n3A_341 : i32
        %ne3A_343 = arith.constant 0 : i32
        %ne3A_344 = arith.cmpi ne, %rem3A_342, %ne3A_343 : i32
        %lt3A_345 = arith.constant 0 : i32
        %lt3A_346 = arith.cmpi slt, %rem3A_342, %lt3A_345 : i32
        %lt3A_347 = arith.constant 0 : i32
        %lt3A_348 = arith.cmpi slt, %select_n3A_341, %lt3A_347 : i32
        %ne3A_349 = arith.xori %lt3A_346, %lt3A_348 : i1
        %and3A_350 = arith.andi %ne3A_349, %ne3A_344 : i1
        %add3A_351 = arith.addi %rem3A_342, %select_n3A_341 : i32
        %select_n3A_352 = arith.select %and3A_350, %add3A_351, %rem3A_342 : i32
        %jit3A_353 = arith.constant 4 : i32
        %eq3A_354 = arith.constant 0 : i32
        %eq3A_355 = arith.cmpi eq, %jit3A_353, %eq3A_354 : i32
        %jit3A_356 = arith.constant 1 : i32
        %select_n3A_357 = arith.select %eq3A_355, %jit3A_356, %jit3A_353 : i32
        %rem3A_358 = arith.remsi %add3A_296, %select_n3A_357 : i32
        %ne3A_359 = arith.constant 0 : i32
        %ne3A_360 = arith.cmpi ne, %rem3A_358, %ne3A_359 : i32
        %lt3A_361 = arith.constant 0 : i32
        %lt3A_362 = arith.cmpi slt, %rem3A_358, %lt3A_361 : i32
        %lt3A_363 = arith.constant 0 : i32
        %lt3A_364 = arith.cmpi slt, %select_n3A_357, %lt3A_363 : i32
        %ne3A_365 = arith.xori %lt3A_362, %lt3A_364 : i1
        %and3A_366 = arith.andi %ne3A_365, %ne3A_360 : i1
        %add3A_367 = arith.addi %rem3A_358, %select_n3A_357 : i32
        %select_n3A_368 = arith.select %and3A_366, %add3A_367, %rem3A_358 : i32
        %dma_start3A_369 = arith.constant 0 : i32
        %dma_start3A_370 = arith.constant 0 : i32
        %dma_start3A_371 = tpu.memref_slice %arg8[%select_n3A_368, %dma_start3A_369, %dma_start3A_370] : memref<4x64x128xf32, #tpu.memory_space<vmem>> -> memref<1x64x128xf32, #tpu.memory_space<vmem>>
        %dma_start3A_372 = tpu.memref_squeeze %dma_start3A_371 : memref<1x64x128xf32, #tpu.memory_space<vmem>> -> memref<64x128xf32, #tpu.memory_space<vmem>>
        %dma_start3A_373 = arith.constant 0 : i32
        %dma_start3A_374 = tpu.memref_slice %arg6[%select_n3A_336, %select_n3A_352, %dma_start3A_373] : memref<2x16x64xi32, #tpu.memory_space<vmem>> -> memref<1x1x64xi32, #tpu.memory_space<vmem>>
        %dma_start3A_375 = tpu.memref_squeeze %dma_start3A_374 : memref<1x1x64xi32, #tpu.memory_space<vmem>> -> memref<64xi32, #tpu.memory_space<vmem>>
        %dma_start3A_376 = arith.constant 0 : i32
        %dma_start3A_377 = arith.constant 0 : i32
        %dma_start3A_378 = tpu.memref_slice %arg2[%dma_start3A_376, %dma_start3A_377] : memref<10240x128xf32, #tpu.memory_space<hbm>> -> memref<10240x128xf32, #tpu.memory_space<hbm>>
        tpu.enqueue_indirect_dma source(%dma_start3A_378 : memref<10240x128xf32, #tpu.memory_space<hbm>>) target(%dma_start3A_372 : memref<64x128xf32, #tpu.memory_space<vmem>>) offsets(%dma_start3A_375 : memref<64xi32, #tpu.memory_space<vmem>>) semaphore(%arg14 : memref<!tpu.dma_semaphore, #tpu.memory_space<semaphore_mem>>)
      } else {
      }
      %dma_wait3A = arith.constant 0 : i32
      %dma_wait3A_256 = arith.constant 0 : i32
      %dma_wait3A_257 = tpu.memref_slice %arg8[%select_n3A_184, %dma_wait3A, %dma_wait3A_256] : memref<4x64x128xf32, #tpu.memory_space<vmem>> -> memref<1x64x128xf32, #tpu.memory_space<vmem>>
      %dma_wait3A_258 = tpu.memref_squeeze %dma_wait3A_257 : memref<1x64x128xf32, #tpu.memory_space<vmem>> -> memref<64x128xf32, #tpu.memory_space<vmem>>
      %dma_wait3A_259 = arith.constant 0 : i32
      %dma_wait3A_260 = arith.constant 0 : i32
      %dma_wait3A_261 = tpu.memref_slice %arg2[%dma_wait3A_259, %dma_wait3A_260] : memref<10240x128xf32, #tpu.memory_space<hbm>> -> memref<64x128xf32, #tpu.memory_space<hbm>>
      %dma_wait3A_262 = arith.constant 0 : i32
      %dma_wait3A_263 = arith.constant 0 : i32
      %dma_wait3A_264 = tpu.memref_slice %arg8[%select_n3A_184, %dma_wait3A_262, %dma_wait3A_263] : memref<4x64x128xf32, #tpu.memory_space<vmem>> -> memref<1x64x128xf32, #tpu.memory_space<vmem>>
      %dma_wait3A_265 = tpu.memref_squeeze %dma_wait3A_264 : memref<1x64x128xf32, #tpu.memory_space<vmem>> -> memref<64x128xf32, #tpu.memory_space<vmem>>
      %dma_wait3A_266 = arith.constant 0 : i32
      %dma_wait3A_267 = arith.constant 0 : i32
      %dma_wait3A_268 = tpu.memref_slice %arg2[%dma_wait3A_266, %dma_wait3A_267] : memref<10240x128xf32, #tpu.memory_space<hbm>> -> memref<64x128xf32, #tpu.memory_space<hbm>>
      tpu.wait_dma2 semaphore(%arg14 : memref<!tpu.dma_semaphore, #tpu.memory_space<semaphore_mem>>) src(%dma_wait3A_268 : memref<64x128xf32, #tpu.memory_space<hbm>>) dst(%dma_wait3A_265 : memref<64x128xf32, #tpu.memory_space<vmem>>)
      %jit3A_269 = arith.constant 2 : i32
      %eq3A_270 = arith.constant 0 : i32
      %eq3A_271 = arith.cmpi eq, %jit3A_269, %eq3A_270 : i32
      %jit3A_272 = arith.constant 1 : i32
      %select_n3A_273 = arith.select %eq3A_271, %jit3A_272, %jit3A_269 : i32
      %rem3A_274 = arith.remsi %select_n3A_208, %select_n3A_273 : i32
      %ne3A_275 = arith.constant 0 : i32
      %ne3A_276 = arith.cmpi ne, %rem3A_274, %ne3A_275 : i32
      %lt3A_277 = arith.constant 0 : i32
      %lt3A_278 = arith.cmpi slt, %rem3A_274, %lt3A_277 : i32
      %lt3A_279 = arith.constant 0 : i32
      %lt3A_280 = arith.cmpi slt, %select_n3A_273, %lt3A_279 : i32
      %ne3A_281 = arith.xori %lt3A_278, %lt3A_280 : i1
      %and3A_282 = arith.andi %ne3A_281, %ne3A_276 : i1
      %add3A_283 = arith.addi %rem3A_274, %select_n3A_273 : i32
      %select_n3A_284 = arith.select %and3A_282, %add3A_283, %rem3A_274 : i32
      %dma_start3A = arith.constant 0 : i32
      %dma_start3A_285 = arith.constant 0 : i32
      %dma_start3A_286 = tpu.memref_slice %arg8[%select_n3A_184, %dma_start3A, %dma_start3A_285] : memref<4x64x128xf32, #tpu.memory_space<vmem>> -> memref<1x64x128xf32, #tpu.memory_space<vmem>>
      %dma_start3A_287 = tpu.memref_squeeze %dma_start3A_286 : memref<1x64x128xf32, #tpu.memory_space<vmem>> -> memref<64x128xf32, #tpu.memory_space<vmem>>
      %dma_start3A_288 = arith.constant 0 : i32
      %dma_start3A_289 = tpu.memref_slice %arg7[%select_n3A_284, %select_n3A_224, %dma_start3A_288] : memref<2x16x64xi32, #tpu.memory_space<vmem>> -> memref<1x1x64xi32, #tpu.memory_space<vmem>>
      %dma_start3A_290 = tpu.memref_squeeze %dma_start3A_289 : memref<1x1x64xi32, #tpu.memory_space<vmem>> -> memref<64xi32, #tpu.memory_space<vmem>>
      %dma_start3A_291 = arith.constant 0 : i32
      %dma_start3A_292 = arith.constant 0 : i32
      %dma_start3A_293 = tpu.memref_slice %arg11[%dma_start3A_291, %dma_start3A_292] : memref<10240x128xf32, #tpu.memory_space<vmem_shared>> -> memref<10240x128xf32, #tpu.memory_space<vmem_shared>>
      tpu.enqueue_indirect_dma source(%dma_start3A_287 : memref<64x128xf32, #tpu.memory_space<vmem>>) target(%dma_start3A_293 : memref<10240x128xf32, #tpu.memory_space<vmem_shared>>) offsets(%dma_start3A_290 : memref<64xi32, #tpu.memory_space<vmem>>) semaphore(%arg15 : memref<!tpu.dma_semaphore, #tpu.memory_space<semaphore_mem>>) {add = true}
      %while3A_294 = arith.constant 0 : i32
      scf.yield %while3A_294 : i32
    }
    %gt3A_142 = arith.constant 0 : i32
    %gt3A_143 = arith.cmpi sgt, %mul3A_96, %gt3A_142 : i32
    %convert_element_type3A_144 = arith.extui %gt3A_143 : i1 to i32
    %cond3A_145 = arith.constant 0 : i32
    %cond3A_146 = arith.cmpi ne, %convert_element_type3A_144, %cond3A_145 : i32
    scf.if %cond3A_146 {
      %sub3A_168 = arith.constant 2 : i32
      %sub3A_169 = arith.subi %mul3A_96, %sub3A_168 : i32
      %jit3A_170 = arith.constant 4 : i32
      %eq3A_171 = arith.constant 0 : i32
      %eq3A_172 = arith.cmpi eq, %jit3A_170, %eq3A_171 : i32
      %jit3A_173 = arith.constant 1 : i32
      %select_n3A_174 = arith.select %eq3A_172, %jit3A_173, %jit3A_170 : i32
      %rem3A_175 = arith.remsi %sub3A_169, %select_n3A_174 : i32
      %ne3A_176 = arith.constant 0 : i32
      %ne3A_177 = arith.cmpi ne, %rem3A_175, %ne3A_176 : i32
      %lt3A = arith.constant 0 : i32
      %lt3A_178 = arith.cmpi slt, %rem3A_175, %lt3A : i32
      %lt3A_179 = arith.constant 0 : i32
      %lt3A_180 = arith.cmpi slt, %select_n3A_174, %lt3A_179 : i32
      %ne3A_181 = arith.xori %lt3A_178, %lt3A_180 : i1
      %and3A_182 = arith.andi %ne3A_181, %ne3A_177 : i1
      %add3A_183 = arith.addi %rem3A_175, %select_n3A_174 : i32
      %select_n3A_184 = arith.select %and3A_182, %add3A_183, %rem3A_175 : i32
      %dma_wait3A = arith.constant 0 : i32
      %dma_wait3A_185 = arith.constant 0 : i32
      %dma_wait3A_186 = tpu.memref_slice %arg8[%select_n3A_184, %dma_wait3A, %dma_wait3A_185] : memref<4x64x128xf32, #tpu.memory_space<vmem>> -> memref<1x64x128xf32, #tpu.memory_space<vmem>>
      %dma_wait3A_187 = tpu.memref_squeeze %dma_wait3A_186 : memref<1x64x128xf32, #tpu.memory_space<vmem>> -> memref<64x128xf32, #tpu.memory_space<vmem>>
      %dma_wait3A_188 = arith.constant 0 : i32
      %dma_wait3A_189 = arith.constant 0 : i32
      %dma_wait3A_190 = tpu.memref_slice %arg2[%dma_wait3A_188, %dma_wait3A_189] : memref<10240x128xf32, #tpu.memory_space<hbm>> -> memref<64x128xf32, #tpu.memory_space<hbm>>
      %dma_wait3A_191 = arith.constant 0 : i32
      %dma_wait3A_192 = arith.constant 0 : i32
      %dma_wait3A_193 = tpu.memref_slice %arg8[%select_n3A_184, %dma_wait3A_191, %dma_wait3A_192] : memref<4x64x128xf32, #tpu.memory_space<vmem>> -> memref<1x64x128xf32, #tpu.memory_space<vmem>>
      %dma_wait3A_194 = tpu.memref_squeeze %dma_wait3A_193 : memref<1x64x128xf32, #tpu.memory_space<vmem>> -> memref<64x128xf32, #tpu.memory_space<vmem>>
      %dma_wait3A_195 = arith.constant 0 : i32
      %dma_wait3A_196 = arith.constant 0 : i32
      %dma_wait3A_197 = tpu.memref_slice %arg2[%dma_wait3A_195, %dma_wait3A_196] : memref<10240x128xf32, #tpu.memory_space<hbm>> -> memref<64x128xf32, #tpu.memory_space<hbm>>
      tpu.wait_dma2 semaphore(%arg15 : memref<!tpu.dma_semaphore, #tpu.memory_space<semaphore_mem>>) src(%dma_wait3A_197 : memref<64x128xf32, #tpu.memory_space<hbm>>) dst(%dma_wait3A_194 : memref<64x128xf32, #tpu.memory_space<vmem>>)
      %sub3A_198 = arith.constant 1 : i32
      %sub3A_199 = arith.subi %mul3A_96, %sub3A_198 : i32
      %jit3A_200 = arith.constant 4 : i32
      %eq3A_201 = arith.constant 0 : i32
      %eq3A_202 = arith.cmpi eq, %jit3A_200, %eq3A_201 : i32
      %jit3A_203 = arith.constant 1 : i32
      %select_n3A_204 = arith.select %eq3A_202, %jit3A_203, %jit3A_200 : i32
      %rem3A_205 = arith.remsi %sub3A_199, %select_n3A_204 : i32
      %ne3A_206 = arith.constant 0 : i32
      %ne3A_207 = arith.cmpi ne, %rem3A_205, %ne3A_206 : i32
      %lt3A_208 = arith.constant 0 : i32
      %lt3A_209 = arith.cmpi slt, %rem3A_205, %lt3A_208 : i32
      %lt3A_210 = arith.constant 0 : i32
      %lt3A_211 = arith.cmpi slt, %select_n3A_204, %lt3A_210 : i32
      %ne3A_212 = arith.xori %lt3A_209, %lt3A_211 : i1
      %and3A_213 = arith.andi %ne3A_212, %ne3A_207 : i1
      %add3A_214 = arith.addi %rem3A_205, %select_n3A_204 : i32
      %select_n3A_215 = arith.select %and3A_213, %add3A_214, %rem3A_205 : i32
      %dma_wait3A_216 = arith.constant 0 : i32
      %dma_wait3A_217 = arith.constant 0 : i32
      %dma_wait3A_218 = tpu.memref_slice %arg8[%select_n3A_215, %dma_wait3A_216, %dma_wait3A_217] : memref<4x64x128xf32, #tpu.memory_space<vmem>> -> memref<1x64x128xf32, #tpu.memory_space<vmem>>
      %dma_wait3A_219 = tpu.memref_squeeze %dma_wait3A_218 : memref<1x64x128xf32, #tpu.memory_space<vmem>> -> memref<64x128xf32, #tpu.memory_space<vmem>>
      %dma_wait3A_220 = arith.constant 0 : i32
      %dma_wait3A_221 = arith.constant 0 : i32
      %dma_wait3A_222 = tpu.memref_slice %arg2[%dma_wait3A_220, %dma_wait3A_221] : memref<10240x128xf32, #tpu.memory_space<hbm>> -> memref<64x128xf32, #tpu.memory_space<hbm>>
      %dma_wait3A_223 = arith.constant 0 : i32
      %dma_wait3A_224 = arith.constant 0 : i32
      %dma_wait3A_225 = tpu.memref_slice %arg8[%select_n3A_215, %dma_wait3A_223, %dma_wait3A_224] : memref<4x64x128xf32, #tpu.memory_space<vmem>> -> memref<1x64x128xf32, #tpu.memory_space<vmem>>
      %dma_wait3A_226 = tpu.memref_squeeze %dma_wait3A_225 : memref<1x64x128xf32, #tpu.memory_space<vmem>> -> memref<64x128xf32, #tpu.memory_space<vmem>>
      %dma_wait3A_227 = arith.constant 0 : i32
      %dma_wait3A_228 = arith.constant 0 : i32
      %dma_wait3A_229 = tpu.memref_slice %arg2[%dma_wait3A_227, %dma_wait3A_228] : memref<10240x128xf32, #tpu.memory_space<hbm>> -> memref<64x128xf32, #tpu.memory_space<hbm>>
      tpu.wait_dma2 semaphore(%arg15 : memref<!tpu.dma_semaphore, #tpu.memory_space<semaphore_mem>>) src(%dma_wait3A_229 : memref<64x128xf32, #tpu.memory_space<hbm>>) dst(%dma_wait3A_226 : memref<64x128xf32, #tpu.memory_space<vmem>>)
    } else {
    }
    %barrier3A_147 = arith.constant 0 : index
    tpu.barrier barrier_id(%barrier3A_147)
    %mul3A_148 = arith.constant 640 : i32
    %mul3A_149 = arith.muli %arg1, %mul3A_148 : i32
    %add3A_150 = arith.constant 0 : i32
    %add3A_151 = arith.addi %mul3A_149, %add3A_150 : i32
    "tpu.region"() ({
      %run_scoped3A_168 = tpu.sem_alloc : memref<!tpu.dma_semaphore, #tpu.memory_space<semaphore_mem>>
      %dma_start3A = arith.constant 0 : i32
      %dma_start3A_169 = tpu.memref_slice %arg5[%arg0, %add3A_151, %dma_start3A] : memref<2x10240x128xf32, #tpu.memory_space<hbm>> -> memref<1x128x128xf32, #tpu.memory_space<hbm>>
      %dma_start3A_170 = tpu.memref_squeeze %dma_start3A_169 : memref<1x128x128xf32, #tpu.memory_space<hbm>> -> memref<128x128xf32, #tpu.memory_space<hbm>>
      %dma_start3A_171 = arith.constant 0 : i32
      %dma_start3A_172 = tpu.memref_slice %arg11[%add3A_151, %dma_start3A_171] : memref<10240x128xf32, #tpu.memory_space<vmem_shared>> -> memref<128x128xf32, #tpu.memory_space<vmem_shared>>
      tpu.enqueue_dma source(%dma_start3A_172 : memref<128x128xf32, #tpu.memory_space<vmem_shared>>) target(%dma_start3A_170 : memref<128x128xf32, #tpu.memory_space<hbm>>) target_semaphore(%run_scoped3A_168 : memref<!tpu.dma_semaphore, #tpu.memory_space<semaphore_mem>>)
      %dma_wait3A = arith.constant 0 : i32
      %dma_wait3A_173 = tpu.memref_slice %arg5[%arg0, %add3A_151, %dma_wait3A] : memref<2x10240x128xf32, #tpu.memory_space<hbm>> -> memref<1x128x128xf32, #tpu.memory_space<hbm>>
      %dma_wait3A_174 = tpu.memref_squeeze %dma_wait3A_173 : memref<1x128x128xf32, #tpu.memory_space<hbm>> -> memref<128x128xf32, #tpu.memory_space<hbm>>
      %dma_wait3A_175 = arith.constant 0 : i32
      %dma_wait3A_176 = tpu.memref_slice %arg11[%add3A_151, %dma_wait3A_175] : memref<10240x128xf32, #tpu.memory_space<vmem_shared>> -> memref<128x128xf32, #tpu.memory_space<vmem_shared>>
      tpu.wait_dma2 semaphore(%run_scoped3A_168 : memref<!tpu.dma_semaphore, #tpu.memory_space<semaphore_mem>>) src(%dma_wait3A_176 : memref<128x128xf32, #tpu.memory_space<vmem_shared>>) dst(%dma_wait3A_174 : memref<128x128xf32, #tpu.memory_space<hbm>>)
      tpu.yield
    }) : () -> ()
    %mul3A_152 = arith.constant 640 : i32
    %mul3A_153 = arith.muli %arg1, %mul3A_152 : i32
    %add3A_154 = arith.constant 128 : i32
    %add3A_155 = arith.addi %mul3A_153, %add3A_154 : i32
    "tpu.region"() ({
      %run_scoped3A_168 = tpu.sem_alloc : memref<!tpu.dma_semaphore, #tpu.memory_space<semaphore_mem>>
      %dma_start3A = arith.constant 0 : i32
      %dma_start3A_169 = tpu.memref_slice %arg5[%arg0, %add3A_155, %dma_start3A] : memref<2x10240x128xf32, #tpu.memory_space<hbm>> -> memref<1x128x128xf32, #tpu.memory_space<hbm>>
      %dma_start3A_170 = tpu.memref_squeeze %dma_start3A_169 : memref<1x128x128xf32, #tpu.memory_space<hbm>> -> memref<128x128xf32, #tpu.memory_space<hbm>>
      %dma_start3A_171 = arith.constant 0 : i32
      %dma_start3A_172 = tpu.memref_slice %arg11[%add3A_155, %dma_start3A_171] : memref<10240x128xf32, #tpu.memory_space<vmem_shared>> -> memref<128x128xf32, #tpu.memory_space<vmem_shared>>
      tpu.enqueue_dma source(%dma_start3A_172 : memref<128x128xf32, #tpu.memory_space<vmem_shared>>) target(%dma_start3A_170 : memref<128x128xf32, #tpu.memory_space<hbm>>) target_semaphore(%run_scoped3A_168 : memref<!tpu.dma_semaphore, #tpu.memory_space<semaphore_mem>>)
      %dma_wait3A = arith.constant 0 : i32
      %dma_wait3A_173 = tpu.memref_slice %arg5[%arg0, %add3A_155, %dma_wait3A] : memref<2x10240x128xf32, #tpu.memory_space<hbm>> -> memref<1x128x128xf32, #tpu.memory_space<hbm>>
      %dma_wait3A_174 = tpu.memref_squeeze %dma_wait3A_173 : memref<1x128x128xf32, #tpu.memory_space<hbm>> -> memref<128x128xf32, #tpu.memory_space<hbm>>
      %dma_wait3A_175 = arith.constant 0 : i32
      %dma_wait3A_176 = tpu.memref_slice %arg11[%add3A_155, %dma_wait3A_175] : memref<10240x128xf32, #tpu.memory_space<vmem_shared>> -> memref<128x128xf32, #tpu.memory_space<vmem_shared>>
      tpu.wait_dma2 semaphore(%run_scoped3A_168 : memref<!tpu.dma_semaphore, #tpu.memory_space<semaphore_mem>>) src(%dma_wait3A_176 : memref<128x128xf32, #tpu.memory_space<vmem_shared>>) dst(%dma_wait3A_174 : memref<128x128xf32, #tpu.memory_space<hbm>>)
      tpu.yield
    }) : () -> ()
    %mul3A_156 = arith.constant 640 : i32
    %mul3A_157 = arith.muli %arg1, %mul3A_156 : i32
    %add3A_158 = arith.constant 256 : i32
    %add3A_159 = arith.addi %mul3A_157, %add3A_158 : i32
    "tpu.region"() ({
      %run_scoped3A_168 = tpu.sem_alloc : memref<!tpu.dma_semaphore, #tpu.memory_space<semaphore_mem>>
      %dma_start3A = arith.constant 0 : i32
      %dma_start3A_169 = tpu.memref_slice %arg5[%arg0, %add3A_159, %dma_start3A] : memref<2x10240x128xf32, #tpu.memory_space<hbm>> -> memref<1x128x128xf32, #tpu.memory_space<hbm>>
      %dma_start3A_170 = tpu.memref_squeeze %dma_start3A_169 : memref<1x128x128xf32, #tpu.memory_space<hbm>> -> memref<128x128xf32, #tpu.memory_space<hbm>>
      %dma_start3A_171 = arith.constant 0 : i32
      %dma_start3A_172 = tpu.memref_slice %arg11[%add3A_159, %dma_start3A_171] : memref<10240x128xf32, #tpu.memory_space<vmem_shared>> -> memref<128x128xf32, #tpu.memory_space<vmem_shared>>
      tpu.enqueue_dma source(%dma_start3A_172 : memref<128x128xf32, #tpu.memory_space<vmem_shared>>) target(%dma_start3A_170 : memref<128x128xf32, #tpu.memory_space<hbm>>) target_semaphore(%run_scoped3A_168 : memref<!tpu.dma_semaphore, #tpu.memory_space<semaphore_mem>>)
      %dma_wait3A = arith.constant 0 : i32
      %dma_wait3A_173 = tpu.memref_slice %arg5[%arg0, %add3A_159, %dma_wait3A] : memref<2x10240x128xf32, #tpu.memory_space<hbm>> -> memref<1x128x128xf32, #tpu.memory_space<hbm>>
      %dma_wait3A_174 = tpu.memref_squeeze %dma_wait3A_173 : memref<1x128x128xf32, #tpu.memory_space<hbm>> -> memref<128x128xf32, #tpu.memory_space<hbm>>
      %dma_wait3A_175 = arith.constant 0 : i32
      %dma_wait3A_176 = tpu.memref_slice %arg11[%add3A_159, %dma_wait3A_175] : memref<10240x128xf32, #tpu.memory_space<vmem_shared>> -> memref<128x128xf32, #tpu.memory_space<vmem_shared>>
      tpu.wait_dma2 semaphore(%run_scoped3A_168 : memref<!tpu.dma_semaphore, #tpu.memory_space<semaphore_mem>>) src(%dma_wait3A_176 : memref<128x128xf32, #tpu.memory_space<vmem_shared>>) dst(%dma_wait3A_174 : memref<128x128xf32, #tpu.memory_space<hbm>>)
      tpu.yield
    }) : () -> ()
    %mul3A_160 = arith.constant 640 : i32
    %mul3A_161 = arith.muli %arg1, %mul3A_160 : i32
    %add3A_162 = arith.constant 384 : i32
    %add3A_163 = arith.addi %mul3A_161, %add3A_162 : i32
    "tpu.region"() ({
      %run_scoped3A_168 = tpu.sem_alloc : memref<!tpu.dma_semaphore, #tpu.memory_space<semaphore_mem>>
      %dma_start3A = arith.constant 0 : i32
      %dma_start3A_169 = tpu.memref_slice %arg5[%arg0, %add3A_163, %dma_start3A] : memref<2x10240x128xf32, #tpu.memory_space<hbm>> -> memref<1x128x128xf32, #tpu.memory_space<hbm>>
      %dma_start3A_170 = tpu.memref_squeeze %dma_start3A_169 : memref<1x128x128xf32, #tpu.memory_space<hbm>> -> memref<128x128xf32, #tpu.memory_space<hbm>>
      %dma_start3A_171 = arith.constant 0 : i32
      %dma_start3A_172 = tpu.memref_slice %arg11[%add3A_163, %dma_start3A_171] : memref<10240x128xf32, #tpu.memory_space<vmem_shared>> -> memref<128x128xf32, #tpu.memory_space<vmem_shared>>
      tpu.enqueue_dma source(%dma_start3A_172 : memref<128x128xf32, #tpu.memory_space<vmem_shared>>) target(%dma_start3A_170 : memref<128x128xf32, #tpu.memory_space<hbm>>) target_semaphore(%run_scoped3A_168 : memref<!tpu.dma_semaphore, #tpu.memory_space<semaphore_mem>>)
      %dma_wait3A = arith.constant 0 : i32
      %dma_wait3A_173 = tpu.memref_slice %arg5[%arg0, %add3A_163, %dma_wait3A] : memref<2x10240x128xf32, #tpu.memory_space<hbm>> -> memref<1x128x128xf32, #tpu.memory_space<hbm>>
      %dma_wait3A_174 = tpu.memref_squeeze %dma_wait3A_173 : memref<1x128x128xf32, #tpu.memory_space<hbm>> -> memref<128x128xf32, #tpu.memory_space<hbm>>
      %dma_wait3A_175 = arith.constant 0 : i32
      %dma_wait3A_176 = tpu.memref_slice %arg11[%add3A_163, %dma_wait3A_175] : memref<10240x128xf32, #tpu.memory_space<vmem_shared>> -> memref<128x128xf32, #tpu.memory_space<vmem_shared>>
      tpu.wait_dma2 semaphore(%run_scoped3A_168 : memref<!tpu.dma_semaphore, #tpu.memory_space<semaphore_mem>>) src(%dma_wait3A_176 : memref<128x128xf32, #tpu.memory_space<vmem_shared>>) dst(%dma_wait3A_174 : memref<128x128xf32, #tpu.memory_space<hbm>>)
      tpu.yield
    }) : () -> ()
    %mul3A_164 = arith.constant 640 : i32
    %mul3A_165 = arith.muli %arg1, %mul3A_164 : i32
    %add3A_166 = arith.constant 512 : i32
    %add3A_167 = arith.addi %mul3A_165, %add3A_166 : i32
    "tpu.region"() ({
      %run_scoped3A_168 = tpu.sem_alloc : memref<!tpu.dma_semaphore, #tpu.memory_space<semaphore_mem>>
      %dma_start3A = arith.constant 0 : i32
      %dma_start3A_169 = tpu.memref_slice %arg5[%arg0, %add3A_167, %dma_start3A] : memref<2x10240x128xf32, #tpu.memory_space<hbm>> -> memref<1x128x128xf32, #tpu.memory_space<hbm>>
      %dma_start3A_170 = tpu.memref_squeeze %dma_start3A_169 : memref<1x128x128xf32, #tpu.memory_space<hbm>> -> memref<128x128xf32, #tpu.memory_space<hbm>>
      %dma_start3A_171 = arith.constant 0 : i32
      %dma_start3A_172 = tpu.memref_slice %arg11[%add3A_167, %dma_start3A_171] : memref<10240x128xf32, #tpu.memory_space<vmem_shared>> -> memref<128x128xf32, #tpu.memory_space<vmem_shared>>
      tpu.enqueue_dma source(%dma_start3A_172 : memref<128x128xf32, #tpu.memory_space<vmem_shared>>) target(%dma_start3A_170 : memref<128x128xf32, #tpu.memory_space<hbm>>) target_semaphore(%run_scoped3A_168 : memref<!tpu.dma_semaphore, #tpu.memory_space<semaphore_mem>>)
      %dma_wait3A = arith.constant 0 : i32
      %dma_wait3A_173 = tpu.memref_slice %arg5[%arg0, %add3A_167, %dma_wait3A] : memref<2x10240x128xf32, #tpu.memory_space<hbm>> -> memref<1x128x128xf32, #tpu.memory_space<hbm>>
      %dma_wait3A_174 = tpu.memref_squeeze %dma_wait3A_173 : memref<1x128x128xf32, #tpu.memory_space<hbm>> -> memref<128x128xf32, #tpu.memory_space<hbm>>
      %dma_wait3A_175 = arith.constant 0 : i32
      %dma_wait3A_176 = tpu.memref_slice %arg11[%add3A_167, %dma_wait3A_175] : memref<10240x128xf32, #tpu.memory_space<vmem_shared>> -> memref<128x128xf32, #tpu.memory_space<vmem_shared>>
      tpu.wait_dma2 semaphore(%run_scoped3A_168 : memref<!tpu.dma_semaphore, #tpu.memory_space<semaphore_mem>>) src(%dma_wait3A_176 : memref<128x128xf32, #tpu.memory_space<vmem_shared>>) dst(%dma_wait3A_174 : memref<128x128xf32, #tpu.memory_space<hbm>>)
      tpu.yield
    }) : () -> ()
    return
  }
}

module attributes {stable_mosaic.version = 14 : i64} {
  func.func @_dense_body(%arg0: i32, %arg1: memref<2x5120x128xf32, #tpu.memory_space<vmem>>, %arg2: memref<2x5120xf32, #tpu.memory_space<vmem>>, %arg3: memref<5120x128xf32, #tpu.memory_space<vmem>>, %arg4: memref<128x128xf32, #tpu.memory_space<vmem>>, %arg5: memref<128x128xf32, #tpu.memory_space<vmem>>, %arg6: memref<1x128xf32, #tpu.memory_space<vmem>>, %arg7: memref<5120x128xf32, #tpu.memory_space<vmem>>) attributes {dimension_semantics = [#tpu.dimension_semantics<arbitrary>], iteration_bounds = array<i64: 2>, scalar_prefetch = 0 : i64, scratch_operands = 0 : i64, tpu.core_type = #tpu.core_type<tc>, window_params = [{transform_indices = @transform_0, window_bounds = array<i64: 2, 5120, 128>}, {transform_indices = @transform_1, window_bounds = array<i64: 2, 5120>}, {transform_indices = @transform_2, window_bounds = array<i64: 5120, 128>}, {pipeline_mode = #tpu.pipeline_mode<synchronous>, transform_indices = @transform_3, window_bounds = array<i64: 128, 128>}, {pipeline_mode = #tpu.pipeline_mode<synchronous>, transform_indices = @transform_4, window_bounds = array<i64: 128, 128>}, {pipeline_mode = #tpu.pipeline_mode<synchronous>, transform_indices = @transform_5, window_bounds = array<i64: 1, 128>}, {transform_indices = @transform_6, window_bounds = array<i64: 5120, 128>}]} {
    %get3A = arith.constant 0 : index
    %get3A_0 = arith.constant 0 : index
    %get3A_1 = arith.constant 0 : index
    %get3A_2 = vector.load %arg1[%get3A, %get3A_0, %get3A_1] : memref<2x5120x128xf32, #tpu.memory_space<vmem>>, vector<1x5120x128xf32>
    %get3A_3 = vector.shape_cast %get3A_2 : vector<1x5120x128xf32> to vector<5120x128xf32>
    %get3A_4 = arith.constant 1 : index
    %get3A_5 = arith.constant 0 : index
    %get3A_6 = arith.constant 0 : index
    %get3A_7 = vector.load %arg1[%get3A_4, %get3A_5, %get3A_6] : memref<2x5120x128xf32, #tpu.memory_space<vmem>>, vector<1x5120x128xf32>
    %get3A_8 = vector.shape_cast %get3A_7 : vector<1x5120x128xf32> to vector<5120x128xf32>
    %add3A = arith.addf %get3A_3, %get3A_8 : vector<5120x128xf32>
    %get3A_9 = arith.constant 0 : index
    %get3A_10 = arith.constant 0 : index
    %get3A_11 = vector.load %arg2[%get3A_9, %get3A_10] : memref<2x5120xf32, #tpu.memory_space<vmem>>, vector<1x5120xf32>
    %get3A_12 = vector.shape_cast %get3A_11 : vector<1x5120xf32> to vector<5120xf32>
    %get3A_13 = arith.constant 1 : index
    %get3A_14 = arith.constant 0 : index
    %get3A_15 = vector.load %arg2[%get3A_13, %get3A_14] : memref<2x5120xf32, #tpu.memory_space<vmem>>, vector<1x5120xf32>
    %get3A_16 = vector.shape_cast %get3A_15 : vector<1x5120xf32> to vector<5120xf32>
    %add3A_17 = arith.addf %get3A_12, %get3A_16 : vector<5120xf32>
    %max3A = arith.constant 1.000000e+00 : f32
    %max3A_18 = vector.broadcast %max3A : f32 to vector<5120xf32>
    %max3A_19 = arith.maximumf %add3A_17, %max3A_18 : vector<5120xf32>
    %div3A = arith.constant 1.000000e+00 : f32
    %div3A_20 = vector.broadcast %div3A : f32 to vector<5120xf32>
    %div3A_21 = arith.divf %div3A_20, %max3A_19 : vector<5120xf32>
    %broadcast_in_dim3A = vector.shape_cast %div3A_21 : vector<5120xf32> to vector<5120x1xf32>
    %mul3A = vector.broadcast %broadcast_in_dim3A : vector<5120x1xf32> to vector<5120x128xf32>
    %mul3A_22 = arith.mulf %add3A, %mul3A : vector<5120x128xf32>
    %get3A_23 = arith.constant 0 : index
    %get3A_24 = arith.constant 0 : index
    %get3A_25 = vector.load %arg4[%get3A_23, %get3A_24] : memref<128x128xf32, #tpu.memory_space<vmem>>, vector<128x128xf32>
    %dot_general3A = arith.constant dense<0.000000e+00> : vector<5120x128xf32>
    %dot_general3A_26 = tpu.matmul %mul3A_22, %get3A_25, %dot_general3A {dimension_numbers = #tpu.dot_dimension_numbers<[1], [1], [0], [0], [0, 0, 1, 0], [], []>, transpose_lhs_hint = false} : vector<5120x128xf32>, vector<128x128xf32>, vector<5120x128xf32> -> vector<5120x128xf32>
    %get3A_27 = arith.constant 0 : index
    %get3A_28 = arith.constant 0 : index
    %get3A_29 = vector.load %arg3[%get3A_27, %get3A_28] : memref<5120x128xf32, #tpu.memory_space<vmem>>, vector<5120x128xf32>
    %get3A_30 = arith.constant 0 : index
    %get3A_31 = arith.constant 0 : index
    %get3A_32 = vector.load %arg5[%get3A_30, %get3A_31] : memref<128x128xf32, #tpu.memory_space<vmem>>, vector<128x128xf32>
    %dot_general3A_33 = arith.constant dense<0.000000e+00> : vector<5120x128xf32>
    %dot_general3A_34 = tpu.matmul %get3A_29, %get3A_32, %dot_general3A_33 {dimension_numbers = #tpu.dot_dimension_numbers<[1], [1], [0], [0], [0, 0, 1, 0], [], []>, transpose_lhs_hint = false} : vector<5120x128xf32>, vector<128x128xf32>, vector<5120x128xf32> -> vector<5120x128xf32>
    %add3A_35 = arith.addf %dot_general3A_26, %dot_general3A_34 : vector<5120x128xf32>
    %get3A_36 = arith.constant 0 : index
    %get3A_37 = arith.constant 0 : index
    %get3A_38 = vector.load %arg6[%get3A_36, %get3A_37] : memref<1x128xf32, #tpu.memory_space<vmem>>, vector<1x128xf32>
    %add3A_39 = vector.broadcast %get3A_38 : vector<1x128xf32> to vector<5120x128xf32>
    %add3A_40 = arith.addf %add3A_35, %add3A_39 : vector<5120x128xf32>
    %max3A_41 = arith.constant 0.000000e+00 : f32
    %max3A_42 = vector.broadcast %max3A_41 : f32 to vector<5120x128xf32>
    %max3A_43 = arith.maximumf %add3A_40, %max3A_42 : vector<5120x128xf32>
    %swap3A = arith.constant 0 : index
    %swap3A_44 = arith.constant 0 : index
    %swap3A_45 = vector.load %arg7[%swap3A, %swap3A_44] : memref<5120x128xf32, #tpu.memory_space<vmem>>, vector<5120x128xf32>
    tpu.vector_store %arg7[%swap3A, %swap3A_44], %max3A_43 {strides = array<i32>} : memref<5120x128xf32, #tpu.memory_space<vmem>>, vector<5120x128xf32>,
    return
  }
  func.func @transform_0(%arg0: i32) -> (i32, i32, i32) {
    %c0_i32 = arith.constant 0 : i32
    %c0_i32_0 = arith.constant 0 : i32
    %c0_i32_1 = arith.constant 0 : i32
    return %c0_i32, %arg0, %c0_i32_0 : i32, i32, i32
  }
  func.func @transform_1(%arg0: i32) -> (i32, i32) {
    %c0_i32 = arith.constant 0 : i32
    %c0_i32_0 = arith.constant 0 : i32
    return %c0_i32, %arg0 : i32, i32
  }
  func.func @transform_2(%arg0: i32) -> (i32, i32) {
    %c0_i32 = arith.constant 0 : i32
    %c0_i32_0 = arith.constant 0 : i32
    return %arg0, %c0_i32 : i32, i32
  }
  func.func @transform_3(%arg0: i32) -> (i32, i32) {
    %c0_i32 = arith.constant 0 : i32
    %c0_i32_0 = arith.constant 0 : i32
    %c0_i32_1 = arith.constant 0 : i32
    return %c0_i32, %c0_i32_0 : i32, i32
  }
  func.func @transform_4(%arg0: i32) -> (i32, i32) {
    %c0_i32 = arith.constant 0 : i32
    %c0_i32_0 = arith.constant 0 : i32
    %c0_i32_1 = arith.constant 0 : i32
    return %c0_i32, %c0_i32_0 : i32, i32
  }
  func.func @transform_5(%arg0: i32) -> (i32, i32) {
    %c0_i32 = arith.constant 0 : i32
    %c0_i32_0 = arith.constant 0 : i32
    %c0_i32_1 = arith.constant 0 : i32
    return %c0_i32, %c0_i32_0 : i32, i32
  }
  func.func @transform_6(%arg0: i32) -> (i32, i32) {
    %c0_i32 = arith.constant 0 : i32
    %c0_i32_0 = arith.constant 0 : i32
    return %arg0, %c0_i32 : i32, i32
  }
}

module attributes {stable_mosaic.version = 14 : i64} {
  func.func @_dense_final_body(%arg0: i32, %arg1: memref<2x5120x128xf32, #tpu.memory_space<vmem>>, %arg2: memref<2x5120xf32, #tpu.memory_space<vmem>>, %arg3: memref<5120x128xf32, #tpu.memory_space<vmem>>, %arg4: memref<128x128xf32, #tpu.memory_space<vmem>>, %arg5: memref<128x128xf32, #tpu.memory_space<vmem>>, %arg6: memref<1x128xf32, #tpu.memory_space<vmem>>, %arg7: memref<128x128xf32, #tpu.memory_space<vmem>>, %arg8: memref<1x128xf32, #tpu.memory_space<vmem>>, %arg9: memref<5120x128xf32, #tpu.memory_space<vmem>>) attributes {dimension_semantics = [#tpu.dimension_semantics<arbitrary>], iteration_bounds = array<i64: 2>, scalar_prefetch = 0 : i64, scratch_operands = 0 : i64, tpu.core_type = #tpu.core_type<tc>, window_params = [{transform_indices = @transform_0, window_bounds = array<i64: 2, 5120, 128>}, {transform_indices = @transform_1, window_bounds = array<i64: 2, 5120>}, {transform_indices = @transform_2, window_bounds = array<i64: 5120, 128>}, {pipeline_mode = #tpu.pipeline_mode<synchronous>, transform_indices = @transform_3, window_bounds = array<i64: 128, 128>}, {pipeline_mode = #tpu.pipeline_mode<synchronous>, transform_indices = @transform_4, window_bounds = array<i64: 128, 128>}, {pipeline_mode = #tpu.pipeline_mode<synchronous>, transform_indices = @transform_5, window_bounds = array<i64: 1, 128>}, {pipeline_mode = #tpu.pipeline_mode<synchronous>, transform_indices = @transform_6, window_bounds = array<i64: 128, 128>}, {pipeline_mode = #tpu.pipeline_mode<synchronous>, transform_indices = @transform_7, window_bounds = array<i64: 1, 128>}, {transform_indices = @transform_8, window_bounds = array<i64: 5120, 128>}]} {
    %get3A = arith.constant 0 : index
    %get3A_0 = arith.constant 0 : index
    %get3A_1 = arith.constant 0 : index
    %get3A_2 = vector.load %arg1[%get3A, %get3A_0, %get3A_1] : memref<2x5120x128xf32, #tpu.memory_space<vmem>>, vector<1x5120x128xf32>
    %get3A_3 = vector.shape_cast %get3A_2 : vector<1x5120x128xf32> to vector<5120x128xf32>
    %get3A_4 = arith.constant 1 : index
    %get3A_5 = arith.constant 0 : index
    %get3A_6 = arith.constant 0 : index
    %get3A_7 = vector.load %arg1[%get3A_4, %get3A_5, %get3A_6] : memref<2x5120x128xf32, #tpu.memory_space<vmem>>, vector<1x5120x128xf32>
    %get3A_8 = vector.shape_cast %get3A_7 : vector<1x5120x128xf32> to vector<5120x128xf32>
    %add3A = arith.addf %get3A_3, %get3A_8 : vector<5120x128xf32>
    %get3A_9 = arith.constant 0 : index
    %get3A_10 = arith.constant 0 : index
    %get3A_11 = vector.load %arg2[%get3A_9, %get3A_10] : memref<2x5120xf32, #tpu.memory_space<vmem>>, vector<1x5120xf32>
    %get3A_12 = vector.shape_cast %get3A_11 : vector<1x5120xf32> to vector<5120xf32>
    %get3A_13 = arith.constant 1 : index
    %get3A_14 = arith.constant 0 : index
    %get3A_15 = vector.load %arg2[%get3A_13, %get3A_14] : memref<2x5120xf32, #tpu.memory_space<vmem>>, vector<1x5120xf32>
    %get3A_16 = vector.shape_cast %get3A_15 : vector<1x5120xf32> to vector<5120xf32>
    %add3A_17 = arith.addf %get3A_12, %get3A_16 : vector<5120xf32>
    %max3A = arith.constant 1.000000e+00 : f32
    %max3A_18 = vector.broadcast %max3A : f32 to vector<5120xf32>
    %max3A_19 = arith.maximumf %add3A_17, %max3A_18 : vector<5120xf32>
    %div3A = arith.constant 1.000000e+00 : f32
    %div3A_20 = vector.broadcast %div3A : f32 to vector<5120xf32>
    %div3A_21 = arith.divf %div3A_20, %max3A_19 : vector<5120xf32>
    %broadcast_in_dim3A = vector.shape_cast %div3A_21 : vector<5120xf32> to vector<5120x1xf32>
    %mul3A = vector.broadcast %broadcast_in_dim3A : vector<5120x1xf32> to vector<5120x128xf32>
    %mul3A_22 = arith.mulf %add3A, %mul3A : vector<5120x128xf32>
    %get3A_23 = arith.constant 0 : index
    %get3A_24 = arith.constant 0 : index
    %get3A_25 = vector.load %arg4[%get3A_23, %get3A_24] : memref<128x128xf32, #tpu.memory_space<vmem>>, vector<128x128xf32>
    %dot_general3A = arith.constant dense<0.000000e+00> : vector<5120x128xf32>
    %dot_general3A_26 = tpu.matmul %mul3A_22, %get3A_25, %dot_general3A {dimension_numbers = #tpu.dot_dimension_numbers<[1], [1], [0], [0], [0, 0, 1, 0], [], []>, transpose_lhs_hint = false} : vector<5120x128xf32>, vector<128x128xf32>, vector<5120x128xf32> -> vector<5120x128xf32>
    %get3A_27 = arith.constant 0 : index
    %get3A_28 = arith.constant 0 : index
    %get3A_29 = vector.load %arg3[%get3A_27, %get3A_28] : memref<5120x128xf32, #tpu.memory_space<vmem>>, vector<5120x128xf32>
    %get3A_30 = arith.constant 0 : index
    %get3A_31 = arith.constant 0 : index
    %get3A_32 = vector.load %arg5[%get3A_30, %get3A_31] : memref<128x128xf32, #tpu.memory_space<vmem>>, vector<128x128xf32>
    %dot_general3A_33 = arith.constant dense<0.000000e+00> : vector<5120x128xf32>
    %dot_general3A_34 = tpu.matmul %get3A_29, %get3A_32, %dot_general3A_33 {dimension_numbers = #tpu.dot_dimension_numbers<[1], [1], [0], [0], [0, 0, 1, 0], [], []>, transpose_lhs_hint = false} : vector<5120x128xf32>, vector<128x128xf32>, vector<5120x128xf32> -> vector<5120x128xf32>
    %add3A_35 = arith.addf %dot_general3A_26, %dot_general3A_34 : vector<5120x128xf32>
    %get3A_36 = arith.constant 0 : index
    %get3A_37 = arith.constant 0 : index
    %get3A_38 = vector.load %arg6[%get3A_36, %get3A_37] : memref<1x128xf32, #tpu.memory_space<vmem>>, vector<1x128xf32>
    %add3A_39 = vector.broadcast %get3A_38 : vector<1x128xf32> to vector<5120x128xf32>
    %add3A_40 = arith.addf %add3A_35, %add3A_39 : vector<5120x128xf32>
    %max3A_41 = arith.constant 0.000000e+00 : f32
    %max3A_42 = vector.broadcast %max3A_41 : f32 to vector<5120x128xf32>
    %max3A_43 = arith.maximumf %add3A_40, %max3A_42 : vector<5120x128xf32>
    %get3A_44 = arith.constant 0 : index
    %get3A_45 = arith.constant 0 : index
    %get3A_46 = vector.load %arg7[%get3A_44, %get3A_45] : memref<128x128xf32, #tpu.memory_space<vmem>>, vector<128x128xf32>
    %dot_general3A_47 = arith.constant dense<0.000000e+00> : vector<5120x128xf32>
    %dot_general3A_48 = tpu.matmul %max3A_43, %get3A_46, %dot_general3A_47 {dimension_numbers = #tpu.dot_dimension_numbers<[1], [1], [0], [0], [0, 0, 1, 0], [], []>, transpose_lhs_hint = false} : vector<5120x128xf32>, vector<128x128xf32>, vector<5120x128xf32> -> vector<5120x128xf32>
    %get3A_49 = arith.constant 0 : index
    %get3A_50 = arith.constant 0 : index
    %get3A_51 = vector.load %arg8[%get3A_49, %get3A_50] : memref<1x128xf32, #tpu.memory_space<vmem>>, vector<1x128xf32>
    %add3A_52 = vector.broadcast %get3A_51 : vector<1x128xf32> to vector<5120x128xf32>
    %add3A_53 = arith.addf %dot_general3A_48, %add3A_52 : vector<5120x128xf32>
    %swap3A = arith.constant 0 : index
    %swap3A_54 = arith.constant 0 : index
    %swap3A_55 = vector.load %arg9[%swap3A, %swap3A_54] : memref<5120x128xf32, #tpu.memory_space<vmem>>, vector<5120x128xf32>
    tpu.vector_store %arg9[%swap3A, %swap3A_54], %add3A_53 {strides = array<i32>} : memref<5120x128xf32, #tpu.memory_space<vmem>>, vector<5120x128xf32>,
    return
  }
  func.func @transform_0(%arg0: i32) -> (i32, i32, i32) {
    %c0_i32 = arith.constant 0 : i32
    %c0_i32_0 = arith.constant 0 : i32
    %c0_i32_1 = arith.constant 0 : i32
    return %c0_i32, %arg0, %c0_i32_0 : i32, i32, i32
  }
  func.func @transform_1(%arg0: i32) -> (i32, i32) {
    %c0_i32 = arith.constant 0 : i32
    %c0_i32_0 = arith.constant 0 : i32
    return %c0_i32, %arg0 : i32, i32
  }
  func.func @transform_2(%arg0: i32) -> (i32, i32) {
    %c0_i32 = arith.constant 0 : i32
    %c0_i32_0 = arith.constant 0 : i32
    return %arg0, %c0_i32 : i32, i32
  }
  func.func @transform_3(%arg0: i32) -> (i32, i32) {
    %c0_i32 = arith.constant 0 : i32
    %c0_i32_0 = arith.constant 0 : i32
    %c0_i32_1 = arith.constant 0 : i32
    return %c0_i32, %c0_i32_0 : i32, i32
  }
  func.func @transform_4(%arg0: i32) -> (i32, i32) {
    %c0_i32 = arith.constant 0 : i32
    %c0_i32_0 = arith.constant 0 : i32
    %c0_i32_1 = arith.constant 0 : i32
    return %c0_i32, %c0_i32_0 : i32, i32
  }
  func.func @transform_5(%arg0: i32) -> (i32, i32) {
    %c0_i32 = arith.constant 0 : i32
    %c0_i32_0 = arith.constant 0 : i32
    %c0_i32_1 = arith.constant 0 : i32
    return %c0_i32, %c0_i32_0 : i32, i32
  }
  func.func @transform_6(%arg0: i32) -> (i32, i32) {
    %c0_i32 = arith.constant 0 : i32
    %c0_i32_0 = arith.constant 0 : i32
    %c0_i32_1 = arith.constant 0 : i32
    return %c0_i32, %c0_i32_0 : i32, i32
  }
  func.func @transform_7(%arg0: i32) -> (i32, i32) {
    %c0_i32 = arith.constant 0 : i32
    %c0_i32_0 = arith.constant 0 : i32
    %c0_i32_1 = arith.constant 0 : i32
    return %c0_i32, %c0_i32_0 : i32, i32
  }
  func.func @transform_8(%arg0: i32) -> (i32, i32) {
    %c0_i32 = arith.constant 0 : i32
    %c0_i32_0 = arith.constant 0 : i32
    return %arg0, %c0_i32 : i32, i32
  }
}

</mosaic_0001>

<sc_bundles>
// kernel: kernel.6.cloned.1.call-start
scs
__scs_entry_jumppad:
0x0: {  	(pc) =	sbr.rel $0x88, $3  }
0x1: {  	(tag) =	ssettag $0x0;
	lr =	simm.s32 $0x1  }
0x2: {  	[smem:$0x3F97] =	sst lr;
	_ =	strace $0xD0000000  }
0x3: {  	_ = 	snop  }
0x4: {  	_ = 	snop  }
0x5: {  	_ = 	snop  }
0x6: {  	_ = 	snop  }
0x7: {  	_ = 	snop  }
__scs_overlays_trampoline_lowered:
0x8: {  	[smem:$0x3FA6] =	sst s0  }
0x9: {  	[smem:$0x3FA7] =	sst s1  }
0xa: {  	[smem:$0x3FA8] =	sst s2  }
0xb: {  	[smem:$0x3FA9] =	sst s3  }
0xc: {  	[smem:$0x3FAA] =	sst s4  }
0xd: {  	[smem:$0x3FAB] =	sst s5  }
0xe: {  	[smem:$0x3FAC] =	sst s6  }
0xf: {  	[smem:$0x3FAD] =	sst s7  }
0x10: {  	[smem:$0x3FAE] =	sst s8  }
0x11: {  	[smem:$0x3FAF] =	sst s9;
	s0 =	simm.s32 @!p0 $0x0  }
0x12: {  	s1 =	sld [smem:$0x3F95];
	s0 =	simm.s32 @p0 $0x1  }
0x13: {  	[smem:$0x3FB0] =	sst s0;
	s0 =	simm.s32 @!p1 $0x0  }
0x14: {  	s2 =	sld [smem:$0x3F94];
	s0 =	simm.s32 @p1 $0x1  }
0x15: {  	[smem:$0x3FB1] =	sst s0;
	s0 =	simm.s32 @!p2 $0x0  }
0x16: {  	s3 =	sld [smem:$0x3FDB];
	s0 =	simm.s32 @p2 $0x1  }
0x17: {  	s4 =	simm.s32 $0x1BF5;
	[smem:$0x3FB3] =	sst s0  }
0x18: {  	s0 =	sld [smem:$0x3F96];
	_ =	swait.ge [sflag:s4], $0x0  }
0x19: {  	s7 =	sld [smem:$0x3F97]  }
0x1a: {  	s8 =	sadd.s32 $0xFFFFE003, lr  }
0x1b: {  	s9 =	sadd.s32 $0xFFFFFEF7, lr;
	s5 =	simm.s32 $0xFFFFFFFF;
	p2 =	slt.u32 s8, $0xFFFFF086  }
0x1c: {  	p1 =	slt.u32 s9, $0xF7A;
	s5 =	simm.s32 @!p2 $0x0  }
0x1d: {  	s5 =	simm.s32 @p1 $0x1;
	p0 =	seq.s32 s7, s2  }
0x1e: {  	s7 =	smul.u32 @!p0 $0xF7A, s2;
	p2 =	seq.s32 @!p0 s5, $0x0  }
0x1f: {  	s9 =	smul.u32 $0xF7A, s1;
	s8 =	simm.s32 @!p0 $0x1BF5;
	p2 =	por !p2, p0  }
0x20: {  	[sflag:s8] =	ssyncset.s32 @!p0 $0xFFFFF086;
	s6 =	sadd.s32 @!p0 s3, s7;
	s7 =	simm.s32 @!p0 $0x108  }
0x21: {  	s3 =	sadd.s32 s3, s9;
	s6 =	sadd.s32 @!p0 $0x88, s6;
	s7 =	simm.s32 @p2 $0x1082  }
0x22: {  	[simem:s7], [sflag:s8] =	dma.local @!p0 [hbm:s6], $0xF7A  }
0x23: {  	s9 =	sor.u32 $0xD0000000, s2;
	s6 =	simm.s32 $0x108;
	_ =	swait.ge @!p0 [sflag:s8], $0x0  }
0x24: {  	s3 =	sadd.s32 $0x88, s3;
	s6 =	simm.s32 @!p1 $0x1082;
	[sflag:s4] =	ssyncset.s32 $0xFFFFF086  }
0x25: {  	[simem:s6], [sflag:s4] =	dma.local [hbm:s3], $0xF7A  }
0x26: {  	[smem:$0x3F97] =	sst s1;
	(tag) =	ssettag s2;
	_ =	strace s9  }
0x27: {  	s1 =	sld [smem:$0x3FA7]  }
0x28: {  	s2 =	sld [smem:$0x3FA8]  }
0x29: {  	s4 =	sld [smem:$0x3FAA]  }
0x2a: {  	p0 =	seq.s32 s5, $0x0;
	s5 =	sld [smem:$0x3FAB]  }
0x2b: {  	s6 =	sld [smem:$0x3FAC]  }
0x2c: {  	s7 =	sld [smem:$0x3FAD]  }
0x2d: {  	s3 =	simm.s32 $0x108;
	s8 =	sld [smem:$0x3FAE]  }
0x2e: {  	s3 =	simm.s32 @!p0 $0x1082;
	s9 =	sld [smem:$0x3FAF]  }
0x2f: {  	lr =	sadd.s32 s0, s3;
	s0 =	sld [smem:$0x3FA6]  }
0x30: {  	s3 =	sld [smem:$0x3FA9]  }
0x31: {  	[smem:$0x3FB2] =	sst s10  }
0x32: {  	s10 =	sld [smem:$0x3FB0];
	_ =	sdelay $0x3  }
0x33: {  	p0 =	seq.s32 s10, $0x1;
	s10 =	sld [smem:$0x3FB2];
	_ =	sdelay $0x3  }
0x34: {  	[smem:$0x3FB2] =	sst s10  }
0x35: {  	s10 =	sld [smem:$0x3FB1];
	_ =	sdelay $0x3  }
0x36: {  	p1 =	seq.s32 s10, $0x1;
	s10 =	sld [smem:$0x3FB2];
	_ =	sdelay $0x3  }
0x37: {  	[smem:$0x3FB2] =	sst s10  }
0x38: {  	s10 =	sld [smem:$0x3FB3]  }
0x39: {  	_ = 	snop;
	(pc) =	sbr.ind lr, $3  }
0x3a: {  	_ = 	snop  }
0x3b: {  	_ = 	snop  }
0x3c: {  	p2 =	seq.s32 s10, $0x1;
	s10 =	sld [smem:$0x3FB2]  }
0x3d: {  	_ =	shalt  }
0x3e: {  	_ =	shalt  }
0x3f: {  	_ =	shalt  }
0x40: {  	_ =	shalt  }
0x41: {  	_ =	shalt  }
0x42: {  	_ =	shalt  }
0x43: {  	_ =	shalt  }
0x44: {  	_ =	shalt  }
0x45: {  	_ =	shalt  }
0x46: {  	_ =	shalt  }
0x47: {  	_ =	shalt  }
0x48: {  	_ =	shalt  }
0x49: {  	_ =	shalt  }
0x4a: {  	_ =	shalt  }
0x4b: {  	_ =	shalt  }
0x4c: {  	_ =	shalt  }
0x4d: {  	_ =	shalt  }
0x4e: {  	_ =	shalt  }
0x4f: {  	_ =	shalt  }
0x50: {  	_ =	shalt  }
0x51: {  	_ =	shalt  }
0x52: {  	_ =	shalt  }
0x53: {  	_ =	shalt  }
0x54: {  	_ =	shalt  }
0x55: {  	_ =	shalt  }
0x56: {  	_ =	shalt  }
0x57: {  	_ =	shalt  }
0x58: {  	_ =	shalt  }
0x59: {  	_ =	shalt  }
0x5a: {  	_ =	shalt  }
0x5b: {  	_ =	shalt  }
0x5c: {  	_ =	shalt  }
0x5d: {  	_ =	shalt  }
0x5e: {  	_ =	shalt  }
0x5f: {  	_ =	shalt  }
0x60: {  	_ =	shalt  }
0x61: {  	_ =	shalt  }
0x62: {  	_ =	shalt  }
0x63: {  	_ =	shalt  }
0x64: {  	_ =	shalt  }
0x65: {  	_ =	shalt  }
0x66: {  	_ =	shalt  }
0x67: {  	_ =	shalt  }
0x68: {  	_ =	shalt  }
0x69: {  	_ =	shalt  }
0x6a: {  	_ =	shalt  }
0x6b: {  	_ =	shalt  }
0x6c: {  	_ =	shalt  }
0x6d: {  	_ =	shalt  }
0x6e: {  	_ =	shalt  }
0x6f: {  	_ =	shalt  }
0x70: {  	_ =	shalt  }
0x71: {  	_ =	shalt  }
0x72: {  	_ =	shalt  }
0x73: {  	_ =	shalt  }
0x74: {  	_ =	shalt  }
0x75: {  	_ =	shalt  }
0x76: {  	_ =	shalt  }
0x77: {  	_ =	shalt  }
0x78: {  	_ =	shalt  }
0x79: {  	_ =	shalt  }
0x7a: {  	_ =	shalt  }
0x7b: {  	_ =	shalt  }
0x7c: {  	_ =	shalt  }
0x7d: {  	_ =	shalt  }
0x7e: {  	_ =	shalt  }
0x7f: {  	_ =	shalt  }
0x80: {  	_ =	shalt  }
0x81: {  	_ =	shalt  }
0x82: {  	_ =	shalt  }
0x83: {  	_ =	shalt  }
0x84: {  	_ =	shalt  }
0x85: {  	_ =	shalt  }
0x86: {  	_ =	shalt  }
0x87: {  	_ =	shalt  }
.Lfunc_end0:
.L_simem_size_0:
called_computation_lowered:
.L_overlay_start_0:
0x88: {  	s2 =	sld [smem:$0x3FD9]  }
0x89: {  	s3 =	sld [smem:$0x3FFE];
	_ =	sdelay $0x1  }
0x8a: {  	s1 =	srdreg.scid  }
0x8b: {  	s0 =	sand.u32 $0x1, s1  }
0x8c: {  	s17 =	sshll.u32 s0, $0xA;
	s2 =	sadd.s32 s3, s2  }
0x8d: {  	s2 =	sadd.s32 s2, s17  }
0x8e: {  	[smem:$0x3FBE] =	sst s2  }
0x8f: {  	_ = 	snop  }
0x90: {  	s2 =	sld [smem:$0x3FD0];
	(tm) =	ssettm $0x1  }
0x91: {  	s18 =	sld [smem:$0x3FFB];
	_ =	sdelay $0x3  }
0x92: {  	_ =	strace s18  }
0x93: {  	s3 =	sld [smem:$0x3FFC];
	_ =	sdelay $0x3  }
0x94: {  	_ =	strace s3  }
0x95: {  	s3 =	sld [smem:$0x3FFD];
	_ =	sdelay $0x3  }
0x96: {  	_ =	strace s3  }
0x97: {  	_ =	strace $0x8FFFFFFF  }
0x98: {  	s19 =	sld [smem:$0x3FDB];
	_ =	sdelay $0x1  }
0x99: {  	s4 =	simm.s32 $_scs_section_size  }
0x9a: {  	s5 =	simm.s32 $_size__tile_overlayer_lowered;
	s6 =	simm.s32 $_tile_overlayer_lowered  }
0x9b: {  	s22 =	simm.s32 $0x1BFF;
	s21 =	sshll.u32 s6, $0x1;
	s3 =	sadd.s32 s4, s19  }
0x9c: {  	s7 =	simm.s32 $0x0;
	s20 =	sshll.u32 s5, $0x1;
	s5 =	sadd.s32 s21, s3  }
0x9d: {  	[timem:s7], [sflag:s22] =	dma.local [hbm:s5], s20  }
0x9e: {  	_ =	swait.ge [sflag:s22], s20  }
0x9f: {  	s4 =	ssub.s32 $0x0, s20;
	[sflag:s22] =	ssyncset.done $0x0  }
0xa0: {  	[sflag:s22] =	ssyncadd.s32 s4;
	_ =	sdelay $0x1  }
0xa1: {  	s23 =	simm.s32 $0x1B8B  }
0xa2: {  	_ =	swait.ge [sflag:s23], $0x1  }
0xa3: {  	[sflag:s23] =	ssyncset.done $0x0  }
0xa4: {  	s25 =	simm.s32 $0x1B8E;
	s24 =	sld [smem:$0x3FFE];
	[sflag:s23] =	ssyncadd.s32 $0xFFFFFFFF  }
0xa5: {  	s26 =	simm.s32 $execute0_lowered;
	[smem:$0x3FD2] =	sst s25  }
0xa6: {  	s5 =	sshll.u32 s26, $0x1;
	_ =	strace $0x80000046;
	[dreg:$0x1] =	wrdreg $0xFFFFFFFF  }
0xa7: {  	s28 =	simm.s32 $_size_execute0_lowered;
	s3 =	sadd.s32 s3, s5;
	[dreg:$0x0] =	wrdreg $0x0  }
0xa8: {  	s5 =	sshll.u32 s28, $0x1;
	[dreg:$0x2] =	wrdreg s3  }
0xa9: {  	[dreg:$0x3] =	wrdreg s5  }
0xaa: {  	[dreg:$0x4] =	wrdreg $0xC0  }
0xab: {  	_ =	task [dreg:s7], $0x5FFFF  }
0xac: {  	[dreg:$0x1] =	wrdreg $0xFFFFFFFF  }
0xad: {  	[dreg:$0x0] =	wrdreg $0x60  }
0xae: {  	[dreg:$0x2] =	wrdreg s24  }
0xaf: {  	[dreg:$0x3] =	wrdreg s2  }
0xb0: {  	[dreg:$0x4] =	wrdreg $0xA3000  }
0xb1: {  	[dreg:$0x5] =	wrdreg $0x1E3000  }
0xb2: {  	[dreg:$0x6] =	wrdreg $0x9  }
0xb3: {  	_ =	task.clear_ibuf [dreg:s7], $0x7FFFF;
	_ =	strace $0x90000046  }
0xb4: {  	s29 =	simm.s32 $0x9;
	_ =	strace $0x80000048  }
0xb5: {  	_ =	swait.ge [sflag:s29], $0x1  }
0xb6: {  	[sflag:s29] =	ssyncadd.s32 $0xFFFFFFFF  }
0xb7: {  	_ =	strace $0x90000048  }
0xb8: {  	_ =	sfence  }
0xb9: {  	s30 =	sld [smem:$0x0];
	_ =	sdelay $0x2  }
0xba: {  	s31 =	sshll.u32 s1, $0xD;
	s1 =	sshrl.u32 s1, $0x2  }
0xbb: {  	s3 =	sand.u32 $0x4000, s31;
	s1 =	sadd.s32 s1, s30  }
0xbc: {  	s0 =	sor.u32 s3, s0;
	s1 =	sshll.u32 s1, $0x11  }
0xbd: {  	s0 =	sor.u32 s1, s0  }
0xbe: {  	s0 =	sadd.s32 $0x8F2B, s0  }
0xbf: {  	[sflag:s0] =	ssyncadd.remote.s32 $0x1  }
0xc0: {  	_ =	sfence.sel $0xFFFF  }
0xc1: {  	[dreg:$0x0] =	wrdreg $0xFFFFFFFF;
	(pc) =	sbr.abs _section_cstart, $3  }
0xc2: {  	[dreg:$0x1] =	wrdreg $0xFFFFFFFF  }
0xc3: {  	_ =	task.clear_ibuf [dreg:s7], $0x2FFFF;
	_ =	strace $0x9FFFFFFF  }
0xc4: {  	(tm) =	ssettm $0x7FFFFFFF  }
0xc5: {  	_ =	shalt  }
tec
execute0_lowered:
.L_overlay_start_1:
0x0: {  	(tag) =	ssettag $0x1  }
0x1: {  	s0 =	rddreg [dreg:$0x0]  }
0x2: {  	s1 =	rddreg [dreg:$0x1]  }
0x3: {  	s2 =	rddreg [dreg:$0x2];
	s23 =	stileid.u32  }
0x4: {  	s3 =	rddreg [dreg:$0x3];
	s5 =	simm.s32 $0x0;
	s8 =	smul.u32 $0x500, s23  }
0x5: {  	s4 =	srdreg.scid;
	s24 =	simm.s32 $0x138;
	s13 =	smul.u32 $0x280, s23  }
0x6: {  	[smem:$0x7FF] =	sst s5;
	s4 =	sand.u32 $0x1, s4;
	s10 =	smul.u32 $0x50000, s23  }
0x7: {  	s6 =	sadd.s32 $0x17200, s0;
	s7 =	sadd.s32 $0x3000, s0;
	s19 =	smul.u32 $0x9C, s23  }
0x8: {  	s14 =	sadd.s32 $0x3F200, s0;
	s22 =	sshll.u32 s23, $0x2;
	s23 =	smul.u32 $0x14000, s23  }
0x9: {  	_ =	strace $0x80000047;
	s9 =	sshll.u32 s4, $0x7;
	s25 =	ssub.s32 $0x2, s4  }
0xa: {  	s21 =	smul.u32 $0x140000, s4;
	p0 =	seq.s32 s4, $0x0;
	s22 =	sor.u32 $0x9C0, s22  }
0xb: {  	s8 =	sor.u32 s9, s8;
	s26 =	sshrl.u32 s25, $0x1;
	s12 =	sshll.u32 s13, $0x7  }
0xc: {  	s11 =	sshrl.u32 s10, $0x2;
	s13 =	sadd.s32 s13, s3;
	s22 =	smov.u32 @p0 s19  }
0xd: {  	s24 =	simm.s32 @!p0 $0x8;
	p0 =	sne.s32 s4, $0x0;
	s8 =	sshrl.u32 s8, $0x3  }
0xe: {  	s15 =	ssub.s32 s25, s26;
	s16 =	sadd.s32 $0x4000, s12;
	s31 =	sadd.s32 s11, s2  }
0xf: {  	s17 =	sadd.s32 $0x8000, s12;
	s18 =	sadd.s32 $0xC000, s12;
	s20 =	sadd.s32 $0x10000, s12  }
0x10: {  	[dreg:$0x5] =	wrdreg s13;
	s23 =	sadd.s32 s23, s21;
	s28 =	sadd.s32 $0xFFFFFFFE, s24  }
0x11: {  	s29 =	sshll.u32 s24, $0xD;
	s9 =	sadd.s32 s16, s2;
	s10 =	sadd.s32 s17, s2  }
0x12: {  	s26 =	sadd.s32 s18, s2;
	s30 =	sadd.s32 s20, s2;
	s19 =	sshrl.u32 s23, $0x3  }
0x13: {  	s16 =	sadd.s32 s21, s16;
	s17 =	sadd.s32 s21, s17;
	s18 =	sadd.s32 s21, s18  }
0x14: {  	s20 =	sadd.s32 s21, s20;
	s21 =	sadd.s32 $0x8, s24;
	s24 =	sadd.s32 $0xE000, s31  }
0x15: {  	s0 =	sadd.s32 s8, s0;
	s25 =	sadd.s32 s14, s19;
	[dreg:$0x14] =	wrdreg s24  }
0x16: {  	s16 =	sshrl.u32 s16, $0x3;
	s0 =	sadd.s32 $0x8F200, s0;
	[dreg:$0x6] =	wrdreg s25  }
0x17: {  	s12 =	sshrl.u32 s17, $0x3;
	s11 =	sadd.s32 s14, s16;
	[dreg:$0xf] =	wrdreg s0  }
0x18: {  	s13 =	sshrl.u32 s18, $0x3;
	s18 =	sadd.s32 s14, s12;
	[dreg:$0x7] =	wrdreg s11  }
0x19: {  	s23 =	sshrl.u32 s20, $0x3;
	s19 =	sadd.s32 s14, s13;
	[dreg:$0x8] =	wrdreg s18  }
0x1a: {  	s24 =	simm.s32 $0x1;
	s25 =	sadd.s32 s14, s23;
	[dreg:$0x9] =	wrdreg s19  }
0x1b: {  	s12 =	sshll.u32 s22, $0x5;
	s23 =	sadd.s32 $0xA000, s31;
	[dreg:$0xa] =	wrdreg s25  }
0x1c: {  	s19 =	sshll.u32 s22, $0x8;
	s14 =	sadd.s32 s1, s12;
	[dreg:$0x13] =	wrdreg s23  }
0x1d: {  	s11 =	sshrl.u32 s21, $0x4;
	s16 =	sadd.s32 s7, s12;
	[dreg:$0xb] =	wrdreg s14  }
0x1e: {  	s18 =	smax.u32 s15, $0x1;
	s21 =	sadd.s32 $0x2000, s31;
	[dreg:$0xc] =	wrdreg s16  }
0x1f: {  	s22 =	sadd.s32 $0x6000, s31;
	s25 =	sadd.s32 $0x12000, s31;
	[dreg:$0x10] =	wrdreg s18  }
0x20: {  	s15 =	simm.s32 $0x2000;
	s23 =	simm.s32 $0x4;
	[dreg:$0x11] =	wrdreg s21  }
.Ltmp0:
0x21: {  	s13 =	sshrl.u32 s19, $0x3;
	[dreg:$0x12] =	wrdreg s22;
	(pc) =	sbr.rel .LBB2_1-.Ltmp0, $4  }
0x22: {  	s20 =	sadd.s32 $0xFFFFFFFF, s11;
	[dreg:$0x15] =	wrdreg s25;
	s4 =	sadd.s32 $0x100, s13  }
0x23: {  	s16 =	simm.s32 $0x5;
	s18 =	simm.s32 $0x2;
	s17 =	sadd.s32 s1, s4  }
0x24: {  	s21 =	simm.s32 $0xA000;
	s4 =	sadd.s32 s7, s4;
	[dreg:$0xd] =	wrdreg s17  }
0x25: {  	v0 =	vimm.f32 $0.0e+00;
	v1 =	vimm.f32 $1.000000000e+00;
	s25 =	simm.s32 $0x0;
	[dreg:$0xe] =	wrdreg s4;
	s17 =	simm.s32 $0x40  }
.LBB2_11:
0x26: {  	s0 =	simm.s32 $0x3  }
0x27: {  	_ =	swait.ge [sflag:s0], $0x2000  }
0x28: {  	[sflag:s0] =	ssyncset.done $0x0  }
0x29: {  	[sflag:s0] =	ssyncadd.s32 $0xFFFFE000  }
0x2a: {  	_ =	swait.ge [sflag:s0], $0x2000  }
0x2b: {  	[sflag:s0] =	ssyncset.done $0x0  }
0x2c: {  	[sflag:s0] =	ssyncadd.s32 $0xFFFFE000  }
0x2d: {  	_ =	swait.ge [sflag:s23], $0x40  }
0x2e: {  	[sflag:s23] =	ssyncset.done $0x0  }
0x2f: {  	[sflag:s23] =	ssyncadd.s32 $0xFFFFFFC0  }
0x30: {  	_ =	swait.ge [sflag:s23], $0x40  }
0x31: {  	[sflag:s23] =	ssyncset.done $0x0  }
0x32: {  	s10 =	stileid.u32;
	[sflag:s23] =	ssyncadd.s32 $0xFFFFFFC0  }
0x33: {  	s0 =	sshll.u32 s10, $0x6;
	[bflag:$0x0] =	sbarrier.arrive $0xFFFF  }
0x34: {  	s4 =	sshrl.u32 s22, $0x3;
	s0 =	sor.u32 $0x1C05, s0;
	s9 =	rddreg [dreg:$0x6]  }
0x35: {  	[hbm:s9], [sflag:s0] =	dma.local [spmem:s4], $0x800  }
0x36: {  	_ =	swait.ge [sflag:s16], $0x800  }
0x37: {  	[sflag:s16] =	ssyncset.done $0x0  }
0x38: {  	s14 =	sshrl.u32 s11, $0x3;
	s10 =	rddreg [dreg:$0x7];
	[sflag:s16] =	ssyncadd.s32 $0xFFFFF800  }
0x39: {  	[hbm:s10], [sflag:s0] =	dma.local [spmem:s14], $0x800  }
0x3a: {  	_ =	swait.ge [sflag:s16], $0x800  }
0x3b: {  	s31 =	smov.u32 s22;
	[sflag:s16] =	ssyncset.done $0x0  }
0x3c: {  	s22 =	sshrl.u32 s12, $0x3;
	s26 =	rddreg [dreg:$0x8];
	[sflag:s16] =	ssyncadd.s32 $0xFFFFF800  }
0x3d: {  	[hbm:s26], [sflag:s0] =	dma.local [spmem:s22], $0x800  }
0x3e: {  	_ =	swait.ge [sflag:s16], $0x800  }
0x3f: {  	s10 =	smov.u32 s12;
	s12 =	sshrl.u32 s13, $0x3;
	[sflag:s16] =	ssyncset.done $0x0  }
0x40: {  	s26 =	smov.u32 s13;
	s13 =	rddreg [dreg:$0x9];
	[sflag:s16] =	ssyncadd.s32 $0xFFFFF800  }
0x41: {  	[hbm:s13], [sflag:s0] =	dma.local [spmem:s12], $0x800  }
0x42: {  	_ =	swait.ge [sflag:s16], $0x800  }
0x43: {  	[sflag:s16] =	ssyncset.done $0x0  }
0x44: {  	s14 =	sshrl.u32 s8, $0x3;
	s22 =	rddreg [dreg:$0xa];
	[sflag:s16] =	ssyncadd.s32 $0xFFFFF800  }
0x45: {  	[hbm:s22], [sflag:s0] =	dma.local [spmem:s14], $0x800  }
0x46: {  	s9 =	smov.u32 s11;
	s13 =	simm.s32 $0x20;
	_ =	swait.ge [sflag:s16], $0x800  }
0x47: {  	s14 =	simm.s32 $0x10;
	[sflag:s16] =	ssyncset.done $0x0;
	s11 =	rddreg [dreg:$0x5]  }
0x48: {  	s12 =	rddreg [dreg:$0xf];
	[sflag:s16] =	ssyncadd.s32 $0xFFFFF800;
	s4 =	sshrl.u32 s11, $0x3  }
0x49: {  	[hbm:s12@s13], [sflag:s0] =	dma.strided [spmem:s4@s14], $0x50, s24, $0x10   }
0x4a: {  	_ =	swait.ge [sflag:s16], $0x50  }
0x4b: {  	s25 =	sadd.s32 $0x1, s25;
	s22 =	rddreg [dreg:$0x10]  }
0x4c: {  	p1 =	sne.s32 s25, s22  }
.Ltmp1:
0x4d: {  	_ = 	snop;
	(pc) =	sbr.rel @!p1 .LBB2_12-.Ltmp1, $3  }
0x4e: {  	_ =	sdelay $0x1  }
0x4f: {  	[sflag:s16] =	ssyncset.done $0x0  }
0x50: {  	s30 =	smov.u32 s8;
	[sflag:s16] =	ssyncadd.s32 $0xFFFFFFB0  }
.LBB2_1:
0x51: {  	s0 =	simm.s32 $0x0;
	s4 =	simm.s32 $0x200  }
.LBB2_2:
0x52: {  	p1 =	sne.s32 s4, $0x7E00;
	[tilespmem:s0+$0x2070] =	vst v0  }
0x53: {  	[tilespmem:s0+$0x2000] =	vst v0  }
0x54: {  	[tilespmem:s0+$0x2010] =	vst v0  }
.Ltmp2:
0x55: {  	[tilespmem:s0+$0x2020] =	vst v0;
	(pc) =	sbr.rel @p1 .LBB2_2-.Ltmp2, $4  }
0x56: {  	[tilespmem:s0+$0x2030] =	vst v0  }
0x57: {  	[tilespmem:s0+$0x2040] =	vst v0  }
0x58: {  	[tilespmem:s0+$0x2050] =	vst v0  }
0x59: {  	[tilespmem:s0+$0x2060] =	vst v0;
	s0 =	sshra.s32 s4, $0x2;
	s4 =	sadd.s32 $0x200, s4  }
0x5a: {  	[tilespmem:s0+$0x2070] =	vst v0  }
0x5b: {  	[tilespmem:s0+$0x2000] =	vst v0  }
0x5c: {  	[tilespmem:s0+$0x2010] =	vst v0  }
0x5d: {  	[tilespmem:s0+$0x2020] =	vst v0  }
0x5e: {  	[tilespmem:s0+$0x2030] =	vst v0  }
0x5f: {  	[tilespmem:s0+$0x2040] =	vst v0  }
0x60: {  	[tilespmem:s0+$0x2050] =	vst v0  }
0x61: {  	[tilespmem:s0+$0x2060] =	vst v0  }
0x62: {  	[tilespmem:$0xA080] =	vst v0  }
0x63: {  	[tilespmem:$0xA090] =	vst v0  }
0x64: {  	[tilespmem:$0xA0A0] =	vst v0  }
0x65: {  	[tilespmem:$0xA0B0] =	vst v0  }
0x66: {  	[tilespmem:$0xA0C0] =	vst v0  }
0x67: {  	[tilespmem:$0xA0D0] =	vst v0  }
0x68: {  	[tilespmem:$0xA0E0] =	vst v0  }
0x69: {  	[tilespmem:$0xA0F0] =	vst v0  }
0x6a: {  	[tilespmem:$0xA100] =	vst v0  }
0x6b: {  	[tilespmem:$0xA110] =	vst v0  }
0x6c: {  	[tilespmem:$0xA120] =	vst v0  }
0x6d: {  	[tilespmem:$0xA130] =	vst v0  }
0x6e: {  	[tilespmem:$0xA140] =	vst v0  }
0x6f: {  	[tilespmem:$0xA150] =	vst v0  }
0x70: {  	[tilespmem:$0xA160] =	vst v0  }
0x71: {  	[tilespmem:$0xA170] =	vst v0  }
0x72: {  	[tilespmem:$0xA180] =	vst v0  }
0x73: {  	[tilespmem:$0xA190] =	vst v0  }
0x74: {  	[tilespmem:$0xA1A0] =	vst v0  }
0x75: {  	[tilespmem:$0xA1B0] =	vst v0  }
0x76: {  	[tilespmem:$0xA1C0] =	vst v0  }
0x77: {  	[tilespmem:$0xA1D0] =	vst v0  }
0x78: {  	[tilespmem:$0xA1E0] =	vst v0  }
0x79: {  	[tilespmem:$0xA1F0] =	vst v0  }
0x7a: {  	[tilespmem:$0xA200] =	vst v0  }
0x7b: {  	[tilespmem:$0xA210] =	vst v0  }
0x7c: {  	[tilespmem:$0xA220] =	vst v0  }
0x7d: {  	[tilespmem:$0xA230] =	vst v0  }
0x7e: {  	[tilespmem:$0xA240] =	vst v0  }
0x7f: {  	[tilespmem:$0xA250] =	vst v0  }
0x80: {  	[tilespmem:$0xA260] =	vst v0  }
0x81: {  	[tilespmem:$0xA270] =	vst v0  }
0x82: {  	[tilespmem:$0xA280] =	vst v0  }
0x83: {  	[tilespmem:$0xA290] =	vst v0  }
0x84: {  	[tilespmem:$0xA2A0] =	vst v0  }
0x85: {  	[tilespmem:$0xA2B0] =	vst v0  }
0x86: {  	[tilespmem:$0xA2C0] =	vst v0  }
0x87: {  	[tilespmem:$0xA2D0] =	vst v0  }
0x88: {  	[tilespmem:$0xA2E0] =	vst v0  }
0x89: {  	[tilespmem:$0xA2F0] =	vst v0  }
0x8a: {  	[tilespmem:$0xA000] =	vst v1  }
0x8b: {  	[tilespmem:$0xA010] =	vst v1  }
0x8c: {  	[tilespmem:$0xA020] =	vst v1  }
0x8d: {  	[tilespmem:$0xA030] =	vst v1  }
0x8e: {  	[spmem:s31] =	stream.linear.scatter [tilespmem:s15], [sflag:$0x5], $0x2000, $0x38;
	[tilespmem:$0x1E580] =	vst v63  }
0x8f: {  	_ =	swait.ge [sflag:s16], $0x2000  }
0x90: {  	[sflag:s16] =	ssyncset.done $0x0  }
0x91: {  	s14 =	rddreg [dreg:$0x11];
	[sflag:s16] =	ssyncadd.s32 $0xFFFFE000  }
0x92: {  	[spmem:s14] =	stream.linear.scatter [tilespmem:s15], [sflag:$0x5], $0x2000, $0x38;
	[tilespmem:$0x1E580] =	vst v63  }
0x93: {  	_ =	swait.ge [sflag:s16], $0x2000  }
0x94: {  	[sflag:s16] =	ssyncset.done $0x0  }
0x95: {  	[sflag:s16] =	ssyncadd.s32 $0xFFFFE000  }
0x96: {  	[spmem:s9] =	stream.linear.scatter [tilespmem:s15], [sflag:$0x5], $0x2000, $0x38;
	[tilespmem:$0x1E580] =	vst v63  }
0x97: {  	_ =	swait.ge [sflag:s16], $0x2000  }
0x98: {  	[sflag:s16] =	ssyncset.done $0x0  }
0x99: {  	s4 =	rddreg [dreg:$0x12];
	[sflag:s16] =	ssyncadd.s32 $0xFFFFE000  }
0x9a: {  	[spmem:s4] =	stream.linear.scatter [tilespmem:s15], [sflag:$0x5], $0x2000, $0x38;
	[tilespmem:$0x1E580] =	vst v63  }
0x9b: {  	_ =	swait.ge [sflag:s16], $0x2000  }
0x9c: {  	[sflag:s16] =	ssyncset.done $0x0  }
0x9d: {  	[sflag:s16] =	ssyncadd.s32 $0xFFFFE000  }
0x9e: {  	[spmem:s10] =	stream.linear.scatter [tilespmem:s15], [sflag:$0x5], $0x2000, $0x38;
	[tilespmem:$0x1E580] =	vst v63  }
0x9f: {  	_ =	swait.ge [sflag:s16], $0x2000  }
0xa0: {  	[sflag:s16] =	ssyncset.done $0x0  }
0xa1: {  	s8 =	rddreg [dreg:$0x13];
	[sflag:s16] =	ssyncadd.s32 $0xFFFFE000  }
0xa2: {  	[spmem:s8] =	stream.linear.scatter [tilespmem:s15], [sflag:$0x5], $0x2000, $0x38;
	[tilespmem:$0x1E580] =	vst v63  }
0xa3: {  	_ =	swait.ge [sflag:s16], $0x2000  }
0xa4: {  	[sflag:s16] =	ssyncset.done $0x0  }
0xa5: {  	[sflag:s16] =	ssyncadd.s32 $0xFFFFE000  }
0xa6: {  	[spmem:s26] =	stream.linear.scatter [tilespmem:s15], [sflag:$0x5], $0x2000, $0x38;
	[tilespmem:$0x1E580] =	vst v63  }
0xa7: {  	_ =	swait.ge [sflag:s16], $0x2000  }
0xa8: {  	[sflag:s16] =	ssyncset.done $0x0  }
0xa9: {  	s11 =	smov.u32 s9;
	s9 =	rddreg [dreg:$0x14];
	[sflag:s16] =	ssyncadd.s32 $0xFFFFE000  }
0xaa: {  	[spmem:s9] =	stream.linear.scatter [tilespmem:s15], [sflag:$0x5], $0x2000, $0x38;
	[tilespmem:$0x1E580] =	vst v63  }
0xab: {  	_ =	swait.ge [sflag:s16], $0x2000  }
0xac: {  	[sflag:s16] =	ssyncset.done $0x0  }
0xad: {  	[sflag:s16] =	ssyncadd.s32 $0xFFFFE000  }
0xae: {  	[spmem:s30] =	stream.linear.scatter [tilespmem:s15], [sflag:$0x5], $0x2000, $0x38;
	[tilespmem:$0x1E580] =	vst v63  }
0xaf: {  	_ =	swait.ge [sflag:s16], $0x2000  }
0xb0: {  	[sflag:s16] =	ssyncset.done $0x0  }
0xb1: {  	s12 =	smov.u32 s10;
	s10 =	rddreg [dreg:$0x15];
	[sflag:s16] =	ssyncadd.s32 $0xFFFFE000  }
0xb2: {  	[spmem:s10] =	stream.linear.scatter [tilespmem:s15], [sflag:$0x5], $0x2000, $0x38;
	[tilespmem:$0x1E580] =	vst v63  }
0xb3: {  	_ =	swait.ge [sflag:s16], $0x2000  }
0xb4: {  	[sflag:s16] =	ssyncset.done $0x0  }
0xb5: {  	s4 =	simm.s32 $0xA080;
	s14 =	rddreg [dreg:$0x5];
	[sflag:s16] =	ssyncadd.s32 $0xFFFFE000  }
0xb6: {  	[spmem:s14] =	stream.linear.scatter [tilespmem:s4], [sflag:$0x5], $0x280, $0x38;
	[tilespmem:$0x1E580] =	vst v63  }
0xb7: {  	_ =	swait.ge [sflag:s16], $0x280  }
0xb8: {  	[sflag:s16] =	ssyncset.done $0x0  }
0xb9: {  	[sflag:s16] =	ssyncadd.s32 $0xFFFFFD80  }
0xba: {  	[bflag:$0x0] =	sbarrier.arrive $0xFFFF  }
0xbb: {  	s13 =	smov.u32 s26;
	s26 =	rddreg [dreg:$0xb]  }
0xbc: {  	[tilespmem:s5], [sflag:$0x5] =	stream.linear.gather [hbm4b:s26+s5], $0x800, $0x38;
	[tilespmem:$0x1E580] =	vst v63  }
0xbd: {  	_ =	swait.ge [sflag:s16], $0x800  }
0xbe: {  	[sflag:s16] =	ssyncset.done $0x0  }
0xbf: {  	s9 =	simm.s32 $0x1000;
	s4 =	rddreg [dreg:$0xc];
	[sflag:s16] =	ssyncadd.s32 $0xFFFFF800  }
0xc0: {  	[tilespmem:s9], [sflag:$0x5] =	stream.linear.gather [hbm4b:s4+s5], $0x800, $0x38;
	[tilespmem:$0x1E580] =	vst v63  }
0xc1: {  	_ =	swait.ge [sflag:s16], $0x800  }
0xc2: {  	s0 =	simm.s32 @!p0 $0x0;
	[sflag:s16] =	ssyncset.done $0x0  }
0xc3: {  	s4 =	simm.s32 @!p0 $0x800;
	s9 =	rddreg [dreg:$0xd];
	[sflag:s16] =	ssyncadd.s32 $0xFFFFF800  }
0xc4: {  	[tilespmem:s4], [sflag:$0x1] =	stream.linear.gather @!p0 [hbm4b:s9+s0], $0x800, $0x38;
	[tilespmem:$0x1E580] =	vst v63  }
0xc5: {  	s4 =	simm.s32 @!p0 $0x1800;
	s9 =	rddreg [dreg:$0xe]  }
0xc6: {  	[tilespmem:s4], [sflag:$0x1] =	stream.linear.gather @!p0 [hbm4b:s9+s0], $0x800, $0x38;
	[tilespmem:$0x1E580] =	vst v63  }
.Ltmp3:
0xc7: {  	s22 =	smov.u32 s31;
	(pc) =	sbr.rel .LBB2_4-.Ltmp3, $4  }
0xc8: {  	s31 =	simm.s32 $0x0;
	s8 =	smov.u32 s30;
	s26 =	simm.s32 $0x0  }
0xc9: {  	[tilespmem:s15], [sflag:$0x2] =	stream.indirect.gather [hbm4b:s6+s17], $0x80, s26, s17, $0xb8;
	[tilespmem:$0x1E580] =	vst v63  }
0xca: {  	s30 =	simm.s32 $0x100;
	s10 =	simm.s32 $0x80;
	s14 =	simm.s32 $0x4000  }
0xcb: {  	[tilespmem:s14], [sflag:$0x2] =	stream.indirect.gather [hbm4b:s6+s17], $0x80, s10, s17, $0xb8;
	[tilespmem:$0x1E580] =	vst v63  }
.LBB2_6:
0xcc: {  	p1 =	sge.u32 s31, s28  }
0xcd: {  	p2 =	sne.s32 @!p1 s0, $0xE  }
0xce: {  	p2 =	por p1, p2  }
.Ltmp4:
0xcf: {  	_ = 	snop;
	(pc) =	sbr.rel @p2 .LBB2_8-.Ltmp4, $1  }
0xd0: {  	_ =	sdelay $0x3  }
0xd1: {  	_ =	swait.ge [sflag:s24], $0x800  }
0xd2: {  	[sflag:s24] =	ssyncset.done $0x0  }
0xd3: {  	[sflag:s24] =	ssyncadd.s32 $0xFFFFF800  }
0xd4: {  	_ =	swait.ge [sflag:s24], $0x800  }
0xd5: {  	[sflag:s24] =	ssyncset.done $0x0  }
0xd6: {  	[sflag:s24] =	ssyncadd.s32 $0xFFFFF800  }
.LBB2_9:
0xd7: {  	s9 =	sadd.s32 $0x4000, s26  }
0xd8: {  	s9 =	sand.u32 $0x6000, s9  }
0xd9: {  	s10 =	sand.u32 $0xF80, s30;
	s9 =	sadd.s32 $0x2000, s9  }
0xda: {  	[tilespmem:s9], [sflag:$0x2] =	stream.indirect.gather [hbm4b:s6+s17], $0x80, s10, s17, $0xb8;
	[tilespmem:$0x1E580] =	vst v63  }
.LBB2_10:
0xdb: {  	_ =	swait.ge [sflag:s18], $0x2000;
	s9 =	sand.u32 $0x6000, s26;
	s26 =	sadd.s32 $0x2000, s26  }
0xdc: {  	s4 =	sand.u32 $0x800, s4;
	s0 =	sshll.u32 s0, $0x7;
	p1 =	sne.s32 s29, s26  }
.Ltmp5:
0xdd: {  	[sflag:s18] =	ssyncset.done $0x0;
	s0 =	sor.u32 s0, s4;
	(pc) =	sbr.rel @!p1 .LBB2_11-.Ltmp5, $4  }
0xde: {  	s14 =	sadd.s32 $0x2000, s9;
	[sflag:s18] =	ssyncadd.s32 $0xFFFFE000;
	s0 =	sor.u32 $0x1000, s0  }
0xdf: {  	[spmem:s2] =	stream.indirect.scatter.add.f32 [tilespmem:s14], [sflag:$0x3], $0x80, s0, s17, $0xb8;
	[tilespmem:$0x1E580] =	vst v63  }
0xe0: {  	s31 =	sadd.s32 $0x1, s31;
	s30 =	sadd.s32 $0x80, s30  }
0xe1: {  	[spmem:s3] =	stream.indirect.scatter.add.f32 [tilespmem:s21], [sflag:$0x4], $0x1, s0, s17, $0xb8;
	[tilespmem:$0x1E580] =	vst v63  }
.LBB2_4:
0xe2: {  	s0 =	sand.u32 $0xF, s31  }
0xe3: {  	s14 =	sshrl.u32 s31, $0x4;
	p2 =	sne.s32 s0, $0x0  }
0xe4: {  	p3 =	seq.s32 @!p2 s14, $0x0  }
0xe5: {  	p1 =	slt.u32 s31, $0x2;
	p2 =	por p2, p3  }
0xe6: {  	s4 =	simm.s32 @!p1 $0x3;
	p3 =	sge.s32 @!p2 s14, s20  }
0xe7: {  	_ =	swait.ge @!p1 [sflag:s4], $0x2000;
	p2 =	por p2, p3  }
.Ltmp6:
0xe8: {  	[sflag:s4] =	ssyncset.done @!p1 $0x0;
	(pc) =	sbr.rel @p2 .LBB2_6-.Ltmp6, $4  }
0xe9: {  	[sflag:s4] =	ssyncadd.s32 @!p1 $0xFFFFE000;
	s4 =	simm.s32 @!p1 $0x4  }
0xea: {  	_ =	swait.ge @!p1 [sflag:s4], $0x40  }
0xeb: {  	[sflag:s4] =	ssyncset.done @!p1 $0x0  }
0xec: {  	[sflag:s4] =	ssyncadd.s32 @!p1 $0xFFFFFFC0;
	s4 =	sshll.u32 s14, $0xB  }
0xed: {  	s14 =	sadd.s32 $0x800, s4  }
0xee: {  	p1 =	slt.u32 s31, s28;
	s9 =	sadd.s32 s19, s14  }
.Ltmp7:
0xef: {  	s9 =	sshrl.u32 s9, $0x3;
	(pc) =	sbr.rel @p1 .LBB2_9-.Ltmp7, $4  }
.Ltmp8:
0xf0: {  	s14 =	sand.u32 $0x800, s14;
	s10 =	sadd.s32 s1, s9;
	(pc) =	sbr.rel @!p1 .LBB2_10-.Ltmp8, $4  }
0xf1: {  	[tilespmem:s14], [sflag:$0x1] =	stream.linear.gather [hbm4b:s10+s5], $0x800, $0x38;
	[tilespmem:$0x1E580] =	vst v63  }
0xf2: {  	s9 =	sadd.s32 s7, s9;
	s14 =	sor.u32 $0x1000, s14  }
0xf3: {  	[tilespmem:s14], [sflag:$0x1] =	stream.linear.gather [hbm4b:s9+s5], $0x800, $0x38;
	[tilespmem:$0x1E580] =	vst v63  }
0xf4: {  	_ = 	snop  }
.LBB2_8:
.Ltmp9:
0xf5: {  	(pc) =	sbr.rel @p1 .LBB2_10-.Ltmp9, $4  }
.Ltmp10:
0xf6: {  	(pc) =	sbr.rel @!p1 .LBB2_9-.Ltmp10, $4  }
0xf7: {  	_ = 	snop  }
0xf8: {  	_ = 	snop  }
0xf9: {  	_ = 	snop  }
0xfa: {  	_ = 	snop  }
.LBB2_12:
0xfb: {  	_ =	sfence.sel $0x180000  }
0xfc: {  	[bflag:$0x0] =	sbarrier.arrive $0xFFFF  }
0xfd: {  	_ =	strace $0x90000047  }
0xfe: {  	s0 =	stileid.u32;
	[bflag:$0x2] =	sbarrier.arrive $0xFFFF  }
0xff: {  	p0 =	sne.s32 s0, $0x0;
	s0 =	rddreg [dreg:$0x4]  }
0x100: {  	s0 =	sadd.s32 @!p0 $0x100000, s0  }
0x101: {  	[sflag:s0] =	ssyncadd.tile.s32 @!p0 $0x1;
	_ =	shalt  }
.Lfunc_end2:
_tile_overlayer_lowered:
.L_overlay_start_2:
0x102: {  	(tag) =	ssettag $0x2  }
0x103: {  	s0 =	rddreg [dreg:$0x0];
	s2 =	stileid.u32  }
0x104: {  	s1 =	rddreg [dreg:$0x1];
	p0 =	sne.s32 s2, $0x0  }
0x105: {  	s3 =	rddreg [dreg:$0x2];
	[bflag:$0x3] =	sbarrier.arrive $0xFFFF;
	s2 =	simm.s32 @!p0 $0x1C05  }
0x106: {  	[timem:s3], [sflag:s2] =	dma.local @!p0 [hbm:s0], s1  }
0x107: {  	s0 =	simm.s32 @!p0 $0x5  }
0x108: {  	_ =	swait.ge @!p0 [sflag:s0], s1  }
0x109: {  	s1 =	ssub.s32 @!p0 $0x0, s1;
	[sflag:s0] =	ssyncset.done @!p0 $0x0  }
0x10a: {  	[sflag:s0] =	ssyncadd.s32 @!p0 s1  }
0x10b: {  	[bflag:$0x3] =	sbarrier.arrive $0xFFFF  }
0x10c: {  	_ =	shalt  }

// kernel: kernel.9.cloned.1.call-start
scs
__scs_entry_jumppad:
0x0: {  	(pc) =	sbr.rel $0x88, $3  }
0x1: {  	(tag) =	ssettag $0x0;
	lr =	simm.s32 $0x1  }
0x2: {  	[smem:$0x3F97] =	sst lr;
	_ =	strace $0xD0000000  }
0x3: {  	_ = 	snop  }
0x4: {  	_ = 	snop  }
0x5: {  	_ = 	snop  }
0x6: {  	_ = 	snop  }
0x7: {  	_ = 	snop  }
__scs_overlays_trampoline_lowered:
0x8: {  	[smem:$0x3FA6] =	sst s0  }
0x9: {  	[smem:$0x3FA7] =	sst s1  }
0xa: {  	[smem:$0x3FA8] =	sst s2  }
0xb: {  	[smem:$0x3FA9] =	sst s3  }
0xc: {  	[smem:$0x3FAA] =	sst s4  }
0xd: {  	[smem:$0x3FAB] =	sst s5  }
0xe: {  	[smem:$0x3FAC] =	sst s6  }
0xf: {  	[smem:$0x3FAD] =	sst s7  }
0x10: {  	[smem:$0x3FAE] =	sst s8  }
0x11: {  	[smem:$0x3FAF] =	sst s9;
	s0 =	simm.s32 @!p0 $0x0  }
0x12: {  	s1 =	sld [smem:$0x3F95];
	s0 =	simm.s32 @p0 $0x1  }
0x13: {  	[smem:$0x3FB0] =	sst s0;
	s0 =	simm.s32 @!p1 $0x0  }
0x14: {  	s2 =	sld [smem:$0x3F94];
	s0 =	simm.s32 @p1 $0x1  }
0x15: {  	[smem:$0x3FB1] =	sst s0;
	s0 =	simm.s32 @!p2 $0x0  }
0x16: {  	s3 =	sld [smem:$0x3FDB];
	s0 =	simm.s32 @p2 $0x1  }
0x17: {  	s4 =	simm.s32 $0x1BF5;
	[smem:$0x3FB3] =	sst s0  }
0x18: {  	s0 =	sld [smem:$0x3F96];
	_ =	swait.ge [sflag:s4], $0x0  }
0x19: {  	s7 =	sld [smem:$0x3F97]  }
0x1a: {  	s8 =	sadd.s32 $0xFFFFE003, lr  }
0x1b: {  	s9 =	sadd.s32 $0xFFFFFEF7, lr;
	s5 =	simm.s32 $0xFFFFFFFF;
	p2 =	slt.u32 s8, $0xFFFFF086  }
0x1c: {  	p1 =	slt.u32 s9, $0xF7A;
	s5 =	simm.s32 @!p2 $0x0  }
0x1d: {  	s5 =	simm.s32 @p1 $0x1;
	p0 =	seq.s32 s7, s2  }
0x1e: {  	s7 =	smul.u32 @!p0 $0xF7A, s2;
	p2 =	seq.s32 @!p0 s5, $0x0  }
0x1f: {  	s9 =	smul.u32 $0xF7A, s1;
	s8 =	simm.s32 @!p0 $0x1BF5;
	p2 =	por !p2, p0  }
0x20: {  	[sflag:s8] =	ssyncset.s32 @!p0 $0xFFFFF086;
	s6 =	sadd.s32 @!p0 s3, s7;
	s7 =	simm.s32 @!p0 $0x108  }
0x21: {  	s3 =	sadd.s32 s3, s9;
	s6 =	sadd.s32 @!p0 $0x88, s6;
	s7 =	simm.s32 @p2 $0x1082  }
0x22: {  	[simem:s7], [sflag:s8] =	dma.local @!p0 [hbm:s6], $0xF7A  }
0x23: {  	s9 =	sor.u32 $0xD0000000, s2;
	s6 =	simm.s32 $0x108;
	_ =	swait.ge @!p0 [sflag:s8], $0x0  }
0x24: {  	s3 =	sadd.s32 $0x88, s3;
	s6 =	simm.s32 @!p1 $0x1082;
	[sflag:s4] =	ssyncset.s32 $0xFFFFF086  }
0x25: {  	[simem:s6], [sflag:s4] =	dma.local [hbm:s3], $0xF7A  }
0x26: {  	[smem:$0x3F97] =	sst s1;
	(tag) =	ssettag s2;
	_ =	strace s9  }
0x27: {  	s1 =	sld [smem:$0x3FA7]  }
0x28: {  	s2 =	sld [smem:$0x3FA8]  }
0x29: {  	s4 =	sld [smem:$0x3FAA]  }
0x2a: {  	p0 =	seq.s32 s5, $0x0;
	s5 =	sld [smem:$0x3FAB]  }
0x2b: {  	s6 =	sld [smem:$0x3FAC]  }
0x2c: {  	s7 =	sld [smem:$0x3FAD]  }
0x2d: {  	s3 =	simm.s32 $0x108;
	s8 =	sld [smem:$0x3FAE]  }
0x2e: {  	s3 =	simm.s32 @!p0 $0x1082;
	s9 =	sld [smem:$0x3FAF]  }
0x2f: {  	lr =	sadd.s32 s0, s3;
	s0 =	sld [smem:$0x3FA6]  }
0x30: {  	s3 =	sld [smem:$0x3FA9]  }
0x31: {  	[smem:$0x3FB2] =	sst s10  }
0x32: {  	s10 =	sld [smem:$0x3FB0];
	_ =	sdelay $0x3  }
0x33: {  	p0 =	seq.s32 s10, $0x1;
	s10 =	sld [smem:$0x3FB2];
	_ =	sdelay $0x3  }
0x34: {  	[smem:$0x3FB2] =	sst s10  }
0x35: {  	s10 =	sld [smem:$0x3FB1];
	_ =	sdelay $0x3  }
0x36: {  	p1 =	seq.s32 s10, $0x1;
	s10 =	sld [smem:$0x3FB2];
	_ =	sdelay $0x3  }
0x37: {  	[smem:$0x3FB2] =	sst s10  }
0x38: {  	s10 =	sld [smem:$0x3FB3]  }
0x39: {  	_ = 	snop;
	(pc) =	sbr.ind lr, $3  }
0x3a: {  	_ = 	snop  }
0x3b: {  	_ = 	snop  }
0x3c: {  	p2 =	seq.s32 s10, $0x1;
	s10 =	sld [smem:$0x3FB2]  }
0x3d: {  	_ =	shalt  }
0x3e: {  	_ =	shalt  }
0x3f: {  	_ =	shalt  }
0x40: {  	_ =	shalt  }
0x41: {  	_ =	shalt  }
0x42: {  	_ =	shalt  }
0x43: {  	_ =	shalt  }
0x44: {  	_ =	shalt  }
0x45: {  	_ =	shalt  }
0x46: {  	_ =	shalt  }
0x47: {  	_ =	shalt  }
0x48: {  	_ =	shalt  }
0x49: {  	_ =	shalt  }
0x4a: {  	_ =	shalt  }
0x4b: {  	_ =	shalt  }
0x4c: {  	_ =	shalt  }
0x4d: {  	_ =	shalt  }
0x4e: {  	_ =	shalt  }
0x4f: {  	_ =	shalt  }
0x50: {  	_ =	shalt  }
0x51: {  	_ =	shalt  }
0x52: {  	_ =	shalt  }
0x53: {  	_ =	shalt  }
0x54: {  	_ =	shalt  }
0x55: {  	_ =	shalt  }
0x56: {  	_ =	shalt  }
0x57: {  	_ =	shalt  }
0x58: {  	_ =	shalt  }
0x59: {  	_ =	shalt  }
0x5a: {  	_ =	shalt  }
0x5b: {  	_ =	shalt  }
0x5c: {  	_ =	shalt  }
0x5d: {  	_ =	shalt  }
0x5e: {  	_ =	shalt  }
0x5f: {  	_ =	shalt  }
0x60: {  	_ =	shalt  }
0x61: {  	_ =	shalt  }
0x62: {  	_ =	shalt  }
0x63: {  	_ =	shalt  }
0x64: {  	_ =	shalt  }
0x65: {  	_ =	shalt  }
0x66: {  	_ =	shalt  }
0x67: {  	_ =	shalt  }
0x68: {  	_ =	shalt  }
0x69: {  	_ =	shalt  }
0x6a: {  	_ =	shalt  }
0x6b: {  	_ =	shalt  }
0x6c: {  	_ =	shalt  }
0x6d: {  	_ =	shalt  }
0x6e: {  	_ =	shalt  }
0x6f: {  	_ =	shalt  }
0x70: {  	_ =	shalt  }
0x71: {  	_ =	shalt  }
0x72: {  	_ =	shalt  }
0x73: {  	_ =	shalt  }
0x74: {  	_ =	shalt  }
0x75: {  	_ =	shalt  }
0x76: {  	_ =	shalt  }
0x77: {  	_ =	shalt  }
0x78: {  	_ =	shalt  }
0x79: {  	_ =	shalt  }
0x7a: {  	_ =	shalt  }
0x7b: {  	_ =	shalt  }
0x7c: {  	_ =	shalt  }
0x7d: {  	_ =	shalt  }
0x7e: {  	_ =	shalt  }
0x7f: {  	_ =	shalt  }
0x80: {  	_ =	shalt  }
0x81: {  	_ =	shalt  }
0x82: {  	_ =	shalt  }
0x83: {  	_ =	shalt  }
0x84: {  	_ =	shalt  }
0x85: {  	_ =	shalt  }
0x86: {  	_ =	shalt  }
0x87: {  	_ =	shalt  }
.Lfunc_end0:
.L_simem_size_0:
called_computation.1_lowered:
.L_overlay_start_0:
0x88: {  	s2 =	sld [smem:$0x3FD9]  }
0x89: {  	s3 =	sld [smem:$0x3FFE];
	_ =	sdelay $0x1  }
0x8a: {  	s1 =	srdreg.scid  }
0x8b: {  	s0 =	sand.u32 $0x1, s1  }
0x8c: {  	s17 =	sshll.u32 s0, $0xA;
	s2 =	sadd.s32 s3, s2  }
0x8d: {  	s2 =	sadd.s32 s2, s17  }
0x8e: {  	[smem:$0x3FBE] =	sst s2  }
0x8f: {  	_ = 	snop  }
0x90: {  	s2 =	sld [smem:$0x3FD0];
	(tm) =	ssettm $0x1  }
0x91: {  	s18 =	sld [smem:$0x3FFB];
	_ =	sdelay $0x3  }
0x92: {  	_ =	strace s18  }
0x93: {  	s3 =	sld [smem:$0x3FFC];
	_ =	sdelay $0x3  }
0x94: {  	_ =	strace s3  }
0x95: {  	s3 =	sld [smem:$0x3FFD];
	_ =	sdelay $0x3  }
0x96: {  	_ =	strace s3  }
0x97: {  	_ =	strace $0x8FFFFFFF  }
0x98: {  	s19 =	sld [smem:$0x3FDB];
	_ =	sdelay $0x1  }
0x99: {  	s4 =	simm.s32 $_scs_section_size  }
0x9a: {  	s5 =	simm.s32 $_size__tile_overlayer_lowered;
	s6 =	simm.s32 $_tile_overlayer_lowered  }
0x9b: {  	s22 =	simm.s32 $0x1BFF;
	s21 =	sshll.u32 s6, $0x1;
	s3 =	sadd.s32 s4, s19  }
0x9c: {  	s7 =	simm.s32 $0x0;
	s20 =	sshll.u32 s5, $0x1;
	s5 =	sadd.s32 s21, s3  }
0x9d: {  	[timem:s7], [sflag:s22] =	dma.local [hbm:s5], s20  }
0x9e: {  	_ =	swait.ge [sflag:s22], s20  }
0x9f: {  	s4 =	ssub.s32 $0x0, s20;
	[sflag:s22] =	ssyncset.done $0x0  }
0xa0: {  	[sflag:s22] =	ssyncadd.s32 s4;
	_ =	sdelay $0x1  }
0xa1: {  	s23 =	simm.s32 $0x1B8B  }
0xa2: {  	_ =	swait.ge [sflag:s23], $0x1  }
0xa3: {  	[sflag:s23] =	ssyncset.done $0x0  }
0xa4: {  	s25 =	simm.s32 $0x1B8E;
	s24 =	sld [smem:$0x3FFE];
	[sflag:s23] =	ssyncadd.s32 $0xFFFFFFFF  }
0xa5: {  	s26 =	simm.s32 $execute0_lowered;
	[smem:$0x3FD2] =	sst s25  }
0xa6: {  	s5 =	sshll.u32 s26, $0x1;
	_ =	strace $0x80000049;
	[dreg:$0x1] =	wrdreg $0xFFFFFFFF  }
0xa7: {  	s28 =	simm.s32 $_size_execute0_lowered;
	s3 =	sadd.s32 s3, s5;
	[dreg:$0x0] =	wrdreg $0x0  }
0xa8: {  	s5 =	sshll.u32 s28, $0x1;
	[dreg:$0x2] =	wrdreg s3  }
0xa9: {  	[dreg:$0x3] =	wrdreg s5  }
0xaa: {  	[dreg:$0x4] =	wrdreg $0xC0  }
0xab: {  	_ =	task [dreg:s7], $0x5FFFF  }
0xac: {  	[dreg:$0x1] =	wrdreg $0xFFFFFFFF  }
0xad: {  	[dreg:$0x0] =	wrdreg $0x60  }
0xae: {  	[dreg:$0x2] =	wrdreg s24  }
0xaf: {  	[dreg:$0x3] =	wrdreg s2  }
0xb0: {  	[dreg:$0x4] =	wrdreg $0xA3000  }
0xb1: {  	[dreg:$0x5] =	wrdreg $0x9  }
0xb2: {  	_ =	task.clear_ibuf [dreg:s7], $0x6FFFF;
	_ =	strace $0x90000049  }
0xb3: {  	s29 =	simm.s32 $0x9;
	_ =	strace $0x8000004B  }
0xb4: {  	_ =	swait.ge [sflag:s29], $0x1  }
0xb5: {  	[sflag:s29] =	ssyncadd.s32 $0xFFFFFFFF  }
0xb6: {  	_ =	strace $0x9000004B  }
0xb7: {  	_ =	sfence  }
0xb8: {  	s30 =	sld [smem:$0x0];
	_ =	sdelay $0x2  }
0xb9: {  	s31 =	sshll.u32 s1, $0xD;
	s1 =	sshrl.u32 s1, $0x2  }
0xba: {  	s3 =	sand.u32 $0x4000, s31;
	s1 =	sadd.s32 s1, s30  }
0xbb: {  	s0 =	sor.u32 s3, s0;
	s1 =	sshll.u32 s1, $0x11  }
0xbc: {  	s0 =	sor.u32 s1, s0  }
0xbd: {  	s0 =	sadd.s32 $0x8F2B, s0  }
0xbe: {  	[sflag:s0] =	ssyncadd.remote.s32 $0x1  }
0xbf: {  	_ =	sfence.sel $0xFFFF  }
0xc0: {  	[dreg:$0x0] =	wrdreg $0xFFFFFFFF;
	(pc) =	sbr.abs _section_cstart, $3  }
0xc1: {  	[dreg:$0x1] =	wrdreg $0xFFFFFFFF  }
0xc2: {  	_ =	task.clear_ibuf [dreg:s7], $0x2FFFF;
	_ =	strace $0x9FFFFFFF  }
0xc3: {  	(tm) =	ssettm $0x7FFFFFFF  }
tec
execute0_lowered:
.L_overlay_start_1:
0x0: {  	(tag) =	ssettag $0x1  }
0x1: {  	s0 =	rddreg [dreg:$0x0]  }
0x2: {  	s1 =	rddreg [dreg:$0x1]  }
0x3: {  	s2 =	rddreg [dreg:$0x2];
	s4 =	simm.s32 $0x0  }
0x4: {  	s3 =	srdreg.scid;
	s11 =	stileid.u32;
	s19 =	simm.s32 $0x138  }
0x5: {  	[smem:$0x7FF] =	sst s4;
	s5 =	sadd.s32 $0x17200, s0;
	s7 =	smul.u32 $0x50000, s11  }
0x6: {  	s3 =	sand.u32 $0x1, s3;
	s6 =	sadd.s32 $0x3000, s0;
	s14 =	smul.u32 $0x14000, s11  }
0x7: {  	s0 =	sadd.s32 $0x3F200, s0;
	s12 =	smul.u32 $0x9C, s11;
	s11 =	sshll.u32 s11, $0x2  }
0x8: {  	_ =	strace $0x8000004A;
	s8 =	ssub.s32 $0x2, s3;
	p0 =	seq.s32 s3, $0x0  }
0x9: {  	s13 =	sor.u32 $0x9C0, s11;
	s23 =	smul.u32 $0x140000, s3;
	s9 =	sshrl.u32 s8, $0x1  }
0xa: {  	s7 =	sshrl.u32 s7, $0x2;
	s16 =	sadd.s32 $0x4000, s14;
	s17 =	sadd.s32 $0x8000, s14  }
0xb: {  	s18 =	sadd.s32 $0xC000, s14;
	s20 =	sadd.s32 $0x10000, s14;
	s19 =	simm.s32 @!p0 $0x8  }
0xc: {  	s13 =	smov.u32 @p0 s12;
	p0 =	sne.s32 s3, $0x0;
	s3 =	simm.s32 $0x4  }
0xd: {  	s15 =	ssub.s32 s8, s9;
	s7 =	sadd.s32 s7, s2;
	s8 =	sadd.s32 s16, s2  }
0xe: {  	s9 =	sadd.s32 s17, s2;
	s10 =	sadd.s32 s18, s2;
	s11 =	sadd.s32 s20, s2  }
0xf: {  	s25 =	sadd.s32 $0x8, s19;
	s22 =	sshll.u32 s13, $0x5;
	s12 =	sshll.u32 s13, $0x8  }
0x10: {  	s14 =	sadd.s32 s14, s23;
	s16 =	sadd.s32 s23, s16;
	s17 =	sadd.s32 s23, s17  }
0x11: {  	s18 =	sadd.s32 s23, s18;
	s20 =	sadd.s32 s23, s20;
	s21 =	sshrl.u32 s25, $0x4  }
0x12: {  	s26 =	sadd.s32 s1, s22;
	s28 =	sadd.s32 s6, s22;
	s29 =	sshrl.u32 s12, $0x3  }
0x13: {  	s14 =	sshrl.u32 s14, $0x3;
	s16 =	sshrl.u32 s16, $0x3;
	[dreg:$0x4] =	wrdreg s26  }
0x14: {  	s17 =	sshrl.u32 s17, $0x3;
	s25 =	smax.u32 s15, $0x1;
	[dreg:$0x5] =	wrdreg s28  }
0x15: {  	s18 =	sshrl.u32 s18, $0x3;
	s14 =	sadd.s32 s0, s14;
	[dreg:$0xd] =	wrdreg s25  }
0x16: {  	s20 =	sshrl.u32 s20, $0x3;
	s16 =	sadd.s32 s0, s16;
	[dreg:$0x6] =	wrdreg s14  }
0x17: {  	s30 =	sadd.s32 $0xE000, s7;
	s22 =	sadd.s32 s0, s18;
	[dreg:$0x7] =	wrdreg s16  }
0x18: {  	s31 =	sadd.s32 $0x12000, s7;
	s26 =	sadd.s32 $0x2000, s7;
	[dreg:$0x9] =	wrdreg s22  }
0x19: {  	s13 =	sadd.s32 $0xFFFFFFFF, s21;
	s28 =	sadd.s32 $0x6000, s7;
	[dreg:$0xe] =	wrdreg s26  }
0x1a: {  	s21 =	sadd.s32 $0x100, s29;
	s29 =	sadd.s32 $0xA000, s7;
	[dreg:$0xf] =	wrdreg s28  }
0x1b: {  	s15 =	simm.s32 $0x2;
	s14 =	sadd.s32 s0, s17;
	[dreg:$0x10] =	wrdreg s29  }
.Ltmp0:
0x1c: {  	s0 =	sadd.s32 s0, s20;
	[dreg:$0x8] =	wrdreg s14;
	(pc) =	sbr.rel .LBB2_1-.Ltmp0, $4  }
0x1d: {  	s25 =	sshll.u32 s19, $0xD;
	s23 =	sadd.s32 s1, s21;
	[dreg:$0xa] =	wrdreg s0  }
0x1e: {  	s18 =	simm.s32 $0x0;
	s24 =	sadd.s32 s6, s21;
	[dreg:$0xb] =	wrdreg s23  }
0x1f: {  	s16 =	simm.s32 $0x3;
	s17 =	simm.s32 $0x1;
	[dreg:$0xc] =	wrdreg s24  }
0x20: {  	v0 =	vimm.f32 $0.0e+00;
	v1 =	vimm.f32 $1.000000000e+00;
	s23 =	sadd.s32 $0xFFFFFFFE, s19;
	s0 =	simm.s32 $0x2000;
	s14 =	simm.s32 $0x40  }
.LBB2_11:
0x21: {  	_ =	swait.ge [sflag:s16], $0x2000  }
0x22: {  	[sflag:s16] =	ssyncset.done $0x0  }
0x23: {  	[sflag:s16] =	ssyncadd.s32 $0xFFFFE000  }
0x24: {  	_ =	swait.ge [sflag:s16], $0x2000  }
0x25: {  	[sflag:s16] =	ssyncset.done $0x0  }
0x26: {  	s19 =	stileid.u32;
	[sflag:s16] =	ssyncadd.s32 $0xFFFFE000  }
0x27: {  	s19 =	sshll.u32 s19, $0x6;
	[bflag:$0x0] =	sbarrier.arrive $0xFFFF  }
0x28: {  	s20 =	sshrl.u32 s7, $0x3;
	s19 =	sor.u32 $0x1C04, s19;
	s21 =	rddreg [dreg:$0x6]  }
0x29: {  	[hbm:s21], [sflag:s19] =	dma.local [spmem:s20], $0x800  }
0x2a: {  	_ =	swait.ge [sflag:s3], $0x800  }
0x2b: {  	[sflag:s3] =	ssyncset.done $0x0  }
0x2c: {  	s24 =	sshrl.u32 s8, $0x3;
	s26 =	rddreg [dreg:$0x7];
	[sflag:s3] =	ssyncadd.s32 $0xFFFFF800  }
0x2d: {  	[hbm:s26], [sflag:s19] =	dma.local [spmem:s24], $0x800  }
0x2e: {  	_ =	swait.ge [sflag:s3], $0x800  }
0x2f: {  	[sflag:s3] =	ssyncset.done $0x0  }
0x30: {  	s28 =	sshrl.u32 s9, $0x3;
	s29 =	rddreg [dreg:$0x8];
	[sflag:s3] =	ssyncadd.s32 $0xFFFFF800  }
0x31: {  	[hbm:s29], [sflag:s19] =	dma.local [spmem:s28], $0x800  }
0x32: {  	_ =	swait.ge [sflag:s3], $0x800  }
0x33: {  	[sflag:s3] =	ssyncset.done $0x0  }
0x34: {  	s22 =	sshrl.u32 s10, $0x3;
	s24 =	rddreg [dreg:$0x9];
	[sflag:s3] =	ssyncadd.s32 $0xFFFFF800  }
0x35: {  	[hbm:s24], [sflag:s19] =	dma.local [spmem:s22], $0x800  }
0x36: {  	_ =	swait.ge [sflag:s3], $0x800  }
0x37: {  	[sflag:s3] =	ssyncset.done $0x0  }
0x38: {  	s26 =	sshrl.u32 s11, $0x3;
	s28 =	rddreg [dreg:$0xa];
	[sflag:s3] =	ssyncadd.s32 $0xFFFFF800  }
0x39: {  	[hbm:s28], [sflag:s19] =	dma.local [spmem:s26], $0x800  }
0x3a: {  	_ =	swait.ge [sflag:s3], $0x800  }
0x3b: {  	s18 =	sadd.s32 $0x1, s18;
	s29 =	rddreg [dreg:$0xd]  }
0x3c: {  	p1 =	sne.s32 s18, s29  }
.Ltmp1:
0x3d: {  	_ = 	snop;
	(pc) =	sbr.rel @!p1 .LBB2_12-.Ltmp1, $3  }
0x3e: {  	_ =	sdelay $0x1  }
0x3f: {  	[sflag:s3] =	ssyncset.done $0x0  }
0x40: {  	[sflag:s3] =	ssyncadd.s32 $0xFFFFF800  }
.LBB2_1:
0x41: {  	s19 =	simm.s32 $0x0;
	s20 =	simm.s32 $0x200  }
.LBB2_2:
0x42: {  	p1 =	sne.s32 s20, $0x7E00;
	[tilespmem:s19+$0x2070] =	vst v0  }
0x43: {  	[tilespmem:s19+$0x2000] =	vst v0  }
0x44: {  	[tilespmem:s19+$0x2010] =	vst v0  }
.Ltmp2:
0x45: {  	[tilespmem:s19+$0x2020] =	vst v0;
	(pc) =	sbr.rel @p1 .LBB2_2-.Ltmp2, $4  }
0x46: {  	[tilespmem:s19+$0x2030] =	vst v0  }
0x47: {  	[tilespmem:s19+$0x2040] =	vst v0  }
0x48: {  	[tilespmem:s19+$0x2050] =	vst v0  }
0x49: {  	[tilespmem:s19+$0x2060] =	vst v0;
	s19 =	sshra.s32 s20, $0x2;
	s20 =	sadd.s32 $0x200, s20  }
0x4a: {  	[tilespmem:s19+$0x2070] =	vst v0  }
0x4b: {  	[tilespmem:s19+$0x2000] =	vst v0  }
0x4c: {  	[tilespmem:s19+$0x2010] =	vst v0  }
0x4d: {  	[tilespmem:s19+$0x2020] =	vst v0  }
0x4e: {  	[tilespmem:s19+$0x2030] =	vst v0  }
0x4f: {  	[tilespmem:s19+$0x2040] =	vst v0  }
0x50: {  	[tilespmem:s19+$0x2050] =	vst v0  }
0x51: {  	[tilespmem:s19+$0x2060] =	vst v0  }
0x52: {  	[tilespmem:$0xA080] =	vst v0  }
0x53: {  	[tilespmem:$0xA090] =	vst v0  }
0x54: {  	[tilespmem:$0xA0A0] =	vst v0  }
0x55: {  	[tilespmem:$0xA0B0] =	vst v0  }
0x56: {  	[tilespmem:$0xA0C0] =	vst v0  }
0x57: {  	[tilespmem:$0xA0D0] =	vst v0  }
0x58: {  	[tilespmem:$0xA0E0] =	vst v0  }
0x59: {  	[tilespmem:$0xA0F0] =	vst v0  }
0x5a: {  	[tilespmem:$0xA100] =	vst v0  }
0x5b: {  	[tilespmem:$0xA110] =	vst v0  }
0x5c: {  	[tilespmem:$0xA120] =	vst v0  }
0x5d: {  	[tilespmem:$0xA130] =	vst v0  }
0x5e: {  	[tilespmem:$0xA140] =	vst v0  }
0x5f: {  	[tilespmem:$0xA150] =	vst v0  }
0x60: {  	[tilespmem:$0xA160] =	vst v0  }
0x61: {  	[tilespmem:$0xA170] =	vst v0  }
0x62: {  	[tilespmem:$0xA180] =	vst v0  }
0x63: {  	[tilespmem:$0xA190] =	vst v0  }
0x64: {  	[tilespmem:$0xA1A0] =	vst v0  }
0x65: {  	[tilespmem:$0xA1B0] =	vst v0  }
0x66: {  	[tilespmem:$0xA1C0] =	vst v0  }
0x67: {  	[tilespmem:$0xA1D0] =	vst v0  }
0x68: {  	[tilespmem:$0xA1E0] =	vst v0  }
0x69: {  	[tilespmem:$0xA1F0] =	vst v0  }
0x6a: {  	[tilespmem:$0xA200] =	vst v0  }
0x6b: {  	[tilespmem:$0xA210] =	vst v0  }
0x6c: {  	[tilespmem:$0xA220] =	vst v0  }
0x6d: {  	[tilespmem:$0xA230] =	vst v0  }
0x6e: {  	[tilespmem:$0xA240] =	vst v0  }
0x6f: {  	[tilespmem:$0xA250] =	vst v0  }
0x70: {  	[tilespmem:$0xA260] =	vst v0  }
0x71: {  	[tilespmem:$0xA270] =	vst v0  }
0x72: {  	[tilespmem:$0xA280] =	vst v0  }
0x73: {  	[tilespmem:$0xA290] =	vst v0  }
0x74: {  	[tilespmem:$0xA2A0] =	vst v0  }
0x75: {  	[tilespmem:$0xA2B0] =	vst v0  }
0x76: {  	[tilespmem:$0xA2C0] =	vst v0  }
0x77: {  	[tilespmem:$0xA2D0] =	vst v0  }
0x78: {  	[tilespmem:$0xA2E0] =	vst v0  }
0x79: {  	[tilespmem:$0xA2F0] =	vst v0  }
0x7a: {  	[tilespmem:$0xA000] =	vst v1  }
0x7b: {  	[tilespmem:$0xA010] =	vst v1  }
0x7c: {  	[tilespmem:$0xA020] =	vst v1  }
0x7d: {  	[tilespmem:$0xA030] =	vst v1  }
0x7e: {  	[spmem:s7] =	stream.linear.scatter [tilespmem:s0], [sflag:$0x4], $0x2000, $0x38;
	[tilespmem:$0x1E300] =	vst v63  }
0x7f: {  	_ =	swait.ge [sflag:s3], $0x2000  }
0x80: {  	[sflag:s3] =	ssyncset.done $0x0  }
0x81: {  	s20 =	rddreg [dreg:$0xe];
	[sflag:s3] =	ssyncadd.s32 $0xFFFFE000  }
0x82: {  	[spmem:s20] =	stream.linear.scatter [tilespmem:s0], [sflag:$0x4], $0x2000, $0x38;
	[tilespmem:$0x1E300] =	vst v63  }
0x83: {  	_ =	swait.ge [sflag:s3], $0x2000  }
0x84: {  	[sflag:s3] =	ssyncset.done $0x0  }
0x85: {  	[sflag:s3] =	ssyncadd.s32 $0xFFFFE000  }
0x86: {  	[spmem:s8] =	stream.linear.scatter [tilespmem:s0], [sflag:$0x4], $0x2000, $0x38;
	[tilespmem:$0x1E300] =	vst v63  }
0x87: {  	_ =	swait.ge [sflag:s3], $0x2000  }
0x88: {  	[sflag:s3] =	ssyncset.done $0x0  }
0x89: {  	s21 =	rddreg [dreg:$0xf];
	[sflag:s3] =	ssyncadd.s32 $0xFFFFE000  }
0x8a: {  	[spmem:s21] =	stream.linear.scatter [tilespmem:s0], [sflag:$0x4], $0x2000, $0x38;
	[tilespmem:$0x1E300] =	vst v63  }
0x8b: {  	_ =	swait.ge [sflag:s3], $0x2000  }
0x8c: {  	[sflag:s3] =	ssyncset.done $0x0  }
0x8d: {  	[sflag:s3] =	ssyncadd.s32 $0xFFFFE000  }
0x8e: {  	[spmem:s9] =	stream.linear.scatter [tilespmem:s0], [sflag:$0x4], $0x2000, $0x38;
	[tilespmem:$0x1E300] =	vst v63  }
0x8f: {  	_ =	swait.ge [sflag:s3], $0x2000  }
0x90: {  	[sflag:s3] =	ssyncset.done $0x0  }
0x91: {  	s22 =	rddreg [dreg:$0x10];
	[sflag:s3] =	ssyncadd.s32 $0xFFFFE000  }
0x92: {  	[spmem:s22] =	stream.linear.scatter [tilespmem:s0], [sflag:$0x4], $0x2000, $0x38;
	[tilespmem:$0x1E300] =	vst v63  }
0x93: {  	_ =	swait.ge [sflag:s3], $0x2000  }
0x94: {  	[sflag:s3] =	ssyncset.done $0x0  }
0x95: {  	[sflag:s3] =	ssyncadd.s32 $0xFFFFE000  }
0x96: {  	[spmem:s10] =	stream.linear.scatter [tilespmem:s0], [sflag:$0x4], $0x2000, $0x38;
	[tilespmem:$0x1E300] =	vst v63  }
0x97: {  	_ =	swait.ge [sflag:s3], $0x2000  }
0x98: {  	[sflag:s3] =	ssyncset.done $0x0  }
0x99: {  	[sflag:s3] =	ssyncadd.s32 $0xFFFFE000  }
0x9a: {  	[spmem:s30] =	stream.linear.scatter [tilespmem:s0], [sflag:$0x4], $0x2000, $0x38;
	[tilespmem:$0x1E300] =	vst v63  }
0x9b: {  	_ =	swait.ge [sflag:s3], $0x2000  }
0x9c: {  	[sflag:s3] =	ssyncset.done $0x0  }
0x9d: {  	[sflag:s3] =	ssyncadd.s32 $0xFFFFE000  }
0x9e: {  	[spmem:s11] =	stream.linear.scatter [tilespmem:s0], [sflag:$0x4], $0x2000, $0x38;
	[tilespmem:$0x1E300] =	vst v63  }
0x9f: {  	_ =	swait.ge [sflag:s3], $0x2000  }
0xa0: {  	[sflag:s3] =	ssyncset.done $0x0  }
0xa1: {  	[sflag:s3] =	ssyncadd.s32 $0xFFFFE000  }
0xa2: {  	[spmem:s31] =	stream.linear.scatter [tilespmem:s0], [sflag:$0x4], $0x2000, $0x38;
	[tilespmem:$0x1E300] =	vst v63  }
0xa3: {  	_ =	swait.ge [sflag:s3], $0x2000  }
0xa4: {  	[sflag:s3] =	ssyncset.done $0x0  }
0xa5: {  	[sflag:s3] =	ssyncadd.s32 $0xFFFFE000  }
0xa6: {  	[bflag:$0x0] =	sbarrier.arrive $0xFFFF  }
0xa7: {  	s24 =	rddreg [dreg:$0x4]  }
0xa8: {  	[tilespmem:s4], [sflag:$0x4] =	stream.linear.gather [hbm4b:s24+s4], $0x800, $0x38;
	[tilespmem:$0x1E300] =	vst v63  }
0xa9: {  	_ =	swait.ge [sflag:s3], $0x800  }
0xaa: {  	[sflag:s3] =	ssyncset.done $0x0  }
0xab: {  	s20 =	simm.s32 $0x1000;
	s26 =	rddreg [dreg:$0x5];
	[sflag:s3] =	ssyncadd.s32 $0xFFFFF800  }
0xac: {  	[tilespmem:s20], [sflag:$0x4] =	stream.linear.gather [hbm4b:s26+s4], $0x800, $0x38;
	[tilespmem:$0x1E300] =	vst v63  }
0xad: {  	_ =	swait.ge [sflag:s3], $0x800  }
0xae: {  	s19 =	simm.s32 @!p0 $0x0;
	[sflag:s3] =	ssyncset.done $0x0  }
0xaf: {  	s20 =	simm.s32 @!p0 $0x800;
	s21 =	rddreg [dreg:$0xb];
	[sflag:s3] =	ssyncadd.s32 $0xFFFFF800  }
0xb0: {  	[tilespmem:s20], [sflag:$0x1] =	stream.linear.gather @!p0 [hbm4b:s21+s19], $0x800, $0x38;
	[tilespmem:$0x1E300] =	vst v63  }
0xb1: {  	s20 =	simm.s32 @!p0 $0x1800;
	s21 =	rddreg [dreg:$0xc]  }
0xb2: {  	[tilespmem:s20], [sflag:$0x1] =	stream.linear.gather @!p0 [hbm4b:s21+s19], $0x800, $0x38;
	[tilespmem:$0x1E300] =	vst v63  }
.Ltmp3:
0xb3: {  	_ = 	snop;
	(pc) =	sbr.rel .LBB2_4-.Ltmp3, $4  }
0xb4: {  	s28 =	simm.s32 $0x80;
	s19 =	simm.s32 $0x0  }
0xb5: {  	[tilespmem:s0], [sflag:$0x2] =	stream.indirect.gather [hbm4b:s5+s14], $0x80, s19, s14, $0xb8;
	[tilespmem:$0x1E300] =	vst v63  }
0xb6: {  	s29 =	simm.s32 $0x4000;
	s20 =	simm.s32 $0x100;
	s21 =	simm.s32 $0x0  }
0xb7: {  	[tilespmem:s29], [sflag:$0x2] =	stream.indirect.gather [hbm4b:s5+s14], $0x80, s28, s14, $0xb8;
	[tilespmem:$0x1E300] =	vst v63  }
.LBB2_6:
0xb8: {  	p1 =	sge.u32 s21, s23  }
0xb9: {  	p2 =	sne.s32 @!p1 s22, $0xE  }
0xba: {  	p2 =	por p1, p2  }
.Ltmp4:
0xbb: {  	_ = 	snop;
	(pc) =	sbr.rel @p2 .LBB2_8-.Ltmp4, $1  }
0xbc: {  	_ =	sdelay $0x3  }
0xbd: {  	_ =	swait.ge [sflag:s17], $0x800  }
0xbe: {  	[sflag:s17] =	ssyncset.done $0x0  }
0xbf: {  	[sflag:s17] =	ssyncadd.s32 $0xFFFFF800  }
0xc0: {  	_ =	swait.ge [sflag:s17], $0x800  }
0xc1: {  	[sflag:s17] =	ssyncset.done $0x0  }
0xc2: {  	[sflag:s17] =	ssyncadd.s32 $0xFFFFF800  }
.LBB2_9:
0xc3: {  	s26 =	sadd.s32 $0x4000, s19  }
0xc4: {  	s26 =	sand.u32 $0x6000, s26  }
0xc5: {  	s28 =	sand.u32 $0xF80, s20;
	s26 =	sadd.s32 $0x2000, s26  }
0xc6: {  	[tilespmem:s26], [sflag:$0x2] =	stream.indirect.gather [hbm4b:s5+s14], $0x80, s28, s14, $0xb8;
	[tilespmem:$0x1E300] =	vst v63  }
.LBB2_10:
0xc7: {  	s26 =	sand.u32 $0x6000, s19;
	s19 =	sadd.s32 $0x2000, s19  }
0xc8: {  	p1 =	sne.s32 s25, s19  }
.Ltmp5:
0xc9: {  	_ =	swait.ge [sflag:s15], $0x2000;
	(pc) =	sbr.rel @!p1 .LBB2_11-.Ltmp5, $4  }
0xca: {  	s24 =	sand.u32 $0x800, s24;
	s22 =	sshll.u32 s22, $0x7;
	s21 =	sadd.s32 $0x1, s21  }
0xcb: {  	s20 =	sadd.s32 $0x80, s20;
	[sflag:s15] =	ssyncset.done $0x0;
	s22 =	sor.u32 s22, s24  }
0xcc: {  	s29 =	sadd.s32 $0x2000, s26;
	[sflag:s15] =	ssyncadd.s32 $0xFFFFE000;
	s22 =	sor.u32 $0x1000, s22  }
0xcd: {  	[spmem:s2] =	stream.indirect.scatter.add.f32 [tilespmem:s29], [sflag:$0x3], $0x80, s22, s14, $0xb8;
	[tilespmem:$0x1E300] =	vst v63  }
.LBB2_4:
0xce: {  	s22 =	sand.u32 $0xF, s21  }
0xcf: {  	s24 =	sshrl.u32 s21, $0x4;
	p1 =	sne.s32 s22, $0x0  }
0xd0: {  	p3 =	seq.s32 @!p1 s24, $0x0  }
0xd1: {  	p1 =	por p1, p3  }
0xd2: {  	p3 =	sge.s32 @!p1 s24, s13  }
0xd3: {  	p1 =	por p1, p3  }
.Ltmp6:
0xd4: {  	p2 =	slt.u32 s21, $0x2;
	(pc) =	sbr.rel @p1 .LBB2_6-.Ltmp6, $4  }
0xd5: {  	s26 =	simm.s32 @!p2 $0x3  }
0xd6: {  	_ =	swait.ge @!p2 [sflag:s26], $0x2000  }
0xd7: {  	[sflag:s26] =	ssyncset.done @!p2 $0x0  }
0xd8: {  	[sflag:s26] =	ssyncadd.s32 @!p2 $0xFFFFE000;
	s24 =	sshll.u32 s24, $0xB  }
0xd9: {  	s26 =	sadd.s32 $0x800, s24  }
0xda: {  	p1 =	slt.u32 s21, s23;
	s28 =	sadd.s32 s12, s26  }
.Ltmp7:
0xdb: {  	s28 =	sshrl.u32 s28, $0x3;
	(pc) =	sbr.rel @p1 .LBB2_9-.Ltmp7, $4  }
.Ltmp8:
0xdc: {  	s26 =	sand.u32 $0x800, s26;
	s29 =	sadd.s32 s1, s28;
	(pc) =	sbr.rel @!p1 .LBB2_10-.Ltmp8, $4  }
0xdd: {  	[tilespmem:s26], [sflag:$0x1] =	stream.linear.gather [hbm4b:s29+s4], $0x800, $0x38;
	[tilespmem:$0x1E300] =	vst v63  }
0xde: {  	s28 =	sadd.s32 s6, s28;
	s26 =	sor.u32 $0x1000, s26  }
0xdf: {  	[tilespmem:s26], [sflag:$0x1] =	stream.linear.gather [hbm4b:s28+s4], $0x800, $0x38;
	[tilespmem:$0x1E300] =	vst v63  }
0xe0: {  	_ = 	snop  }
.LBB2_8:
.Ltmp9:
0xe1: {  	(pc) =	sbr.rel @p1 .LBB2_10-.Ltmp9, $4  }
.Ltmp10:
0xe2: {  	(pc) =	sbr.rel @!p1 .LBB2_9-.Ltmp10, $4  }
0xe3: {  	_ = 	snop  }
0xe4: {  	_ = 	snop  }
0xe5: {  	_ = 	snop  }
0xe6: {  	_ = 	snop  }
.LBB2_12:
0xe7: {  	_ =	sfence.sel $0x180000  }
0xe8: {  	[bflag:$0x0] =	sbarrier.arrive $0xFFFF  }
0xe9: {  	_ =	strace $0x9000004A  }
0xea: {  	s0 =	stileid.u32;
	[bflag:$0x2] =	sbarrier.arrive $0xFFFF  }
0xeb: {  	p0 =	sne.s32 s0, $0x0;
	s0 =	rddreg [dreg:$0x3]  }
0xec: {  	s0 =	sadd.s32 @!p0 $0x100000, s0  }
0xed: {  	[sflag:s0] =	ssyncadd.tile.s32 @!p0 $0x1;
	_ =	shalt  }
.Lfunc_end2:
_tile_overlayer_lowered:
.L_overlay_start_2:
0xee: {  	(tag) =	ssettag $0x2  }
0xef: {  	s0 =	rddreg [dreg:$0x0];
	s2 =	stileid.u32  }
0xf0: {  	s1 =	rddreg [dreg:$0x1];
	p0 =	sne.s32 s2, $0x0  }
0xf1: {  	s3 =	rddreg [dreg:$0x2];
	[bflag:$0x3] =	sbarrier.arrive $0xFFFF;
	s2 =	simm.s32 @!p0 $0x1C04  }
0xf2: {  	[timem:s3], [sflag:s2] =	dma.local @!p0 [hbm:s0], s1  }
0xf3: {  	s0 =	simm.s32 @!p0 $0x4  }
0xf4: {  	_ =	swait.ge @!p0 [sflag:s0], s1  }
0xf5: {  	s1 =	ssub.s32 @!p0 $0x0, s1;
	[sflag:s0] =	ssyncset.done @!p0 $0x0  }
0xf6: {  	[sflag:s0] =	ssyncadd.s32 @!p0 s1  }
0xf7: {  	[bflag:$0x3] =	sbarrier.arrive $0xFFFF  }
0xf8: {  	_ =	shalt  }

</sc_bundles>
